<compile_context>
chip_gen: v7x
topology: tpu7x:2x2x1
jax: 0.10.2.dev20260603
libtpu: 0.0.44.dev20260713+nightly
codegen_flags: <defaults>
</compile_context>

<pallas_src>
import functools

import jax
import jax.numpy as jnp
from jax import lax
from jax.experimental import pallas as pl
from jax.experimental.pallas import tpu as pltpu
from jax.experimental.pallas import tpu_sc as plsc

_N = 10000
_E = 320000
_H = 128

_NC, _NS, _L = 2, 16, 16
_NW = _NC * _NS
_EPT = _E // _NW
_K = 80
_NCHUNK = _EPT // _K
_NRT = 624
_ZR = 16
_NB = 1024

_sc_mesh = plsc.VectorSubcoreMesh(core_axis_name="c", subcore_axis_name="s")


_EPT_A = 10240
_EPT_LAST = _E - (_NW - 1) * _EPT_A


@functools.partial(
    pl.kernel,
    out_type=(
        jax.ShapeDtypeStruct((_NW, _N), jnp.float32),
        jax.ShapeDtypeStruct((_NW, _N), jnp.float32),
    ),
    mesh=_sc_mesh,
    scratch_types=[
        pltpu.VMEM((2, _EPT_A), jnp.int32),
        pltpu.VMEM((_N,), jnp.float32),
        pltpu.VMEM((_N,), jnp.float32),
    ],
    compiler_params=pltpu.CompilerParams(needs_layout_passes=False),
)
def _sc_degrees(edge_hbm, csrc_hbm, cdst_hbm, edges, csrc, cdst):
    wid = lax.axis_index("s") * _NC + lax.axis_index("c")
    base = wid * _EPT_A

    @pl.when(wid < _NW - 1)
    def _():
        pltpu.sync_copy(edge_hbm.at[:, pl.ds(base, _EPT_A)], edges)

    @pl.when(wid == _NW - 1)
    def _():
        pltpu.sync_copy(edge_hbm.at[:, pl.ds(base, _EPT_LAST)],
                        edges.at[:, pl.ds(0, _EPT_LAST)])

    zeros = jnp.zeros((_L,), jnp.float32)
    ones = jnp.ones((_L,), jnp.float32)

    def zbody(i, carry):
        csrc[pl.ds(i * _L, _L)] = zeros
        cdst[pl.ds(i * _L, _L)] = zeros
        return carry

    lax.fori_loop(0, _N // _L, zbody, 0)

    def cbody(i, carry):
        s = edges[0, pl.ds(i * _L, _L)]
        d = edges[1, pl.ds(i * _L, _L)]
        plsc.addupdate_scatter(csrc, [s], ones)
        plsc.addupdate_scatter(cdst, [d], ones)
        return carry

    nit = jnp.where(wid == _NW - 1, _EPT_LAST // _L, _EPT_A // _L)
    lax.fori_loop(0, nit, cbody, 0)
    pltpu.sync_copy(csrc, csrc_hbm.at[wid])
    pltpu.sync_copy(cdst, cdst_hbm.at[wid])


_RR = 4
_IR = 8
_NGRP = _NCHUNK // _IR
_REM = _NCHUNK - _IR * _NGRP


@functools.partial(
    pl.kernel,
    out_type=jax.ShapeDtypeStruct((_NC, _N, _H), jnp.bfloat16),
    mesh=_sc_mesh,
    scratch_types=[
        pltpu.VMEM((_IR, _K), jnp.int32),
        pltpu.VMEM((_IR, _K), jnp.int32),
        pltpu.VMEM((_RR, _K, _H), jnp.bfloat16),
        pltpu.VMEM((_ZR, _H), jnp.bfloat16),
        pltpu.VMEM_SHARED((_N, _H), jnp.bfloat16),
        pltpu.SemaphoreType.DMA((_IR,)),
        pltpu.SemaphoreType.DMA((_IR,)),
        pltpu.SemaphoreType.DMA((_RR,)),
        pltpu.SemaphoreType.DMA((_RR,)),
    ],
    compiler_params=pltpu.CompilerParams(needs_layout_passes=False,
                                         use_tc_tiling_on_sc=False),
)
def _sc_aggregate(xs_hbm, edge_hbm, out_hbm,
                  sidx, didx, rows, zbuf, agg_sh, spsem, dpsem, gsem, ssem):
    cid = lax.axis_index("c")
    sid = lax.axis_index("s")
    wid = sid * _NC + cid
    zeros = jnp.zeros((2 * _L,), jnp.bfloat16)
    ebase = wid * _EPT

    def pf(c, ib):
        pltpu.async_copy(edge_hbm.at[0, pl.ds(ebase + c * _K, _K)],
                         sidx.at[ib], spsem.at[ib])
        pltpu.async_copy(edge_hbm.at[1, pl.ds(ebase + c * _K, _K)],
                         didx.at[ib], dpsem.at[ib])

    def wait_pf(c, ib):
        pltpu.make_async_copy(edge_hbm.at[0, pl.ds(ebase + c * _K, _K)],
                              sidx.at[ib], spsem.at[ib]).wait()
        pltpu.make_async_copy(edge_hbm.at[1, pl.ds(ebase + c * _K, _K)],
                              didx.at[ib], dpsem.at[ib]).wait()

    def sg(rb, ib):
        pltpu.async_copy(xs_hbm.at[sidx.at[ib]], rows.at[rb], gsem.at[rb])

    def wg(rb, ib):
        pltpu.make_async_copy(xs_hbm.at[sidx.at[ib]], rows.at[rb],
                              gsem.at[rb]).wait()

    def ss(rb, ib):
        pltpu.async_copy(rows.at[rb], agg_sh.at[didx.at[ib]], ssem.at[rb],
                         add=True)

    def ws(rb, ib):
        pltpu.make_async_copy(rows.at[rb], agg_sh.at[didx.at[ib]],
                              ssem.at[rb]).wait()

    for c in range(_RR):
        pf(c, c)

    def zb(i, carry):
        r = i // (_H // (2 * _L))
        col = i % (_H // (2 * _L))
        zbuf[r, pl.ds(col * 2 * _L, 2 * _L)] = zeros
        return carry

    lax.fori_loop(0, _ZR * (_H // (2 * _L)), zb, 0)
    row_start = sid * _NRT
    nrows = jnp.where(sid == _NS - 1, _N - (_NS - 1) * _NRT, _NRT)
    nch = nrows // _ZR

    def zc(j, carry):
        pltpu.sync_copy(zbuf, agg_sh.at[pl.ds(row_start + j * _ZR, _ZR)])
        return carry

    lax.fori_loop(0, nch, zc, 0)
    plsc.subcore_barrier()

    for c in range(_IR):
        wait_pf(c, c)
        if c >= _RR:
            ws((c - _RR) % _RR, (c - _RR) % _IR)
        sg(c % _RR, c)
        if c >= 1:
            wg((c - 1) % _RR, c - 1)
            ss((c - 1) % _RR, c - 1)
        if c + _RR < _NCHUNK:
            pf(c + _RR, (c + _RR) % _IR)

    def grp(g, carry):
        c0 = g * _IR
        for b in range(_IR):
            c = c0 + b
            rb = b % _RR
            wait_pf(c, b)
            ws(rb, (b + _RR) % _IR)
            sg(rb, b)
            wg((b - 1) % _RR, (b - 1) % _IR)
            ss((b - 1) % _RR, (b - 1) % _IR)

            @pl.when(c + _RR < _NCHUNK)
            def _():
                pf(c + _RR, (b + _RR) % _IR)

        return carry

    lax.fori_loop(1, _NGRP, grp, 0)

    for r in range(_REM):
        c = _IR * _NGRP + r
        b = c % _IR
        rb = c % _RR
        wait_pf(c, b)
        ws((c - _RR) % _RR, (c - _RR) % _IR)
        sg(rb, b)
        wg((c - 1) % _RR, (c - 1) % _IR)
        ss((c - 1) % _RR, (c - 1) % _IR)
        if c + _RR < _NCHUNK:
            pf(c + _RR, (c + _RR) % _IR)
    wg((_NCHUNK - 1) % _RR, (_NCHUNK - 1) % _IR)
    ss((_NCHUNK - 1) % _RR, (_NCHUNK - 1) % _IR)
    for c in range(_NCHUNK - _RR, _NCHUNK):
        ws(c % _RR, c % _IR)
    plsc.subcore_barrier()

    @pl.when(sid < _NS - 1)
    def _():
        sl = pl.ds(row_start, _NRT)
        pltpu.sync_copy(agg_sh.at[sl], out_hbm.at[cid, sl])

    @pl.when(sid == _NS - 1)
    def _():
        sl = pl.ds(row_start, _N - (_NS - 1) * _NRT)
        pltpu.sync_copy(agg_sh.at[sl], out_hbm.at[cid, sl])


def _tc_scale_t_body(x_ref, csrc_ref, xs_ref):
    deg = jnp.sum(csrc_ref[...], axis=0)
    norm = lax.rsqrt(jnp.maximum(deg, 1.0))
    xs_ref[...] = (jnp.transpose(x_ref[...]) * norm[:, None]).astype(
        jnp.bfloat16)


def _tc_out_body(aggp_ref, cdst_ref, w_ref, b_ref, out_ref):
    agg = aggp_ref[0].astype(jnp.float32) + aggp_ref[1].astype(jnp.float32)
    deg = jnp.sum(cdst_ref[...], axis=0)
    norm = lax.rsqrt(jnp.maximum(deg, 1.0))
    scaled = agg * norm[:, None]
    ot = lax.dot_general(w_ref[...], scaled, (((0,), (1,)), ((), ())),
                         preferred_element_type=jnp.float32)
    out_ref[...] = jnp.maximum(ot + jnp.transpose(b_ref[...]), 0.0)


def kernel(in_feat, edge_index, W, b):
    csrc, cdst = _sc_degrees(edge_index)

    xs = pl.pallas_call(
        _tc_scale_t_body,
        grid=(pl.cdiv(_N, _NB),),
        in_specs=[
            pl.BlockSpec((_H, _NB), lambda j: (0, j)),
            pl.BlockSpec((_NW, _NB), lambda j: (0, j)),
        ],
        out_specs=pl.BlockSpec((_NB, _H), lambda j: (j, 0)),
        out_shape=jax.ShapeDtypeStruct((_N, _H), jnp.bfloat16),
    )(in_feat.reshape(_H, _N), csrc)

    agg_p = _sc_aggregate(xs, edge_index)

    out_t = pl.pallas_call(
        _tc_out_body,
        grid=(pl.cdiv(_N, _NB),),
        in_specs=[
            pl.BlockSpec((_NC, _NB, _H), lambda j: (0, j, 0)),
            pl.BlockSpec((_NW, _NB), lambda j: (0, j)),
            pl.BlockSpec((_H, _H), lambda j: (0, 0)),
            pl.BlockSpec((1, _H), lambda j: (0, 0)),
        ],
        out_specs=pl.BlockSpec((_H, _NB), lambda j: (0, j)),
        out_shape=jax.ShapeDtypeStruct((_H, _N), jnp.float32),
    )(agg_p, cdst, W, b.reshape(1, _H))

    return out_t.reshape(1, _H, 1, _N)

# --- scband reference (transcript-rebuilt; emitter-appended) ---
"""Pipeline reference for scband-gcn-43585328119844 (READ-ONLY COPY).

The authoritative reference and input builder live on the scoring server;
editing this copy changes nothing except your own understanding.
"""

import jax, jax.numpy as jnp
import numpy as np

N = 10000
E = 320000
H = 128


def setup_inputs(seed: int = 0) -> dict:
    key = jax.random.key(seed)
    k1, k2, k3, k4 = jax.random.split(key, 4)
    in_feat = jax.random.normal(k1, (1, H, 1, N), dtype=jnp.float32)
    edge_index = jax.random.randint(k2, (2, E), 0, N, dtype=jnp.int32)
    # GraphConv(h_feats, h_feats) learned params (DGL default: glorot weight, zero bias)
    limit = np.sqrt(6.0 / (H + H)).astype(np.float32)
    W = jax.random.uniform(k3, (H, H), minval=-limit, maxval=limit, dtype=jnp.float32)
    b = jnp.zeros((H,), dtype=jnp.float32)
    return {"in_feat": in_feat, "edge_index": edge_index, "W": W, "b": b}


def reference(in_feat, edge_index, W, b):
    # x = transpose(in_feat, [3,1,2,0]) then [0,3,2,1] -> (N, B, d2, H), node dim leading
    x = jnp.transpose(in_feat, (3, 1, 2, 0))
    x = jnp.transpose(x, (0, 3, 2, 1))
    src = edge_index[0]
    dst = edge_index[1]
    ones = jnp.ones((E,), dtype=jnp.float32)
    deg_out = jax.ops.segment_sum(ones, src, num_segments=N)
    deg_in = jax.ops.segment_sum(ones, dst, num_segments=N)
    norm_src = jax.lax.rsqrt(jnp.maximum(deg_out, 1.0))
    norm_dst = jax.lax.rsqrt(jnp.maximum(deg_in, 1.0))
    # DGL GraphConv norm='both', in_feats == out_feats -> aggregate first, then matmul
    xs = x * norm_src[:, None, None, None]
    msgs = xs[src]  # gather over edges
    agg = jnp.zeros_like(x).at[dst].add(msgs)  # scatter-add
    agg = agg * norm_dst[:, None, None, None]
    h = jnp.einsum('nbdh,ho->nbdo', agg, W) + b
    h = jax.nn.relu(h)
    out = jnp.transpose(h, (0, 3, 2, 1))
    out = jnp.transpose(out, (3, 1, 2, 0))
    return jax.nn.relu(out)

if __name__ == "__main__":
    import jax
    _d = setup_inputs()
    print(jax.jit(kernel)(*tuple(_d.values())))

</pallas_src>

<mosaic_0001>
#map = affine_map<(d0, d1) -> (0, 0)>
module attributes {stable_mosaic.version = 14 : i64} {
  func.func @_sc_degrees(%arg0: i32, %arg1: i32, %arg2: memref<2x320000xi32, #tpu.memory_space<hbm>>, %arg3: memref<32x10000xf32, #tpu.memory_space<hbm>>, %arg4: memref<32x10000xf32, #tpu.memory_space<hbm>>, %arg5: memref<2x10240xi32, #tpu.memory_space<vmem>>, %arg6: memref<10000xf32, #tpu.memory_space<vmem>>, %arg7: memref<10000xf32, #tpu.memory_space<vmem>>) attributes {dimension_semantics = [#tpu.dimension_semantics<core_parallel>, #tpu.dimension_semantics<subcore_parallel>], iteration_bounds = array<i64: 2, 16>, scalar_prefetch = 0 : i64, scratch_operands = 3 : i64, tpu.core_type = #tpu.core_type<sc_vector_subcore>, window_params = [{transform_indices = #map}, {transform_indices = #map}, {transform_indices = #map}]} {
    %mul3A = arith.constant 2 : i32
    %mul3A_0 = arith.muli %arg1, %mul3A : i32
    %add3A = arith.addi %mul3A_0, %arg0 : i32
    %mul3A_1 = arith.constant 10240 : i32
    %mul3A_2 = arith.muli %add3A, %mul3A_1 : i32
    %lt3A = arith.constant 31 : i32
    %lt3A_3 = arith.cmpi slt, %add3A, %lt3A : i32
    %convert_element_type3A = arith.extui %lt3A_3 : i1 to i32
    %cond3A = arith.constant 0 : i32
    %cond3A_4 = arith.cmpi ne, %convert_element_type3A, %cond3A : i32
    scf.if %cond3A_4 {
      "tpu.region"() ({
        %run_scoped3A = tpu.sem_alloc : memref<!tpu.dma_semaphore, #tpu.memory_space<semaphore_mem>>
        %dma_start3A = arith.constant 0 : i32
        %dma_start3A_29 = tpu.memref_slice %arg2[%dma_start3A, %mul3A_2] : memref<2x320000xi32, #tpu.memory_space<hbm>> -> memref<2x10240xi32, #tpu.memory_space<hbm>>
        %dma_start3A_30 = arith.constant 0 : i32
        %dma_start3A_31 = tpu.memref_slice %arg2[%dma_start3A_30, %mul3A_2] : memref<2x320000xi32, #tpu.memory_space<hbm>> -> memref<2x10240xi32, #tpu.memory_space<hbm>>
        tpu.enqueue_dma source(%dma_start3A_31 : memref<2x10240xi32, #tpu.memory_space<hbm>>) target(%arg5 : memref<2x10240xi32, #tpu.memory_space<vmem>>) target_semaphore(%run_scoped3A : memref<!tpu.dma_semaphore, #tpu.memory_space<semaphore_mem>>)
        %dma_wait3A = arith.constant 0 : i32
        %dma_wait3A_32 = tpu.memref_slice %arg2[%dma_wait3A, %mul3A_2] : memref<2x320000xi32, #tpu.memory_space<hbm>> -> memref<2x10240xi32, #tpu.memory_space<hbm>>
        %dma_wait3A_33 = arith.constant 0 : i32
        %dma_wait3A_34 = tpu.memref_slice %arg2[%dma_wait3A_33, %mul3A_2] : memref<2x320000xi32, #tpu.memory_space<hbm>> -> memref<2x10240xi32, #tpu.memory_space<hbm>>
        tpu.wait_dma2 semaphore(%run_scoped3A : memref<!tpu.dma_semaphore, #tpu.memory_space<semaphore_mem>>) src(%dma_wait3A_34 : memref<2x10240xi32, #tpu.memory_space<hbm>>) dst(%arg5 : memref<2x10240xi32, #tpu.memory_space<vmem>>)
        tpu.yield
      }) : () -> ()
    } else {
    }
    %eq3A = arith.constant 31 : i32
    %eq3A_5 = arith.cmpi eq, %add3A, %eq3A : i32
    %convert_element_type3A_6 = arith.extui %eq3A_5 : i1 to i32
    %cond3A_7 = arith.constant 0 : i32
    %cond3A_8 = arith.cmpi ne, %convert_element_type3A_6, %cond3A_7 : i32
    scf.if %cond3A_8 {
      "tpu.region"() ({
        %run_scoped3A = tpu.sem_alloc : memref<!tpu.dma_semaphore, #tpu.memory_space<semaphore_mem>>
        %dma_start3A = arith.constant 0 : i32
        %dma_start3A_29 = arith.constant 0 : i32
        %dma_start3A_30 = tpu.memref_slice %arg5[%dma_start3A, %dma_start3A_29] : memref<2x10240xi32, #tpu.memory_space<vmem>> -> memref<2x2560xi32, #tpu.memory_space<vmem>>
        %dma_start3A_31 = arith.constant 0 : i32
        %dma_start3A_32 = tpu.memref_slice %arg2[%dma_start3A_31, %mul3A_2] : memref<2x320000xi32, #tpu.memory_space<hbm>> -> memref<2x2560xi32, #tpu.memory_space<hbm>>
        %dma_start3A_33 = arith.constant 0 : i32
        %dma_start3A_34 = arith.constant 0 : i32
        %dma_start3A_35 = tpu.memref_slice %arg5[%dma_start3A_33, %dma_start3A_34] : memref<2x10240xi32, #tpu.memory_space<vmem>> -> memref<2x2560xi32, #tpu.memory_space<vmem>>
        %dma_start3A_36 = arith.constant 0 : i32
        %dma_start3A_37 = tpu.memref_slice %arg2[%dma_start3A_36, %mul3A_2] : memref<2x320000xi32, #tpu.memory_space<hbm>> -> memref<2x2560xi32, #tpu.memory_space<hbm>>
        tpu.enqueue_dma source(%dma_start3A_37 : memref<2x2560xi32, #tpu.memory_space<hbm>>) target(%dma_start3A_35 : memref<2x2560xi32, #tpu.memory_space<vmem>>) target_semaphore(%run_scoped3A : memref<!tpu.dma_semaphore, #tpu.memory_space<semaphore_mem>>)
        %dma_wait3A = arith.constant 0 : i32
        %dma_wait3A_38 = arith.constant 0 : i32
        %dma_wait3A_39 = tpu.memref_slice %arg5[%dma_wait3A, %dma_wait3A_38] : memref<2x10240xi32, #tpu.memory_space<vmem>> -> memref<2x2560xi32, #tpu.memory_space<vmem>>
        %dma_wait3A_40 = arith.constant 0 : i32
        %dma_wait3A_41 = tpu.memref_slice %arg2[%dma_wait3A_40, %mul3A_2] : memref<2x320000xi32, #tpu.memory_space<hbm>> -> memref<2x2560xi32, #tpu.memory_space<hbm>>
        %dma_wait3A_42 = arith.constant 0 : i32
        %dma_wait3A_43 = arith.constant 0 : i32
        %dma_wait3A_44 = tpu.memref_slice %arg5[%dma_wait3A_42, %dma_wait3A_43] : memref<2x10240xi32, #tpu.memory_space<vmem>> -> memref<2x2560xi32, #tpu.memory_space<vmem>>
        %dma_wait3A_45 = arith.constant 0 : i32
        %dma_wait3A_46 = tpu.memref_slice %arg2[%dma_wait3A_45, %mul3A_2] : memref<2x320000xi32, #tpu.memory_space<hbm>> -> memref<2x2560xi32, #tpu.memory_space<hbm>>
        tpu.wait_dma2 semaphore(%run_scoped3A : memref<!tpu.dma_semaphore, #tpu.memory_space<semaphore_mem>>) src(%dma_wait3A_46 : memref<2x2560xi32, #tpu.memory_space<hbm>>) dst(%dma_wait3A_44 : memref<2x2560xi32, #tpu.memory_space<vmem>>)
        tpu.yield
      }) : () -> ()
    } else {
    }
    %broadcast_in_dim3A = arith.constant 0.000000e+00 : f32
    %broadcast_in_dim3A_9 = vector.broadcast %broadcast_in_dim3A : f32 to vector<16xf32>
    %broadcast_in_dim3A_10 = arith.constant 1.000000e+00 : f32
    %broadcast_in_dim3A_11 = vector.broadcast %broadcast_in_dim3A_10 : f32 to vector<16xf32>
    %scan3A = arith.constant 0 : i32
    %scan3A_12 = arith.constant 0 : i32
    %scan3A_13 = arith.constant 625 : i32
    %scan3A_14 = arith.addi %scan3A_12, %scan3A_13 : i32
    %scan3A_15 = arith.constant 1 : i32
    scf.for %scan3A_29 = %scan3A_12 to %scan3A_14 step %scan3A_15  : i32 {
      %mul3A_30 = arith.constant 16 : i32
      %mul3A_31 = arith.muli %scan3A_29, %mul3A_30 : i32
      %swap3A = arith.index_cast %mul3A_31 : i32 to index
      %swap3A_32 = tpu.vector_load %arg6[%swap3A] {strides = array<i32>} : memref<10000xf32, #tpu.memory_space<vmem>>, vector<16xf32>,
      tpu.vector_store %arg6[%swap3A], %broadcast_in_dim3A_9 {strides = array<i32>} : memref<10000xf32, #tpu.memory_space<vmem>>, vector<16xf32>,
      %mul3A_33 = arith.constant 16 : i32
      %mul3A_34 = arith.muli %scan3A_29, %mul3A_33 : i32
      %swap3A_35 = arith.index_cast %mul3A_34 : i32 to index
      %swap3A_36 = tpu.vector_load %arg7[%swap3A_35] {strides = array<i32>} : memref<10000xf32, #tpu.memory_space<vmem>>, vector<16xf32>,
      tpu.vector_store %arg7[%swap3A_35], %broadcast_in_dim3A_9 {strides = array<i32>} : memref<10000xf32, #tpu.memory_space<vmem>>, vector<16xf32>,
    }
    %scan3A_16 = arith.constant 625 : i32
    %eq3A_17 = arith.constant 31 : i32
    %eq3A_18 = arith.cmpi eq, %add3A, %eq3A_17 : i32
    %jit3A = arith.constant 160 : i32
    %jit3A_19 = arith.constant 640 : i32
    %select_n3A = arith.select %eq3A_18, %jit3A, %jit3A_19 : i32
    %while3A = arith.constant 0 : i32
    %while3A_20 = arith.constant 0 : i32
    %while3A_21 = arith.subi %select_n3A, %while3A_20 : i32
    %while3A_22 = arith.addi %while3A_20, %while3A_21 : i32
    %while3A_23 = arith.constant 1 : i32
    %while3A_24 = arith.divsi %while3A_21, %while3A_23 : i32
    %while3A_25 = arith.muli %while3A_24, %while3A_23 : i32
    %while3A_26 = arith.addi %while3A_20, %while3A_25 : i32
    %while3A_27 = arith.constant 1 : i32
    scf.for %while3A_29 = %while3A_20 to %while3A_26 step %while3A_27  : i32 {
      %mul3A_30 = arith.constant 16 : i32
      %mul3A_31 = arith.muli %while3A_29, %mul3A_30 : i32
      %get3A = arith.constant 0 : i32
      %get3A_32 = arith.index_cast %get3A : i32 to index
      %get3A_33 = arith.index_cast %mul3A_31 : i32 to index
      %get3A_34 = tpu.vector_load %arg5[%get3A_32, %get3A_33] {strides = array<i32>} : memref<2x10240xi32, #tpu.memory_space<vmem>>, vector<16xi32>,
      %mul3A_35 = arith.constant 16 : i32
      %mul3A_36 = arith.muli %while3A_29, %mul3A_35 : i32
      %get3A_37 = arith.constant 1 : i32
      %get3A_38 = arith.index_cast %get3A_37 : i32 to index
      %get3A_39 = arith.index_cast %mul3A_36 : i32 to index
      %get3A_40 = tpu.vector_load %arg5[%get3A_38, %get3A_39] {strides = array<i32>} : memref<2x10240xi32, #tpu.memory_space<vmem>>, vector<16xi32>,
      tpu.vector_store_idx %arg6[%get3A_34], %broadcast_in_dim3A_11 {add = true} : memref<10000xf32, #tpu.memory_space<vmem>>[vector<16xi32>], vector<16xf32>,
      tpu.vector_store_idx %arg7[%get3A_40], %broadcast_in_dim3A_11 {add = true} : memref<10000xf32, #tpu.memory_space<vmem>>[vector<16xi32>], vector<16xf32>,
    }
    %while3A_28 = arith.constant 1 : i32
    scf.for %while3A_29 = %while3A_26 to %while3A_22 step %while3A_28  : i32 {
      %mul3A_30 = arith.constant 16 : i32
      %mul3A_31 = arith.muli %while3A_29, %mul3A_30 : i32
      %get3A = arith.constant 0 : i32
      %get3A_32 = arith.index_cast %get3A : i32 to index
      %get3A_33 = arith.index_cast %mul3A_31 : i32 to index
      %get3A_34 = tpu.vector_load %arg5[%get3A_32, %get3A_33] {strides = array<i32>} : memref<2x10240xi32, #tpu.memory_space<vmem>>, vector<16xi32>,
      %mul3A_35 = arith.constant 16 : i32
      %mul3A_36 = arith.muli %while3A_29, %mul3A_35 : i32
      %get3A_37 = arith.constant 1 : i32
      %get3A_38 = arith.index_cast %get3A_37 : i32 to index
      %get3A_39 = arith.index_cast %mul3A_36 : i32 to index
      %get3A_40 = tpu.vector_load %arg5[%get3A_38, %get3A_39] {strides = array<i32>} : memref<2x10240xi32, #tpu.memory_space<vmem>>, vector<16xi32>,
      tpu.vector_store_idx %arg6[%get3A_34], %broadcast_in_dim3A_11 {add = true} : memref<10000xf32, #tpu.memory_space<vmem>>[vector<16xi32>], vector<16xf32>,
      tpu.vector_store_idx %arg7[%get3A_40], %broadcast_in_dim3A_11 {add = true} : memref<10000xf32, #tpu.memory_space<vmem>>[vector<16xi32>], vector<16xf32>,
    }
    "tpu.region"() ({
      %run_scoped3A = tpu.sem_alloc : memref<!tpu.dma_semaphore, #tpu.memory_space<semaphore_mem>>
      %dma_start3A = arith.constant 0 : i32
      %dma_start3A_29 = tpu.memref_slice %arg3[%add3A, %dma_start3A] : memref<32x10000xf32, #tpu.memory_space<hbm>> -> memref<1x10000xf32, #tpu.memory_space<hbm>>
      %dma_start3A_30 = tpu.memref_squeeze %dma_start3A_29 : memref<1x10000xf32, #tpu.memory_space<hbm>> -> memref<10000xf32, #tpu.memory_space<hbm>>
      %dma_start3A_31 = arith.constant 0 : i32
      %dma_start3A_32 = tpu.memref_slice %arg3[%add3A, %dma_start3A_31] : memref<32x10000xf32, #tpu.memory_space<hbm>> -> memref<1x10000xf32, #tpu.memory_space<hbm>>
      %dma_start3A_33 = tpu.memref_squeeze %dma_start3A_32 : memref<1x10000xf32, #tpu.memory_space<hbm>> -> memref<10000xf32, #tpu.memory_space<hbm>>
      tpu.enqueue_dma source(%arg6 : memref<10000xf32, #tpu.memory_space<vmem>>) target(%dma_start3A_33 : memref<10000xf32, #tpu.memory_space<hbm>>) target_semaphore(%run_scoped3A : memref<!tpu.dma_semaphore, #tpu.memory_space<semaphore_mem>>)
      %dma_wait3A = arith.constant 0 : i32
      %dma_wait3A_34 = tpu.memref_slice %arg3[%add3A, %dma_wait3A] : memref<32x10000xf32, #tpu.memory_space<hbm>> -> memref<1x10000xf32, #tpu.memory_space<hbm>>
      %dma_wait3A_35 = tpu.memref_squeeze %dma_wait3A_34 : memref<1x10000xf32, #tpu.memory_space<hbm>> -> memref<10000xf32, #tpu.memory_space<hbm>>
      %dma_wait3A_36 = arith.constant 0 : i32
      %dma_wait3A_37 = tpu.memref_slice %arg3[%add3A, %dma_wait3A_36] : memref<32x10000xf32, #tpu.memory_space<hbm>> -> memref<1x10000xf32, #tpu.memory_space<hbm>>
      %dma_wait3A_38 = tpu.memref_squeeze %dma_wait3A_37 : memref<1x10000xf32, #tpu.memory_space<hbm>> -> memref<10000xf32, #tpu.memory_space<hbm>>
      tpu.wait_dma2 semaphore(%run_scoped3A : memref<!tpu.dma_semaphore, #tpu.memory_space<semaphore_mem>>) src(%arg6 : memref<10000xf32, #tpu.memory_space<vmem>>) dst(%dma_wait3A_38 : memref<10000xf32, #tpu.memory_space<hbm>>)
      tpu.yield
    }) : () -> ()
    "tpu.region"() ({
      %run_scoped3A = tpu.sem_alloc : memref<!tpu.dma_semaphore, #tpu.memory_space<semaphore_mem>>
      %dma_start3A = arith.constant 0 : i32
      %dma_start3A_29 = tpu.memref_slice %arg4[%add3A, %dma_start3A] : memref<32x10000xf32, #tpu.memory_space<hbm>> -> memref<1x10000xf32, #tpu.memory_space<hbm>>
      %dma_start3A_30 = tpu.memref_squeeze %dma_start3A_29 : memref<1x10000xf32, #tpu.memory_space<hbm>> -> memref<10000xf32, #tpu.memory_space<hbm>>
      %dma_start3A_31 = arith.constant 0 : i32
      %dma_start3A_32 = tpu.memref_slice %arg4[%add3A, %dma_start3A_31] : memref<32x10000xf32, #tpu.memory_space<hbm>> -> memref<1x10000xf32, #tpu.memory_space<hbm>>
      %dma_start3A_33 = tpu.memref_squeeze %dma_start3A_32 : memref<1x10000xf32, #tpu.memory_space<hbm>> -> memref<10000xf32, #tpu.memory_space<hbm>>
      tpu.enqueue_dma source(%arg7 : memref<10000xf32, #tpu.memory_space<vmem>>) target(%dma_start3A_33 : memref<10000xf32, #tpu.memory_space<hbm>>) target_semaphore(%run_scoped3A : memref<!tpu.dma_semaphore, #tpu.memory_space<semaphore_mem>>)
      %dma_wait3A = arith.constant 0 : i32
      %dma_wait3A_34 = tpu.memref_slice %arg4[%add3A, %dma_wait3A] : memref<32x10000xf32, #tpu.memory_space<hbm>> -> memref<1x10000xf32, #tpu.memory_space<hbm>>
      %dma_wait3A_35 = tpu.memref_squeeze %dma_wait3A_34 : memref<1x10000xf32, #tpu.memory_space<hbm>> -> memref<10000xf32, #tpu.memory_space<hbm>>
      %dma_wait3A_36 = arith.constant 0 : i32
      %dma_wait3A_37 = tpu.memref_slice %arg4[%add3A, %dma_wait3A_36] : memref<32x10000xf32, #tpu.memory_space<hbm>> -> memref<1x10000xf32, #tpu.memory_space<hbm>>
      %dma_wait3A_38 = tpu.memref_squeeze %dma_wait3A_37 : memref<1x10000xf32, #tpu.memory_space<hbm>> -> memref<10000xf32, #tpu.memory_space<hbm>>
      tpu.wait_dma2 semaphore(%run_scoped3A : memref<!tpu.dma_semaphore, #tpu.memory_space<semaphore_mem>>) src(%arg7 : memref<10000xf32, #tpu.memory_space<vmem>>) dst(%dma_wait3A_38 : memref<10000xf32, #tpu.memory_space<hbm>>)
      tpu.yield
    }) : () -> ()
    return
  }
}

#map = affine_map<(d0, d1) -> (0, 0)>
#map1 = affine_map<(d0, d1) -> (0, 0, 0)>
module attributes {stable_mosaic.version = 14 : i64} {
  func.func @_sc_aggregate(%arg0: i32, %arg1: i32, %arg2: memref<10000x128xbf16, #tpu.memory_space<hbm>>, %arg3: memref<2x320000xi32, #tpu.memory_space<hbm>>, %arg4: memref<2x10000x128xbf16, #tpu.memory_space<hbm>>, %arg5: memref<8x80xi32, #tpu.memory_space<vmem>>, %arg6: memref<8x80xi32, #tpu.memory_space<vmem>>, %arg7: memref<4x80x128xbf16, #tpu.memory_space<vmem>>, %arg8: memref<16x128xbf16, #tpu.memory_space<vmem>>, %arg9: memref<10000x128xbf16, #tpu.memory_space<vmem_shared>>, %arg10: memref<8x!tpu.dma_semaphore, #tpu.memory_space<semaphore_mem>>, %arg11: memref<8x!tpu.dma_semaphore, #tpu.memory_space<semaphore_mem>>, %arg12: memref<4x!tpu.dma_semaphore, #tpu.memory_space<semaphore_mem>>, %arg13: memref<4x!tpu.dma_semaphore, #tpu.memory_space<semaphore_mem>>) attributes {dimension_semantics = [#tpu.dimension_semantics<core_parallel>, #tpu.dimension_semantics<subcore_parallel>], iteration_bounds = array<i64: 2, 16>, scalar_prefetch = 0 : i64, scratch_operands = 9 : i64, tpu.core_type = #tpu.core_type<sc_vector_subcore>, window_params = [{transform_indices = #map}, {transform_indices = #map}, {transform_indices = #map1}]} {
    %mul3A = arith.constant 2 : i32
    %mul3A_0 = arith.muli %arg1, %mul3A : i32
    %add3A = arith.addi %mul3A_0, %arg0 : i32
    %broadcast_in_dim3A = arith.constant 0.000000e+00 : bf16
    %broadcast_in_dim3A_1 = vector.broadcast %broadcast_in_dim3A : bf16 to vector<32xbf16>
    %mul3A_2 = arith.constant 10000 : i32
    %mul3A_3 = arith.muli %add3A, %mul3A_2 : i32
    %add3A_4 = arith.constant 0 : i32
    %add3A_5 = arith.addi %mul3A_3, %add3A_4 : i32
    %dma_start3A = arith.constant 0 : i32
    %dma_start3A_6 = arith.constant 0 : i32
    %dma_start3A_7 = arith.constant 0 : i32
    %dma_start3A_8 = arith.constant 0 : i32
    %dma_start3A_9 = tpu.memref_slice %arg5[%dma_start3A_6, %dma_start3A_8] : memref<8x80xi32, #tpu.memory_space<vmem>> -> memref<1x80xi32, #tpu.memory_space<vmem>>
    %dma_start3A_10 = tpu.memref_squeeze %dma_start3A_9 : memref<1x80xi32, #tpu.memory_space<vmem>> -> memref<80xi32, #tpu.memory_space<vmem>>
    %dma_start3A_11 = tpu.memref_slice %arg3[%dma_start3A, %add3A_5] : memref<2x320000xi32, #tpu.memory_space<hbm>> -> memref<1x80xi32, #tpu.memory_space<hbm>>
    %dma_start3A_12 = tpu.memref_squeeze %dma_start3A_11 : memref<1x80xi32, #tpu.memory_space<hbm>> -> memref<80xi32, #tpu.memory_space<hbm>>
    %dma_start3A_13 = tpu.memref_slice %arg10[%dma_start3A_7] : memref<8x!tpu.dma_semaphore, #tpu.memory_space<semaphore_mem>> -> memref<1x!tpu.dma_semaphore, #tpu.memory_space<semaphore_mem>>
    %dma_start3A_14 = tpu.memref_squeeze %dma_start3A_13 : memref<1x!tpu.dma_semaphore, #tpu.memory_space<semaphore_mem>> -> memref<!tpu.dma_semaphore, #tpu.memory_space<semaphore_mem>>
    %dma_start3A_15 = arith.constant 0 : i32
    %dma_start3A_16 = tpu.memref_slice %arg5[%dma_start3A_6, %dma_start3A_15] : memref<8x80xi32, #tpu.memory_space<vmem>> -> memref<1x80xi32, #tpu.memory_space<vmem>>
    %dma_start3A_17 = tpu.memref_squeeze %dma_start3A_16 : memref<1x80xi32, #tpu.memory_space<vmem>> -> memref<80xi32, #tpu.memory_space<vmem>>
    %dma_start3A_18 = tpu.memref_slice %arg3[%dma_start3A, %add3A_5] : memref<2x320000xi32, #tpu.memory_space<hbm>> -> memref<1x80xi32, #tpu.memory_space<hbm>>
    %dma_start3A_19 = tpu.memref_squeeze %dma_start3A_18 : memref<1x80xi32, #tpu.memory_space<hbm>> -> memref<80xi32, #tpu.memory_space<hbm>>
    tpu.enqueue_dma source(%dma_start3A_19 : memref<80xi32, #tpu.memory_space<hbm>>) target(%dma_start3A_17 : memref<80xi32, #tpu.memory_space<vmem>>) target_semaphore(%dma_start3A_14 : memref<!tpu.dma_semaphore, #tpu.memory_space<semaphore_mem>>)
    %add3A_20 = arith.constant 0 : i32
    %add3A_21 = arith.addi %mul3A_3, %add3A_20 : i32
    %dma_start3A_22 = arith.constant 1 : i32
    %dma_start3A_23 = arith.constant 0 : i32
    %dma_start3A_24 = arith.constant 0 : i32
    %dma_start3A_25 = arith.constant 0 : i32
    %dma_start3A_26 = tpu.memref_slice %arg6[%dma_start3A_23, %dma_start3A_25] : memref<8x80xi32, #tpu.memory_space<vmem>> -> memref<1x80xi32, #tpu.memory_space<vmem>>
    %dma_start3A_27 = tpu.memref_squeeze %dma_start3A_26 : memref<1x80xi32, #tpu.memory_space<vmem>> -> memref<80xi32, #tpu.memory_space<vmem>>
    %dma_start3A_28 = tpu.memref_slice %arg3[%dma_start3A_22, %add3A_21] : memref<2x320000xi32, #tpu.memory_space<hbm>> -> memref<1x80xi32, #tpu.memory_space<hbm>>
    %dma_start3A_29 = tpu.memref_squeeze %dma_start3A_28 : memref<1x80xi32, #tpu.memory_space<hbm>> -> memref<80xi32, #tpu.memory_space<hbm>>
    %dma_start3A_30 = tpu.memref_slice %arg11[%dma_start3A_24] : memref<8x!tpu.dma_semaphore, #tpu.memory_space<semaphore_mem>> -> memref<1x!tpu.dma_semaphore, #tpu.memory_space<semaphore_mem>>
    %dma_start3A_31 = tpu.memref_squeeze %dma_start3A_30 : memref<1x!tpu.dma_semaphore, #tpu.memory_space<semaphore_mem>> -> memref<!tpu.dma_semaphore, #tpu.memory_space<semaphore_mem>>
    %dma_start3A_32 = arith.constant 0 : i32
    %dma_start3A_33 = tpu.memref_slice %arg6[%dma_start3A_23, %dma_start3A_32] : memref<8x80xi32, #tpu.memory_space<vmem>> -> memref<1x80xi32, #tpu.memory_space<vmem>>
    %dma_start3A_34 = tpu.memref_squeeze %dma_start3A_33 : memref<1x80xi32, #tpu.memory_space<vmem>> -> memref<80xi32, #tpu.memory_space<vmem>>
    %dma_start3A_35 = tpu.memref_slice %arg3[%dma_start3A_22, %add3A_21] : memref<2x320000xi32, #tpu.memory_space<hbm>> -> memref<1x80xi32, #tpu.memory_space<hbm>>
    %dma_start3A_36 = tpu.memref_squeeze %dma_start3A_35 : memref<1x80xi32, #tpu.memory_space<hbm>> -> memref<80xi32, #tpu.memory_space<hbm>>
    tpu.enqueue_dma source(%dma_start3A_36 : memref<80xi32, #tpu.memory_space<hbm>>) target(%dma_start3A_34 : memref<80xi32, #tpu.memory_space<vmem>>) target_semaphore(%dma_start3A_31 : memref<!tpu.dma_semaphore, #tpu.memory_space<semaphore_mem>>)
    %add3A_37 = arith.constant 80 : i32
    %add3A_38 = arith.addi %mul3A_3, %add3A_37 : i32
    %dma_start3A_39 = arith.constant 0 : i32
    %dma_start3A_40 = arith.constant 1 : i32
    %dma_start3A_41 = arith.constant 1 : i32
    %dma_start3A_42 = arith.constant 0 : i32
    %dma_start3A_43 = tpu.memref_slice %arg5[%dma_start3A_40, %dma_start3A_42] : memref<8x80xi32, #tpu.memory_space<vmem>> -> memref<1x80xi32, #tpu.memory_space<vmem>>
    %dma_start3A_44 = tpu.memref_squeeze %dma_start3A_43 : memref<1x80xi32, #tpu.memory_space<vmem>> -> memref<80xi32, #tpu.memory_space<vmem>>
    %dma_start3A_45 = tpu.memref_slice %arg3[%dma_start3A_39, %add3A_38] : memref<2x320000xi32, #tpu.memory_space<hbm>> -> memref<1x80xi32, #tpu.memory_space<hbm>>
    %dma_start3A_46 = tpu.memref_squeeze %dma_start3A_45 : memref<1x80xi32, #tpu.memory_space<hbm>> -> memref<80xi32, #tpu.memory_space<hbm>>
    %dma_start3A_47 = tpu.memref_slice %arg10[%dma_start3A_41] : memref<8x!tpu.dma_semaphore, #tpu.memory_space<semaphore_mem>> -> memref<1x!tpu.dma_semaphore, #tpu.memory_space<semaphore_mem>>
    %dma_start3A_48 = tpu.memref_squeeze %dma_start3A_47 : memref<1x!tpu.dma_semaphore, #tpu.memory_space<semaphore_mem>> -> memref<!tpu.dma_semaphore, #tpu.memory_space<semaphore_mem>>
    %dma_start3A_49 = arith.constant 0 : i32
    %dma_start3A_50 = tpu.memref_slice %arg5[%dma_start3A_40, %dma_start3A_49] : memref<8x80xi32, #tpu.memory_space<vmem>> -> memref<1x80xi32, #tpu.memory_space<vmem>>
    %dma_start3A_51 = tpu.memref_squeeze %dma_start3A_50 : memref<1x80xi32, #tpu.memory_space<vmem>> -> memref<80xi32, #tpu.memory_space<vmem>>
    %dma_start3A_52 = tpu.memref_slice %arg3[%dma_start3A_39, %add3A_38] : memref<2x320000xi32, #tpu.memory_space<hbm>> -> memref<1x80xi32, #tpu.memory_space<hbm>>
    %dma_start3A_53 = tpu.memref_squeeze %dma_start3A_52 : memref<1x80xi32, #tpu.memory_space<hbm>> -> memref<80xi32, #tpu.memory_space<hbm>>
    tpu.enqueue_dma source(%dma_start3A_53 : memref<80xi32, #tpu.memory_space<hbm>>) target(%dma_start3A_51 : memref<80xi32, #tpu.memory_space<vmem>>) target_semaphore(%dma_start3A_48 : memref<!tpu.dma_semaphore, #tpu.memory_space<semaphore_mem>>)
    %add3A_54 = arith.constant 80 : i32
    %add3A_55 = arith.addi %mul3A_3, %add3A_54 : i32
    %dma_start3A_56 = arith.constant 1 : i32
    %dma_start3A_57 = arith.constant 1 : i32
    %dma_start3A_58 = arith.constant 1 : i32
    %dma_start3A_59 = arith.constant 0 : i32
    %dma_start3A_60 = tpu.memref_slice %arg6[%dma_start3A_57, %dma_start3A_59] : memref<8x80xi32, #tpu.memory_space<vmem>> -> memref<1x80xi32, #tpu.memory_space<vmem>>
    %dma_start3A_61 = tpu.memref_squeeze %dma_start3A_60 : memref<1x80xi32, #tpu.memory_space<vmem>> -> memref<80xi32, #tpu.memory_space<vmem>>
    %dma_start3A_62 = tpu.memref_slice %arg3[%dma_start3A_56, %add3A_55] : memref<2x320000xi32, #tpu.memory_space<hbm>> -> memref<1x80xi32, #tpu.memory_space<hbm>>
    %dma_start3A_63 = tpu.memref_squeeze %dma_start3A_62 : memref<1x80xi32, #tpu.memory_space<hbm>> -> memref<80xi32, #tpu.memory_space<hbm>>
    %dma_start3A_64 = tpu.memref_slice %arg11[%dma_start3A_58] : memref<8x!tpu.dma_semaphore, #tpu.memory_space<semaphore_mem>> -> memref<1x!tpu.dma_semaphore, #tpu.memory_space<semaphore_mem>>
    %dma_start3A_65 = tpu.memref_squeeze %dma_start3A_64 : memref<1x!tpu.dma_semaphore, #tpu.memory_space<semaphore_mem>> -> memref<!tpu.dma_semaphore, #tpu.memory_space<semaphore_mem>>
    %dma_start3A_66 = arith.constant 0 : i32
    %dma_start3A_67 = tpu.memref_slice %arg6[%dma_start3A_57, %dma_start3A_66] : memref<8x80xi32, #tpu.memory_space<vmem>> -> memref<1x80xi32, #tpu.memory_space<vmem>>
    %dma_start3A_68 = tpu.memref_squeeze %dma_start3A_67 : memref<1x80xi32, #tpu.memory_space<vmem>> -> memref<80xi32, #tpu.memory_space<vmem>>
    %dma_start3A_69 = tpu.memref_slice %arg3[%dma_start3A_56, %add3A_55] : memref<2x320000xi32, #tpu.memory_space<hbm>> -> memref<1x80xi32, #tpu.memory_space<hbm>>
    %dma_start3A_70 = tpu.memref_squeeze %dma_start3A_69 : memref<1x80xi32, #tpu.memory_space<hbm>> -> memref<80xi32, #tpu.memory_space<hbm>>
    tpu.enqueue_dma source(%dma_start3A_70 : memref<80xi32, #tpu.memory_space<hbm>>) target(%dma_start3A_68 : memref<80xi32, #tpu.memory_space<vmem>>) target_semaphore(%dma_start3A_65 : memref<!tpu.dma_semaphore, #tpu.memory_space<semaphore_mem>>)
    %add3A_71 = arith.constant 160 : i32
    %add3A_72 = arith.addi %mul3A_3, %add3A_71 : i32
    %dma_start3A_73 = arith.constant 0 : i32
    %dma_start3A_74 = arith.constant 2 : i32
    %dma_start3A_75 = arith.constant 2 : i32
    %dma_start3A_76 = arith.constant 0 : i32
    %dma_start3A_77 = tpu.memref_slice %arg5[%dma_start3A_74, %dma_start3A_76] : memref<8x80xi32, #tpu.memory_space<vmem>> -> memref<1x80xi32, #tpu.memory_space<vmem>>
    %dma_start3A_78 = tpu.memref_squeeze %dma_start3A_77 : memref<1x80xi32, #tpu.memory_space<vmem>> -> memref<80xi32, #tpu.memory_space<vmem>>
    %dma_start3A_79 = tpu.memref_slice %arg3[%dma_start3A_73, %add3A_72] : memref<2x320000xi32, #tpu.memory_space<hbm>> -> memref<1x80xi32, #tpu.memory_space<hbm>>
    %dma_start3A_80 = tpu.memref_squeeze %dma_start3A_79 : memref<1x80xi32, #tpu.memory_space<hbm>> -> memref<80xi32, #tpu.memory_space<hbm>>
    %dma_start3A_81 = tpu.memref_slice %arg10[%dma_start3A_75] : memref<8x!tpu.dma_semaphore, #tpu.memory_space<semaphore_mem>> -> memref<1x!tpu.dma_semaphore, #tpu.memory_space<semaphore_mem>>
    %dma_start3A_82 = tpu.memref_squeeze %dma_start3A_81 : memref<1x!tpu.dma_semaphore, #tpu.memory_space<semaphore_mem>> -> memref<!tpu.dma_semaphore, #tpu.memory_space<semaphore_mem>>
    %dma_start3A_83 = arith.constant 0 : i32
    %dma_start3A_84 = tpu.memref_slice %arg5[%dma_start3A_74, %dma_start3A_83] : memref<8x80xi32, #tpu.memory_space<vmem>> -> memref<1x80xi32, #tpu.memory_space<vmem>>
    %dma_start3A_85 = tpu.memref_squeeze %dma_start3A_84 : memref<1x80xi32, #tpu.memory_space<vmem>> -> memref<80xi32, #tpu.memory_space<vmem>>
    %dma_start3A_86 = tpu.memref_slice %arg3[%dma_start3A_73, %add3A_72] : memref<2x320000xi32, #tpu.memory_space<hbm>> -> memref<1x80xi32, #tpu.memory_space<hbm>>
    %dma_start3A_87 = tpu.memref_squeeze %dma_start3A_86 : memref<1x80xi32, #tpu.memory_space<hbm>> -> memref<80xi32, #tpu.memory_space<hbm>>
    tpu.enqueue_dma source(%dma_start3A_87 : memref<80xi32, #tpu.memory_space<hbm>>) target(%dma_start3A_85 : memref<80xi32, #tpu.memory_space<vmem>>) target_semaphore(%dma_start3A_82 : memref<!tpu.dma_semaphore, #tpu.memory_space<semaphore_mem>>)
    %add3A_88 = arith.constant 160 : i32
    %add3A_89 = arith.addi %mul3A_3, %add3A_88 : i32
    %dma_start3A_90 = arith.constant 1 : i32
    %dma_start3A_91 = arith.constant 2 : i32
    %dma_start3A_92 = arith.constant 2 : i32
    %dma_start3A_93 = arith.constant 0 : i32
    %dma_start3A_94 = tpu.memref_slice %arg6[%dma_start3A_91, %dma_start3A_93] : memref<8x80xi32, #tpu.memory_space<vmem>> -> memref<1x80xi32, #tpu.memory_space<vmem>>
    %dma_start3A_95 = tpu.memref_squeeze %dma_start3A_94 : memref<1x80xi32, #tpu.memory_space<vmem>> -> memref<80xi32, #tpu.memory_space<vmem>>
    %dma_start3A_96 = tpu.memref_slice %arg3[%dma_start3A_90, %add3A_89] : memref<2x320000xi32, #tpu.memory_space<hbm>> -> memref<1x80xi32, #tpu.memory_space<hbm>>
    %dma_start3A_97 = tpu.memref_squeeze %dma_start3A_96 : memref<1x80xi32, #tpu.memory_space<hbm>> -> memref<80xi32, #tpu.memory_space<hbm>>
    %dma_start3A_98 = tpu.memref_slice %arg11[%dma_start3A_92] : memref<8x!tpu.dma_semaphore, #tpu.memory_space<semaphore_mem>> -> memref<1x!tpu.dma_semaphore, #tpu.memory_space<semaphore_mem>>
    %dma_start3A_99 = tpu.memref_squeeze %dma_start3A_98 : memref<1x!tpu.dma_semaphore, #tpu.memory_space<semaphore_mem>> -> memref<!tpu.dma_semaphore, #tpu.memory_space<semaphore_mem>>
    %dma_start3A_100 = arith.constant 0 : i32
    %dma_start3A_101 = tpu.memref_slice %arg6[%dma_start3A_91, %dma_start3A_100] : memref<8x80xi32, #tpu.memory_space<vmem>> -> memref<1x80xi32, #tpu.memory_space<vmem>>
    %dma_start3A_102 = tpu.memref_squeeze %dma_start3A_101 : memref<1x80xi32, #tpu.memory_space<vmem>> -> memref<80xi32, #tpu.memory_space<vmem>>
    %dma_start3A_103 = tpu.memref_slice %arg3[%dma_start3A_90, %add3A_89] : memref<2x320000xi32, #tpu.memory_space<hbm>> -> memref<1x80xi32, #tpu.memory_space<hbm>>
    %dma_start3A_104 = tpu.memref_squeeze %dma_start3A_103 : memref<1x80xi32, #tpu.memory_space<hbm>> -> memref<80xi32, #tpu.memory_space<hbm>>
    tpu.enqueue_dma source(%dma_start3A_104 : memref<80xi32, #tpu.memory_space<hbm>>) target(%dma_start3A_102 : memref<80xi32, #tpu.memory_space<vmem>>) target_semaphore(%dma_start3A_99 : memref<!tpu.dma_semaphore, #tpu.memory_space<semaphore_mem>>)
    %add3A_105 = arith.constant 240 : i32
    %add3A_106 = arith.addi %mul3A_3, %add3A_105 : i32
    %dma_start3A_107 = arith.constant 0 : i32
    %dma_start3A_108 = arith.constant 3 : i32
    %dma_start3A_109 = arith.constant 3 : i32
    %dma_start3A_110 = arith.constant 0 : i32
    %dma_start3A_111 = tpu.memref_slice %arg5[%dma_start3A_108, %dma_start3A_110] : memref<8x80xi32, #tpu.memory_space<vmem>> -> memref<1x80xi32, #tpu.memory_space<vmem>>
    %dma_start3A_112 = tpu.memref_squeeze %dma_start3A_111 : memref<1x80xi32, #tpu.memory_space<vmem>> -> memref<80xi32, #tpu.memory_space<vmem>>
    %dma_start3A_113 = tpu.memref_slice %arg3[%dma_start3A_107, %add3A_106] : memref<2x320000xi32, #tpu.memory_space<hbm>> -> memref<1x80xi32, #tpu.memory_space<hbm>>
    %dma_start3A_114 = tpu.memref_squeeze %dma_start3A_113 : memref<1x80xi32, #tpu.memory_space<hbm>> -> memref<80xi32, #tpu.memory_space<hbm>>
    %dma_start3A_115 = tpu.memref_slice %arg10[%dma_start3A_109] : memref<8x!tpu.dma_semaphore, #tpu.memory_space<semaphore_mem>> -> memref<1x!tpu.dma_semaphore, #tpu.memory_space<semaphore_mem>>
    %dma_start3A_116 = tpu.memref_squeeze %dma_start3A_115 : memref<1x!tpu.dma_semaphore, #tpu.memory_space<semaphore_mem>> -> memref<!tpu.dma_semaphore, #tpu.memory_space<semaphore_mem>>
    %dma_start3A_117 = arith.constant 0 : i32
    %dma_start3A_118 = tpu.memref_slice %arg5[%dma_start3A_108, %dma_start3A_117] : memref<8x80xi32, #tpu.memory_space<vmem>> -> memref<1x80xi32, #tpu.memory_space<vmem>>
    %dma_start3A_119 = tpu.memref_squeeze %dma_start3A_118 : memref<1x80xi32, #tpu.memory_space<vmem>> -> memref<80xi32, #tpu.memory_space<vmem>>
    %dma_start3A_120 = tpu.memref_slice %arg3[%dma_start3A_107, %add3A_106] : memref<2x320000xi32, #tpu.memory_space<hbm>> -> memref<1x80xi32, #tpu.memory_space<hbm>>
    %dma_start3A_121 = tpu.memref_squeeze %dma_start3A_120 : memref<1x80xi32, #tpu.memory_space<hbm>> -> memref<80xi32, #tpu.memory_space<hbm>>
    tpu.enqueue_dma source(%dma_start3A_121 : memref<80xi32, #tpu.memory_space<hbm>>) target(%dma_start3A_119 : memref<80xi32, #tpu.memory_space<vmem>>) target_semaphore(%dma_start3A_116 : memref<!tpu.dma_semaphore, #tpu.memory_space<semaphore_mem>>)
    %add3A_122 = arith.constant 240 : i32
    %add3A_123 = arith.addi %mul3A_3, %add3A_122 : i32
    %dma_start3A_124 = arith.constant 1 : i32
    %dma_start3A_125 = arith.constant 3 : i32
    %dma_start3A_126 = arith.constant 3 : i32
    %dma_start3A_127 = arith.constant 0 : i32
    %dma_start3A_128 = tpu.memref_slice %arg6[%dma_start3A_125, %dma_start3A_127] : memref<8x80xi32, #tpu.memory_space<vmem>> -> memref<1x80xi32, #tpu.memory_space<vmem>>
    %dma_start3A_129 = tpu.memref_squeeze %dma_start3A_128 : memref<1x80xi32, #tpu.memory_space<vmem>> -> memref<80xi32, #tpu.memory_space<vmem>>
    %dma_start3A_130 = tpu.memref_slice %arg3[%dma_start3A_124, %add3A_123] : memref<2x320000xi32, #tpu.memory_space<hbm>> -> memref<1x80xi32, #tpu.memory_space<hbm>>
    %dma_start3A_131 = tpu.memref_squeeze %dma_start3A_130 : memref<1x80xi32, #tpu.memory_space<hbm>> -> memref<80xi32, #tpu.memory_space<hbm>>
    %dma_start3A_132 = tpu.memref_slice %arg11[%dma_start3A_126] : memref<8x!tpu.dma_semaphore, #tpu.memory_space<semaphore_mem>> -> memref<1x!tpu.dma_semaphore, #tpu.memory_space<semaphore_mem>>
    %dma_start3A_133 = tpu.memref_squeeze %dma_start3A_132 : memref<1x!tpu.dma_semaphore, #tpu.memory_space<semaphore_mem>> -> memref<!tpu.dma_semaphore, #tpu.memory_space<semaphore_mem>>
    %dma_start3A_134 = arith.constant 0 : i32
    %dma_start3A_135 = tpu.memref_slice %arg6[%dma_start3A_125, %dma_start3A_134] : memref<8x80xi32, #tpu.memory_space<vmem>> -> memref<1x80xi32, #tpu.memory_space<vmem>>
    %dma_start3A_136 = tpu.memref_squeeze %dma_start3A_135 : memref<1x80xi32, #tpu.memory_space<vmem>> -> memref<80xi32, #tpu.memory_space<vmem>>
    %dma_start3A_137 = tpu.memref_slice %arg3[%dma_start3A_124, %add3A_123] : memref<2x320000xi32, #tpu.memory_space<hbm>> -> memref<1x80xi32, #tpu.memory_space<hbm>>
    %dma_start3A_138 = tpu.memref_squeeze %dma_start3A_137 : memref<1x80xi32, #tpu.memory_space<hbm>> -> memref<80xi32, #tpu.memory_space<hbm>>
    tpu.enqueue_dma source(%dma_start3A_138 : memref<80xi32, #tpu.memory_space<hbm>>) target(%dma_start3A_136 : memref<80xi32, #tpu.memory_space<vmem>>) target_semaphore(%dma_start3A_133 : memref<!tpu.dma_semaphore, #tpu.memory_space<semaphore_mem>>)
    %scan3A = arith.constant 0 : i32
    %scan3A_139 = arith.constant 0 : i32
    %scan3A_140 = arith.constant 64 : i32
    %scan3A_141 = arith.addi %scan3A_139, %scan3A_140 : i32
    %scan3A_142 = arith.constant 1 : i32
    scf.for %scan3A_1716 = %scan3A_139 to %scan3A_141 step %scan3A_142  : i32 {
      %jit3A_1717 = arith.constant 4 : i32
      %div3A_1718 = arith.divsi %scan3A_1716, %jit3A_1717 : i32
      %sign3A_1719 = arith.constant 0 : i32
      %sign3A_1720 = arith.cmpi sgt, %scan3A_1716, %sign3A_1719 : i32
      %sign3A_1721 = arith.extui %sign3A_1720 : i1 to i32
      %sign3A_1722 = arith.constant 0 : i32
      %sign3A_1723 = arith.cmpi slt, %scan3A_1716, %sign3A_1722 : i32
      %sign3A_1724 = arith.extui %sign3A_1723 : i1 to i32
      %sign3A_1725 = arith.subi %sign3A_1721, %sign3A_1724 : i32
      %sign3A_1726 = arith.constant 0 : i32
      %sign3A_1727 = arith.cmpi sgt, %jit3A_1717, %sign3A_1726 : i32
      %sign3A_1728 = arith.extui %sign3A_1727 : i1 to i32
      %sign3A_1729 = arith.constant 0 : i32
      %sign3A_1730 = arith.cmpi slt, %jit3A_1717, %sign3A_1729 : i32
      %sign3A_1731 = arith.extui %sign3A_1730 : i1 to i32
      %sign3A_1732 = arith.subi %sign3A_1728, %sign3A_1731 : i32
      %ne3A_1733 = arith.cmpi ne, %sign3A_1725, %sign3A_1732 : i32
      %rem3A_1734 = arith.remsi %scan3A_1716, %jit3A_1717 : i32
      %ne3A_1735 = arith.constant 0 : i32
      %ne3A_1736 = arith.cmpi ne, %rem3A_1734, %ne3A_1735 : i32
      %and3A_1737 = arith.andi %ne3A_1733, %ne3A_1736 : i1
      %sub3A_1738 = arith.constant 1 : i32
      %sub3A_1739 = arith.subi %div3A_1718, %sub3A_1738 : i32
      %select_n3A_1740 = arith.select %and3A_1737, %sub3A_1739, %div3A_1718 : i32
      %jit3A_1741 = arith.constant 4 : i32
      %eq3A_1742 = arith.constant 0 : i32
      %eq3A_1743 = arith.cmpi eq, %jit3A_1741, %eq3A_1742 : i32
      %jit3A_1744 = arith.constant 1 : i32
      %select_n3A_1745 = arith.select %eq3A_1743, %jit3A_1744, %jit3A_1741 : i32
      %rem3A_1746 = arith.remsi %scan3A_1716, %select_n3A_1745 : i32
      %ne3A_1747 = arith.constant 0 : i32
      %ne3A_1748 = arith.cmpi ne, %rem3A_1746, %ne3A_1747 : i32
      %lt3A_1749 = arith.constant 0 : i32
      %lt3A_1750 = arith.cmpi slt, %rem3A_1746, %lt3A_1749 : i32
      %lt3A_1751 = arith.constant 0 : i32
      %lt3A_1752 = arith.cmpi slt, %select_n3A_1745, %lt3A_1751 : i32
      %ne3A_1753 = arith.xori %lt3A_1750, %lt3A_1752 : i1
      %and3A_1754 = arith.andi %ne3A_1753, %ne3A_1748 : i1
      %add3A_1755 = arith.addi %rem3A_1746, %select_n3A_1745 : i32
      %select_n3A_1756 = arith.select %and3A_1754, %add3A_1755, %rem3A_1746 : i32
      %mul3A_1757 = arith.constant 2 : i32
      %mul3A_1758 = arith.muli %select_n3A_1756, %mul3A_1757 : i32
      %mul3A_1759 = arith.constant 16 : i32
      %mul3A_1760 = arith.muli %mul3A_1758, %mul3A_1759 : i32
      %swap3A = arith.index_cast %select_n3A_1740 : i32 to index
      %swap3A_1761 = arith.index_cast %mul3A_1760 : i32 to index
      %swap3A_1762 = tpu.vector_load %arg8[%swap3A, %swap3A_1761] {strides = array<i32>} : memref<16x128xbf16, #tpu.memory_space<vmem>>, vector<32xbf16>,
      tpu.vector_store %arg8[%swap3A, %swap3A_1761], %broadcast_in_dim3A_1 {strides = array<i32>} : memref<16x128xbf16, #tpu.memory_space<vmem>>, vector<32xbf16>,
    }
    %scan3A_143 = arith.constant 64 : i32
    %mul3A_144 = arith.constant 624 : i32
    %mul3A_145 = arith.muli %arg1, %mul3A_144 : i32
    %eq3A = arith.constant 15 : i32
    %eq3A_146 = arith.cmpi eq, %arg1, %eq3A : i32
    %jit3A = arith.constant 640 : i32
    %jit3A_147 = arith.constant 624 : i32
    %select_n3A = arith.select %eq3A_146, %jit3A, %jit3A_147 : i32
    %jit3A_148 = arith.constant 16 : i32
    %div3A = arith.divsi %select_n3A, %jit3A_148 : i32
    %sign3A = arith.constant 0 : i32
    %sign3A_149 = arith.cmpi sgt, %select_n3A, %sign3A : i32
    %sign3A_150 = arith.extui %sign3A_149 : i1 to i32
    %sign3A_151 = arith.constant 0 : i32
    %sign3A_152 = arith.cmpi slt, %select_n3A, %sign3A_151 : i32
    %sign3A_153 = arith.extui %sign3A_152 : i1 to i32
    %sign3A_154 = arith.subi %sign3A_150, %sign3A_153 : i32
    %sign3A_155 = arith.constant 0 : i32
    %sign3A_156 = arith.cmpi sgt, %jit3A_148, %sign3A_155 : i32
    %sign3A_157 = arith.extui %sign3A_156 : i1 to i32
    %sign3A_158 = arith.constant 0 : i32
    %sign3A_159 = arith.cmpi slt, %jit3A_148, %sign3A_158 : i32
    %sign3A_160 = arith.extui %sign3A_159 : i1 to i32
    %sign3A_161 = arith.subi %sign3A_157, %sign3A_160 : i32
    %ne3A = arith.cmpi ne, %sign3A_154, %sign3A_161 : i32
    %rem3A = arith.remsi %select_n3A, %jit3A_148 : i32
    %ne3A_162 = arith.constant 0 : i32
    %ne3A_163 = arith.cmpi ne, %rem3A, %ne3A_162 : i32
    %and3A = arith.andi %ne3A, %ne3A_163 : i1
    %sub3A = arith.constant 1 : i32
    %sub3A_164 = arith.subi %div3A, %sub3A : i32
    %select_n3A_165 = arith.select %and3A, %sub3A_164, %div3A : i32
    %while3A = arith.constant 0 : i32
    %while3A_166 = arith.constant 0 : i32
    %while3A_167 = arith.subi %select_n3A_165, %while3A_166 : i32
    %while3A_168 = arith.addi %while3A_166, %while3A_167 : i32
    %while3A_169 = arith.constant 1 : i32
    %while3A_170 = arith.divsi %while3A_167, %while3A_169 : i32
    %while3A_171 = arith.muli %while3A_170, %while3A_169 : i32
    %while3A_172 = arith.addi %while3A_166, %while3A_171 : i32
    %while3A_173 = arith.constant 1 : i32
    scf.for %while3A_1716 = %while3A_166 to %while3A_172 step %while3A_173  : i32 {
      %mul3A_1717 = arith.constant 16 : i32
      %mul3A_1718 = arith.muli %while3A_1716, %mul3A_1717 : i32
      %add3A_1719 = arith.addi %mul3A_145, %mul3A_1718 : i32
      "tpu.region"() ({
        %run_scoped3A = tpu.sem_alloc : memref<!tpu.dma_semaphore, #tpu.memory_space<semaphore_mem>>
        %dma_start3A_1720 = arith.constant 0 : i32
        %dma_start3A_1721 = tpu.memref_slice %arg9[%add3A_1719, %dma_start3A_1720] : memref<10000x128xbf16, #tpu.memory_space<vmem_shared>> -> memref<16x128xbf16, #tpu.memory_space<vmem_shared>>
        %dma_start3A_1722 = arith.constant 0 : i32
        %dma_start3A_1723 = tpu.memref_slice %arg9[%add3A_1719, %dma_start3A_1722] : memref<10000x128xbf16, #tpu.memory_space<vmem_shared>> -> memref<16x128xbf16, #tpu.memory_space<vmem_shared>>
        tpu.enqueue_dma source(%arg8 : memref<16x128xbf16, #tpu.memory_space<vmem>>) target(%dma_start3A_1723 : memref<16x128xbf16, #tpu.memory_space<vmem_shared>>) target_semaphore(%run_scoped3A : memref<!tpu.dma_semaphore, #tpu.memory_space<semaphore_mem>>)
        %dma_wait3A_1724 = arith.constant 0 : i32
        %dma_wait3A_1725 = tpu.memref_slice %arg9[%add3A_1719, %dma_wait3A_1724] : memref<10000x128xbf16, #tpu.memory_space<vmem_shared>> -> memref<16x128xbf16, #tpu.memory_space<vmem_shared>>
        %dma_wait3A_1726 = arith.constant 0 : i32
        %dma_wait3A_1727 = tpu.memref_slice %arg9[%add3A_1719, %dma_wait3A_1726] : memref<10000x128xbf16, #tpu.memory_space<vmem_shared>> -> memref<16x128xbf16, #tpu.memory_space<vmem_shared>>
        tpu.wait_dma2 semaphore(%run_scoped3A : memref<!tpu.dma_semaphore, #tpu.memory_space<semaphore_mem>>) src(%arg8 : memref<16x128xbf16, #tpu.memory_space<vmem>>) dst(%dma_wait3A_1727 : memref<16x128xbf16, #tpu.memory_space<vmem_shared>>)
        tpu.yield
      }) : () -> ()
    }
    %while3A_174 = arith.constant 1 : i32
    scf.for %while3A_1716 = %while3A_172 to %while3A_168 step %while3A_174  : i32 {
      %mul3A_1717 = arith.constant 16 : i32
      %mul3A_1718 = arith.muli %while3A_1716, %mul3A_1717 : i32
      %add3A_1719 = arith.addi %mul3A_145, %mul3A_1718 : i32
      "tpu.region"() ({
        %run_scoped3A = tpu.sem_alloc : memref<!tpu.dma_semaphore, #tpu.memory_space<semaphore_mem>>
        %dma_start3A_1720 = arith.constant 0 : i32
        %dma_start3A_1721 = tpu.memref_slice %arg9[%add3A_1719, %dma_start3A_1720] : memref<10000x128xbf16, #tpu.memory_space<vmem_shared>> -> memref<16x128xbf16, #tpu.memory_space<vmem_shared>>
        %dma_start3A_1722 = arith.constant 0 : i32
        %dma_start3A_1723 = tpu.memref_slice %arg9[%add3A_1719, %dma_start3A_1722] : memref<10000x128xbf16, #tpu.memory_space<vmem_shared>> -> memref<16x128xbf16, #tpu.memory_space<vmem_shared>>
        tpu.enqueue_dma source(%arg8 : memref<16x128xbf16, #tpu.memory_space<vmem>>) target(%dma_start3A_1723 : memref<16x128xbf16, #tpu.memory_space<vmem_shared>>) target_semaphore(%run_scoped3A : memref<!tpu.dma_semaphore, #tpu.memory_space<semaphore_mem>>)
        %dma_wait3A_1724 = arith.constant 0 : i32
        %dma_wait3A_1725 = tpu.memref_slice %arg9[%add3A_1719, %dma_wait3A_1724] : memref<10000x128xbf16, #tpu.memory_space<vmem_shared>> -> memref<16x128xbf16, #tpu.memory_space<vmem_shared>>
        %dma_wait3A_1726 = arith.constant 0 : i32
        %dma_wait3A_1727 = tpu.memref_slice %arg9[%add3A_1719, %dma_wait3A_1726] : memref<10000x128xbf16, #tpu.memory_space<vmem_shared>> -> memref<16x128xbf16, #tpu.memory_space<vmem_shared>>
        tpu.wait_dma2 semaphore(%run_scoped3A : memref<!tpu.dma_semaphore, #tpu.memory_space<semaphore_mem>>) src(%arg8 : memref<16x128xbf16, #tpu.memory_space<vmem>>) dst(%dma_wait3A_1727 : memref<16x128xbf16, #tpu.memory_space<vmem_shared>>)
        tpu.yield
      }) : () -> ()
    }
    %barrier3A = arith.constant 0 : index
    tpu.barrier barrier_id(%barrier3A)
    %add3A_175 = arith.constant 0 : i32
    %add3A_176 = arith.addi %mul3A_3, %add3A_175 : i32
    %dma_wait3A = arith.constant 0 : i32
    %dma_wait3A_177 = arith.constant 0 : i32
    %dma_wait3A_178 = arith.constant 0 : i32
    %dma_wait3A_179 = arith.constant 0 : i32
    %dma_wait3A_180 = tpu.memref_slice %arg5[%dma_wait3A_177, %dma_wait3A_179] : memref<8x80xi32, #tpu.memory_space<vmem>> -> memref<1x80xi32, #tpu.memory_space<vmem>>
    %dma_wait3A_181 = tpu.memref_squeeze %dma_wait3A_180 : memref<1x80xi32, #tpu.memory_space<vmem>> -> memref<80xi32, #tpu.memory_space<vmem>>
    %dma_wait3A_182 = tpu.memref_slice %arg3[%dma_wait3A, %add3A_176] : memref<2x320000xi32, #tpu.memory_space<hbm>> -> memref<1x80xi32, #tpu.memory_space<hbm>>
    %dma_wait3A_183 = tpu.memref_squeeze %dma_wait3A_182 : memref<1x80xi32, #tpu.memory_space<hbm>> -> memref<80xi32, #tpu.memory_space<hbm>>
    %dma_wait3A_184 = tpu.memref_slice %arg10[%dma_wait3A_178] : memref<8x!tpu.dma_semaphore, #tpu.memory_space<semaphore_mem>> -> memref<1x!tpu.dma_semaphore, #tpu.memory_space<semaphore_mem>>
    %dma_wait3A_185 = tpu.memref_squeeze %dma_wait3A_184 : memref<1x!tpu.dma_semaphore, #tpu.memory_space<semaphore_mem>> -> memref<!tpu.dma_semaphore, #tpu.memory_space<semaphore_mem>>
    %dma_wait3A_186 = arith.constant 0 : i32
    %dma_wait3A_187 = tpu.memref_slice %arg5[%dma_wait3A_177, %dma_wait3A_186] : memref<8x80xi32, #tpu.memory_space<vmem>> -> memref<1x80xi32, #tpu.memory_space<vmem>>
    %dma_wait3A_188 = tpu.memref_squeeze %dma_wait3A_187 : memref<1x80xi32, #tpu.memory_space<vmem>> -> memref<80xi32, #tpu.memory_space<vmem>>
    %dma_wait3A_189 = tpu.memref_slice %arg3[%dma_wait3A, %add3A_176] : memref<2x320000xi32, #tpu.memory_space<hbm>> -> memref<1x80xi32, #tpu.memory_space<hbm>>
    %dma_wait3A_190 = tpu.memref_squeeze %dma_wait3A_189 : memref<1x80xi32, #tpu.memory_space<hbm>> -> memref<80xi32, #tpu.memory_space<hbm>>
    tpu.wait_dma2 semaphore(%dma_wait3A_185 : memref<!tpu.dma_semaphore, #tpu.memory_space<semaphore_mem>>) src(%dma_wait3A_190 : memref<80xi32, #tpu.memory_space<hbm>>) dst(%dma_wait3A_188 : memref<80xi32, #tpu.memory_space<vmem>>)
    %add3A_191 = arith.constant 0 : i32
    %add3A_192 = arith.addi %mul3A_3, %add3A_191 : i32
    %dma_wait3A_193 = arith.constant 1 : i32
    %dma_wait3A_194 = arith.constant 0 : i32
    %dma_wait3A_195 = arith.constant 0 : i32
    %dma_wait3A_196 = arith.constant 0 : i32
    %dma_wait3A_197 = tpu.memref_slice %arg6[%dma_wait3A_194, %dma_wait3A_196] : memref<8x80xi32, #tpu.memory_space<vmem>> -> memref<1x80xi32, #tpu.memory_space<vmem>>
    %dma_wait3A_198 = tpu.memref_squeeze %dma_wait3A_197 : memref<1x80xi32, #tpu.memory_space<vmem>> -> memref<80xi32, #tpu.memory_space<vmem>>
    %dma_wait3A_199 = tpu.memref_slice %arg3[%dma_wait3A_193, %add3A_192] : memref<2x320000xi32, #tpu.memory_space<hbm>> -> memref<1x80xi32, #tpu.memory_space<hbm>>
    %dma_wait3A_200 = tpu.memref_squeeze %dma_wait3A_199 : memref<1x80xi32, #tpu.memory_space<hbm>> -> memref<80xi32, #tpu.memory_space<hbm>>
    %dma_wait3A_201 = tpu.memref_slice %arg11[%dma_wait3A_195] : memref<8x!tpu.dma_semaphore, #tpu.memory_space<semaphore_mem>> -> memref<1x!tpu.dma_semaphore, #tpu.memory_space<semaphore_mem>>
    %dma_wait3A_202 = tpu.memref_squeeze %dma_wait3A_201 : memref<1x!tpu.dma_semaphore, #tpu.memory_space<semaphore_mem>> -> memref<!tpu.dma_semaphore, #tpu.memory_space<semaphore_mem>>
    %dma_wait3A_203 = arith.constant 0 : i32
    %dma_wait3A_204 = tpu.memref_slice %arg6[%dma_wait3A_194, %dma_wait3A_203] : memref<8x80xi32, #tpu.memory_space<vmem>> -> memref<1x80xi32, #tpu.memory_space<vmem>>
    %dma_wait3A_205 = tpu.memref_squeeze %dma_wait3A_204 : memref<1x80xi32, #tpu.memory_space<vmem>> -> memref<80xi32, #tpu.memory_space<vmem>>
    %dma_wait3A_206 = tpu.memref_slice %arg3[%dma_wait3A_193, %add3A_192] : memref<2x320000xi32, #tpu.memory_space<hbm>> -> memref<1x80xi32, #tpu.memory_space<hbm>>
    %dma_wait3A_207 = tpu.memref_squeeze %dma_wait3A_206 : memref<1x80xi32, #tpu.memory_space<hbm>> -> memref<80xi32, #tpu.memory_space<hbm>>
    tpu.wait_dma2 semaphore(%dma_wait3A_202 : memref<!tpu.dma_semaphore, #tpu.memory_space<semaphore_mem>>) src(%dma_wait3A_207 : memref<80xi32, #tpu.memory_space<hbm>>) dst(%dma_wait3A_205 : memref<80xi32, #tpu.memory_space<vmem>>)
    %dma_start3A_208 = arith.constant 0 : i32
    %dma_start3A_209 = arith.constant 0 : i32
    %dma_start3A_210 = arith.constant 0 : i32
    %dma_start3A_211 = arith.constant 0 : i32
    %dma_start3A_212 = arith.constant 0 : i32
    %dma_start3A_213 = tpu.memref_slice %arg7[%dma_start3A_209, %dma_start3A_211, %dma_start3A_212] : memref<4x80x128xbf16, #tpu.memory_space<vmem>> -> memref<1x80x128xbf16, #tpu.memory_space<vmem>>
    %dma_start3A_214 = tpu.memref_squeeze %dma_start3A_213 : memref<1x80x128xbf16, #tpu.memory_space<vmem>> -> memref<80x128xbf16, #tpu.memory_space<vmem>>
    %dma_start3A_215 = arith.constant 0 : i32
    %dma_start3A_216 = tpu.memref_slice %arg5[%dma_start3A_208, %dma_start3A_215] : memref<8x80xi32, #tpu.memory_space<vmem>> -> memref<1x80xi32, #tpu.memory_space<vmem>>
    %dma_start3A_217 = tpu.memref_squeeze %dma_start3A_216 : memref<1x80xi32, #tpu.memory_space<vmem>> -> memref<80xi32, #tpu.memory_space<vmem>>
    %dma_start3A_218 = arith.constant 0 : i32
    %dma_start3A_219 = arith.constant 0 : i32
    %dma_start3A_220 = tpu.memref_slice %arg2[%dma_start3A_218, %dma_start3A_219] : memref<10000x128xbf16, #tpu.memory_space<hbm>> -> memref<10000x128xbf16, #tpu.memory_space<hbm>>
    %dma_start3A_221 = tpu.memref_slice %arg12[%dma_start3A_210] : memref<4x!tpu.dma_semaphore, #tpu.memory_space<semaphore_mem>> -> memref<1x!tpu.dma_semaphore, #tpu.memory_space<semaphore_mem>>
    %dma_start3A_222 = tpu.memref_squeeze %dma_start3A_221 : memref<1x!tpu.dma_semaphore, #tpu.memory_space<semaphore_mem>> -> memref<!tpu.dma_semaphore, #tpu.memory_space<semaphore_mem>>
    tpu.enqueue_indirect_dma source(%dma_start3A_220 : memref<10000x128xbf16, #tpu.memory_space<hbm>>) target(%dma_start3A_214 : memref<80x128xbf16, #tpu.memory_space<vmem>>) offsets(%dma_start3A_217 : memref<80xi32, #tpu.memory_space<vmem>>) semaphore(%dma_start3A_222 : memref<!tpu.dma_semaphore, #tpu.memory_space<semaphore_mem>>)
    %add3A_223 = arith.constant 320 : i32
    %add3A_224 = arith.addi %mul3A_3, %add3A_223 : i32
    %dma_start3A_225 = arith.constant 0 : i32
    %dma_start3A_226 = arith.constant 4 : i32
    %dma_start3A_227 = arith.constant 4 : i32
    %dma_start3A_228 = arith.constant 0 : i32
    %dma_start3A_229 = tpu.memref_slice %arg5[%dma_start3A_226, %dma_start3A_228] : memref<8x80xi32, #tpu.memory_space<vmem>> -> memref<1x80xi32, #tpu.memory_space<vmem>>
    %dma_start3A_230 = tpu.memref_squeeze %dma_start3A_229 : memref<1x80xi32, #tpu.memory_space<vmem>> -> memref<80xi32, #tpu.memory_space<vmem>>
    %dma_start3A_231 = tpu.memref_slice %arg3[%dma_start3A_225, %add3A_224] : memref<2x320000xi32, #tpu.memory_space<hbm>> -> memref<1x80xi32, #tpu.memory_space<hbm>>
    %dma_start3A_232 = tpu.memref_squeeze %dma_start3A_231 : memref<1x80xi32, #tpu.memory_space<hbm>> -> memref<80xi32, #tpu.memory_space<hbm>>
    %dma_start3A_233 = tpu.memref_slice %arg10[%dma_start3A_227] : memref<8x!tpu.dma_semaphore, #tpu.memory_space<semaphore_mem>> -> memref<1x!tpu.dma_semaphore, #tpu.memory_space<semaphore_mem>>
    %dma_start3A_234 = tpu.memref_squeeze %dma_start3A_233 : memref<1x!tpu.dma_semaphore, #tpu.memory_space<semaphore_mem>> -> memref<!tpu.dma_semaphore, #tpu.memory_space<semaphore_mem>>
    %dma_start3A_235 = arith.constant 0 : i32
    %dma_start3A_236 = tpu.memref_slice %arg5[%dma_start3A_226, %dma_start3A_235] : memref<8x80xi32, #tpu.memory_space<vmem>> -> memref<1x80xi32, #tpu.memory_space<vmem>>
    %dma_start3A_237 = tpu.memref_squeeze %dma_start3A_236 : memref<1x80xi32, #tpu.memory_space<vmem>> -> memref<80xi32, #tpu.memory_space<vmem>>
    %dma_start3A_238 = tpu.memref_slice %arg3[%dma_start3A_225, %add3A_224] : memref<2x320000xi32, #tpu.memory_space<hbm>> -> memref<1x80xi32, #tpu.memory_space<hbm>>
    %dma_start3A_239 = tpu.memref_squeeze %dma_start3A_238 : memref<1x80xi32, #tpu.memory_space<hbm>> -> memref<80xi32, #tpu.memory_space<hbm>>
    tpu.enqueue_dma source(%dma_start3A_239 : memref<80xi32, #tpu.memory_space<hbm>>) target(%dma_start3A_237 : memref<80xi32, #tpu.memory_space<vmem>>) target_semaphore(%dma_start3A_234 : memref<!tpu.dma_semaphore, #tpu.memory_space<semaphore_mem>>)
    %add3A_240 = arith.constant 320 : i32
    %add3A_241 = arith.addi %mul3A_3, %add3A_240 : i32
    %dma_start3A_242 = arith.constant 1 : i32
    %dma_start3A_243 = arith.constant 4 : i32
    %dma_start3A_244 = arith.constant 4 : i32
    %dma_start3A_245 = arith.constant 0 : i32
    %dma_start3A_246 = tpu.memref_slice %arg6[%dma_start3A_243, %dma_start3A_245] : memref<8x80xi32, #tpu.memory_space<vmem>> -> memref<1x80xi32, #tpu.memory_space<vmem>>
    %dma_start3A_247 = tpu.memref_squeeze %dma_start3A_246 : memref<1x80xi32, #tpu.memory_space<vmem>> -> memref<80xi32, #tpu.memory_space<vmem>>
    %dma_start3A_248 = tpu.memref_slice %arg3[%dma_start3A_242, %add3A_241] : memref<2x320000xi32, #tpu.memory_space<hbm>> -> memref<1x80xi32, #tpu.memory_space<hbm>>
    %dma_start3A_249 = tpu.memref_squeeze %dma_start3A_248 : memref<1x80xi32, #tpu.memory_space<hbm>> -> memref<80xi32, #tpu.memory_space<hbm>>
    %dma_start3A_250 = tpu.memref_slice %arg11[%dma_start3A_244] : memref<8x!tpu.dma_semaphore, #tpu.memory_space<semaphore_mem>> -> memref<1x!tpu.dma_semaphore, #tpu.memory_space<semaphore_mem>>
    %dma_start3A_251 = tpu.memref_squeeze %dma_start3A_250 : memref<1x!tpu.dma_semaphore, #tpu.memory_space<semaphore_mem>> -> memref<!tpu.dma_semaphore, #tpu.memory_space<semaphore_mem>>
    %dma_start3A_252 = arith.constant 0 : i32
    %dma_start3A_253 = tpu.memref_slice %arg6[%dma_start3A_243, %dma_start3A_252] : memref<8x80xi32, #tpu.memory_space<vmem>> -> memref<1x80xi32, #tpu.memory_space<vmem>>
    %dma_start3A_254 = tpu.memref_squeeze %dma_start3A_253 : memref<1x80xi32, #tpu.memory_space<vmem>> -> memref<80xi32, #tpu.memory_space<vmem>>
    %dma_start3A_255 = tpu.memref_slice %arg3[%dma_start3A_242, %add3A_241] : memref<2x320000xi32, #tpu.memory_space<hbm>> -> memref<1x80xi32, #tpu.memory_space<hbm>>
    %dma_start3A_256 = tpu.memref_squeeze %dma_start3A_255 : memref<1x80xi32, #tpu.memory_space<hbm>> -> memref<80xi32, #tpu.memory_space<hbm>>
    tpu.enqueue_dma source(%dma_start3A_256 : memref<80xi32, #tpu.memory_space<hbm>>) target(%dma_start3A_254 : memref<80xi32, #tpu.memory_space<vmem>>) target_semaphore(%dma_start3A_251 : memref<!tpu.dma_semaphore, #tpu.memory_space<semaphore_mem>>)
    %add3A_257 = arith.constant 80 : i32
    %add3A_258 = arith.addi %mul3A_3, %add3A_257 : i32
    %dma_wait3A_259 = arith.constant 0 : i32
    %dma_wait3A_260 = arith.constant 1 : i32
    %dma_wait3A_261 = arith.constant 1 : i32
    %dma_wait3A_262 = arith.constant 0 : i32
    %dma_wait3A_263 = tpu.memref_slice %arg5[%dma_wait3A_260, %dma_wait3A_262] : memref<8x80xi32, #tpu.memory_space<vmem>> -> memref<1x80xi32, #tpu.memory_space<vmem>>
    %dma_wait3A_264 = tpu.memref_squeeze %dma_wait3A_263 : memref<1x80xi32, #tpu.memory_space<vmem>> -> memref<80xi32, #tpu.memory_space<vmem>>
    %dma_wait3A_265 = tpu.memref_slice %arg3[%dma_wait3A_259, %add3A_258] : memref<2x320000xi32, #tpu.memory_space<hbm>> -> memref<1x80xi32, #tpu.memory_space<hbm>>
    %dma_wait3A_266 = tpu.memref_squeeze %dma_wait3A_265 : memref<1x80xi32, #tpu.memory_space<hbm>> -> memref<80xi32, #tpu.memory_space<hbm>>
    %dma_wait3A_267 = tpu.memref_slice %arg10[%dma_wait3A_261] : memref<8x!tpu.dma_semaphore, #tpu.memory_space<semaphore_mem>> -> memref<1x!tpu.dma_semaphore, #tpu.memory_space<semaphore_mem>>
    %dma_wait3A_268 = tpu.memref_squeeze %dma_wait3A_267 : memref<1x!tpu.dma_semaphore, #tpu.memory_space<semaphore_mem>> -> memref<!tpu.dma_semaphore, #tpu.memory_space<semaphore_mem>>
    %dma_wait3A_269 = arith.constant 0 : i32
    %dma_wait3A_270 = tpu.memref_slice %arg5[%dma_wait3A_260, %dma_wait3A_269] : memref<8x80xi32, #tpu.memory_space<vmem>> -> memref<1x80xi32, #tpu.memory_space<vmem>>
    %dma_wait3A_271 = tpu.memref_squeeze %dma_wait3A_270 : memref<1x80xi32, #tpu.memory_space<vmem>> -> memref<80xi32, #tpu.memory_space<vmem>>
    %dma_wait3A_272 = tpu.memref_slice %arg3[%dma_wait3A_259, %add3A_258] : memref<2x320000xi32, #tpu.memory_space<hbm>> -> memref<1x80xi32, #tpu.memory_space<hbm>>
    %dma_wait3A_273 = tpu.memref_squeeze %dma_wait3A_272 : memref<1x80xi32, #tpu.memory_space<hbm>> -> memref<80xi32, #tpu.memory_space<hbm>>
    tpu.wait_dma2 semaphore(%dma_wait3A_268 : memref<!tpu.dma_semaphore, #tpu.memory_space<semaphore_mem>>) src(%dma_wait3A_273 : memref<80xi32, #tpu.memory_space<hbm>>) dst(%dma_wait3A_271 : memref<80xi32, #tpu.memory_space<vmem>>)
    %add3A_274 = arith.constant 80 : i32
    %add3A_275 = arith.addi %mul3A_3, %add3A_274 : i32
    %dma_wait3A_276 = arith.constant 1 : i32
    %dma_wait3A_277 = arith.constant 1 : i32
    %dma_wait3A_278 = arith.constant 1 : i32
    %dma_wait3A_279 = arith.constant 0 : i32
    %dma_wait3A_280 = tpu.memref_slice %arg6[%dma_wait3A_277, %dma_wait3A_279] : memref<8x80xi32, #tpu.memory_space<vmem>> -> memref<1x80xi32, #tpu.memory_space<vmem>>
    %dma_wait3A_281 = tpu.memref_squeeze %dma_wait3A_280 : memref<1x80xi32, #tpu.memory_space<vmem>> -> memref<80xi32, #tpu.memory_space<vmem>>
    %dma_wait3A_282 = tpu.memref_slice %arg3[%dma_wait3A_276, %add3A_275] : memref<2x320000xi32, #tpu.memory_space<hbm>> -> memref<1x80xi32, #tpu.memory_space<hbm>>
    %dma_wait3A_283 = tpu.memref_squeeze %dma_wait3A_282 : memref<1x80xi32, #tpu.memory_space<hbm>> -> memref<80xi32, #tpu.memory_space<hbm>>
    %dma_wait3A_284 = tpu.memref_slice %arg11[%dma_wait3A_278] : memref<8x!tpu.dma_semaphore, #tpu.memory_space<semaphore_mem>> -> memref<1x!tpu.dma_semaphore, #tpu.memory_space<semaphore_mem>>
    %dma_wait3A_285 = tpu.memref_squeeze %dma_wait3A_284 : memref<1x!tpu.dma_semaphore, #tpu.memory_space<semaphore_mem>> -> memref<!tpu.dma_semaphore, #tpu.memory_space<semaphore_mem>>
    %dma_wait3A_286 = arith.constant 0 : i32
    %dma_wait3A_287 = tpu.memref_slice %arg6[%dma_wait3A_277, %dma_wait3A_286] : memref<8x80xi32, #tpu.memory_space<vmem>> -> memref<1x80xi32, #tpu.memory_space<vmem>>
    %dma_wait3A_288 = tpu.memref_squeeze %dma_wait3A_287 : memref<1x80xi32, #tpu.memory_space<vmem>> -> memref<80xi32, #tpu.memory_space<vmem>>
    %dma_wait3A_289 = tpu.memref_slice %arg3[%dma_wait3A_276, %add3A_275] : memref<2x320000xi32, #tpu.memory_space<hbm>> -> memref<1x80xi32, #tpu.memory_space<hbm>>
    %dma_wait3A_290 = tpu.memref_squeeze %dma_wait3A_289 : memref<1x80xi32, #tpu.memory_space<hbm>> -> memref<80xi32, #tpu.memory_space<hbm>>
    tpu.wait_dma2 semaphore(%dma_wait3A_285 : memref<!tpu.dma_semaphore, #tpu.memory_space<semaphore_mem>>) src(%dma_wait3A_290 : memref<80xi32, #tpu.memory_space<hbm>>) dst(%dma_wait3A_288 : memref<80xi32, #tpu.memory_space<vmem>>)
    %dma_start3A_291 = arith.constant 1 : i32
    %dma_start3A_292 = arith.constant 1 : i32
    %dma_start3A_293 = arith.constant 1 : i32
    %dma_start3A_294 = arith.constant 0 : i32
    %dma_start3A_295 = arith.constant 0 : i32
    %dma_start3A_296 = tpu.memref_slice %arg7[%dma_start3A_292, %dma_start3A_294, %dma_start3A_295] : memref<4x80x128xbf16, #tpu.memory_space<vmem>> -> memref<1x80x128xbf16, #tpu.memory_space<vmem>>
    %dma_start3A_297 = tpu.memref_squeeze %dma_start3A_296 : memref<1x80x128xbf16, #tpu.memory_space<vmem>> -> memref<80x128xbf16, #tpu.memory_space<vmem>>
    %dma_start3A_298 = arith.constant 0 : i32
    %dma_start3A_299 = tpu.memref_slice %arg5[%dma_start3A_291, %dma_start3A_298] : memref<8x80xi32, #tpu.memory_space<vmem>> -> memref<1x80xi32, #tpu.memory_space<vmem>>
    %dma_start3A_300 = tpu.memref_squeeze %dma_start3A_299 : memref<1x80xi32, #tpu.memory_space<vmem>> -> memref<80xi32, #tpu.memory_space<vmem>>
    %dma_start3A_301 = arith.constant 0 : i32
    %dma_start3A_302 = arith.constant 0 : i32
    %dma_start3A_303 = tpu.memref_slice %arg2[%dma_start3A_301, %dma_start3A_302] : memref<10000x128xbf16, #tpu.memory_space<hbm>> -> memref<10000x128xbf16, #tpu.memory_space<hbm>>
    %dma_start3A_304 = tpu.memref_slice %arg12[%dma_start3A_293] : memref<4x!tpu.dma_semaphore, #tpu.memory_space<semaphore_mem>> -> memref<1x!tpu.dma_semaphore, #tpu.memory_space<semaphore_mem>>
    %dma_start3A_305 = tpu.memref_squeeze %dma_start3A_304 : memref<1x!tpu.dma_semaphore, #tpu.memory_space<semaphore_mem>> -> memref<!tpu.dma_semaphore, #tpu.memory_space<semaphore_mem>>
    tpu.enqueue_indirect_dma source(%dma_start3A_303 : memref<10000x128xbf16, #tpu.memory_space<hbm>>) target(%dma_start3A_297 : memref<80x128xbf16, #tpu.memory_space<vmem>>) offsets(%dma_start3A_300 : memref<80xi32, #tpu.memory_space<vmem>>) semaphore(%dma_start3A_305 : memref<!tpu.dma_semaphore, #tpu.memory_space<semaphore_mem>>)
    %dma_wait3A_306 = arith.constant 0 : i32
    %dma_wait3A_307 = arith.constant 0 : i32
    %dma_wait3A_308 = arith.constant 0 : i32
    %dma_wait3A_309 = arith.constant 0 : i32
    %dma_wait3A_310 = arith.constant 0 : i32
    %dma_wait3A_311 = tpu.memref_slice %arg7[%dma_wait3A_307, %dma_wait3A_309, %dma_wait3A_310] : memref<4x80x128xbf16, #tpu.memory_space<vmem>> -> memref<1x80x128xbf16, #tpu.memory_space<vmem>>
    %dma_wait3A_312 = tpu.memref_squeeze %dma_wait3A_311 : memref<1x80x128xbf16, #tpu.memory_space<vmem>> -> memref<80x128xbf16, #tpu.memory_space<vmem>>
    %dma_wait3A_313 = arith.constant 0 : i32
    %dma_wait3A_314 = tpu.memref_slice %arg5[%dma_wait3A_306, %dma_wait3A_313] : memref<8x80xi32, #tpu.memory_space<vmem>> -> memref<1x80xi32, #tpu.memory_space<vmem>>
    %dma_wait3A_315 = tpu.memref_squeeze %dma_wait3A_314 : memref<1x80xi32, #tpu.memory_space<vmem>> -> memref<80xi32, #tpu.memory_space<vmem>>
    %dma_wait3A_316 = arith.constant 0 : i32
    %dma_wait3A_317 = arith.constant 0 : i32
    %dma_wait3A_318 = tpu.memref_slice %arg2[%dma_wait3A_316, %dma_wait3A_317] : memref<10000x128xbf16, #tpu.memory_space<hbm>> -> memref<10000x128xbf16, #tpu.memory_space<hbm>>
    %dma_wait3A_319 = tpu.memref_slice %arg12[%dma_wait3A_308] : memref<4x!tpu.dma_semaphore, #tpu.memory_space<semaphore_mem>> -> memref<1x!tpu.dma_semaphore, #tpu.memory_space<semaphore_mem>>
    %dma_wait3A_320 = tpu.memref_squeeze %dma_wait3A_319 : memref<1x!tpu.dma_semaphore, #tpu.memory_space<semaphore_mem>> -> memref<!tpu.dma_semaphore, #tpu.memory_space<semaphore_mem>>
    tpu.wait_indirect_dma semaphore(%dma_wait3A_320 : memref<!tpu.dma_semaphore, #tpu.memory_space<semaphore_mem>>) src(%dma_wait3A_318 : memref<10000x128xbf16, #tpu.memory_space<hbm>>) dst(%dma_wait3A_312 : memref<80x128xbf16, #tpu.memory_space<vmem>>)
    %dma_start3A_321 = arith.constant 0 : i32
    %dma_start3A_322 = arith.constant 0 : i32
    %dma_start3A_323 = arith.constant 0 : i32
    %dma_start3A_324 = arith.constant 0 : i32
    %dma_start3A_325 = arith.constant 0 : i32
    %dma_start3A_326 = tpu.memref_slice %arg7[%dma_start3A_321, %dma_start3A_324, %dma_start3A_325] : memref<4x80x128xbf16, #tpu.memory_space<vmem>> -> memref<1x80x128xbf16, #tpu.memory_space<vmem>>
    %dma_start3A_327 = tpu.memref_squeeze %dma_start3A_326 : memref<1x80x128xbf16, #tpu.memory_space<vmem>> -> memref<80x128xbf16, #tpu.memory_space<vmem>>
    %dma_start3A_328 = arith.constant 0 : i32
    %dma_start3A_329 = tpu.memref_slice %arg6[%dma_start3A_322, %dma_start3A_328] : memref<8x80xi32, #tpu.memory_space<vmem>> -> memref<1x80xi32, #tpu.memory_space<vmem>>
    %dma_start3A_330 = tpu.memref_squeeze %dma_start3A_329 : memref<1x80xi32, #tpu.memory_space<vmem>> -> memref<80xi32, #tpu.memory_space<vmem>>
    %dma_start3A_331 = arith.constant 0 : i32
    %dma_start3A_332 = arith.constant 0 : i32
    %dma_start3A_333 = tpu.memref_slice %arg9[%dma_start3A_331, %dma_start3A_332] : memref<10000x128xbf16, #tpu.memory_space<vmem_shared>> -> memref<10000x128xbf16, #tpu.memory_space<vmem_shared>>
    %dma_start3A_334 = tpu.memref_slice %arg13[%dma_start3A_323] : memref<4x!tpu.dma_semaphore, #tpu.memory_space<semaphore_mem>> -> memref<1x!tpu.dma_semaphore, #tpu.memory_space<semaphore_mem>>
    %dma_start3A_335 = tpu.memref_squeeze %dma_start3A_334 : memref<1x!tpu.dma_semaphore, #tpu.memory_space<semaphore_mem>> -> memref<!tpu.dma_semaphore, #tpu.memory_space<semaphore_mem>>
    tpu.enqueue_indirect_dma source(%dma_start3A_327 : memref<80x128xbf16, #tpu.memory_space<vmem>>) target(%dma_start3A_333 : memref<10000x128xbf16, #tpu.memory_space<vmem_shared>>) offsets(%dma_start3A_330 : memref<80xi32, #tpu.memory_space<vmem>>) semaphore(%dma_start3A_335 : memref<!tpu.dma_semaphore, #tpu.memory_space<semaphore_mem>>) {add = true}
    %add3A_336 = arith.constant 400 : i32
    %add3A_337 = arith.addi %mul3A_3, %add3A_336 : i32
    %dma_start3A_338 = arith.constant 0 : i32
    %dma_start3A_339 = arith.constant 5 : i32
    %dma_start3A_340 = arith.constant 5 : i32
    %dma_start3A_341 = arith.constant 0 : i32
    %dma_start3A_342 = tpu.memref_slice %arg5[%dma_start3A_339, %dma_start3A_341] : memref<8x80xi32, #tpu.memory_space<vmem>> -> memref<1x80xi32, #tpu.memory_space<vmem>>
    %dma_start3A_343 = tpu.memref_squeeze %dma_start3A_342 : memref<1x80xi32, #tpu.memory_space<vmem>> -> memref<80xi32, #tpu.memory_space<vmem>>
    %dma_start3A_344 = tpu.memref_slice %arg3[%dma_start3A_338, %add3A_337] : memref<2x320000xi32, #tpu.memory_space<hbm>> -> memref<1x80xi32, #tpu.memory_space<hbm>>
    %dma_start3A_345 = tpu.memref_squeeze %dma_start3A_344 : memref<1x80xi32, #tpu.memory_space<hbm>> -> memref<80xi32, #tpu.memory_space<hbm>>
    %dma_start3A_346 = tpu.memref_slice %arg10[%dma_start3A_340] : memref<8x!tpu.dma_semaphore, #tpu.memory_space<semaphore_mem>> -> memref<1x!tpu.dma_semaphore, #tpu.memory_space<semaphore_mem>>
    %dma_start3A_347 = tpu.memref_squeeze %dma_start3A_346 : memref<1x!tpu.dma_semaphore, #tpu.memory_space<semaphore_mem>> -> memref<!tpu.dma_semaphore, #tpu.memory_space<semaphore_mem>>
    %dma_start3A_348 = arith.constant 0 : i32
    %dma_start3A_349 = tpu.memref_slice %arg5[%dma_start3A_339, %dma_start3A_348] : memref<8x80xi32, #tpu.memory_space<vmem>> -> memref<1x80xi32, #tpu.memory_space<vmem>>
    %dma_start3A_350 = tpu.memref_squeeze %dma_start3A_349 : memref<1x80xi32, #tpu.memory_space<vmem>> -> memref<80xi32, #tpu.memory_space<vmem>>
    %dma_start3A_351 = tpu.memref_slice %arg3[%dma_start3A_338, %add3A_337] : memref<2x320000xi32, #tpu.memory_space<hbm>> -> memref<1x80xi32, #tpu.memory_space<hbm>>
    %dma_start3A_352 = tpu.memref_squeeze %dma_start3A_351 : memref<1x80xi32, #tpu.memory_space<hbm>> -> memref<80xi32, #tpu.memory_space<hbm>>
    tpu.enqueue_dma source(%dma_start3A_352 : memref<80xi32, #tpu.memory_space<hbm>>) target(%dma_start3A_350 : memref<80xi32, #tpu.memory_space<vmem>>) target_semaphore(%dma_start3A_347 : memref<!tpu.dma_semaphore, #tpu.memory_space<semaphore_mem>>)
    %add3A_353 = arith.constant 400 : i32
    %add3A_354 = arith.addi %mul3A_3, %add3A_353 : i32
    %dma_start3A_355 = arith.constant 1 : i32
    %dma_start3A_356 = arith.constant 5 : i32
    %dma_start3A_357 = arith.constant 5 : i32
    %dma_start3A_358 = arith.constant 0 : i32
    %dma_start3A_359 = tpu.memref_slice %arg6[%dma_start3A_356, %dma_start3A_358] : memref<8x80xi32, #tpu.memory_space<vmem>> -> memref<1x80xi32, #tpu.memory_space<vmem>>
    %dma_start3A_360 = tpu.memref_squeeze %dma_start3A_359 : memref<1x80xi32, #tpu.memory_space<vmem>> -> memref<80xi32, #tpu.memory_space<vmem>>
    %dma_start3A_361 = tpu.memref_slice %arg3[%dma_start3A_355, %add3A_354] : memref<2x320000xi32, #tpu.memory_space<hbm>> -> memref<1x80xi32, #tpu.memory_space<hbm>>
    %dma_start3A_362 = tpu.memref_squeeze %dma_start3A_361 : memref<1x80xi32, #tpu.memory_space<hbm>> -> memref<80xi32, #tpu.memory_space<hbm>>
    %dma_start3A_363 = tpu.memref_slice %arg11[%dma_start3A_357] : memref<8x!tpu.dma_semaphore, #tpu.memory_space<semaphore_mem>> -> memref<1x!tpu.dma_semaphore, #tpu.memory_space<semaphore_mem>>
    %dma_start3A_364 = tpu.memref_squeeze %dma_start3A_363 : memref<1x!tpu.dma_semaphore, #tpu.memory_space<semaphore_mem>> -> memref<!tpu.dma_semaphore, #tpu.memory_space<semaphore_mem>>
    %dma_start3A_365 = arith.constant 0 : i32
    %dma_start3A_366 = tpu.memref_slice %arg6[%dma_start3A_356, %dma_start3A_365] : memref<8x80xi32, #tpu.memory_space<vmem>> -> memref<1x80xi32, #tpu.memory_space<vmem>>
    %dma_start3A_367 = tpu.memref_squeeze %dma_start3A_366 : memref<1x80xi32, #tpu.memory_space<vmem>> -> memref<80xi32, #tpu.memory_space<vmem>>
    %dma_start3A_368 = tpu.memref_slice %arg3[%dma_start3A_355, %add3A_354] : memref<2x320000xi32, #tpu.memory_space<hbm>> -> memref<1x80xi32, #tpu.memory_space<hbm>>
    %dma_start3A_369 = tpu.memref_squeeze %dma_start3A_368 : memref<1x80xi32, #tpu.memory_space<hbm>> -> memref<80xi32, #tpu.memory_space<hbm>>
    tpu.enqueue_dma source(%dma_start3A_369 : memref<80xi32, #tpu.memory_space<hbm>>) target(%dma_start3A_367 : memref<80xi32, #tpu.memory_space<vmem>>) target_semaphore(%dma_start3A_364 : memref<!tpu.dma_semaphore, #tpu.memory_space<semaphore_mem>>)
    %add3A_370 = arith.constant 160 : i32
    %add3A_371 = arith.addi %mul3A_3, %add3A_370 : i32
    %dma_wait3A_372 = arith.constant 0 : i32
    %dma_wait3A_373 = arith.constant 2 : i32
    %dma_wait3A_374 = arith.constant 2 : i32
    %dma_wait3A_375 = arith.constant 0 : i32
    %dma_wait3A_376 = tpu.memref_slice %arg5[%dma_wait3A_373, %dma_wait3A_375] : memref<8x80xi32, #tpu.memory_space<vmem>> -> memref<1x80xi32, #tpu.memory_space<vmem>>
    %dma_wait3A_377 = tpu.memref_squeeze %dma_wait3A_376 : memref<1x80xi32, #tpu.memory_space<vmem>> -> memref<80xi32, #tpu.memory_space<vmem>>
    %dma_wait3A_378 = tpu.memref_slice %arg3[%dma_wait3A_372, %add3A_371] : memref<2x320000xi32, #tpu.memory_space<hbm>> -> memref<1x80xi32, #tpu.memory_space<hbm>>
    %dma_wait3A_379 = tpu.memref_squeeze %dma_wait3A_378 : memref<1x80xi32, #tpu.memory_space<hbm>> -> memref<80xi32, #tpu.memory_space<hbm>>
    %dma_wait3A_380 = tpu.memref_slice %arg10[%dma_wait3A_374] : memref<8x!tpu.dma_semaphore, #tpu.memory_space<semaphore_mem>> -> memref<1x!tpu.dma_semaphore, #tpu.memory_space<semaphore_mem>>
    %dma_wait3A_381 = tpu.memref_squeeze %dma_wait3A_380 : memref<1x!tpu.dma_semaphore, #tpu.memory_space<semaphore_mem>> -> memref<!tpu.dma_semaphore, #tpu.memory_space<semaphore_mem>>
    %dma_wait3A_382 = arith.constant 0 : i32
    %dma_wait3A_383 = tpu.memref_slice %arg5[%dma_wait3A_373, %dma_wait3A_382] : memref<8x80xi32, #tpu.memory_space<vmem>> -> memref<1x80xi32, #tpu.memory_space<vmem>>
    %dma_wait3A_384 = tpu.memref_squeeze %dma_wait3A_383 : memref<1x80xi32, #tpu.memory_space<vmem>> -> memref<80xi32, #tpu.memory_space<vmem>>
    %dma_wait3A_385 = tpu.memref_slice %arg3[%dma_wait3A_372, %add3A_371] : memref<2x320000xi32, #tpu.memory_space<hbm>> -> memref<1x80xi32, #tpu.memory_space<hbm>>
    %dma_wait3A_386 = tpu.memref_squeeze %dma_wait3A_385 : memref<1x80xi32, #tpu.memory_space<hbm>> -> memref<80xi32, #tpu.memory_space<hbm>>
    tpu.wait_dma2 semaphore(%dma_wait3A_381 : memref<!tpu.dma_semaphore, #tpu.memory_space<semaphore_mem>>) src(%dma_wait3A_386 : memref<80xi32, #tpu.memory_space<hbm>>) dst(%dma_wait3A_384 : memref<80xi32, #tpu.memory_space<vmem>>)
    %add3A_387 = arith.constant 160 : i32
    %add3A_388 = arith.addi %mul3A_3, %add3A_387 : i32
    %dma_wait3A_389 = arith.constant 1 : i32
    %dma_wait3A_390 = arith.constant 2 : i32
    %dma_wait3A_391 = arith.constant 2 : i32
    %dma_wait3A_392 = arith.constant 0 : i32
    %dma_wait3A_393 = tpu.memref_slice %arg6[%dma_wait3A_390, %dma_wait3A_392] : memref<8x80xi32, #tpu.memory_space<vmem>> -> memref<1x80xi32, #tpu.memory_space<vmem>>
    %dma_wait3A_394 = tpu.memref_squeeze %dma_wait3A_393 : memref<1x80xi32, #tpu.memory_space<vmem>> -> memref<80xi32, #tpu.memory_space<vmem>>
    %dma_wait3A_395 = tpu.memref_slice %arg3[%dma_wait3A_389, %add3A_388] : memref<2x320000xi32, #tpu.memory_space<hbm>> -> memref<1x80xi32, #tpu.memory_space<hbm>>
    %dma_wait3A_396 = tpu.memref_squeeze %dma_wait3A_395 : memref<1x80xi32, #tpu.memory_space<hbm>> -> memref<80xi32, #tpu.memory_space<hbm>>
    %dma_wait3A_397 = tpu.memref_slice %arg11[%dma_wait3A_391] : memref<8x!tpu.dma_semaphore, #tpu.memory_space<semaphore_mem>> -> memref<1x!tpu.dma_semaphore, #tpu.memory_space<semaphore_mem>>
    %dma_wait3A_398 = tpu.memref_squeeze %dma_wait3A_397 : memref<1x!tpu.dma_semaphore, #tpu.memory_space<semaphore_mem>> -> memref<!tpu.dma_semaphore, #tpu.memory_space<semaphore_mem>>
    %dma_wait3A_399 = arith.constant 0 : i32
    %dma_wait3A_400 = tpu.memref_slice %arg6[%dma_wait3A_390, %dma_wait3A_399] : memref<8x80xi32, #tpu.memory_space<vmem>> -> memref<1x80xi32, #tpu.memory_space<vmem>>
    %dma_wait3A_401 = tpu.memref_squeeze %dma_wait3A_400 : memref<1x80xi32, #tpu.memory_space<vmem>> -> memref<80xi32, #tpu.memory_space<vmem>>
    %dma_wait3A_402 = tpu.memref_slice %arg3[%dma_wait3A_389, %add3A_388] : memref<2x320000xi32, #tpu.memory_space<hbm>> -> memref<1x80xi32, #tpu.memory_space<hbm>>
    %dma_wait3A_403 = tpu.memref_squeeze %dma_wait3A_402 : memref<1x80xi32, #tpu.memory_space<hbm>> -> memref<80xi32, #tpu.memory_space<hbm>>
    tpu.wait_dma2 semaphore(%dma_wait3A_398 : memref<!tpu.dma_semaphore, #tpu.memory_space<semaphore_mem>>) src(%dma_wait3A_403 : memref<80xi32, #tpu.memory_space<hbm>>) dst(%dma_wait3A_401 : memref<80xi32, #tpu.memory_space<vmem>>)
    %dma_start3A_404 = arith.constant 2 : i32
    %dma_start3A_405 = arith.constant 2 : i32
    %dma_start3A_406 = arith.constant 2 : i32
    %dma_start3A_407 = arith.constant 0 : i32
    %dma_start3A_408 = arith.constant 0 : i32
    %dma_start3A_409 = tpu.memref_slice %arg7[%dma_start3A_405, %dma_start3A_407, %dma_start3A_408] : memref<4x80x128xbf16, #tpu.memory_space<vmem>> -> memref<1x80x128xbf16, #tpu.memory_space<vmem>>
    %dma_start3A_410 = tpu.memref_squeeze %dma_start3A_409 : memref<1x80x128xbf16, #tpu.memory_space<vmem>> -> memref<80x128xbf16, #tpu.memory_space<vmem>>
    %dma_start3A_411 = arith.constant 0 : i32
    %dma_start3A_412 = tpu.memref_slice %arg5[%dma_start3A_404, %dma_start3A_411] : memref<8x80xi32, #tpu.memory_space<vmem>> -> memref<1x80xi32, #tpu.memory_space<vmem>>
    %dma_start3A_413 = tpu.memref_squeeze %dma_start3A_412 : memref<1x80xi32, #tpu.memory_space<vmem>> -> memref<80xi32, #tpu.memory_space<vmem>>
    %dma_start3A_414 = arith.constant 0 : i32
    %dma_start3A_415 = arith.constant 0 : i32
    %dma_start3A_416 = tpu.memref_slice %arg2[%dma_start3A_414, %dma_start3A_415] : memref<10000x128xbf16, #tpu.memory_space<hbm>> -> memref<10000x128xbf16, #tpu.memory_space<hbm>>
    %dma_start3A_417 = tpu.memref_slice %arg12[%dma_start3A_406] : memref<4x!tpu.dma_semaphore, #tpu.memory_space<semaphore_mem>> -> memref<1x!tpu.dma_semaphore, #tpu.memory_space<semaphore_mem>>
    %dma_start3A_418 = tpu.memref_squeeze %dma_start3A_417 : memref<1x!tpu.dma_semaphore, #tpu.memory_space<semaphore_mem>> -> memref<!tpu.dma_semaphore, #tpu.memory_space<semaphore_mem>>
    tpu.enqueue_indirect_dma source(%dma_start3A_416 : memref<10000x128xbf16, #tpu.memory_space<hbm>>) target(%dma_start3A_410 : memref<80x128xbf16, #tpu.memory_space<vmem>>) offsets(%dma_start3A_413 : memref<80xi32, #tpu.memory_space<vmem>>) semaphore(%dma_start3A_418 : memref<!tpu.dma_semaphore, #tpu.memory_space<semaphore_mem>>)
    %dma_wait3A_419 = arith.constant 1 : i32
    %dma_wait3A_420 = arith.constant 1 : i32
    %dma_wait3A_421 = arith.constant 1 : i32
    %dma_wait3A_422 = arith.constant 0 : i32
    %dma_wait3A_423 = arith.constant 0 : i32
    %dma_wait3A_424 = tpu.memref_slice %arg7[%dma_wait3A_420, %dma_wait3A_422, %dma_wait3A_423] : memref<4x80x128xbf16, #tpu.memory_space<vmem>> -> memref<1x80x128xbf16, #tpu.memory_space<vmem>>
    %dma_wait3A_425 = tpu.memref_squeeze %dma_wait3A_424 : memref<1x80x128xbf16, #tpu.memory_space<vmem>> -> memref<80x128xbf16, #tpu.memory_space<vmem>>
    %dma_wait3A_426 = arith.constant 0 : i32
    %dma_wait3A_427 = tpu.memref_slice %arg5[%dma_wait3A_419, %dma_wait3A_426] : memref<8x80xi32, #tpu.memory_space<vmem>> -> memref<1x80xi32, #tpu.memory_space<vmem>>
    %dma_wait3A_428 = tpu.memref_squeeze %dma_wait3A_427 : memref<1x80xi32, #tpu.memory_space<vmem>> -> memref<80xi32, #tpu.memory_space<vmem>>
    %dma_wait3A_429 = arith.constant 0 : i32
    %dma_wait3A_430 = arith.constant 0 : i32
    %dma_wait3A_431 = tpu.memref_slice %arg2[%dma_wait3A_429, %dma_wait3A_430] : memref<10000x128xbf16, #tpu.memory_space<hbm>> -> memref<10000x128xbf16, #tpu.memory_space<hbm>>
    %dma_wait3A_432 = tpu.memref_slice %arg12[%dma_wait3A_421] : memref<4x!tpu.dma_semaphore, #tpu.memory_space<semaphore_mem>> -> memref<1x!tpu.dma_semaphore, #tpu.memory_space<semaphore_mem>>
    %dma_wait3A_433 = tpu.memref_squeeze %dma_wait3A_432 : memref<1x!tpu.dma_semaphore, #tpu.memory_space<semaphore_mem>> -> memref<!tpu.dma_semaphore, #tpu.memory_space<semaphore_mem>>
    tpu.wait_indirect_dma semaphore(%dma_wait3A_433 : memref<!tpu.dma_semaphore, #tpu.memory_space<semaphore_mem>>) src(%dma_wait3A_431 : memref<10000x128xbf16, #tpu.memory_space<hbm>>) dst(%dma_wait3A_425 : memref<80x128xbf16, #tpu.memory_space<vmem>>)
    %dma_start3A_434 = arith.constant 1 : i32
    %dma_start3A_435 = arith.constant 1 : i32
    %dma_start3A_436 = arith.constant 1 : i32
    %dma_start3A_437 = arith.constant 0 : i32
    %dma_start3A_438 = arith.constant 0 : i32
    %dma_start3A_439 = tpu.memref_slice %arg7[%dma_start3A_434, %dma_start3A_437, %dma_start3A_438] : memref<4x80x128xbf16, #tpu.memory_space<vmem>> -> memref<1x80x128xbf16, #tpu.memory_space<vmem>>
    %dma_start3A_440 = tpu.memref_squeeze %dma_start3A_439 : memref<1x80x128xbf16, #tpu.memory_space<vmem>> -> memref<80x128xbf16, #tpu.memory_space<vmem>>
    %dma_start3A_441 = arith.constant 0 : i32
    %dma_start3A_442 = tpu.memref_slice %arg6[%dma_start3A_435, %dma_start3A_441] : memref<8x80xi32, #tpu.memory_space<vmem>> -> memref<1x80xi32, #tpu.memory_space<vmem>>
    %dma_start3A_443 = tpu.memref_squeeze %dma_start3A_442 : memref<1x80xi32, #tpu.memory_space<vmem>> -> memref<80xi32, #tpu.memory_space<vmem>>
    %dma_start3A_444 = arith.constant 0 : i32
    %dma_start3A_445 = arith.constant 0 : i32
    %dma_start3A_446 = tpu.memref_slice %arg9[%dma_start3A_444, %dma_start3A_445] : memref<10000x128xbf16, #tpu.memory_space<vmem_shared>> -> memref<10000x128xbf16, #tpu.memory_space<vmem_shared>>
    %dma_start3A_447 = tpu.memref_slice %arg13[%dma_start3A_436] : memref<4x!tpu.dma_semaphore, #tpu.memory_space<semaphore_mem>> -> memref<1x!tpu.dma_semaphore, #tpu.memory_space<semaphore_mem>>
    %dma_start3A_448 = tpu.memref_squeeze %dma_start3A_447 : memref<1x!tpu.dma_semaphore, #tpu.memory_space<semaphore_mem>> -> memref<!tpu.dma_semaphore, #tpu.memory_space<semaphore_mem>>
    tpu.enqueue_indirect_dma source(%dma_start3A_440 : memref<80x128xbf16, #tpu.memory_space<vmem>>) target(%dma_start3A_446 : memref<10000x128xbf16, #tpu.memory_space<vmem_shared>>) offsets(%dma_start3A_443 : memref<80xi32, #tpu.memory_space<vmem>>) semaphore(%dma_start3A_448 : memref<!tpu.dma_semaphore, #tpu.memory_space<semaphore_mem>>) {add = true}
    %add3A_449 = arith.constant 480 : i32
    %add3A_450 = arith.addi %mul3A_3, %add3A_449 : i32
    %dma_start3A_451 = arith.constant 0 : i32
    %dma_start3A_452 = arith.constant 6 : i32
    %dma_start3A_453 = arith.constant 6 : i32
    %dma_start3A_454 = arith.constant 0 : i32
    %dma_start3A_455 = tpu.memref_slice %arg5[%dma_start3A_452, %dma_start3A_454] : memref<8x80xi32, #tpu.memory_space<vmem>> -> memref<1x80xi32, #tpu.memory_space<vmem>>
    %dma_start3A_456 = tpu.memref_squeeze %dma_start3A_455 : memref<1x80xi32, #tpu.memory_space<vmem>> -> memref<80xi32, #tpu.memory_space<vmem>>
    %dma_start3A_457 = tpu.memref_slice %arg3[%dma_start3A_451, %add3A_450] : memref<2x320000xi32, #tpu.memory_space<hbm>> -> memref<1x80xi32, #tpu.memory_space<hbm>>
    %dma_start3A_458 = tpu.memref_squeeze %dma_start3A_457 : memref<1x80xi32, #tpu.memory_space<hbm>> -> memref<80xi32, #tpu.memory_space<hbm>>
    %dma_start3A_459 = tpu.memref_slice %arg10[%dma_start3A_453] : memref<8x!tpu.dma_semaphore, #tpu.memory_space<semaphore_mem>> -> memref<1x!tpu.dma_semaphore, #tpu.memory_space<semaphore_mem>>
    %dma_start3A_460 = tpu.memref_squeeze %dma_start3A_459 : memref<1x!tpu.dma_semaphore, #tpu.memory_space<semaphore_mem>> -> memref<!tpu.dma_semaphore, #tpu.memory_space<semaphore_mem>>
    %dma_start3A_461 = arith.constant 0 : i32
    %dma_start3A_462 = tpu.memref_slice %arg5[%dma_start3A_452, %dma_start3A_461] : memref<8x80xi32, #tpu.memory_space<vmem>> -> memref<1x80xi32, #tpu.memory_space<vmem>>
    %dma_start3A_463 = tpu.memref_squeeze %dma_start3A_462 : memref<1x80xi32, #tpu.memory_space<vmem>> -> memref<80xi32, #tpu.memory_space<vmem>>
    %dma_start3A_464 = tpu.memref_slice %arg3[%dma_start3A_451, %add3A_450] : memref<2x320000xi32, #tpu.memory_space<hbm>> -> memref<1x80xi32, #tpu.memory_space<hbm>>
    %dma_start3A_465 = tpu.memref_squeeze %dma_start3A_464 : memref<1x80xi32, #tpu.memory_space<hbm>> -> memref<80xi32, #tpu.memory_space<hbm>>
    tpu.enqueue_dma source(%dma_start3A_465 : memref<80xi32, #tpu.memory_space<hbm>>) target(%dma_start3A_463 : memref<80xi32, #tpu.memory_space<vmem>>) target_semaphore(%dma_start3A_460 : memref<!tpu.dma_semaphore, #tpu.memory_space<semaphore_mem>>)
    %add3A_466 = arith.constant 480 : i32
    %add3A_467 = arith.addi %mul3A_3, %add3A_466 : i32
    %dma_start3A_468 = arith.constant 1 : i32
    %dma_start3A_469 = arith.constant 6 : i32
    %dma_start3A_470 = arith.constant 6 : i32
    %dma_start3A_471 = arith.constant 0 : i32
    %dma_start3A_472 = tpu.memref_slice %arg6[%dma_start3A_469, %dma_start3A_471] : memref<8x80xi32, #tpu.memory_space<vmem>> -> memref<1x80xi32, #tpu.memory_space<vmem>>
    %dma_start3A_473 = tpu.memref_squeeze %dma_start3A_472 : memref<1x80xi32, #tpu.memory_space<vmem>> -> memref<80xi32, #tpu.memory_space<vmem>>
    %dma_start3A_474 = tpu.memref_slice %arg3[%dma_start3A_468, %add3A_467] : memref<2x320000xi32, #tpu.memory_space<hbm>> -> memref<1x80xi32, #tpu.memory_space<hbm>>
    %dma_start3A_475 = tpu.memref_squeeze %dma_start3A_474 : memref<1x80xi32, #tpu.memory_space<hbm>> -> memref<80xi32, #tpu.memory_space<hbm>>
    %dma_start3A_476 = tpu.memref_slice %arg11[%dma_start3A_470] : memref<8x!tpu.dma_semaphore, #tpu.memory_space<semaphore_mem>> -> memref<1x!tpu.dma_semaphore, #tpu.memory_space<semaphore_mem>>
    %dma_start3A_477 = tpu.memref_squeeze %dma_start3A_476 : memref<1x!tpu.dma_semaphore, #tpu.memory_space<semaphore_mem>> -> memref<!tpu.dma_semaphore, #tpu.memory_space<semaphore_mem>>
    %dma_start3A_478 = arith.constant 0 : i32
    %dma_start3A_479 = tpu.memref_slice %arg6[%dma_start3A_469, %dma_start3A_478] : memref<8x80xi32, #tpu.memory_space<vmem>> -> memref<1x80xi32, #tpu.memory_space<vmem>>
    %dma_start3A_480 = tpu.memref_squeeze %dma_start3A_479 : memref<1x80xi32, #tpu.memory_space<vmem>> -> memref<80xi32, #tpu.memory_space<vmem>>
    %dma_start3A_481 = tpu.memref_slice %arg3[%dma_start3A_468, %add3A_467] : memref<2x320000xi32, #tpu.memory_space<hbm>> -> memref<1x80xi32, #tpu.memory_space<hbm>>
    %dma_start3A_482 = tpu.memref_squeeze %dma_start3A_481 : memref<1x80xi32, #tpu.memory_space<hbm>> -> memref<80xi32, #tpu.memory_space<hbm>>
    tpu.enqueue_dma source(%dma_start3A_482 : memref<80xi32, #tpu.memory_space<hbm>>) target(%dma_start3A_480 : memref<80xi32, #tpu.memory_space<vmem>>) target_semaphore(%dma_start3A_477 : memref<!tpu.dma_semaphore, #tpu.memory_space<semaphore_mem>>)
    %add3A_483 = arith.constant 240 : i32
    %add3A_484 = arith.addi %mul3A_3, %add3A_483 : i32
    %dma_wait3A_485 = arith.constant 0 : i32
    %dma_wait3A_486 = arith.constant 3 : i32
    %dma_wait3A_487 = arith.constant 3 : i32
    %dma_wait3A_488 = arith.constant 0 : i32
    %dma_wait3A_489 = tpu.memref_slice %arg5[%dma_wait3A_486, %dma_wait3A_488] : memref<8x80xi32, #tpu.memory_space<vmem>> -> memref<1x80xi32, #tpu.memory_space<vmem>>
    %dma_wait3A_490 = tpu.memref_squeeze %dma_wait3A_489 : memref<1x80xi32, #tpu.memory_space<vmem>> -> memref<80xi32, #tpu.memory_space<vmem>>
    %dma_wait3A_491 = tpu.memref_slice %arg3[%dma_wait3A_485, %add3A_484] : memref<2x320000xi32, #tpu.memory_space<hbm>> -> memref<1x80xi32, #tpu.memory_space<hbm>>
    %dma_wait3A_492 = tpu.memref_squeeze %dma_wait3A_491 : memref<1x80xi32, #tpu.memory_space<hbm>> -> memref<80xi32, #tpu.memory_space<hbm>>
    %dma_wait3A_493 = tpu.memref_slice %arg10[%dma_wait3A_487] : memref<8x!tpu.dma_semaphore, #tpu.memory_space<semaphore_mem>> -> memref<1x!tpu.dma_semaphore, #tpu.memory_space<semaphore_mem>>
    %dma_wait3A_494 = tpu.memref_squeeze %dma_wait3A_493 : memref<1x!tpu.dma_semaphore, #tpu.memory_space<semaphore_mem>> -> memref<!tpu.dma_semaphore, #tpu.memory_space<semaphore_mem>>
    %dma_wait3A_495 = arith.constant 0 : i32
    %dma_wait3A_496 = tpu.memref_slice %arg5[%dma_wait3A_486, %dma_wait3A_495] : memref<8x80xi32, #tpu.memory_space<vmem>> -> memref<1x80xi32, #tpu.memory_space<vmem>>
    %dma_wait3A_497 = tpu.memref_squeeze %dma_wait3A_496 : memref<1x80xi32, #tpu.memory_space<vmem>> -> memref<80xi32, #tpu.memory_space<vmem>>
    %dma_wait3A_498 = tpu.memref_slice %arg3[%dma_wait3A_485, %add3A_484] : memref<2x320000xi32, #tpu.memory_space<hbm>> -> memref<1x80xi32, #tpu.memory_space<hbm>>
    %dma_wait3A_499 = tpu.memref_squeeze %dma_wait3A_498 : memref<1x80xi32, #tpu.memory_space<hbm>> -> memref<80xi32, #tpu.memory_space<hbm>>
    tpu.wait_dma2 semaphore(%dma_wait3A_494 : memref<!tpu.dma_semaphore, #tpu.memory_space<semaphore_mem>>) src(%dma_wait3A_499 : memref<80xi32, #tpu.memory_space<hbm>>) dst(%dma_wait3A_497 : memref<80xi32, #tpu.memory_space<vmem>>)
    %add3A_500 = arith.constant 240 : i32
    %add3A_501 = arith.addi %mul3A_3, %add3A_500 : i32
    %dma_wait3A_502 = arith.constant 1 : i32
    %dma_wait3A_503 = arith.constant 3 : i32
    %dma_wait3A_504 = arith.constant 3 : i32
    %dma_wait3A_505 = arith.constant 0 : i32
    %dma_wait3A_506 = tpu.memref_slice %arg6[%dma_wait3A_503, %dma_wait3A_505] : memref<8x80xi32, #tpu.memory_space<vmem>> -> memref<1x80xi32, #tpu.memory_space<vmem>>
    %dma_wait3A_507 = tpu.memref_squeeze %dma_wait3A_506 : memref<1x80xi32, #tpu.memory_space<vmem>> -> memref<80xi32, #tpu.memory_space<vmem>>
    %dma_wait3A_508 = tpu.memref_slice %arg3[%dma_wait3A_502, %add3A_501] : memref<2x320000xi32, #tpu.memory_space<hbm>> -> memref<1x80xi32, #tpu.memory_space<hbm>>
    %dma_wait3A_509 = tpu.memref_squeeze %dma_wait3A_508 : memref<1x80xi32, #tpu.memory_space<hbm>> -> memref<80xi32, #tpu.memory_space<hbm>>
    %dma_wait3A_510 = tpu.memref_slice %arg11[%dma_wait3A_504] : memref<8x!tpu.dma_semaphore, #tpu.memory_space<semaphore_mem>> -> memref<1x!tpu.dma_semaphore, #tpu.memory_space<semaphore_mem>>
    %dma_wait3A_511 = tpu.memref_squeeze %dma_wait3A_510 : memref<1x!tpu.dma_semaphore, #tpu.memory_space<semaphore_mem>> -> memref<!tpu.dma_semaphore, #tpu.memory_space<semaphore_mem>>
    %dma_wait3A_512 = arith.constant 0 : i32
    %dma_wait3A_513 = tpu.memref_slice %arg6[%dma_wait3A_503, %dma_wait3A_512] : memref<8x80xi32, #tpu.memory_space<vmem>> -> memref<1x80xi32, #tpu.memory_space<vmem>>
    %dma_wait3A_514 = tpu.memref_squeeze %dma_wait3A_513 : memref<1x80xi32, #tpu.memory_space<vmem>> -> memref<80xi32, #tpu.memory_space<vmem>>
    %dma_wait3A_515 = tpu.memref_slice %arg3[%dma_wait3A_502, %add3A_501] : memref<2x320000xi32, #tpu.memory_space<hbm>> -> memref<1x80xi32, #tpu.memory_space<hbm>>
    %dma_wait3A_516 = tpu.memref_squeeze %dma_wait3A_515 : memref<1x80xi32, #tpu.memory_space<hbm>> -> memref<80xi32, #tpu.memory_space<hbm>>
    tpu.wait_dma2 semaphore(%dma_wait3A_511 : memref<!tpu.dma_semaphore, #tpu.memory_space<semaphore_mem>>) src(%dma_wait3A_516 : memref<80xi32, #tpu.memory_space<hbm>>) dst(%dma_wait3A_514 : memref<80xi32, #tpu.memory_space<vmem>>)
    %dma_start3A_517 = arith.constant 3 : i32
    %dma_start3A_518 = arith.constant 3 : i32
    %dma_start3A_519 = arith.constant 3 : i32
    %dma_start3A_520 = arith.constant 0 : i32
    %dma_start3A_521 = arith.constant 0 : i32
    %dma_start3A_522 = tpu.memref_slice %arg7[%dma_start3A_518, %dma_start3A_520, %dma_start3A_521] : memref<4x80x128xbf16, #tpu.memory_space<vmem>> -> memref<1x80x128xbf16, #tpu.memory_space<vmem>>
    %dma_start3A_523 = tpu.memref_squeeze %dma_start3A_522 : memref<1x80x128xbf16, #tpu.memory_space<vmem>> -> memref<80x128xbf16, #tpu.memory_space<vmem>>
    %dma_start3A_524 = arith.constant 0 : i32
    %dma_start3A_525 = tpu.memref_slice %arg5[%dma_start3A_517, %dma_start3A_524] : memref<8x80xi32, #tpu.memory_space<vmem>> -> memref<1x80xi32, #tpu.memory_space<vmem>>
    %dma_start3A_526 = tpu.memref_squeeze %dma_start3A_525 : memref<1x80xi32, #tpu.memory_space<vmem>> -> memref<80xi32, #tpu.memory_space<vmem>>
    %dma_start3A_527 = arith.constant 0 : i32
    %dma_start3A_528 = arith.constant 0 : i32
    %dma_start3A_529 = tpu.memref_slice %arg2[%dma_start3A_527, %dma_start3A_528] : memref<10000x128xbf16, #tpu.memory_space<hbm>> -> memref<10000x128xbf16, #tpu.memory_space<hbm>>
    %dma_start3A_530 = tpu.memref_slice %arg12[%dma_start3A_519] : memref<4x!tpu.dma_semaphore, #tpu.memory_space<semaphore_mem>> -> memref<1x!tpu.dma_semaphore, #tpu.memory_space<semaphore_mem>>
    %dma_start3A_531 = tpu.memref_squeeze %dma_start3A_530 : memref<1x!tpu.dma_semaphore, #tpu.memory_space<semaphore_mem>> -> memref<!tpu.dma_semaphore, #tpu.memory_space<semaphore_mem>>
    tpu.enqueue_indirect_dma source(%dma_start3A_529 : memref<10000x128xbf16, #tpu.memory_space<hbm>>) target(%dma_start3A_523 : memref<80x128xbf16, #tpu.memory_space<vmem>>) offsets(%dma_start3A_526 : memref<80xi32, #tpu.memory_space<vmem>>) semaphore(%dma_start3A_531 : memref<!tpu.dma_semaphore, #tpu.memory_space<semaphore_mem>>)
    %dma_wait3A_532 = arith.constant 2 : i32
    %dma_wait3A_533 = arith.constant 2 : i32
    %dma_wait3A_534 = arith.constant 2 : i32
    %dma_wait3A_535 = arith.constant 0 : i32
    %dma_wait3A_536 = arith.constant 0 : i32
    %dma_wait3A_537 = tpu.memref_slice %arg7[%dma_wait3A_533, %dma_wait3A_535, %dma_wait3A_536] : memref<4x80x128xbf16, #tpu.memory_space<vmem>> -> memref<1x80x128xbf16, #tpu.memory_space<vmem>>
    %dma_wait3A_538 = tpu.memref_squeeze %dma_wait3A_537 : memref<1x80x128xbf16, #tpu.memory_space<vmem>> -> memref<80x128xbf16, #tpu.memory_space<vmem>>
    %dma_wait3A_539 = arith.constant 0 : i32
    %dma_wait3A_540 = tpu.memref_slice %arg5[%dma_wait3A_532, %dma_wait3A_539] : memref<8x80xi32, #tpu.memory_space<vmem>> -> memref<1x80xi32, #tpu.memory_space<vmem>>
    %dma_wait3A_541 = tpu.memref_squeeze %dma_wait3A_540 : memref<1x80xi32, #tpu.memory_space<vmem>> -> memref<80xi32, #tpu.memory_space<vmem>>
    %dma_wait3A_542 = arith.constant 0 : i32
    %dma_wait3A_543 = arith.constant 0 : i32
    %dma_wait3A_544 = tpu.memref_slice %arg2[%dma_wait3A_542, %dma_wait3A_543] : memref<10000x128xbf16, #tpu.memory_space<hbm>> -> memref<10000x128xbf16, #tpu.memory_space<hbm>>
    %dma_wait3A_545 = tpu.memref_slice %arg12[%dma_wait3A_534] : memref<4x!tpu.dma_semaphore, #tpu.memory_space<semaphore_mem>> -> memref<1x!tpu.dma_semaphore, #tpu.memory_space<semaphore_mem>>
    %dma_wait3A_546 = tpu.memref_squeeze %dma_wait3A_545 : memref<1x!tpu.dma_semaphore, #tpu.memory_space<semaphore_mem>> -> memref<!tpu.dma_semaphore, #tpu.memory_space<semaphore_mem>>
    tpu.wait_indirect_dma semaphore(%dma_wait3A_546 : memref<!tpu.dma_semaphore, #tpu.memory_space<semaphore_mem>>) src(%dma_wait3A_544 : memref<10000x128xbf16, #tpu.memory_space<hbm>>) dst(%dma_wait3A_538 : memref<80x128xbf16, #tpu.memory_space<vmem>>)
    %dma_start3A_547 = arith.constant 2 : i32
    %dma_start3A_548 = arith.constant 2 : i32
    %dma_start3A_549 = arith.constant 2 : i32
    %dma_start3A_550 = arith.constant 0 : i32
    %dma_start3A_551 = arith.constant 0 : i32
    %dma_start3A_552 = tpu.memref_slice %arg7[%dma_start3A_547, %dma_start3A_550, %dma_start3A_551] : memref<4x80x128xbf16, #tpu.memory_space<vmem>> -> memref<1x80x128xbf16, #tpu.memory_space<vmem>>
    %dma_start3A_553 = tpu.memref_squeeze %dma_start3A_552 : memref<1x80x128xbf16, #tpu.memory_space<vmem>> -> memref<80x128xbf16, #tpu.memory_space<vmem>>
    %dma_start3A_554 = arith.constant 0 : i32
    %dma_start3A_555 = tpu.memref_slice %arg6[%dma_start3A_548, %dma_start3A_554] : memref<8x80xi32, #tpu.memory_space<vmem>> -> memref<1x80xi32, #tpu.memory_space<vmem>>
    %dma_start3A_556 = tpu.memref_squeeze %dma_start3A_555 : memref<1x80xi32, #tpu.memory_space<vmem>> -> memref<80xi32, #tpu.memory_space<vmem>>
    %dma_start3A_557 = arith.constant 0 : i32
    %dma_start3A_558 = arith.constant 0 : i32
    %dma_start3A_559 = tpu.memref_slice %arg9[%dma_start3A_557, %dma_start3A_558] : memref<10000x128xbf16, #tpu.memory_space<vmem_shared>> -> memref<10000x128xbf16, #tpu.memory_space<vmem_shared>>
    %dma_start3A_560 = tpu.memref_slice %arg13[%dma_start3A_549] : memref<4x!tpu.dma_semaphore, #tpu.memory_space<semaphore_mem>> -> memref<1x!tpu.dma_semaphore, #tpu.memory_space<semaphore_mem>>
    %dma_start3A_561 = tpu.memref_squeeze %dma_start3A_560 : memref<1x!tpu.dma_semaphore, #tpu.memory_space<semaphore_mem>> -> memref<!tpu.dma_semaphore, #tpu.memory_space<semaphore_mem>>
    tpu.enqueue_indirect_dma source(%dma_start3A_553 : memref<80x128xbf16, #tpu.memory_space<vmem>>) target(%dma_start3A_559 : memref<10000x128xbf16, #tpu.memory_space<vmem_shared>>) offsets(%dma_start3A_556 : memref<80xi32, #tpu.memory_space<vmem>>) semaphore(%dma_start3A_561 : memref<!tpu.dma_semaphore, #tpu.memory_space<semaphore_mem>>) {add = true}
    %add3A_562 = arith.constant 560 : i32
    %add3A_563 = arith.addi %mul3A_3, %add3A_562 : i32
    %dma_start3A_564 = arith.constant 0 : i32
    %dma_start3A_565 = arith.constant 7 : i32
    %dma_start3A_566 = arith.constant 7 : i32
    %dma_start3A_567 = arith.constant 0 : i32
    %dma_start3A_568 = tpu.memref_slice %arg5[%dma_start3A_565, %dma_start3A_567] : memref<8x80xi32, #tpu.memory_space<vmem>> -> memref<1x80xi32, #tpu.memory_space<vmem>>
    %dma_start3A_569 = tpu.memref_squeeze %dma_start3A_568 : memref<1x80xi32, #tpu.memory_space<vmem>> -> memref<80xi32, #tpu.memory_space<vmem>>
    %dma_start3A_570 = tpu.memref_slice %arg3[%dma_start3A_564, %add3A_563] : memref<2x320000xi32, #tpu.memory_space<hbm>> -> memref<1x80xi32, #tpu.memory_space<hbm>>
    %dma_start3A_571 = tpu.memref_squeeze %dma_start3A_570 : memref<1x80xi32, #tpu.memory_space<hbm>> -> memref<80xi32, #tpu.memory_space<hbm>>
    %dma_start3A_572 = tpu.memref_slice %arg10[%dma_start3A_566] : memref<8x!tpu.dma_semaphore, #tpu.memory_space<semaphore_mem>> -> memref<1x!tpu.dma_semaphore, #tpu.memory_space<semaphore_mem>>
    %dma_start3A_573 = tpu.memref_squeeze %dma_start3A_572 : memref<1x!tpu.dma_semaphore, #tpu.memory_space<semaphore_mem>> -> memref<!tpu.dma_semaphore, #tpu.memory_space<semaphore_mem>>
    %dma_start3A_574 = arith.constant 0 : i32
    %dma_start3A_575 = tpu.memref_slice %arg5[%dma_start3A_565, %dma_start3A_574] : memref<8x80xi32, #tpu.memory_space<vmem>> -> memref<1x80xi32, #tpu.memory_space<vmem>>
    %dma_start3A_576 = tpu.memref_squeeze %dma_start3A_575 : memref<1x80xi32, #tpu.memory_space<vmem>> -> memref<80xi32, #tpu.memory_space<vmem>>
    %dma_start3A_577 = tpu.memref_slice %arg3[%dma_start3A_564, %add3A_563] : memref<2x320000xi32, #tpu.memory_space<hbm>> -> memref<1x80xi32, #tpu.memory_space<hbm>>
    %dma_start3A_578 = tpu.memref_squeeze %dma_start3A_577 : memref<1x80xi32, #tpu.memory_space<hbm>> -> memref<80xi32, #tpu.memory_space<hbm>>
    tpu.enqueue_dma source(%dma_start3A_578 : memref<80xi32, #tpu.memory_space<hbm>>) target(%dma_start3A_576 : memref<80xi32, #tpu.memory_space<vmem>>) target_semaphore(%dma_start3A_573 : memref<!tpu.dma_semaphore, #tpu.memory_space<semaphore_mem>>)
    %add3A_579 = arith.constant 560 : i32
    %add3A_580 = arith.addi %mul3A_3, %add3A_579 : i32
    %dma_start3A_581 = arith.constant 1 : i32
    %dma_start3A_582 = arith.constant 7 : i32
    %dma_start3A_583 = arith.constant 7 : i32
    %dma_start3A_584 = arith.constant 0 : i32
    %dma_start3A_585 = tpu.memref_slice %arg6[%dma_start3A_582, %dma_start3A_584] : memref<8x80xi32, #tpu.memory_space<vmem>> -> memref<1x80xi32, #tpu.memory_space<vmem>>
    %dma_start3A_586 = tpu.memref_squeeze %dma_start3A_585 : memref<1x80xi32, #tpu.memory_space<vmem>> -> memref<80xi32, #tpu.memory_space<vmem>>
    %dma_start3A_587 = tpu.memref_slice %arg3[%dma_start3A_581, %add3A_580] : memref<2x320000xi32, #tpu.memory_space<hbm>> -> memref<1x80xi32, #tpu.memory_space<hbm>>
    %dma_start3A_588 = tpu.memref_squeeze %dma_start3A_587 : memref<1x80xi32, #tpu.memory_space<hbm>> -> memref<80xi32, #tpu.memory_space<hbm>>
    %dma_start3A_589 = tpu.memref_slice %arg11[%dma_start3A_583] : memref<8x!tpu.dma_semaphore, #tpu.memory_space<semaphore_mem>> -> memref<1x!tpu.dma_semaphore, #tpu.memory_space<semaphore_mem>>
    %dma_start3A_590 = tpu.memref_squeeze %dma_start3A_589 : memref<1x!tpu.dma_semaphore, #tpu.memory_space<semaphore_mem>> -> memref<!tpu.dma_semaphore, #tpu.memory_space<semaphore_mem>>
    %dma_start3A_591 = arith.constant 0 : i32
    %dma_start3A_592 = tpu.memref_slice %arg6[%dma_start3A_582, %dma_start3A_591] : memref<8x80xi32, #tpu.memory_space<vmem>> -> memref<1x80xi32, #tpu.memory_space<vmem>>
    %dma_start3A_593 = tpu.memref_squeeze %dma_start3A_592 : memref<1x80xi32, #tpu.memory_space<vmem>> -> memref<80xi32, #tpu.memory_space<vmem>>
    %dma_start3A_594 = tpu.memref_slice %arg3[%dma_start3A_581, %add3A_580] : memref<2x320000xi32, #tpu.memory_space<hbm>> -> memref<1x80xi32, #tpu.memory_space<hbm>>
    %dma_start3A_595 = tpu.memref_squeeze %dma_start3A_594 : memref<1x80xi32, #tpu.memory_space<hbm>> -> memref<80xi32, #tpu.memory_space<hbm>>
    tpu.enqueue_dma source(%dma_start3A_595 : memref<80xi32, #tpu.memory_space<hbm>>) target(%dma_start3A_593 : memref<80xi32, #tpu.memory_space<vmem>>) target_semaphore(%dma_start3A_590 : memref<!tpu.dma_semaphore, #tpu.memory_space<semaphore_mem>>)
    %add3A_596 = arith.constant 320 : i32
    %add3A_597 = arith.addi %mul3A_3, %add3A_596 : i32
    %dma_wait3A_598 = arith.constant 0 : i32
    %dma_wait3A_599 = arith.constant 4 : i32
    %dma_wait3A_600 = arith.constant 4 : i32
    %dma_wait3A_601 = arith.constant 0 : i32
    %dma_wait3A_602 = tpu.memref_slice %arg5[%dma_wait3A_599, %dma_wait3A_601] : memref<8x80xi32, #tpu.memory_space<vmem>> -> memref<1x80xi32, #tpu.memory_space<vmem>>
    %dma_wait3A_603 = tpu.memref_squeeze %dma_wait3A_602 : memref<1x80xi32, #tpu.memory_space<vmem>> -> memref<80xi32, #tpu.memory_space<vmem>>
    %dma_wait3A_604 = tpu.memref_slice %arg3[%dma_wait3A_598, %add3A_597] : memref<2x320000xi32, #tpu.memory_space<hbm>> -> memref<1x80xi32, #tpu.memory_space<hbm>>
    %dma_wait3A_605 = tpu.memref_squeeze %dma_wait3A_604 : memref<1x80xi32, #tpu.memory_space<hbm>> -> memref<80xi32, #tpu.memory_space<hbm>>
    %dma_wait3A_606 = tpu.memref_slice %arg10[%dma_wait3A_600] : memref<8x!tpu.dma_semaphore, #tpu.memory_space<semaphore_mem>> -> memref<1x!tpu.dma_semaphore, #tpu.memory_space<semaphore_mem>>
    %dma_wait3A_607 = tpu.memref_squeeze %dma_wait3A_606 : memref<1x!tpu.dma_semaphore, #tpu.memory_space<semaphore_mem>> -> memref<!tpu.dma_semaphore, #tpu.memory_space<semaphore_mem>>
    %dma_wait3A_608 = arith.constant 0 : i32
    %dma_wait3A_609 = tpu.memref_slice %arg5[%dma_wait3A_599, %dma_wait3A_608] : memref<8x80xi32, #tpu.memory_space<vmem>> -> memref<1x80xi32, #tpu.memory_space<vmem>>
    %dma_wait3A_610 = tpu.memref_squeeze %dma_wait3A_609 : memref<1x80xi32, #tpu.memory_space<vmem>> -> memref<80xi32, #tpu.memory_space<vmem>>
    %dma_wait3A_611 = tpu.memref_slice %arg3[%dma_wait3A_598, %add3A_597] : memref<2x320000xi32, #tpu.memory_space<hbm>> -> memref<1x80xi32, #tpu.memory_space<hbm>>
    %dma_wait3A_612 = tpu.memref_squeeze %dma_wait3A_611 : memref<1x80xi32, #tpu.memory_space<hbm>> -> memref<80xi32, #tpu.memory_space<hbm>>
    tpu.wait_dma2 semaphore(%dma_wait3A_607 : memref<!tpu.dma_semaphore, #tpu.memory_space<semaphore_mem>>) src(%dma_wait3A_612 : memref<80xi32, #tpu.memory_space<hbm>>) dst(%dma_wait3A_610 : memref<80xi32, #tpu.memory_space<vmem>>)
    %add3A_613 = arith.constant 320 : i32
    %add3A_614 = arith.addi %mul3A_3, %add3A_613 : i32
    %dma_wait3A_615 = arith.constant 1 : i32
    %dma_wait3A_616 = arith.constant 4 : i32
    %dma_wait3A_617 = arith.constant 4 : i32
    %dma_wait3A_618 = arith.constant 0 : i32
    %dma_wait3A_619 = tpu.memref_slice %arg6[%dma_wait3A_616, %dma_wait3A_618] : memref<8x80xi32, #tpu.memory_space<vmem>> -> memref<1x80xi32, #tpu.memory_space<vmem>>
    %dma_wait3A_620 = tpu.memref_squeeze %dma_wait3A_619 : memref<1x80xi32, #tpu.memory_space<vmem>> -> memref<80xi32, #tpu.memory_space<vmem>>
    %dma_wait3A_621 = tpu.memref_slice %arg3[%dma_wait3A_615, %add3A_614] : memref<2x320000xi32, #tpu.memory_space<hbm>> -> memref<1x80xi32, #tpu.memory_space<hbm>>
    %dma_wait3A_622 = tpu.memref_squeeze %dma_wait3A_621 : memref<1x80xi32, #tpu.memory_space<hbm>> -> memref<80xi32, #tpu.memory_space<hbm>>
    %dma_wait3A_623 = tpu.memref_slice %arg11[%dma_wait3A_617] : memref<8x!tpu.dma_semaphore, #tpu.memory_space<semaphore_mem>> -> memref<1x!tpu.dma_semaphore, #tpu.memory_space<semaphore_mem>>
    %dma_wait3A_624 = tpu.memref_squeeze %dma_wait3A_623 : memref<1x!tpu.dma_semaphore, #tpu.memory_space<semaphore_mem>> -> memref<!tpu.dma_semaphore, #tpu.memory_space<semaphore_mem>>
    %dma_wait3A_625 = arith.constant 0 : i32
    %dma_wait3A_626 = tpu.memref_slice %arg6[%dma_wait3A_616, %dma_wait3A_625] : memref<8x80xi32, #tpu.memory_space<vmem>> -> memref<1x80xi32, #tpu.memory_space<vmem>>
    %dma_wait3A_627 = tpu.memref_squeeze %dma_wait3A_626 : memref<1x80xi32, #tpu.memory_space<vmem>> -> memref<80xi32, #tpu.memory_space<vmem>>
    %dma_wait3A_628 = tpu.memref_slice %arg3[%dma_wait3A_615, %add3A_614] : memref<2x320000xi32, #tpu.memory_space<hbm>> -> memref<1x80xi32, #tpu.memory_space<hbm>>
    %dma_wait3A_629 = tpu.memref_squeeze %dma_wait3A_628 : memref<1x80xi32, #tpu.memory_space<hbm>> -> memref<80xi32, #tpu.memory_space<hbm>>
    tpu.wait_dma2 semaphore(%dma_wait3A_624 : memref<!tpu.dma_semaphore, #tpu.memory_space<semaphore_mem>>) src(%dma_wait3A_629 : memref<80xi32, #tpu.memory_space<hbm>>) dst(%dma_wait3A_627 : memref<80xi32, #tpu.memory_space<vmem>>)
    %dma_wait3A_630 = arith.constant 0 : i32
    %dma_wait3A_631 = arith.constant 0 : i32
    %dma_wait3A_632 = arith.constant 0 : i32
    %dma_wait3A_633 = arith.constant 0 : i32
    %dma_wait3A_634 = arith.constant 0 : i32
    %dma_wait3A_635 = tpu.memref_slice %arg7[%dma_wait3A_630, %dma_wait3A_633, %dma_wait3A_634] : memref<4x80x128xbf16, #tpu.memory_space<vmem>> -> memref<1x80x128xbf16, #tpu.memory_space<vmem>>
    %dma_wait3A_636 = tpu.memref_squeeze %dma_wait3A_635 : memref<1x80x128xbf16, #tpu.memory_space<vmem>> -> memref<80x128xbf16, #tpu.memory_space<vmem>>
    %dma_wait3A_637 = arith.constant 0 : i32
    %dma_wait3A_638 = tpu.memref_slice %arg6[%dma_wait3A_631, %dma_wait3A_637] : memref<8x80xi32, #tpu.memory_space<vmem>> -> memref<1x80xi32, #tpu.memory_space<vmem>>
    %dma_wait3A_639 = tpu.memref_squeeze %dma_wait3A_638 : memref<1x80xi32, #tpu.memory_space<vmem>> -> memref<80xi32, #tpu.memory_space<vmem>>
    %dma_wait3A_640 = arith.constant 0 : i32
    %dma_wait3A_641 = arith.constant 0 : i32
    %dma_wait3A_642 = tpu.memref_slice %arg9[%dma_wait3A_640, %dma_wait3A_641] : memref<10000x128xbf16, #tpu.memory_space<vmem_shared>> -> memref<10000x128xbf16, #tpu.memory_space<vmem_shared>>
    %dma_wait3A_643 = tpu.memref_slice %arg13[%dma_wait3A_632] : memref<4x!tpu.dma_semaphore, #tpu.memory_space<semaphore_mem>> -> memref<1x!tpu.dma_semaphore, #tpu.memory_space<semaphore_mem>>
    %dma_wait3A_644 = tpu.memref_squeeze %dma_wait3A_643 : memref<1x!tpu.dma_semaphore, #tpu.memory_space<semaphore_mem>> -> memref<!tpu.dma_semaphore, #tpu.memory_space<semaphore_mem>>
    tpu.wait_indirect_dma semaphore(%dma_wait3A_644 : memref<!tpu.dma_semaphore, #tpu.memory_space<semaphore_mem>>) src(%dma_wait3A_636 : memref<80x128xbf16, #tpu.memory_space<vmem>>) dst(%dma_wait3A_642 : memref<10000x128xbf16, #tpu.memory_space<vmem_shared>>)
    %dma_start3A_645 = arith.constant 4 : i32
    %dma_start3A_646 = arith.constant 0 : i32
    %dma_start3A_647 = arith.constant 0 : i32
    %dma_start3A_648 = arith.constant 0 : i32
    %dma_start3A_649 = arith.constant 0 : i32
    %dma_start3A_650 = tpu.memref_slice %arg7[%dma_start3A_646, %dma_start3A_648, %dma_start3A_649] : memref<4x80x128xbf16, #tpu.memory_space<vmem>> -> memref<1x80x128xbf16, #tpu.memory_space<vmem>>
    %dma_start3A_651 = tpu.memref_squeeze %dma_start3A_650 : memref<1x80x128xbf16, #tpu.memory_space<vmem>> -> memref<80x128xbf16, #tpu.memory_space<vmem>>
    %dma_start3A_652 = arith.constant 0 : i32
    %dma_start3A_653 = tpu.memref_slice %arg5[%dma_start3A_645, %dma_start3A_652] : memref<8x80xi32, #tpu.memory_space<vmem>> -> memref<1x80xi32, #tpu.memory_space<vmem>>
    %dma_start3A_654 = tpu.memref_squeeze %dma_start3A_653 : memref<1x80xi32, #tpu.memory_space<vmem>> -> memref<80xi32, #tpu.memory_space<vmem>>
    %dma_start3A_655 = arith.constant 0 : i32
    %dma_start3A_656 = arith.constant 0 : i32
    %dma_start3A_657 = tpu.memref_slice %arg2[%dma_start3A_655, %dma_start3A_656] : memref<10000x128xbf16, #tpu.memory_space<hbm>> -> memref<10000x128xbf16, #tpu.memory_space<hbm>>
    %dma_start3A_658 = tpu.memref_slice %arg12[%dma_start3A_647] : memref<4x!tpu.dma_semaphore, #tpu.memory_space<semaphore_mem>> -> memref<1x!tpu.dma_semaphore, #tpu.memory_space<semaphore_mem>>
    %dma_start3A_659 = tpu.memref_squeeze %dma_start3A_658 : memref<1x!tpu.dma_semaphore, #tpu.memory_space<semaphore_mem>> -> memref<!tpu.dma_semaphore, #tpu.memory_space<semaphore_mem>>
    tpu.enqueue_indirect_dma source(%dma_start3A_657 : memref<10000x128xbf16, #tpu.memory_space<hbm>>) target(%dma_start3A_651 : memref<80x128xbf16, #tpu.memory_space<vmem>>) offsets(%dma_start3A_654 : memref<80xi32, #tpu.memory_space<vmem>>) semaphore(%dma_start3A_659 : memref<!tpu.dma_semaphore, #tpu.memory_space<semaphore_mem>>)
    %dma_wait3A_660 = arith.constant 3 : i32
    %dma_wait3A_661 = arith.constant 3 : i32
    %dma_wait3A_662 = arith.constant 3 : i32
    %dma_wait3A_663 = arith.constant 0 : i32
    %dma_wait3A_664 = arith.constant 0 : i32
    %dma_wait3A_665 = tpu.memref_slice %arg7[%dma_wait3A_661, %dma_wait3A_663, %dma_wait3A_664] : memref<4x80x128xbf16, #tpu.memory_space<vmem>> -> memref<1x80x128xbf16, #tpu.memory_space<vmem>>
    %dma_wait3A_666 = tpu.memref_squeeze %dma_wait3A_665 : memref<1x80x128xbf16, #tpu.memory_space<vmem>> -> memref<80x128xbf16, #tpu.memory_space<vmem>>
    %dma_wait3A_667 = arith.constant 0 : i32
    %dma_wait3A_668 = tpu.memref_slice %arg5[%dma_wait3A_660, %dma_wait3A_667] : memref<8x80xi32, #tpu.memory_space<vmem>> -> memref<1x80xi32, #tpu.memory_space<vmem>>
    %dma_wait3A_669 = tpu.memref_squeeze %dma_wait3A_668 : memref<1x80xi32, #tpu.memory_space<vmem>> -> memref<80xi32, #tpu.memory_space<vmem>>
    %dma_wait3A_670 = arith.constant 0 : i32
    %dma_wait3A_671 = arith.constant 0 : i32
    %dma_wait3A_672 = tpu.memref_slice %arg2[%dma_wait3A_670, %dma_wait3A_671] : memref<10000x128xbf16, #tpu.memory_space<hbm>> -> memref<10000x128xbf16, #tpu.memory_space<hbm>>
    %dma_wait3A_673 = tpu.memref_slice %arg12[%dma_wait3A_662] : memref<4x!tpu.dma_semaphore, #tpu.memory_space<semaphore_mem>> -> memref<1x!tpu.dma_semaphore, #tpu.memory_space<semaphore_mem>>
    %dma_wait3A_674 = tpu.memref_squeeze %dma_wait3A_673 : memref<1x!tpu.dma_semaphore, #tpu.memory_space<semaphore_mem>> -> memref<!tpu.dma_semaphore, #tpu.memory_space<semaphore_mem>>
    tpu.wait_indirect_dma semaphore(%dma_wait3A_674 : memref<!tpu.dma_semaphore, #tpu.memory_space<semaphore_mem>>) src(%dma_wait3A_672 : memref<10000x128xbf16, #tpu.memory_space<hbm>>) dst(%dma_wait3A_666 : memref<80x128xbf16, #tpu.memory_space<vmem>>)
    %dma_start3A_675 = arith.constant 3 : i32
    %dma_start3A_676 = arith.constant 3 : i32
    %dma_start3A_677 = arith.constant 3 : i32
    %dma_start3A_678 = arith.constant 0 : i32
    %dma_start3A_679 = arith.constant 0 : i32
    %dma_start3A_680 = tpu.memref_slice %arg7[%dma_start3A_675, %dma_start3A_678, %dma_start3A_679] : memref<4x80x128xbf16, #tpu.memory_space<vmem>> -> memref<1x80x128xbf16, #tpu.memory_space<vmem>>
    %dma_start3A_681 = tpu.memref_squeeze %dma_start3A_680 : memref<1x80x128xbf16, #tpu.memory_space<vmem>> -> memref<80x128xbf16, #tpu.memory_space<vmem>>
    %dma_start3A_682 = arith.constant 0 : i32
    %dma_start3A_683 = tpu.memref_slice %arg6[%dma_start3A_676, %dma_start3A_682] : memref<8x80xi32, #tpu.memory_space<vmem>> -> memref<1x80xi32, #tpu.memory_space<vmem>>
    %dma_start3A_684 = tpu.memref_squeeze %dma_start3A_683 : memref<1x80xi32, #tpu.memory_space<vmem>> -> memref<80xi32, #tpu.memory_space<vmem>>
    %dma_start3A_685 = arith.constant 0 : i32
    %dma_start3A_686 = arith.constant 0 : i32
    %dma_start3A_687 = tpu.memref_slice %arg9[%dma_start3A_685, %dma_start3A_686] : memref<10000x128xbf16, #tpu.memory_space<vmem_shared>> -> memref<10000x128xbf16, #tpu.memory_space<vmem_shared>>
    %dma_start3A_688 = tpu.memref_slice %arg13[%dma_start3A_677] : memref<4x!tpu.dma_semaphore, #tpu.memory_space<semaphore_mem>> -> memref<1x!tpu.dma_semaphore, #tpu.memory_space<semaphore_mem>>
    %dma_start3A_689 = tpu.memref_squeeze %dma_start3A_688 : memref<1x!tpu.dma_semaphore, #tpu.memory_space<semaphore_mem>> -> memref<!tpu.dma_semaphore, #tpu.memory_space<semaphore_mem>>
    tpu.enqueue_indirect_dma source(%dma_start3A_681 : memref<80x128xbf16, #tpu.memory_space<vmem>>) target(%dma_start3A_687 : memref<10000x128xbf16, #tpu.memory_space<vmem_shared>>) offsets(%dma_start3A_684 : memref<80xi32, #tpu.memory_space<vmem>>) semaphore(%dma_start3A_689 : memref<!tpu.dma_semaphore, #tpu.memory_space<semaphore_mem>>) {add = true}
    %add3A_690 = arith.constant 640 : i32
    %add3A_691 = arith.addi %mul3A_3, %add3A_690 : i32
    %dma_start3A_692 = arith.constant 0 : i32
    %dma_start3A_693 = arith.constant 0 : i32
    %dma_start3A_694 = arith.constant 0 : i32
    %dma_start3A_695 = arith.constant 0 : i32
    %dma_start3A_696 = tpu.memref_slice %arg5[%dma_start3A_693, %dma_start3A_695] : memref<8x80xi32, #tpu.memory_space<vmem>> -> memref<1x80xi32, #tpu.memory_space<vmem>>
    %dma_start3A_697 = tpu.memref_squeeze %dma_start3A_696 : memref<1x80xi32, #tpu.memory_space<vmem>> -> memref<80xi32, #tpu.memory_space<vmem>>
    %dma_start3A_698 = tpu.memref_slice %arg3[%dma_start3A_692, %add3A_691] : memref<2x320000xi32, #tpu.memory_space<hbm>> -> memref<1x80xi32, #tpu.memory_space<hbm>>
    %dma_start3A_699 = tpu.memref_squeeze %dma_start3A_698 : memref<1x80xi32, #tpu.memory_space<hbm>> -> memref<80xi32, #tpu.memory_space<hbm>>
    %dma_start3A_700 = tpu.memref_slice %arg10[%dma_start3A_694] : memref<8x!tpu.dma_semaphore, #tpu.memory_space<semaphore_mem>> -> memref<1x!tpu.dma_semaphore, #tpu.memory_space<semaphore_mem>>
    %dma_start3A_701 = tpu.memref_squeeze %dma_start3A_700 : memref<1x!tpu.dma_semaphore, #tpu.memory_space<semaphore_mem>> -> memref<!tpu.dma_semaphore, #tpu.memory_space<semaphore_mem>>
    %dma_start3A_702 = arith.constant 0 : i32
    %dma_start3A_703 = tpu.memref_slice %arg5[%dma_start3A_693, %dma_start3A_702] : memref<8x80xi32, #tpu.memory_space<vmem>> -> memref<1x80xi32, #tpu.memory_space<vmem>>
    %dma_start3A_704 = tpu.memref_squeeze %dma_start3A_703 : memref<1x80xi32, #tpu.memory_space<vmem>> -> memref<80xi32, #tpu.memory_space<vmem>>
    %dma_start3A_705 = tpu.memref_slice %arg3[%dma_start3A_692, %add3A_691] : memref<2x320000xi32, #tpu.memory_space<hbm>> -> memref<1x80xi32, #tpu.memory_space<hbm>>
    %dma_start3A_706 = tpu.memref_squeeze %dma_start3A_705 : memref<1x80xi32, #tpu.memory_space<hbm>> -> memref<80xi32, #tpu.memory_space<hbm>>
    tpu.enqueue_dma source(%dma_start3A_706 : memref<80xi32, #tpu.memory_space<hbm>>) target(%dma_start3A_704 : memref<80xi32, #tpu.memory_space<vmem>>) target_semaphore(%dma_start3A_701 : memref<!tpu.dma_semaphore, #tpu.memory_space<semaphore_mem>>)
    %add3A_707 = arith.constant 640 : i32
    %add3A_708 = arith.addi %mul3A_3, %add3A_707 : i32
    %dma_start3A_709 = arith.constant 1 : i32
    %dma_start3A_710 = arith.constant 0 : i32
    %dma_start3A_711 = arith.constant 0 : i32
    %dma_start3A_712 = arith.constant 0 : i32
    %dma_start3A_713 = tpu.memref_slice %arg6[%dma_start3A_710, %dma_start3A_712] : memref<8x80xi32, #tpu.memory_space<vmem>> -> memref<1x80xi32, #tpu.memory_space<vmem>>
    %dma_start3A_714 = tpu.memref_squeeze %dma_start3A_713 : memref<1x80xi32, #tpu.memory_space<vmem>> -> memref<80xi32, #tpu.memory_space<vmem>>
    %dma_start3A_715 = tpu.memref_slice %arg3[%dma_start3A_709, %add3A_708] : memref<2x320000xi32, #tpu.memory_space<hbm>> -> memref<1x80xi32, #tpu.memory_space<hbm>>
    %dma_start3A_716 = tpu.memref_squeeze %dma_start3A_715 : memref<1x80xi32, #tpu.memory_space<hbm>> -> memref<80xi32, #tpu.memory_space<hbm>>
    %dma_start3A_717 = tpu.memref_slice %arg11[%dma_start3A_711] : memref<8x!tpu.dma_semaphore, #tpu.memory_space<semaphore_mem>> -> memref<1x!tpu.dma_semaphore, #tpu.memory_space<semaphore_mem>>
    %dma_start3A_718 = tpu.memref_squeeze %dma_start3A_717 : memref<1x!tpu.dma_semaphore, #tpu.memory_space<semaphore_mem>> -> memref<!tpu.dma_semaphore, #tpu.memory_space<semaphore_mem>>
    %dma_start3A_719 = arith.constant 0 : i32
    %dma_start3A_720 = tpu.memref_slice %arg6[%dma_start3A_710, %dma_start3A_719] : memref<8x80xi32, #tpu.memory_space<vmem>> -> memref<1x80xi32, #tpu.memory_space<vmem>>
    %dma_start3A_721 = tpu.memref_squeeze %dma_start3A_720 : memref<1x80xi32, #tpu.memory_space<vmem>> -> memref<80xi32, #tpu.memory_space<vmem>>
    %dma_start3A_722 = tpu.memref_slice %arg3[%dma_start3A_709, %add3A_708] : memref<2x320000xi32, #tpu.memory_space<hbm>> -> memref<1x80xi32, #tpu.memory_space<hbm>>
    %dma_start3A_723 = tpu.memref_squeeze %dma_start3A_722 : memref<1x80xi32, #tpu.memory_space<hbm>> -> memref<80xi32, #tpu.memory_space<hbm>>
    tpu.enqueue_dma source(%dma_start3A_723 : memref<80xi32, #tpu.memory_space<hbm>>) target(%dma_start3A_721 : memref<80xi32, #tpu.memory_space<vmem>>) target_semaphore(%dma_start3A_718 : memref<!tpu.dma_semaphore, #tpu.memory_space<semaphore_mem>>)
    %add3A_724 = arith.constant 400 : i32
    %add3A_725 = arith.addi %mul3A_3, %add3A_724 : i32
    %dma_wait3A_726 = arith.constant 0 : i32
    %dma_wait3A_727 = arith.constant 5 : i32
    %dma_wait3A_728 = arith.constant 5 : i32
    %dma_wait3A_729 = arith.constant 0 : i32
    %dma_wait3A_730 = tpu.memref_slice %arg5[%dma_wait3A_727, %dma_wait3A_729] : memref<8x80xi32, #tpu.memory_space<vmem>> -> memref<1x80xi32, #tpu.memory_space<vmem>>
    %dma_wait3A_731 = tpu.memref_squeeze %dma_wait3A_730 : memref<1x80xi32, #tpu.memory_space<vmem>> -> memref<80xi32, #tpu.memory_space<vmem>>
    %dma_wait3A_732 = tpu.memref_slice %arg3[%dma_wait3A_726, %add3A_725] : memref<2x320000xi32, #tpu.memory_space<hbm>> -> memref<1x80xi32, #tpu.memory_space<hbm>>
    %dma_wait3A_733 = tpu.memref_squeeze %dma_wait3A_732 : memref<1x80xi32, #tpu.memory_space<hbm>> -> memref<80xi32, #tpu.memory_space<hbm>>
    %dma_wait3A_734 = tpu.memref_slice %arg10[%dma_wait3A_728] : memref<8x!tpu.dma_semaphore, #tpu.memory_space<semaphore_mem>> -> memref<1x!tpu.dma_semaphore, #tpu.memory_space<semaphore_mem>>
    %dma_wait3A_735 = tpu.memref_squeeze %dma_wait3A_734 : memref<1x!tpu.dma_semaphore, #tpu.memory_space<semaphore_mem>> -> memref<!tpu.dma_semaphore, #tpu.memory_space<semaphore_mem>>
    %dma_wait3A_736 = arith.constant 0 : i32
    %dma_wait3A_737 = tpu.memref_slice %arg5[%dma_wait3A_727, %dma_wait3A_736] : memref<8x80xi32, #tpu.memory_space<vmem>> -> memref<1x80xi32, #tpu.memory_space<vmem>>
    %dma_wait3A_738 = tpu.memref_squeeze %dma_wait3A_737 : memref<1x80xi32, #tpu.memory_space<vmem>> -> memref<80xi32, #tpu.memory_space<vmem>>
    %dma_wait3A_739 = tpu.memref_slice %arg3[%dma_wait3A_726, %add3A_725] : memref<2x320000xi32, #tpu.memory_space<hbm>> -> memref<1x80xi32, #tpu.memory_space<hbm>>
    %dma_wait3A_740 = tpu.memref_squeeze %dma_wait3A_739 : memref<1x80xi32, #tpu.memory_space<hbm>> -> memref<80xi32, #tpu.memory_space<hbm>>
    tpu.wait_dma2 semaphore(%dma_wait3A_735 : memref<!tpu.dma_semaphore, #tpu.memory_space<semaphore_mem>>) src(%dma_wait3A_740 : memref<80xi32, #tpu.memory_space<hbm>>) dst(%dma_wait3A_738 : memref<80xi32, #tpu.memory_space<vmem>>)
    %add3A_741 = arith.constant 400 : i32
    %add3A_742 = arith.addi %mul3A_3, %add3A_741 : i32
    %dma_wait3A_743 = arith.constant 1 : i32
    %dma_wait3A_744 = arith.constant 5 : i32
    %dma_wait3A_745 = arith.constant 5 : i32
    %dma_wait3A_746 = arith.constant 0 : i32
    %dma_wait3A_747 = tpu.memref_slice %arg6[%dma_wait3A_744, %dma_wait3A_746] : memref<8x80xi32, #tpu.memory_space<vmem>> -> memref<1x80xi32, #tpu.memory_space<vmem>>
    %dma_wait3A_748 = tpu.memref_squeeze %dma_wait3A_747 : memref<1x80xi32, #tpu.memory_space<vmem>> -> memref<80xi32, #tpu.memory_space<vmem>>
    %dma_wait3A_749 = tpu.memref_slice %arg3[%dma_wait3A_743, %add3A_742] : memref<2x320000xi32, #tpu.memory_space<hbm>> -> memref<1x80xi32, #tpu.memory_space<hbm>>
    %dma_wait3A_750 = tpu.memref_squeeze %dma_wait3A_749 : memref<1x80xi32, #tpu.memory_space<hbm>> -> memref<80xi32, #tpu.memory_space<hbm>>
    %dma_wait3A_751 = tpu.memref_slice %arg11[%dma_wait3A_745] : memref<8x!tpu.dma_semaphore, #tpu.memory_space<semaphore_mem>> -> memref<1x!tpu.dma_semaphore, #tpu.memory_space<semaphore_mem>>
    %dma_wait3A_752 = tpu.memref_squeeze %dma_wait3A_751 : memref<1x!tpu.dma_semaphore, #tpu.memory_space<semaphore_mem>> -> memref<!tpu.dma_semaphore, #tpu.memory_space<semaphore_mem>>
    %dma_wait3A_753 = arith.constant 0 : i32
    %dma_wait3A_754 = tpu.memref_slice %arg6[%dma_wait3A_744, %dma_wait3A_753] : memref<8x80xi32, #tpu.memory_space<vmem>> -> memref<1x80xi32, #tpu.memory_space<vmem>>
    %dma_wait3A_755 = tpu.memref_squeeze %dma_wait3A_754 : memref<1x80xi32, #tpu.memory_space<vmem>> -> memref<80xi32, #tpu.memory_space<vmem>>
    %dma_wait3A_756 = tpu.memref_slice %arg3[%dma_wait3A_743, %add3A_742] : memref<2x320000xi32, #tpu.memory_space<hbm>> -> memref<1x80xi32, #tpu.memory_space<hbm>>
    %dma_wait3A_757 = tpu.memref_squeeze %dma_wait3A_756 : memref<1x80xi32, #tpu.memory_space<hbm>> -> memref<80xi32, #tpu.memory_space<hbm>>
    tpu.wait_dma2 semaphore(%dma_wait3A_752 : memref<!tpu.dma_semaphore, #tpu.memory_space<semaphore_mem>>) src(%dma_wait3A_757 : memref<80xi32, #tpu.memory_space<hbm>>) dst(%dma_wait3A_755 : memref<80xi32, #tpu.memory_space<vmem>>)
    %dma_wait3A_758 = arith.constant 1 : i32
    %dma_wait3A_759 = arith.constant 1 : i32
    %dma_wait3A_760 = arith.constant 1 : i32
    %dma_wait3A_761 = arith.constant 0 : i32
    %dma_wait3A_762 = arith.constant 0 : i32
    %dma_wait3A_763 = tpu.memref_slice %arg7[%dma_wait3A_758, %dma_wait3A_761, %dma_wait3A_762] : memref<4x80x128xbf16, #tpu.memory_space<vmem>> -> memref<1x80x128xbf16, #tpu.memory_space<vmem>>
    %dma_wait3A_764 = tpu.memref_squeeze %dma_wait3A_763 : memref<1x80x128xbf16, #tpu.memory_space<vmem>> -> memref<80x128xbf16, #tpu.memory_space<vmem>>
    %dma_wait3A_765 = arith.constant 0 : i32
    %dma_wait3A_766 = tpu.memref_slice %arg6[%dma_wait3A_759, %dma_wait3A_765] : memref<8x80xi32, #tpu.memory_space<vmem>> -> memref<1x80xi32, #tpu.memory_space<vmem>>
    %dma_wait3A_767 = tpu.memref_squeeze %dma_wait3A_766 : memref<1x80xi32, #tpu.memory_space<vmem>> -> memref<80xi32, #tpu.memory_space<vmem>>
    %dma_wait3A_768 = arith.constant 0 : i32
    %dma_wait3A_769 = arith.constant 0 : i32
    %dma_wait3A_770 = tpu.memref_slice %arg9[%dma_wait3A_768, %dma_wait3A_769] : memref<10000x128xbf16, #tpu.memory_space<vmem_shared>> -> memref<10000x128xbf16, #tpu.memory_space<vmem_shared>>
    %dma_wait3A_771 = tpu.memref_slice %arg13[%dma_wait3A_760] : memref<4x!tpu.dma_semaphore, #tpu.memory_space<semaphore_mem>> -> memref<1x!tpu.dma_semaphore, #tpu.memory_space<semaphore_mem>>
    %dma_wait3A_772 = tpu.memref_squeeze %dma_wait3A_771 : memref<1x!tpu.dma_semaphore, #tpu.memory_space<semaphore_mem>> -> memref<!tpu.dma_semaphore, #tpu.memory_space<semaphore_mem>>
    tpu.wait_indirect_dma semaphore(%dma_wait3A_772 : memref<!tpu.dma_semaphore, #tpu.memory_space<semaphore_mem>>) src(%dma_wait3A_764 : memref<80x128xbf16, #tpu.memory_space<vmem>>) dst(%dma_wait3A_770 : memref<10000x128xbf16, #tpu.memory_space<vmem_shared>>)
    %dma_start3A_773 = arith.constant 5 : i32
    %dma_start3A_774 = arith.constant 1 : i32
    %dma_start3A_775 = arith.constant 1 : i32
    %dma_start3A_776 = arith.constant 0 : i32
    %dma_start3A_777 = arith.constant 0 : i32
    %dma_start3A_778 = tpu.memref_slice %arg7[%dma_start3A_774, %dma_start3A_776, %dma_start3A_777] : memref<4x80x128xbf16, #tpu.memory_space<vmem>> -> memref<1x80x128xbf16, #tpu.memory_space<vmem>>
    %dma_start3A_779 = tpu.memref_squeeze %dma_start3A_778 : memref<1x80x128xbf16, #tpu.memory_space<vmem>> -> memref<80x128xbf16, #tpu.memory_space<vmem>>
    %dma_start3A_780 = arith.constant 0 : i32
    %dma_start3A_781 = tpu.memref_slice %arg5[%dma_start3A_773, %dma_start3A_780] : memref<8x80xi32, #tpu.memory_space<vmem>> -> memref<1x80xi32, #tpu.memory_space<vmem>>
    %dma_start3A_782 = tpu.memref_squeeze %dma_start3A_781 : memref<1x80xi32, #tpu.memory_space<vmem>> -> memref<80xi32, #tpu.memory_space<vmem>>
    %dma_start3A_783 = arith.constant 0 : i32
    %dma_start3A_784 = arith.constant 0 : i32
    %dma_start3A_785 = tpu.memref_slice %arg2[%dma_start3A_783, %dma_start3A_784] : memref<10000x128xbf16, #tpu.memory_space<hbm>> -> memref<10000x128xbf16, #tpu.memory_space<hbm>>
    %dma_start3A_786 = tpu.memref_slice %arg12[%dma_start3A_775] : memref<4x!tpu.dma_semaphore, #tpu.memory_space<semaphore_mem>> -> memref<1x!tpu.dma_semaphore, #tpu.memory_space<semaphore_mem>>
    %dma_start3A_787 = tpu.memref_squeeze %dma_start3A_786 : memref<1x!tpu.dma_semaphore, #tpu.memory_space<semaphore_mem>> -> memref<!tpu.dma_semaphore, #tpu.memory_space<semaphore_mem>>
    tpu.enqueue_indirect_dma source(%dma_start3A_785 : memref<10000x128xbf16, #tpu.memory_space<hbm>>) target(%dma_start3A_779 : memref<80x128xbf16, #tpu.memory_space<vmem>>) offsets(%dma_start3A_782 : memref<80xi32, #tpu.memory_space<vmem>>) semaphore(%dma_start3A_787 : memref<!tpu.dma_semaphore, #tpu.memory_space<semaphore_mem>>)
    %dma_wait3A_788 = arith.constant 4 : i32
    %dma_wait3A_789 = arith.constant 0 : i32
    %dma_wait3A_790 = arith.constant 0 : i32
    %dma_wait3A_791 = arith.constant 0 : i32
    %dma_wait3A_792 = arith.constant 0 : i32
    %dma_wait3A_793 = tpu.memref_slice %arg7[%dma_wait3A_789, %dma_wait3A_791, %dma_wait3A_792] : memref<4x80x128xbf16, #tpu.memory_space<vmem>> -> memref<1x80x128xbf16, #tpu.memory_space<vmem>>
    %dma_wait3A_794 = tpu.memref_squeeze %dma_wait3A_793 : memref<1x80x128xbf16, #tpu.memory_space<vmem>> -> memref<80x128xbf16, #tpu.memory_space<vmem>>
    %dma_wait3A_795 = arith.constant 0 : i32
    %dma_wait3A_796 = tpu.memref_slice %arg5[%dma_wait3A_788, %dma_wait3A_795] : memref<8x80xi32, #tpu.memory_space<vmem>> -> memref<1x80xi32, #tpu.memory_space<vmem>>
    %dma_wait3A_797 = tpu.memref_squeeze %dma_wait3A_796 : memref<1x80xi32, #tpu.memory_space<vmem>> -> memref<80xi32, #tpu.memory_space<vmem>>
    %dma_wait3A_798 = arith.constant 0 : i32
    %dma_wait3A_799 = arith.constant 0 : i32
    %dma_wait3A_800 = tpu.memref_slice %arg2[%dma_wait3A_798, %dma_wait3A_799] : memref<10000x128xbf16, #tpu.memory_space<hbm>> -> memref<10000x128xbf16, #tpu.memory_space<hbm>>
    %dma_wait3A_801 = tpu.memref_slice %arg12[%dma_wait3A_790] : memref<4x!tpu.dma_semaphore, #tpu.memory_space<semaphore_mem>> -> memref<1x!tpu.dma_semaphore, #tpu.memory_space<semaphore_mem>>
    %dma_wait3A_802 = tpu.memref_squeeze %dma_wait3A_801 : memref<1x!tpu.dma_semaphore, #tpu.memory_space<semaphore_mem>> -> memref<!tpu.dma_semaphore, #tpu.memory_space<semaphore_mem>>
    tpu.wait_indirect_dma semaphore(%dma_wait3A_802 : memref<!tpu.dma_semaphore, #tpu.memory_space<semaphore_mem>>) src(%dma_wait3A_800 : memref<10000x128xbf16, #tpu.memory_space<hbm>>) dst(%dma_wait3A_794 : memref<80x128xbf16, #tpu.memory_space<vmem>>)
    %dma_start3A_803 = arith.constant 0 : i32
    %dma_start3A_804 = arith.constant 4 : i32
    %dma_start3A_805 = arith.constant 0 : i32
    %dma_start3A_806 = arith.constant 0 : i32
    %dma_start3A_807 = arith.constant 0 : i32
    %dma_start3A_808 = tpu.memref_slice %arg7[%dma_start3A_803, %dma_start3A_806, %dma_start3A_807] : memref<4x80x128xbf16, #tpu.memory_space<vmem>> -> memref<1x80x128xbf16, #tpu.memory_space<vmem>>
    %dma_start3A_809 = tpu.memref_squeeze %dma_start3A_808 : memref<1x80x128xbf16, #tpu.memory_space<vmem>> -> memref<80x128xbf16, #tpu.memory_space<vmem>>
    %dma_start3A_810 = arith.constant 0 : i32
    %dma_start3A_811 = tpu.memref_slice %arg6[%dma_start3A_804, %dma_start3A_810] : memref<8x80xi32, #tpu.memory_space<vmem>> -> memref<1x80xi32, #tpu.memory_space<vmem>>
    %dma_start3A_812 = tpu.memref_squeeze %dma_start3A_811 : memref<1x80xi32, #tpu.memory_space<vmem>> -> memref<80xi32, #tpu.memory_space<vmem>>
    %dma_start3A_813 = arith.constant 0 : i32
    %dma_start3A_814 = arith.constant 0 : i32
    %dma_start3A_815 = tpu.memref_slice %arg9[%dma_start3A_813, %dma_start3A_814] : memref<10000x128xbf16, #tpu.memory_space<vmem_shared>> -> memref<10000x128xbf16, #tpu.memory_space<vmem_shared>>
    %dma_start3A_816 = tpu.memref_slice %arg13[%dma_start3A_805] : memref<4x!tpu.dma_semaphore, #tpu.memory_space<semaphore_mem>> -> memref<1x!tpu.dma_semaphore, #tpu.memory_space<semaphore_mem>>
    %dma_start3A_817 = tpu.memref_squeeze %dma_start3A_816 : memref<1x!tpu.dma_semaphore, #tpu.memory_space<semaphore_mem>> -> memref<!tpu.dma_semaphore, #tpu.memory_space<semaphore_mem>>
    tpu.enqueue_indirect_dma source(%dma_start3A_809 : memref<80x128xbf16, #tpu.memory_space<vmem>>) target(%dma_start3A_815 : memref<10000x128xbf16, #tpu.memory_space<vmem_shared>>) offsets(%dma_start3A_812 : memref<80xi32, #tpu.memory_space<vmem>>) semaphore(%dma_start3A_817 : memref<!tpu.dma_semaphore, #tpu.memory_space<semaphore_mem>>) {add = true}
    %add3A_818 = arith.constant 720 : i32
    %add3A_819 = arith.addi %mul3A_3, %add3A_818 : i32
    %dma_start3A_820 = arith.constant 0 : i32
    %dma_start3A_821 = arith.constant 1 : i32
    %dma_start3A_822 = arith.constant 1 : i32
    %dma_start3A_823 = arith.constant 0 : i32
    %dma_start3A_824 = tpu.memref_slice %arg5[%dma_start3A_821, %dma_start3A_823] : memref<8x80xi32, #tpu.memory_space<vmem>> -> memref<1x80xi32, #tpu.memory_space<vmem>>
    %dma_start3A_825 = tpu.memref_squeeze %dma_start3A_824 : memref<1x80xi32, #tpu.memory_space<vmem>> -> memref<80xi32, #tpu.memory_space<vmem>>
    %dma_start3A_826 = tpu.memref_slice %arg3[%dma_start3A_820, %add3A_819] : memref<2x320000xi32, #tpu.memory_space<hbm>> -> memref<1x80xi32, #tpu.memory_space<hbm>>
    %dma_start3A_827 = tpu.memref_squeeze %dma_start3A_826 : memref<1x80xi32, #tpu.memory_space<hbm>> -> memref<80xi32, #tpu.memory_space<hbm>>
    %dma_start3A_828 = tpu.memref_slice %arg10[%dma_start3A_822] : memref<8x!tpu.dma_semaphore, #tpu.memory_space<semaphore_mem>> -> memref<1x!tpu.dma_semaphore, #tpu.memory_space<semaphore_mem>>
    %dma_start3A_829 = tpu.memref_squeeze %dma_start3A_828 : memref<1x!tpu.dma_semaphore, #tpu.memory_space<semaphore_mem>> -> memref<!tpu.dma_semaphore, #tpu.memory_space<semaphore_mem>>
    %dma_start3A_830 = arith.constant 0 : i32
    %dma_start3A_831 = tpu.memref_slice %arg5[%dma_start3A_821, %dma_start3A_830] : memref<8x80xi32, #tpu.memory_space<vmem>> -> memref<1x80xi32, #tpu.memory_space<vmem>>
    %dma_start3A_832 = tpu.memref_squeeze %dma_start3A_831 : memref<1x80xi32, #tpu.memory_space<vmem>> -> memref<80xi32, #tpu.memory_space<vmem>>
    %dma_start3A_833 = tpu.memref_slice %arg3[%dma_start3A_820, %add3A_819] : memref<2x320000xi32, #tpu.memory_space<hbm>> -> memref<1x80xi32, #tpu.memory_space<hbm>>
    %dma_start3A_834 = tpu.memref_squeeze %dma_start3A_833 : memref<1x80xi32, #tpu.memory_space<hbm>> -> memref<80xi32, #tpu.memory_space<hbm>>
    tpu.enqueue_dma source(%dma_start3A_834 : memref<80xi32, #tpu.memory_space<hbm>>) target(%dma_start3A_832 : memref<80xi32, #tpu.memory_space<vmem>>) target_semaphore(%dma_start3A_829 : memref<!tpu.dma_semaphore, #tpu.memory_space<semaphore_mem>>)
    %add3A_835 = arith.constant 720 : i32
    %add3A_836 = arith.addi %mul3A_3, %add3A_835 : i32
    %dma_start3A_837 = arith.constant 1 : i32
    %dma_start3A_838 = arith.constant 1 : i32
    %dma_start3A_839 = arith.constant 1 : i32
    %dma_start3A_840 = arith.constant 0 : i32
    %dma_start3A_841 = tpu.memref_slice %arg6[%dma_start3A_838, %dma_start3A_840] : memref<8x80xi32, #tpu.memory_space<vmem>> -> memref<1x80xi32, #tpu.memory_space<vmem>>
    %dma_start3A_842 = tpu.memref_squeeze %dma_start3A_841 : memref<1x80xi32, #tpu.memory_space<vmem>> -> memref<80xi32, #tpu.memory_space<vmem>>
    %dma_start3A_843 = tpu.memref_slice %arg3[%dma_start3A_837, %add3A_836] : memref<2x320000xi32, #tpu.memory_space<hbm>> -> memref<1x80xi32, #tpu.memory_space<hbm>>
    %dma_start3A_844 = tpu.memref_squeeze %dma_start3A_843 : memref<1x80xi32, #tpu.memory_space<hbm>> -> memref<80xi32, #tpu.memory_space<hbm>>
    %dma_start3A_845 = tpu.memref_slice %arg11[%dma_start3A_839] : memref<8x!tpu.dma_semaphore, #tpu.memory_space<semaphore_mem>> -> memref<1x!tpu.dma_semaphore, #tpu.memory_space<semaphore_mem>>
    %dma_start3A_846 = tpu.memref_squeeze %dma_start3A_845 : memref<1x!tpu.dma_semaphore, #tpu.memory_space<semaphore_mem>> -> memref<!tpu.dma_semaphore, #tpu.memory_space<semaphore_mem>>
    %dma_start3A_847 = arith.constant 0 : i32
    %dma_start3A_848 = tpu.memref_slice %arg6[%dma_start3A_838, %dma_start3A_847] : memref<8x80xi32, #tpu.memory_space<vmem>> -> memref<1x80xi32, #tpu.memory_space<vmem>>
    %dma_start3A_849 = tpu.memref_squeeze %dma_start3A_848 : memref<1x80xi32, #tpu.memory_space<vmem>> -> memref<80xi32, #tpu.memory_space<vmem>>
    %dma_start3A_850 = tpu.memref_slice %arg3[%dma_start3A_837, %add3A_836] : memref<2x320000xi32, #tpu.memory_space<hbm>> -> memref<1x80xi32, #tpu.memory_space<hbm>>
    %dma_start3A_851 = tpu.memref_squeeze %dma_start3A_850 : memref<1x80xi32, #tpu.memory_space<hbm>> -> memref<80xi32, #tpu.memory_space<hbm>>
    tpu.enqueue_dma source(%dma_start3A_851 : memref<80xi32, #tpu.memory_space<hbm>>) target(%dma_start3A_849 : memref<80xi32, #tpu.memory_space<vmem>>) target_semaphore(%dma_start3A_846 : memref<!tpu.dma_semaphore, #tpu.memory_space<semaphore_mem>>)
    %add3A_852 = arith.constant 480 : i32
    %add3A_853 = arith.addi %mul3A_3, %add3A_852 : i32
    %dma_wait3A_854 = arith.constant 0 : i32
    %dma_wait3A_855 = arith.constant 6 : i32
    %dma_wait3A_856 = arith.constant 6 : i32
    %dma_wait3A_857 = arith.constant 0 : i32
    %dma_wait3A_858 = tpu.memref_slice %arg5[%dma_wait3A_855, %dma_wait3A_857] : memref<8x80xi32, #tpu.memory_space<vmem>> -> memref<1x80xi32, #tpu.memory_space<vmem>>
    %dma_wait3A_859 = tpu.memref_squeeze %dma_wait3A_858 : memref<1x80xi32, #tpu.memory_space<vmem>> -> memref<80xi32, #tpu.memory_space<vmem>>
    %dma_wait3A_860 = tpu.memref_slice %arg3[%dma_wait3A_854, %add3A_853] : memref<2x320000xi32, #tpu.memory_space<hbm>> -> memref<1x80xi32, #tpu.memory_space<hbm>>
    %dma_wait3A_861 = tpu.memref_squeeze %dma_wait3A_860 : memref<1x80xi32, #tpu.memory_space<hbm>> -> memref<80xi32, #tpu.memory_space<hbm>>
    %dma_wait3A_862 = tpu.memref_slice %arg10[%dma_wait3A_856] : memref<8x!tpu.dma_semaphore, #tpu.memory_space<semaphore_mem>> -> memref<1x!tpu.dma_semaphore, #tpu.memory_space<semaphore_mem>>
    %dma_wait3A_863 = tpu.memref_squeeze %dma_wait3A_862 : memref<1x!tpu.dma_semaphore, #tpu.memory_space<semaphore_mem>> -> memref<!tpu.dma_semaphore, #tpu.memory_space<semaphore_mem>>
    %dma_wait3A_864 = arith.constant 0 : i32
    %dma_wait3A_865 = tpu.memref_slice %arg5[%dma_wait3A_855, %dma_wait3A_864] : memref<8x80xi32, #tpu.memory_space<vmem>> -> memref<1x80xi32, #tpu.memory_space<vmem>>
    %dma_wait3A_866 = tpu.memref_squeeze %dma_wait3A_865 : memref<1x80xi32, #tpu.memory_space<vmem>> -> memref<80xi32, #tpu.memory_space<vmem>>
    %dma_wait3A_867 = tpu.memref_slice %arg3[%dma_wait3A_854, %add3A_853] : memref<2x320000xi32, #tpu.memory_space<hbm>> -> memref<1x80xi32, #tpu.memory_space<hbm>>
    %dma_wait3A_868 = tpu.memref_squeeze %dma_wait3A_867 : memref<1x80xi32, #tpu.memory_space<hbm>> -> memref<80xi32, #tpu.memory_space<hbm>>
    tpu.wait_dma2 semaphore(%dma_wait3A_863 : memref<!tpu.dma_semaphore, #tpu.memory_space<semaphore_mem>>) src(%dma_wait3A_868 : memref<80xi32, #tpu.memory_space<hbm>>) dst(%dma_wait3A_866 : memref<80xi32, #tpu.memory_space<vmem>>)
    %add3A_869 = arith.constant 480 : i32
    %add3A_870 = arith.addi %mul3A_3, %add3A_869 : i32
    %dma_wait3A_871 = arith.constant 1 : i32
    %dma_wait3A_872 = arith.constant 6 : i32
    %dma_wait3A_873 = arith.constant 6 : i32
    %dma_wait3A_874 = arith.constant 0 : i32
    %dma_wait3A_875 = tpu.memref_slice %arg6[%dma_wait3A_872, %dma_wait3A_874] : memref<8x80xi32, #tpu.memory_space<vmem>> -> memref<1x80xi32, #tpu.memory_space<vmem>>
    %dma_wait3A_876 = tpu.memref_squeeze %dma_wait3A_875 : memref<1x80xi32, #tpu.memory_space<vmem>> -> memref<80xi32, #tpu.memory_space<vmem>>
    %dma_wait3A_877 = tpu.memref_slice %arg3[%dma_wait3A_871, %add3A_870] : memref<2x320000xi32, #tpu.memory_space<hbm>> -> memref<1x80xi32, #tpu.memory_space<hbm>>
    %dma_wait3A_878 = tpu.memref_squeeze %dma_wait3A_877 : memref<1x80xi32, #tpu.memory_space<hbm>> -> memref<80xi32, #tpu.memory_space<hbm>>
    %dma_wait3A_879 = tpu.memref_slice %arg11[%dma_wait3A_873] : memref<8x!tpu.dma_semaphore, #tpu.memory_space<semaphore_mem>> -> memref<1x!tpu.dma_semaphore, #tpu.memory_space<semaphore_mem>>
    %dma_wait3A_880 = tpu.memref_squeeze %dma_wait3A_879 : memref<1x!tpu.dma_semaphore, #tpu.memory_space<semaphore_mem>> -> memref<!tpu.dma_semaphore, #tpu.memory_space<semaphore_mem>>
    %dma_wait3A_881 = arith.constant 0 : i32
    %dma_wait3A_882 = tpu.memref_slice %arg6[%dma_wait3A_872, %dma_wait3A_881] : memref<8x80xi32, #tpu.memory_space<vmem>> -> memref<1x80xi32, #tpu.memory_space<vmem>>
    %dma_wait3A_883 = tpu.memref_squeeze %dma_wait3A_882 : memref<1x80xi32, #tpu.memory_space<vmem>> -> memref<80xi32, #tpu.memory_space<vmem>>
    %dma_wait3A_884 = tpu.memref_slice %arg3[%dma_wait3A_871, %add3A_870] : memref<2x320000xi32, #tpu.memory_space<hbm>> -> memref<1x80xi32, #tpu.memory_space<hbm>>
    %dma_wait3A_885 = tpu.memref_squeeze %dma_wait3A_884 : memref<1x80xi32, #tpu.memory_space<hbm>> -> memref<80xi32, #tpu.memory_space<hbm>>
    tpu.wait_dma2 semaphore(%dma_wait3A_880 : memref<!tpu.dma_semaphore, #tpu.memory_space<semaphore_mem>>) src(%dma_wait3A_885 : memref<80xi32, #tpu.memory_space<hbm>>) dst(%dma_wait3A_883 : memref<80xi32, #tpu.memory_space<vmem>>)
    %dma_wait3A_886 = arith.constant 2 : i32
    %dma_wait3A_887 = arith.constant 2 : i32
    %dma_wait3A_888 = arith.constant 2 : i32
    %dma_wait3A_889 = arith.constant 0 : i32
    %dma_wait3A_890 = arith.constant 0 : i32
    %dma_wait3A_891 = tpu.memref_slice %arg7[%dma_wait3A_886, %dma_wait3A_889, %dma_wait3A_890] : memref<4x80x128xbf16, #tpu.memory_space<vmem>> -> memref<1x80x128xbf16, #tpu.memory_space<vmem>>
    %dma_wait3A_892 = tpu.memref_squeeze %dma_wait3A_891 : memref<1x80x128xbf16, #tpu.memory_space<vmem>> -> memref<80x128xbf16, #tpu.memory_space<vmem>>
    %dma_wait3A_893 = arith.constant 0 : i32
    %dma_wait3A_894 = tpu.memref_slice %arg6[%dma_wait3A_887, %dma_wait3A_893] : memref<8x80xi32, #tpu.memory_space<vmem>> -> memref<1x80xi32, #tpu.memory_space<vmem>>
    %dma_wait3A_895 = tpu.memref_squeeze %dma_wait3A_894 : memref<1x80xi32, #tpu.memory_space<vmem>> -> memref<80xi32, #tpu.memory_space<vmem>>
    %dma_wait3A_896 = arith.constant 0 : i32
    %dma_wait3A_897 = arith.constant 0 : i32
    %dma_wait3A_898 = tpu.memref_slice %arg9[%dma_wait3A_896, %dma_wait3A_897] : memref<10000x128xbf16, #tpu.memory_space<vmem_shared>> -> memref<10000x128xbf16, #tpu.memory_space<vmem_shared>>
    %dma_wait3A_899 = tpu.memref_slice %arg13[%dma_wait3A_888] : memref<4x!tpu.dma_semaphore, #tpu.memory_space<semaphore_mem>> -> memref<1x!tpu.dma_semaphore, #tpu.memory_space<semaphore_mem>>
    %dma_wait3A_900 = tpu.memref_squeeze %dma_wait3A_899 : memref<1x!tpu.dma_semaphore, #tpu.memory_space<semaphore_mem>> -> memref<!tpu.dma_semaphore, #tpu.memory_space<semaphore_mem>>
    tpu.wait_indirect_dma semaphore(%dma_wait3A_900 : memref<!tpu.dma_semaphore, #tpu.memory_space<semaphore_mem>>) src(%dma_wait3A_892 : memref<80x128xbf16, #tpu.memory_space<vmem>>) dst(%dma_wait3A_898 : memref<10000x128xbf16, #tpu.memory_space<vmem_shared>>)
    %dma_start3A_901 = arith.constant 6 : i32
    %dma_start3A_902 = arith.constant 2 : i32
    %dma_start3A_903 = arith.constant 2 : i32
    %dma_start3A_904 = arith.constant 0 : i32
    %dma_start3A_905 = arith.constant 0 : i32
    %dma_start3A_906 = tpu.memref_slice %arg7[%dma_start3A_902, %dma_start3A_904, %dma_start3A_905] : memref<4x80x128xbf16, #tpu.memory_space<vmem>> -> memref<1x80x128xbf16, #tpu.memory_space<vmem>>
    %dma_start3A_907 = tpu.memref_squeeze %dma_start3A_906 : memref<1x80x128xbf16, #tpu.memory_space<vmem>> -> memref<80x128xbf16, #tpu.memory_space<vmem>>
    %dma_start3A_908 = arith.constant 0 : i32
    %dma_start3A_909 = tpu.memref_slice %arg5[%dma_start3A_901, %dma_start3A_908] : memref<8x80xi32, #tpu.memory_space<vmem>> -> memref<1x80xi32, #tpu.memory_space<vmem>>
    %dma_start3A_910 = tpu.memref_squeeze %dma_start3A_909 : memref<1x80xi32, #tpu.memory_space<vmem>> -> memref<80xi32, #tpu.memory_space<vmem>>
    %dma_start3A_911 = arith.constant 0 : i32
    %dma_start3A_912 = arith.constant 0 : i32
    %dma_start3A_913 = tpu.memref_slice %arg2[%dma_start3A_911, %dma_start3A_912] : memref<10000x128xbf16, #tpu.memory_space<hbm>> -> memref<10000x128xbf16, #tpu.memory_space<hbm>>
    %dma_start3A_914 = tpu.memref_slice %arg12[%dma_start3A_903] : memref<4x!tpu.dma_semaphore, #tpu.memory_space<semaphore_mem>> -> memref<1x!tpu.dma_semaphore, #tpu.memory_space<semaphore_mem>>
    %dma_start3A_915 = tpu.memref_squeeze %dma_start3A_914 : memref<1x!tpu.dma_semaphore, #tpu.memory_space<semaphore_mem>> -> memref<!tpu.dma_semaphore, #tpu.memory_space<semaphore_mem>>
    tpu.enqueue_indirect_dma source(%dma_start3A_913 : memref<10000x128xbf16, #tpu.memory_space<hbm>>) target(%dma_start3A_907 : memref<80x128xbf16, #tpu.memory_space<vmem>>) offsets(%dma_start3A_910 : memref<80xi32, #tpu.memory_space<vmem>>) semaphore(%dma_start3A_915 : memref<!tpu.dma_semaphore, #tpu.memory_space<semaphore_mem>>)
    %dma_wait3A_916 = arith.constant 5 : i32
    %dma_wait3A_917 = arith.constant 1 : i32
    %dma_wait3A_918 = arith.constant 1 : i32
    %dma_wait3A_919 = arith.constant 0 : i32
    %dma_wait3A_920 = arith.constant 0 : i32
    %dma_wait3A_921 = tpu.memref_slice %arg7[%dma_wait3A_917, %dma_wait3A_919, %dma_wait3A_920] : memref<4x80x128xbf16, #tpu.memory_space<vmem>> -> memref<1x80x128xbf16, #tpu.memory_space<vmem>>
    %dma_wait3A_922 = tpu.memref_squeeze %dma_wait3A_921 : memref<1x80x128xbf16, #tpu.memory_space<vmem>> -> memref<80x128xbf16, #tpu.memory_space<vmem>>
    %dma_wait3A_923 = arith.constant 0 : i32
    %dma_wait3A_924 = tpu.memref_slice %arg5[%dma_wait3A_916, %dma_wait3A_923] : memref<8x80xi32, #tpu.memory_space<vmem>> -> memref<1x80xi32, #tpu.memory_space<vmem>>
    %dma_wait3A_925 = tpu.memref_squeeze %dma_wait3A_924 : memref<1x80xi32, #tpu.memory_space<vmem>> -> memref<80xi32, #tpu.memory_space<vmem>>
    %dma_wait3A_926 = arith.constant 0 : i32
    %dma_wait3A_927 = arith.constant 0 : i32
    %dma_wait3A_928 = tpu.memref_slice %arg2[%dma_wait3A_926, %dma_wait3A_927] : memref<10000x128xbf16, #tpu.memory_space<hbm>> -> memref<10000x128xbf16, #tpu.memory_space<hbm>>
    %dma_wait3A_929 = tpu.memref_slice %arg12[%dma_wait3A_918] : memref<4x!tpu.dma_semaphore, #tpu.memory_space<semaphore_mem>> -> memref<1x!tpu.dma_semaphore, #tpu.memory_space<semaphore_mem>>
    %dma_wait3A_930 = tpu.memref_squeeze %dma_wait3A_929 : memref<1x!tpu.dma_semaphore, #tpu.memory_space<semaphore_mem>> -> memref<!tpu.dma_semaphore, #tpu.memory_space<semaphore_mem>>
    tpu.wait_indirect_dma semaphore(%dma_wait3A_930 : memref<!tpu.dma_semaphore, #tpu.memory_space<semaphore_mem>>) src(%dma_wait3A_928 : memref<10000x128xbf16, #tpu.memory_space<hbm>>) dst(%dma_wait3A_922 : memref<80x128xbf16, #tpu.memory_space<vmem>>)
    %dma_start3A_931 = arith.constant 1 : i32
    %dma_start3A_932 = arith.constant 5 : i32
    %dma_start3A_933 = arith.constant 1 : i32
    %dma_start3A_934 = arith.constant 0 : i32
    %dma_start3A_935 = arith.constant 0 : i32
    %dma_start3A_936 = tpu.memref_slice %arg7[%dma_start3A_931, %dma_start3A_934, %dma_start3A_935] : memref<4x80x128xbf16, #tpu.memory_space<vmem>> -> memref<1x80x128xbf16, #tpu.memory_space<vmem>>
    %dma_start3A_937 = tpu.memref_squeeze %dma_start3A_936 : memref<1x80x128xbf16, #tpu.memory_space<vmem>> -> memref<80x128xbf16, #tpu.memory_space<vmem>>
    %dma_start3A_938 = arith.constant 0 : i32
    %dma_start3A_939 = tpu.memref_slice %arg6[%dma_start3A_932, %dma_start3A_938] : memref<8x80xi32, #tpu.memory_space<vmem>> -> memref<1x80xi32, #tpu.memory_space<vmem>>
    %dma_start3A_940 = tpu.memref_squeeze %dma_start3A_939 : memref<1x80xi32, #tpu.memory_space<vmem>> -> memref<80xi32, #tpu.memory_space<vmem>>
    %dma_start3A_941 = arith.constant 0 : i32
    %dma_start3A_942 = arith.constant 0 : i32
    %dma_start3A_943 = tpu.memref_slice %arg9[%dma_start3A_941, %dma_start3A_942] : memref<10000x128xbf16, #tpu.memory_space<vmem_shared>> -> memref<10000x128xbf16, #tpu.memory_space<vmem_shared>>
    %dma_start3A_944 = tpu.memref_slice %arg13[%dma_start3A_933] : memref<4x!tpu.dma_semaphore, #tpu.memory_space<semaphore_mem>> -> memref<1x!tpu.dma_semaphore, #tpu.memory_space<semaphore_mem>>
    %dma_start3A_945 = tpu.memref_squeeze %dma_start3A_944 : memref<1x!tpu.dma_semaphore, #tpu.memory_space<semaphore_mem>> -> memref<!tpu.dma_semaphore, #tpu.memory_space<semaphore_mem>>
    tpu.enqueue_indirect_dma source(%dma_start3A_937 : memref<80x128xbf16, #tpu.memory_space<vmem>>) target(%dma_start3A_943 : memref<10000x128xbf16, #tpu.memory_space<vmem_shared>>) offsets(%dma_start3A_940 : memref<80xi32, #tpu.memory_space<vmem>>) semaphore(%dma_start3A_945 : memref<!tpu.dma_semaphore, #tpu.memory_space<semaphore_mem>>) {add = true}
    %add3A_946 = arith.constant 800 : i32
    %add3A_947 = arith.addi %mul3A_3, %add3A_946 : i32
    %dma_start3A_948 = arith.constant 0 : i32
    %dma_start3A_949 = arith.constant 2 : i32
    %dma_start3A_950 = arith.constant 2 : i32
    %dma_start3A_951 = arith.constant 0 : i32
    %dma_start3A_952 = tpu.memref_slice %arg5[%dma_start3A_949, %dma_start3A_951] : memref<8x80xi32, #tpu.memory_space<vmem>> -> memref<1x80xi32, #tpu.memory_space<vmem>>
    %dma_start3A_953 = tpu.memref_squeeze %dma_start3A_952 : memref<1x80xi32, #tpu.memory_space<vmem>> -> memref<80xi32, #tpu.memory_space<vmem>>
    %dma_start3A_954 = tpu.memref_slice %arg3[%dma_start3A_948, %add3A_947] : memref<2x320000xi32, #tpu.memory_space<hbm>> -> memref<1x80xi32, #tpu.memory_space<hbm>>
    %dma_start3A_955 = tpu.memref_squeeze %dma_start3A_954 : memref<1x80xi32, #tpu.memory_space<hbm>> -> memref<80xi32, #tpu.memory_space<hbm>>
    %dma_start3A_956 = tpu.memref_slice %arg10[%dma_start3A_950] : memref<8x!tpu.dma_semaphore, #tpu.memory_space<semaphore_mem>> -> memref<1x!tpu.dma_semaphore, #tpu.memory_space<semaphore_mem>>
    %dma_start3A_957 = tpu.memref_squeeze %dma_start3A_956 : memref<1x!tpu.dma_semaphore, #tpu.memory_space<semaphore_mem>> -> memref<!tpu.dma_semaphore, #tpu.memory_space<semaphore_mem>>
    %dma_start3A_958 = arith.constant 0 : i32
    %dma_start3A_959 = tpu.memref_slice %arg5[%dma_start3A_949, %dma_start3A_958] : memref<8x80xi32, #tpu.memory_space<vmem>> -> memref<1x80xi32, #tpu.memory_space<vmem>>
    %dma_start3A_960 = tpu.memref_squeeze %dma_start3A_959 : memref<1x80xi32, #tpu.memory_space<vmem>> -> memref<80xi32, #tpu.memory_space<vmem>>
    %dma_start3A_961 = tpu.memref_slice %arg3[%dma_start3A_948, %add3A_947] : memref<2x320000xi32, #tpu.memory_space<hbm>> -> memref<1x80xi32, #tpu.memory_space<hbm>>
    %dma_start3A_962 = tpu.memref_squeeze %dma_start3A_961 : memref<1x80xi32, #tpu.memory_space<hbm>> -> memref<80xi32, #tpu.memory_space<hbm>>
    tpu.enqueue_dma source(%dma_start3A_962 : memref<80xi32, #tpu.memory_space<hbm>>) target(%dma_start3A_960 : memref<80xi32, #tpu.memory_space<vmem>>) target_semaphore(%dma_start3A_957 : memref<!tpu.dma_semaphore, #tpu.memory_space<semaphore_mem>>)
    %add3A_963 = arith.constant 800 : i32
    %add3A_964 = arith.addi %mul3A_3, %add3A_963 : i32
    %dma_start3A_965 = arith.constant 1 : i32
    %dma_start3A_966 = arith.constant 2 : i32
    %dma_start3A_967 = arith.constant 2 : i32
    %dma_start3A_968 = arith.constant 0 : i32
    %dma_start3A_969 = tpu.memref_slice %arg6[%dma_start3A_966, %dma_start3A_968] : memref<8x80xi32, #tpu.memory_space<vmem>> -> memref<1x80xi32, #tpu.memory_space<vmem>>
    %dma_start3A_970 = tpu.memref_squeeze %dma_start3A_969 : memref<1x80xi32, #tpu.memory_space<vmem>> -> memref<80xi32, #tpu.memory_space<vmem>>
    %dma_start3A_971 = tpu.memref_slice %arg3[%dma_start3A_965, %add3A_964] : memref<2x320000xi32, #tpu.memory_space<hbm>> -> memref<1x80xi32, #tpu.memory_space<hbm>>
    %dma_start3A_972 = tpu.memref_squeeze %dma_start3A_971 : memref<1x80xi32, #tpu.memory_space<hbm>> -> memref<80xi32, #tpu.memory_space<hbm>>
    %dma_start3A_973 = tpu.memref_slice %arg11[%dma_start3A_967] : memref<8x!tpu.dma_semaphore, #tpu.memory_space<semaphore_mem>> -> memref<1x!tpu.dma_semaphore, #tpu.memory_space<semaphore_mem>>
    %dma_start3A_974 = tpu.memref_squeeze %dma_start3A_973 : memref<1x!tpu.dma_semaphore, #tpu.memory_space<semaphore_mem>> -> memref<!tpu.dma_semaphore, #tpu.memory_space<semaphore_mem>>
    %dma_start3A_975 = arith.constant 0 : i32
    %dma_start3A_976 = tpu.memref_slice %arg6[%dma_start3A_966, %dma_start3A_975] : memref<8x80xi32, #tpu.memory_space<vmem>> -> memref<1x80xi32, #tpu.memory_space<vmem>>
    %dma_start3A_977 = tpu.memref_squeeze %dma_start3A_976 : memref<1x80xi32, #tpu.memory_space<vmem>> -> memref<80xi32, #tpu.memory_space<vmem>>
    %dma_start3A_978 = tpu.memref_slice %arg3[%dma_start3A_965, %add3A_964] : memref<2x320000xi32, #tpu.memory_space<hbm>> -> memref<1x80xi32, #tpu.memory_space<hbm>>
    %dma_start3A_979 = tpu.memref_squeeze %dma_start3A_978 : memref<1x80xi32, #tpu.memory_space<hbm>> -> memref<80xi32, #tpu.memory_space<hbm>>
    tpu.enqueue_dma source(%dma_start3A_979 : memref<80xi32, #tpu.memory_space<hbm>>) target(%dma_start3A_977 : memref<80xi32, #tpu.memory_space<vmem>>) target_semaphore(%dma_start3A_974 : memref<!tpu.dma_semaphore, #tpu.memory_space<semaphore_mem>>)
    %add3A_980 = arith.constant 560 : i32
    %add3A_981 = arith.addi %mul3A_3, %add3A_980 : i32
    %dma_wait3A_982 = arith.constant 0 : i32
    %dma_wait3A_983 = arith.constant 7 : i32
    %dma_wait3A_984 = arith.constant 7 : i32
    %dma_wait3A_985 = arith.constant 0 : i32
    %dma_wait3A_986 = tpu.memref_slice %arg5[%dma_wait3A_983, %dma_wait3A_985] : memref<8x80xi32, #tpu.memory_space<vmem>> -> memref<1x80xi32, #tpu.memory_space<vmem>>
    %dma_wait3A_987 = tpu.memref_squeeze %dma_wait3A_986 : memref<1x80xi32, #tpu.memory_space<vmem>> -> memref<80xi32, #tpu.memory_space<vmem>>
    %dma_wait3A_988 = tpu.memref_slice %arg3[%dma_wait3A_982, %add3A_981] : memref<2x320000xi32, #tpu.memory_space<hbm>> -> memref<1x80xi32, #tpu.memory_space<hbm>>
    %dma_wait3A_989 = tpu.memref_squeeze %dma_wait3A_988 : memref<1x80xi32, #tpu.memory_space<hbm>> -> memref<80xi32, #tpu.memory_space<hbm>>
    %dma_wait3A_990 = tpu.memref_slice %arg10[%dma_wait3A_984] : memref<8x!tpu.dma_semaphore, #tpu.memory_space<semaphore_mem>> -> memref<1x!tpu.dma_semaphore, #tpu.memory_space<semaphore_mem>>
    %dma_wait3A_991 = tpu.memref_squeeze %dma_wait3A_990 : memref<1x!tpu.dma_semaphore, #tpu.memory_space<semaphore_mem>> -> memref<!tpu.dma_semaphore, #tpu.memory_space<semaphore_mem>>
    %dma_wait3A_992 = arith.constant 0 : i32
    %dma_wait3A_993 = tpu.memref_slice %arg5[%dma_wait3A_983, %dma_wait3A_992] : memref<8x80xi32, #tpu.memory_space<vmem>> -> memref<1x80xi32, #tpu.memory_space<vmem>>
    %dma_wait3A_994 = tpu.memref_squeeze %dma_wait3A_993 : memref<1x80xi32, #tpu.memory_space<vmem>> -> memref<80xi32, #tpu.memory_space<vmem>>
    %dma_wait3A_995 = tpu.memref_slice %arg3[%dma_wait3A_982, %add3A_981] : memref<2x320000xi32, #tpu.memory_space<hbm>> -> memref<1x80xi32, #tpu.memory_space<hbm>>
    %dma_wait3A_996 = tpu.memref_squeeze %dma_wait3A_995 : memref<1x80xi32, #tpu.memory_space<hbm>> -> memref<80xi32, #tpu.memory_space<hbm>>
    tpu.wait_dma2 semaphore(%dma_wait3A_991 : memref<!tpu.dma_semaphore, #tpu.memory_space<semaphore_mem>>) src(%dma_wait3A_996 : memref<80xi32, #tpu.memory_space<hbm>>) dst(%dma_wait3A_994 : memref<80xi32, #tpu.memory_space<vmem>>)
    %add3A_997 = arith.constant 560 : i32
    %add3A_998 = arith.addi %mul3A_3, %add3A_997 : i32
    %dma_wait3A_999 = arith.constant 1 : i32
    %dma_wait3A_1000 = arith.constant 7 : i32
    %dma_wait3A_1001 = arith.constant 7 : i32
    %dma_wait3A_1002 = arith.constant 0 : i32
    %dma_wait3A_1003 = tpu.memref_slice %arg6[%dma_wait3A_1000, %dma_wait3A_1002] : memref<8x80xi32, #tpu.memory_space<vmem>> -> memref<1x80xi32, #tpu.memory_space<vmem>>
    %dma_wait3A_1004 = tpu.memref_squeeze %dma_wait3A_1003 : memref<1x80xi32, #tpu.memory_space<vmem>> -> memref<80xi32, #tpu.memory_space<vmem>>
    %dma_wait3A_1005 = tpu.memref_slice %arg3[%dma_wait3A_999, %add3A_998] : memref<2x320000xi32, #tpu.memory_space<hbm>> -> memref<1x80xi32, #tpu.memory_space<hbm>>
    %dma_wait3A_1006 = tpu.memref_squeeze %dma_wait3A_1005 : memref<1x80xi32, #tpu.memory_space<hbm>> -> memref<80xi32, #tpu.memory_space<hbm>>
    %dma_wait3A_1007 = tpu.memref_slice %arg11[%dma_wait3A_1001] : memref<8x!tpu.dma_semaphore, #tpu.memory_space<semaphore_mem>> -> memref<1x!tpu.dma_semaphore, #tpu.memory_space<semaphore_mem>>
    %dma_wait3A_1008 = tpu.memref_squeeze %dma_wait3A_1007 : memref<1x!tpu.dma_semaphore, #tpu.memory_space<semaphore_mem>> -> memref<!tpu.dma_semaphore, #tpu.memory_space<semaphore_mem>>
    %dma_wait3A_1009 = arith.constant 0 : i32
    %dma_wait3A_1010 = tpu.memref_slice %arg6[%dma_wait3A_1000, %dma_wait3A_1009] : memref<8x80xi32, #tpu.memory_space<vmem>> -> memref<1x80xi32, #tpu.memory_space<vmem>>
    %dma_wait3A_1011 = tpu.memref_squeeze %dma_wait3A_1010 : memref<1x80xi32, #tpu.memory_space<vmem>> -> memref<80xi32, #tpu.memory_space<vmem>>
    %dma_wait3A_1012 = tpu.memref_slice %arg3[%dma_wait3A_999, %add3A_998] : memref<2x320000xi32, #tpu.memory_space<hbm>> -> memref<1x80xi32, #tpu.memory_space<hbm>>
    %dma_wait3A_1013 = tpu.memref_squeeze %dma_wait3A_1012 : memref<1x80xi32, #tpu.memory_space<hbm>> -> memref<80xi32, #tpu.memory_space<hbm>>
    tpu.wait_dma2 semaphore(%dma_wait3A_1008 : memref<!tpu.dma_semaphore, #tpu.memory_space<semaphore_mem>>) src(%dma_wait3A_1013 : memref<80xi32, #tpu.memory_space<hbm>>) dst(%dma_wait3A_1011 : memref<80xi32, #tpu.memory_space<vmem>>)
    %dma_wait3A_1014 = arith.constant 3 : i32
    %dma_wait3A_1015 = arith.constant 3 : i32
    %dma_wait3A_1016 = arith.constant 3 : i32
    %dma_wait3A_1017 = arith.constant 0 : i32
    %dma_wait3A_1018 = arith.constant 0 : i32
    %dma_wait3A_1019 = tpu.memref_slice %arg7[%dma_wait3A_1014, %dma_wait3A_1017, %dma_wait3A_1018] : memref<4x80x128xbf16, #tpu.memory_space<vmem>> -> memref<1x80x128xbf16, #tpu.memory_space<vmem>>
    %dma_wait3A_1020 = tpu.memref_squeeze %dma_wait3A_1019 : memref<1x80x128xbf16, #tpu.memory_space<vmem>> -> memref<80x128xbf16, #tpu.memory_space<vmem>>
    %dma_wait3A_1021 = arith.constant 0 : i32
    %dma_wait3A_1022 = tpu.memref_slice %arg6[%dma_wait3A_1015, %dma_wait3A_1021] : memref<8x80xi32, #tpu.memory_space<vmem>> -> memref<1x80xi32, #tpu.memory_space<vmem>>
    %dma_wait3A_1023 = tpu.memref_squeeze %dma_wait3A_1022 : memref<1x80xi32, #tpu.memory_space<vmem>> -> memref<80xi32, #tpu.memory_space<vmem>>
    %dma_wait3A_1024 = arith.constant 0 : i32
    %dma_wait3A_1025 = arith.constant 0 : i32
    %dma_wait3A_1026 = tpu.memref_slice %arg9[%dma_wait3A_1024, %dma_wait3A_1025] : memref<10000x128xbf16, #tpu.memory_space<vmem_shared>> -> memref<10000x128xbf16, #tpu.memory_space<vmem_shared>>
    %dma_wait3A_1027 = tpu.memref_slice %arg13[%dma_wait3A_1016] : memref<4x!tpu.dma_semaphore, #tpu.memory_space<semaphore_mem>> -> memref<1x!tpu.dma_semaphore, #tpu.memory_space<semaphore_mem>>
    %dma_wait3A_1028 = tpu.memref_squeeze %dma_wait3A_1027 : memref<1x!tpu.dma_semaphore, #tpu.memory_space<semaphore_mem>> -> memref<!tpu.dma_semaphore, #tpu.memory_space<semaphore_mem>>
    tpu.wait_indirect_dma semaphore(%dma_wait3A_1028 : memref<!tpu.dma_semaphore, #tpu.memory_space<semaphore_mem>>) src(%dma_wait3A_1020 : memref<80x128xbf16, #tpu.memory_space<vmem>>) dst(%dma_wait3A_1026 : memref<10000x128xbf16, #tpu.memory_space<vmem_shared>>)
    %dma_start3A_1029 = arith.constant 7 : i32
    %dma_start3A_1030 = arith.constant 3 : i32
    %dma_start3A_1031 = arith.constant 3 : i32
    %dma_start3A_1032 = arith.constant 0 : i32
    %dma_start3A_1033 = arith.constant 0 : i32
    %dma_start3A_1034 = tpu.memref_slice %arg7[%dma_start3A_1030, %dma_start3A_1032, %dma_start3A_1033] : memref<4x80x128xbf16, #tpu.memory_space<vmem>> -> memref<1x80x128xbf16, #tpu.memory_space<vmem>>
    %dma_start3A_1035 = tpu.memref_squeeze %dma_start3A_1034 : memref<1x80x128xbf16, #tpu.memory_space<vmem>> -> memref<80x128xbf16, #tpu.memory_space<vmem>>
    %dma_start3A_1036 = arith.constant 0 : i32
    %dma_start3A_1037 = tpu.memref_slice %arg5[%dma_start3A_1029, %dma_start3A_1036] : memref<8x80xi32, #tpu.memory_space<vmem>> -> memref<1x80xi32, #tpu.memory_space<vmem>>
    %dma_start3A_1038 = tpu.memref_squeeze %dma_start3A_1037 : memref<1x80xi32, #tpu.memory_space<vmem>> -> memref<80xi32, #tpu.memory_space<vmem>>
    %dma_start3A_1039 = arith.constant 0 : i32
    %dma_start3A_1040 = arith.constant 0 : i32
    %dma_start3A_1041 = tpu.memref_slice %arg2[%dma_start3A_1039, %dma_start3A_1040] : memref<10000x128xbf16, #tpu.memory_space<hbm>> -> memref<10000x128xbf16, #tpu.memory_space<hbm>>
    %dma_start3A_1042 = tpu.memref_slice %arg12[%dma_start3A_1031] : memref<4x!tpu.dma_semaphore, #tpu.memory_space<semaphore_mem>> -> memref<1x!tpu.dma_semaphore, #tpu.memory_space<semaphore_mem>>
    %dma_start3A_1043 = tpu.memref_squeeze %dma_start3A_1042 : memref<1x!tpu.dma_semaphore, #tpu.memory_space<semaphore_mem>> -> memref<!tpu.dma_semaphore, #tpu.memory_space<semaphore_mem>>
    tpu.enqueue_indirect_dma source(%dma_start3A_1041 : memref<10000x128xbf16, #tpu.memory_space<hbm>>) target(%dma_start3A_1035 : memref<80x128xbf16, #tpu.memory_space<vmem>>) offsets(%dma_start3A_1038 : memref<80xi32, #tpu.memory_space<vmem>>) semaphore(%dma_start3A_1043 : memref<!tpu.dma_semaphore, #tpu.memory_space<semaphore_mem>>)
    %dma_wait3A_1044 = arith.constant 6 : i32
    %dma_wait3A_1045 = arith.constant 2 : i32
    %dma_wait3A_1046 = arith.constant 2 : i32
    %dma_wait3A_1047 = arith.constant 0 : i32
    %dma_wait3A_1048 = arith.constant 0 : i32
    %dma_wait3A_1049 = tpu.memref_slice %arg7[%dma_wait3A_1045, %dma_wait3A_1047, %dma_wait3A_1048] : memref<4x80x128xbf16, #tpu.memory_space<vmem>> -> memref<1x80x128xbf16, #tpu.memory_space<vmem>>
    %dma_wait3A_1050 = tpu.memref_squeeze %dma_wait3A_1049 : memref<1x80x128xbf16, #tpu.memory_space<vmem>> -> memref<80x128xbf16, #tpu.memory_space<vmem>>
    %dma_wait3A_1051 = arith.constant 0 : i32
    %dma_wait3A_1052 = tpu.memref_slice %arg5[%dma_wait3A_1044, %dma_wait3A_1051] : memref<8x80xi32, #tpu.memory_space<vmem>> -> memref<1x80xi32, #tpu.memory_space<vmem>>
    %dma_wait3A_1053 = tpu.memref_squeeze %dma_wait3A_1052 : memref<1x80xi32, #tpu.memory_space<vmem>> -> memref<80xi32, #tpu.memory_space<vmem>>
    %dma_wait3A_1054 = arith.constant 0 : i32
    %dma_wait3A_1055 = arith.constant 0 : i32
    %dma_wait3A_1056 = tpu.memref_slice %arg2[%dma_wait3A_1054, %dma_wait3A_1055] : memref<10000x128xbf16, #tpu.memory_space<hbm>> -> memref<10000x128xbf16, #tpu.memory_space<hbm>>
    %dma_wait3A_1057 = tpu.memref_slice %arg12[%dma_wait3A_1046] : memref<4x!tpu.dma_semaphore, #tpu.memory_space<semaphore_mem>> -> memref<1x!tpu.dma_semaphore, #tpu.memory_space<semaphore_mem>>
    %dma_wait3A_1058 = tpu.memref_squeeze %dma_wait3A_1057 : memref<1x!tpu.dma_semaphore, #tpu.memory_space<semaphore_mem>> -> memref<!tpu.dma_semaphore, #tpu.memory_space<semaphore_mem>>
    tpu.wait_indirect_dma semaphore(%dma_wait3A_1058 : memref<!tpu.dma_semaphore, #tpu.memory_space<semaphore_mem>>) src(%dma_wait3A_1056 : memref<10000x128xbf16, #tpu.memory_space<hbm>>) dst(%dma_wait3A_1050 : memref<80x128xbf16, #tpu.memory_space<vmem>>)
    %dma_start3A_1059 = arith.constant 2 : i32
    %dma_start3A_1060 = arith.constant 6 : i32
    %dma_start3A_1061 = arith.constant 2 : i32
    %dma_start3A_1062 = arith.constant 0 : i32
    %dma_start3A_1063 = arith.constant 0 : i32
    %dma_start3A_1064 = tpu.memref_slice %arg7[%dma_start3A_1059, %dma_start3A_1062, %dma_start3A_1063] : memref<4x80x128xbf16, #tpu.memory_space<vmem>> -> memref<1x80x128xbf16, #tpu.memory_space<vmem>>
    %dma_start3A_1065 = tpu.memref_squeeze %dma_start3A_1064 : memref<1x80x128xbf16, #tpu.memory_space<vmem>> -> memref<80x128xbf16, #tpu.memory_space<vmem>>
    %dma_start3A_1066 = arith.constant 0 : i32
    %dma_start3A_1067 = tpu.memref_slice %arg6[%dma_start3A_1060, %dma_start3A_1066] : memref<8x80xi32, #tpu.memory_space<vmem>> -> memref<1x80xi32, #tpu.memory_space<vmem>>
    %dma_start3A_1068 = tpu.memref_squeeze %dma_start3A_1067 : memref<1x80xi32, #tpu.memory_space<vmem>> -> memref<80xi32, #tpu.memory_space<vmem>>
    %dma_start3A_1069 = arith.constant 0 : i32
    %dma_start3A_1070 = arith.constant 0 : i32
    %dma_start3A_1071 = tpu.memref_slice %arg9[%dma_start3A_1069, %dma_start3A_1070] : memref<10000x128xbf16, #tpu.memory_space<vmem_shared>> -> memref<10000x128xbf16, #tpu.memory_space<vmem_shared>>
    %dma_start3A_1072 = tpu.memref_slice %arg13[%dma_start3A_1061] : memref<4x!tpu.dma_semaphore, #tpu.memory_space<semaphore_mem>> -> memref<1x!tpu.dma_semaphore, #tpu.memory_space<semaphore_mem>>
    %dma_start3A_1073 = tpu.memref_squeeze %dma_start3A_1072 : memref<1x!tpu.dma_semaphore, #tpu.memory_space<semaphore_mem>> -> memref<!tpu.dma_semaphore, #tpu.memory_space<semaphore_mem>>
    tpu.enqueue_indirect_dma source(%dma_start3A_1065 : memref<80x128xbf16, #tpu.memory_space<vmem>>) target(%dma_start3A_1071 : memref<10000x128xbf16, #tpu.memory_space<vmem_shared>>) offsets(%dma_start3A_1068 : memref<80xi32, #tpu.memory_space<vmem>>) semaphore(%dma_start3A_1073 : memref<!tpu.dma_semaphore, #tpu.memory_space<semaphore_mem>>) {add = true}
    %add3A_1074 = arith.constant 880 : i32
    %add3A_1075 = arith.addi %mul3A_3, %add3A_1074 : i32
    %dma_start3A_1076 = arith.constant 0 : i32
    %dma_start3A_1077 = arith.constant 3 : i32
    %dma_start3A_1078 = arith.constant 3 : i32
    %dma_start3A_1079 = arith.constant 0 : i32
    %dma_start3A_1080 = tpu.memref_slice %arg5[%dma_start3A_1077, %dma_start3A_1079] : memref<8x80xi32, #tpu.memory_space<vmem>> -> memref<1x80xi32, #tpu.memory_space<vmem>>
    %dma_start3A_1081 = tpu.memref_squeeze %dma_start3A_1080 : memref<1x80xi32, #tpu.memory_space<vmem>> -> memref<80xi32, #tpu.memory_space<vmem>>
    %dma_start3A_1082 = tpu.memref_slice %arg3[%dma_start3A_1076, %add3A_1075] : memref<2x320000xi32, #tpu.memory_space<hbm>> -> memref<1x80xi32, #tpu.memory_space<hbm>>
    %dma_start3A_1083 = tpu.memref_squeeze %dma_start3A_1082 : memref<1x80xi32, #tpu.memory_space<hbm>> -> memref<80xi32, #tpu.memory_space<hbm>>
    %dma_start3A_1084 = tpu.memref_slice %arg10[%dma_start3A_1078] : memref<8x!tpu.dma_semaphore, #tpu.memory_space<semaphore_mem>> -> memref<1x!tpu.dma_semaphore, #tpu.memory_space<semaphore_mem>>
    %dma_start3A_1085 = tpu.memref_squeeze %dma_start3A_1084 : memref<1x!tpu.dma_semaphore, #tpu.memory_space<semaphore_mem>> -> memref<!tpu.dma_semaphore, #tpu.memory_space<semaphore_mem>>
    %dma_start3A_1086 = arith.constant 0 : i32
    %dma_start3A_1087 = tpu.memref_slice %arg5[%dma_start3A_1077, %dma_start3A_1086] : memref<8x80xi32, #tpu.memory_space<vmem>> -> memref<1x80xi32, #tpu.memory_space<vmem>>
    %dma_start3A_1088 = tpu.memref_squeeze %dma_start3A_1087 : memref<1x80xi32, #tpu.memory_space<vmem>> -> memref<80xi32, #tpu.memory_space<vmem>>
    %dma_start3A_1089 = tpu.memref_slice %arg3[%dma_start3A_1076, %add3A_1075] : memref<2x320000xi32, #tpu.memory_space<hbm>> -> memref<1x80xi32, #tpu.memory_space<hbm>>
    %dma_start3A_1090 = tpu.memref_squeeze %dma_start3A_1089 : memref<1x80xi32, #tpu.memory_space<hbm>> -> memref<80xi32, #tpu.memory_space<hbm>>
    tpu.enqueue_dma source(%dma_start3A_1090 : memref<80xi32, #tpu.memory_space<hbm>>) target(%dma_start3A_1088 : memref<80xi32, #tpu.memory_space<vmem>>) target_semaphore(%dma_start3A_1085 : memref<!tpu.dma_semaphore, #tpu.memory_space<semaphore_mem>>)
    %add3A_1091 = arith.constant 880 : i32
    %add3A_1092 = arith.addi %mul3A_3, %add3A_1091 : i32
    %dma_start3A_1093 = arith.constant 1 : i32
    %dma_start3A_1094 = arith.constant 3 : i32
    %dma_start3A_1095 = arith.constant 3 : i32
    %dma_start3A_1096 = arith.constant 0 : i32
    %dma_start3A_1097 = tpu.memref_slice %arg6[%dma_start3A_1094, %dma_start3A_1096] : memref<8x80xi32, #tpu.memory_space<vmem>> -> memref<1x80xi32, #tpu.memory_space<vmem>>
    %dma_start3A_1098 = tpu.memref_squeeze %dma_start3A_1097 : memref<1x80xi32, #tpu.memory_space<vmem>> -> memref<80xi32, #tpu.memory_space<vmem>>
    %dma_start3A_1099 = tpu.memref_slice %arg3[%dma_start3A_1093, %add3A_1092] : memref<2x320000xi32, #tpu.memory_space<hbm>> -> memref<1x80xi32, #tpu.memory_space<hbm>>
    %dma_start3A_1100 = tpu.memref_squeeze %dma_start3A_1099 : memref<1x80xi32, #tpu.memory_space<hbm>> -> memref<80xi32, #tpu.memory_space<hbm>>
    %dma_start3A_1101 = tpu.memref_slice %arg11[%dma_start3A_1095] : memref<8x!tpu.dma_semaphore, #tpu.memory_space<semaphore_mem>> -> memref<1x!tpu.dma_semaphore, #tpu.memory_space<semaphore_mem>>
    %dma_start3A_1102 = tpu.memref_squeeze %dma_start3A_1101 : memref<1x!tpu.dma_semaphore, #tpu.memory_space<semaphore_mem>> -> memref<!tpu.dma_semaphore, #tpu.memory_space<semaphore_mem>>
    %dma_start3A_1103 = arith.constant 0 : i32
    %dma_start3A_1104 = tpu.memref_slice %arg6[%dma_start3A_1094, %dma_start3A_1103] : memref<8x80xi32, #tpu.memory_space<vmem>> -> memref<1x80xi32, #tpu.memory_space<vmem>>
    %dma_start3A_1105 = tpu.memref_squeeze %dma_start3A_1104 : memref<1x80xi32, #tpu.memory_space<vmem>> -> memref<80xi32, #tpu.memory_space<vmem>>
    %dma_start3A_1106 = tpu.memref_slice %arg3[%dma_start3A_1093, %add3A_1092] : memref<2x320000xi32, #tpu.memory_space<hbm>> -> memref<1x80xi32, #tpu.memory_space<hbm>>
    %dma_start3A_1107 = tpu.memref_squeeze %dma_start3A_1106 : memref<1x80xi32, #tpu.memory_space<hbm>> -> memref<80xi32, #tpu.memory_space<hbm>>
    tpu.enqueue_dma source(%dma_start3A_1107 : memref<80xi32, #tpu.memory_space<hbm>>) target(%dma_start3A_1105 : memref<80xi32, #tpu.memory_space<vmem>>) target_semaphore(%dma_start3A_1102 : memref<!tpu.dma_semaphore, #tpu.memory_space<semaphore_mem>>)
    %scan3A_1108 = arith.constant 0 : i32
    %scan3A_1109 = arith.constant 1 : i32
    %scan3A_1110 = arith.constant 14 : i32
    %scan3A_1111 = arith.addi %scan3A_1109, %scan3A_1110 : i32
    %scan3A_1112 = arith.constant 1 : i32
    scf.for %scan3A_1716 = %scan3A_1109 to %scan3A_1111 step %scan3A_1112  : i32 {
      %mul3A_1717 = arith.constant 8 : i32
      %mul3A_1718 = arith.muli %scan3A_1716, %mul3A_1717 : i32
      %add3A_1719 = arith.constant 0 : i32
      %add3A_1720 = arith.addi %mul3A_1718, %add3A_1719 : i32
      %mul3A_1721 = arith.constant 80 : i32
      %mul3A_1722 = arith.muli %add3A_1720, %mul3A_1721 : i32
      %add3A_1723 = arith.addi %mul3A_3, %mul3A_1722 : i32
      %dma_wait3A_1724 = arith.constant 0 : i32
      %dma_wait3A_1725 = arith.constant 0 : i32
      %dma_wait3A_1726 = arith.constant 0 : i32
      %dma_wait3A_1727 = arith.constant 0 : i32
      %dma_wait3A_1728 = tpu.memref_slice %arg5[%dma_wait3A_1725, %dma_wait3A_1727] : memref<8x80xi32, #tpu.memory_space<vmem>> -> memref<1x80xi32, #tpu.memory_space<vmem>>
      %dma_wait3A_1729 = tpu.memref_squeeze %dma_wait3A_1728 : memref<1x80xi32, #tpu.memory_space<vmem>> -> memref<80xi32, #tpu.memory_space<vmem>>
      %dma_wait3A_1730 = tpu.memref_slice %arg3[%dma_wait3A_1724, %add3A_1723] : memref<2x320000xi32, #tpu.memory_space<hbm>> -> memref<1x80xi32, #tpu.memory_space<hbm>>
      %dma_wait3A_1731 = tpu.memref_squeeze %dma_wait3A_1730 : memref<1x80xi32, #tpu.memory_space<hbm>> -> memref<80xi32, #tpu.memory_space<hbm>>
      %dma_wait3A_1732 = tpu.memref_slice %arg10[%dma_wait3A_1726] : memref<8x!tpu.dma_semaphore, #tpu.memory_space<semaphore_mem>> -> memref<1x!tpu.dma_semaphore, #tpu.memory_space<semaphore_mem>>
      %dma_wait3A_1733 = tpu.memref_squeeze %dma_wait3A_1732 : memref<1x!tpu.dma_semaphore, #tpu.memory_space<semaphore_mem>> -> memref<!tpu.dma_semaphore, #tpu.memory_space<semaphore_mem>>
      %dma_wait3A_1734 = arith.constant 0 : i32
      %dma_wait3A_1735 = tpu.memref_slice %arg5[%dma_wait3A_1725, %dma_wait3A_1734] : memref<8x80xi32, #tpu.memory_space<vmem>> -> memref<1x80xi32, #tpu.memory_space<vmem>>
      %dma_wait3A_1736 = tpu.memref_squeeze %dma_wait3A_1735 : memref<1x80xi32, #tpu.memory_space<vmem>> -> memref<80xi32, #tpu.memory_space<vmem>>
      %dma_wait3A_1737 = tpu.memref_slice %arg3[%dma_wait3A_1724, %add3A_1723] : memref<2x320000xi32, #tpu.memory_space<hbm>> -> memref<1x80xi32, #tpu.memory_space<hbm>>
      %dma_wait3A_1738 = tpu.memref_squeeze %dma_wait3A_1737 : memref<1x80xi32, #tpu.memory_space<hbm>> -> memref<80xi32, #tpu.memory_space<hbm>>
      tpu.wait_dma2 semaphore(%dma_wait3A_1733 : memref<!tpu.dma_semaphore, #tpu.memory_space<semaphore_mem>>) src(%dma_wait3A_1738 : memref<80xi32, #tpu.memory_space<hbm>>) dst(%dma_wait3A_1736 : memref<80xi32, #tpu.memory_space<vmem>>)
      %mul3A_1739 = arith.constant 80 : i32
      %mul3A_1740 = arith.muli %add3A_1720, %mul3A_1739 : i32
      %add3A_1741 = arith.addi %mul3A_3, %mul3A_1740 : i32
      %dma_wait3A_1742 = arith.constant 1 : i32
      %dma_wait3A_1743 = arith.constant 0 : i32
      %dma_wait3A_1744 = arith.constant 0 : i32
      %dma_wait3A_1745 = arith.constant 0 : i32
      %dma_wait3A_1746 = tpu.memref_slice %arg6[%dma_wait3A_1743, %dma_wait3A_1745] : memref<8x80xi32, #tpu.memory_space<vmem>> -> memref<1x80xi32, #tpu.memory_space<vmem>>
      %dma_wait3A_1747 = tpu.memref_squeeze %dma_wait3A_1746 : memref<1x80xi32, #tpu.memory_space<vmem>> -> memref<80xi32, #tpu.memory_space<vmem>>
      %dma_wait3A_1748 = tpu.memref_slice %arg3[%dma_wait3A_1742, %add3A_1741] : memref<2x320000xi32, #tpu.memory_space<hbm>> -> memref<1x80xi32, #tpu.memory_space<hbm>>
      %dma_wait3A_1749 = tpu.memref_squeeze %dma_wait3A_1748 : memref<1x80xi32, #tpu.memory_space<hbm>> -> memref<80xi32, #tpu.memory_space<hbm>>
      %dma_wait3A_1750 = tpu.memref_slice %arg11[%dma_wait3A_1744] : memref<8x!tpu.dma_semaphore, #tpu.memory_space<semaphore_mem>> -> memref<1x!tpu.dma_semaphore, #tpu.memory_space<semaphore_mem>>
      %dma_wait3A_1751 = tpu.memref_squeeze %dma_wait3A_1750 : memref<1x!tpu.dma_semaphore, #tpu.memory_space<semaphore_mem>> -> memref<!tpu.dma_semaphore, #tpu.memory_space<semaphore_mem>>
      %dma_wait3A_1752 = arith.constant 0 : i32
      %dma_wait3A_1753 = tpu.memref_slice %arg6[%dma_wait3A_1743, %dma_wait3A_1752] : memref<8x80xi32, #tpu.memory_space<vmem>> -> memref<1x80xi32, #tpu.memory_space<vmem>>
      %dma_wait3A_1754 = tpu.memref_squeeze %dma_wait3A_1753 : memref<1x80xi32, #tpu.memory_space<vmem>> -> memref<80xi32, #tpu.memory_space<vmem>>
      %dma_wait3A_1755 = tpu.memref_slice %arg3[%dma_wait3A_1742, %add3A_1741] : memref<2x320000xi32, #tpu.memory_space<hbm>> -> memref<1x80xi32, #tpu.memory_space<hbm>>
      %dma_wait3A_1756 = tpu.memref_squeeze %dma_wait3A_1755 : memref<1x80xi32, #tpu.memory_space<hbm>> -> memref<80xi32, #tpu.memory_space<hbm>>
      tpu.wait_dma2 semaphore(%dma_wait3A_1751 : memref<!tpu.dma_semaphore, #tpu.memory_space<semaphore_mem>>) src(%dma_wait3A_1756 : memref<80xi32, #tpu.memory_space<hbm>>) dst(%dma_wait3A_1754 : memref<80xi32, #tpu.memory_space<vmem>>)
      %dma_wait3A_1757 = arith.constant 0 : i32
      %dma_wait3A_1758 = arith.constant 4 : i32
      %dma_wait3A_1759 = arith.constant 0 : i32
      %dma_wait3A_1760 = arith.constant 0 : i32
      %dma_wait3A_1761 = arith.constant 0 : i32
      %dma_wait3A_1762 = tpu.memref_slice %arg7[%dma_wait3A_1757, %dma_wait3A_1760, %dma_wait3A_1761] : memref<4x80x128xbf16, #tpu.memory_space<vmem>> -> memref<1x80x128xbf16, #tpu.memory_space<vmem>>
      %dma_wait3A_1763 = tpu.memref_squeeze %dma_wait3A_1762 : memref<1x80x128xbf16, #tpu.memory_space<vmem>> -> memref<80x128xbf16, #tpu.memory_space<vmem>>
      %dma_wait3A_1764 = arith.constant 0 : i32
      %dma_wait3A_1765 = tpu.memref_slice %arg6[%dma_wait3A_1758, %dma_wait3A_1764] : memref<8x80xi32, #tpu.memory_space<vmem>> -> memref<1x80xi32, #tpu.memory_space<vmem>>
      %dma_wait3A_1766 = tpu.memref_squeeze %dma_wait3A_1765 : memref<1x80xi32, #tpu.memory_space<vmem>> -> memref<80xi32, #tpu.memory_space<vmem>>
      %dma_wait3A_1767 = arith.constant 0 : i32
      %dma_wait3A_1768 = arith.constant 0 : i32
      %dma_wait3A_1769 = tpu.memref_slice %arg9[%dma_wait3A_1767, %dma_wait3A_1768] : memref<10000x128xbf16, #tpu.memory_space<vmem_shared>> -> memref<10000x128xbf16, #tpu.memory_space<vmem_shared>>
      %dma_wait3A_1770 = tpu.memref_slice %arg13[%dma_wait3A_1759] : memref<4x!tpu.dma_semaphore, #tpu.memory_space<semaphore_mem>> -> memref<1x!tpu.dma_semaphore, #tpu.memory_space<semaphore_mem>>
      %dma_wait3A_1771 = tpu.memref_squeeze %dma_wait3A_1770 : memref<1x!tpu.dma_semaphore, #tpu.memory_space<semaphore_mem>> -> memref<!tpu.dma_semaphore, #tpu.memory_space<semaphore_mem>>
      tpu.wait_indirect_dma semaphore(%dma_wait3A_1771 : memref<!tpu.dma_semaphore, #tpu.memory_space<semaphore_mem>>) src(%dma_wait3A_1763 : memref<80x128xbf16, #tpu.memory_space<vmem>>) dst(%dma_wait3A_1769 : memref<10000x128xbf16, #tpu.memory_space<vmem_shared>>)
      %dma_start3A_1772 = arith.constant 0 : i32
      %dma_start3A_1773 = arith.constant 0 : i32
      %dma_start3A_1774 = arith.constant 0 : i32
      %dma_start3A_1775 = arith.constant 0 : i32
      %dma_start3A_1776 = arith.constant 0 : i32
      %dma_start3A_1777 = tpu.memref_slice %arg7[%dma_start3A_1773, %dma_start3A_1775, %dma_start3A_1776] : memref<4x80x128xbf16, #tpu.memory_space<vmem>> -> memref<1x80x128xbf16, #tpu.memory_space<vmem>>
      %dma_start3A_1778 = tpu.memref_squeeze %dma_start3A_1777 : memref<1x80x128xbf16, #tpu.memory_space<vmem>> -> memref<80x128xbf16, #tpu.memory_space<vmem>>
      %dma_start3A_1779 = arith.constant 0 : i32
      %dma_start3A_1780 = tpu.memref_slice %arg5[%dma_start3A_1772, %dma_start3A_1779] : memref<8x80xi32, #tpu.memory_space<vmem>> -> memref<1x80xi32, #tpu.memory_space<vmem>>
      %dma_start3A_1781 = tpu.memref_squeeze %dma_start3A_1780 : memref<1x80xi32, #tpu.memory_space<vmem>> -> memref<80xi32, #tpu.memory_space<vmem>>
      %dma_start3A_1782 = arith.constant 0 : i32
      %dma_start3A_1783 = arith.constant 0 : i32
      %dma_start3A_1784 = tpu.memref_slice %arg2[%dma_start3A_1782, %dma_start3A_1783] : memref<10000x128xbf16, #tpu.memory_space<hbm>> -> memref<10000x128xbf16, #tpu.memory_space<hbm>>
      %dma_start3A_1785 = tpu.memref_slice %arg12[%dma_start3A_1774] : memref<4x!tpu.dma_semaphore, #tpu.memory_space<semaphore_mem>> -> memref<1x!tpu.dma_semaphore, #tpu.memory_space<semaphore_mem>>
      %dma_start3A_1786 = tpu.memref_squeeze %dma_start3A_1785 : memref<1x!tpu.dma_semaphore, #tpu.memory_space<semaphore_mem>> -> memref<!tpu.dma_semaphore, #tpu.memory_space<semaphore_mem>>
      tpu.enqueue_indirect_dma source(%dma_start3A_1784 : memref<10000x128xbf16, #tpu.memory_space<hbm>>) target(%dma_start3A_1778 : memref<80x128xbf16, #tpu.memory_space<vmem>>) offsets(%dma_start3A_1781 : memref<80xi32, #tpu.memory_space<vmem>>) semaphore(%dma_start3A_1786 : memref<!tpu.dma_semaphore, #tpu.memory_space<semaphore_mem>>)
      %dma_wait3A_1787 = arith.constant 7 : i32
      %dma_wait3A_1788 = arith.constant 3 : i32
      %dma_wait3A_1789 = arith.constant 3 : i32
      %dma_wait3A_1790 = arith.constant 0 : i32
      %dma_wait3A_1791 = arith.constant 0 : i32
      %dma_wait3A_1792 = tpu.memref_slice %arg7[%dma_wait3A_1788, %dma_wait3A_1790, %dma_wait3A_1791] : memref<4x80x128xbf16, #tpu.memory_space<vmem>> -> memref<1x80x128xbf16, #tpu.memory_space<vmem>>
      %dma_wait3A_1793 = tpu.memref_squeeze %dma_wait3A_1792 : memref<1x80x128xbf16, #tpu.memory_space<vmem>> -> memref<80x128xbf16, #tpu.memory_space<vmem>>
      %dma_wait3A_1794 = arith.constant 0 : i32
      %dma_wait3A_1795 = tpu.memref_slice %arg5[%dma_wait3A_1787, %dma_wait3A_1794] : memref<8x80xi32, #tpu.memory_space<vmem>> -> memref<1x80xi32, #tpu.memory_space<vmem>>
      %dma_wait3A_1796 = tpu.memref_squeeze %dma_wait3A_1795 : memref<1x80xi32, #tpu.memory_space<vmem>> -> memref<80xi32, #tpu.memory_space<vmem>>
      %dma_wait3A_1797 = arith.constant 0 : i32
      %dma_wait3A_1798 = arith.constant 0 : i32
      %dma_wait3A_1799 = tpu.memref_slice %arg2[%dma_wait3A_1797, %dma_wait3A_1798] : memref<10000x128xbf16, #tpu.memory_space<hbm>> -> memref<10000x128xbf16, #tpu.memory_space<hbm>>
      %dma_wait3A_1800 = tpu.memref_slice %arg12[%dma_wait3A_1789] : memref<4x!tpu.dma_semaphore, #tpu.memory_space<semaphore_mem>> -> memref<1x!tpu.dma_semaphore, #tpu.memory_space<semaphore_mem>>
      %dma_wait3A_1801 = tpu.memref_squeeze %dma_wait3A_1800 : memref<1x!tpu.dma_semaphore, #tpu.memory_space<semaphore_mem>> -> memref<!tpu.dma_semaphore, #tpu.memory_space<semaphore_mem>>
      tpu.wait_indirect_dma semaphore(%dma_wait3A_1801 : memref<!tpu.dma_semaphore, #tpu.memory_space<semaphore_mem>>) src(%dma_wait3A_1799 : memref<10000x128xbf16, #tpu.memory_space<hbm>>) dst(%dma_wait3A_1793 : memref<80x128xbf16, #tpu.memory_space<vmem>>)
      %dma_start3A_1802 = arith.constant 3 : i32
      %dma_start3A_1803 = arith.constant 7 : i32
      %dma_start3A_1804 = arith.constant 3 : i32
      %dma_start3A_1805 = arith.constant 0 : i32
      %dma_start3A_1806 = arith.constant 0 : i32
      %dma_start3A_1807 = tpu.memref_slice %arg7[%dma_start3A_1802, %dma_start3A_1805, %dma_start3A_1806] : memref<4x80x128xbf16, #tpu.memory_space<vmem>> -> memref<1x80x128xbf16, #tpu.memory_space<vmem>>
      %dma_start3A_1808 = tpu.memref_squeeze %dma_start3A_1807 : memref<1x80x128xbf16, #tpu.memory_space<vmem>> -> memref<80x128xbf16, #tpu.memory_space<vmem>>
      %dma_start3A_1809 = arith.constant 0 : i32
      %dma_start3A_1810 = tpu.memref_slice %arg6[%dma_start3A_1803, %dma_start3A_1809] : memref<8x80xi32, #tpu.memory_space<vmem>> -> memref<1x80xi32, #tpu.memory_space<vmem>>
      %dma_start3A_1811 = tpu.memref_squeeze %dma_start3A_1810 : memref<1x80xi32, #tpu.memory_space<vmem>> -> memref<80xi32, #tpu.memory_space<vmem>>
      %dma_start3A_1812 = arith.constant 0 : i32
      %dma_start3A_1813 = arith.constant 0 : i32
      %dma_start3A_1814 = tpu.memref_slice %arg9[%dma_start3A_1812, %dma_start3A_1813] : memref<10000x128xbf16, #tpu.memory_space<vmem_shared>> -> memref<10000x128xbf16, #tpu.memory_space<vmem_shared>>
      %dma_start3A_1815 = tpu.memref_slice %arg13[%dma_start3A_1804] : memref<4x!tpu.dma_semaphore, #tpu.memory_space<semaphore_mem>> -> memref<1x!tpu.dma_semaphore, #tpu.memory_space<semaphore_mem>>
      %dma_start3A_1816 = tpu.memref_squeeze %dma_start3A_1815 : memref<1x!tpu.dma_semaphore, #tpu.memory_space<semaphore_mem>> -> memref<!tpu.dma_semaphore, #tpu.memory_space<semaphore_mem>>
      tpu.enqueue_indirect_dma source(%dma_start3A_1808 : memref<80x128xbf16, #tpu.memory_space<vmem>>) target(%dma_start3A_1814 : memref<10000x128xbf16, #tpu.memory_space<vmem_shared>>) offsets(%dma_start3A_1811 : memref<80xi32, #tpu.memory_space<vmem>>) semaphore(%dma_start3A_1816 : memref<!tpu.dma_semaphore, #tpu.memory_space<semaphore_mem>>) {add = true}
      %add3A_1817 = arith.constant 4 : i32
      %add3A_1818 = arith.addi %add3A_1720, %add3A_1817 : i32
      %lt3A_1819 = arith.constant 125 : i32
      %lt3A_1820 = arith.cmpi slt, %add3A_1818, %lt3A_1819 : i32
      %convert_element_type3A_1821 = arith.extui %lt3A_1820 : i1 to i32
      %cond3A_1822 = arith.constant 0 : i32
      %cond3A_1823 = arith.cmpi ne, %convert_element_type3A_1821, %cond3A_1822 : i32
      scf.if %cond3A_1823 {
        %add3A_2559 = arith.constant 4 : i32
        %add3A_2560 = arith.addi %add3A_1720, %add3A_2559 : i32
        %mul3A_2561 = arith.constant 80 : i32
        %mul3A_2562 = arith.muli %add3A_2560, %mul3A_2561 : i32
        %add3A_2563 = arith.addi %mul3A_3, %mul3A_2562 : i32
        %dma_start3A_2564 = arith.constant 0 : i32
        %dma_start3A_2565 = arith.constant 4 : i32
        %dma_start3A_2566 = arith.constant 4 : i32
        %dma_start3A_2567 = arith.constant 0 : i32
        %dma_start3A_2568 = tpu.memref_slice %arg5[%dma_start3A_2565, %dma_start3A_2567] : memref<8x80xi32, #tpu.memory_space<vmem>> -> memref<1x80xi32, #tpu.memory_space<vmem>>
        %dma_start3A_2569 = tpu.memref_squeeze %dma_start3A_2568 : memref<1x80xi32, #tpu.memory_space<vmem>> -> memref<80xi32, #tpu.memory_space<vmem>>
        %dma_start3A_2570 = tpu.memref_slice %arg3[%dma_start3A_2564, %add3A_2563] : memref<2x320000xi32, #tpu.memory_space<hbm>> -> memref<1x80xi32, #tpu.memory_space<hbm>>
        %dma_start3A_2571 = tpu.memref_squeeze %dma_start3A_2570 : memref<1x80xi32, #tpu.memory_space<hbm>> -> memref<80xi32, #tpu.memory_space<hbm>>
        %dma_start3A_2572 = tpu.memref_slice %arg10[%dma_start3A_2566] : memref<8x!tpu.dma_semaphore, #tpu.memory_space<semaphore_mem>> -> memref<1x!tpu.dma_semaphore, #tpu.memory_space<semaphore_mem>>
        %dma_start3A_2573 = tpu.memref_squeeze %dma_start3A_2572 : memref<1x!tpu.dma_semaphore, #tpu.memory_space<semaphore_mem>> -> memref<!tpu.dma_semaphore, #tpu.memory_space<semaphore_mem>>
        %dma_start3A_2574 = arith.constant 0 : i32
        %dma_start3A_2575 = tpu.memref_slice %arg5[%dma_start3A_2565, %dma_start3A_2574] : memref<8x80xi32, #tpu.memory_space<vmem>> -> memref<1x80xi32, #tpu.memory_space<vmem>>
        %dma_start3A_2576 = tpu.memref_squeeze %dma_start3A_2575 : memref<1x80xi32, #tpu.memory_space<vmem>> -> memref<80xi32, #tpu.memory_space<vmem>>
        %dma_start3A_2577 = tpu.memref_slice %arg3[%dma_start3A_2564, %add3A_2563] : memref<2x320000xi32, #tpu.memory_space<hbm>> -> memref<1x80xi32, #tpu.memory_space<hbm>>
        %dma_start3A_2578 = tpu.memref_squeeze %dma_start3A_2577 : memref<1x80xi32, #tpu.memory_space<hbm>> -> memref<80xi32, #tpu.memory_space<hbm>>
        tpu.enqueue_dma source(%dma_start3A_2578 : memref<80xi32, #tpu.memory_space<hbm>>) target(%dma_start3A_2576 : memref<80xi32, #tpu.memory_space<vmem>>) target_semaphore(%dma_start3A_2573 : memref<!tpu.dma_semaphore, #tpu.memory_space<semaphore_mem>>)
        %mul3A_2579 = arith.constant 80 : i32
        %mul3A_2580 = arith.muli %add3A_2560, %mul3A_2579 : i32
        %add3A_2581 = arith.addi %mul3A_3, %mul3A_2580 : i32
        %dma_start3A_2582 = arith.constant 1 : i32
        %dma_start3A_2583 = arith.constant 4 : i32
        %dma_start3A_2584 = arith.constant 4 : i32
        %dma_start3A_2585 = arith.constant 0 : i32
        %dma_start3A_2586 = tpu.memref_slice %arg6[%dma_start3A_2583, %dma_start3A_2585] : memref<8x80xi32, #tpu.memory_space<vmem>> -> memref<1x80xi32, #tpu.memory_space<vmem>>
        %dma_start3A_2587 = tpu.memref_squeeze %dma_start3A_2586 : memref<1x80xi32, #tpu.memory_space<vmem>> -> memref<80xi32, #tpu.memory_space<vmem>>
        %dma_start3A_2588 = tpu.memref_slice %arg3[%dma_start3A_2582, %add3A_2581] : memref<2x320000xi32, #tpu.memory_space<hbm>> -> memref<1x80xi32, #tpu.memory_space<hbm>>
        %dma_start3A_2589 = tpu.memref_squeeze %dma_start3A_2588 : memref<1x80xi32, #tpu.memory_space<hbm>> -> memref<80xi32, #tpu.memory_space<hbm>>
        %dma_start3A_2590 = tpu.memref_slice %arg11[%dma_start3A_2584] : memref<8x!tpu.dma_semaphore, #tpu.memory_space<semaphore_mem>> -> memref<1x!tpu.dma_semaphore, #tpu.memory_space<semaphore_mem>>
        %dma_start3A_2591 = tpu.memref_squeeze %dma_start3A_2590 : memref<1x!tpu.dma_semaphore, #tpu.memory_space<semaphore_mem>> -> memref<!tpu.dma_semaphore, #tpu.memory_space<semaphore_mem>>
        %dma_start3A_2592 = arith.constant 0 : i32
        %dma_start3A_2593 = tpu.memref_slice %arg6[%dma_start3A_2583, %dma_start3A_2592] : memref<8x80xi32, #tpu.memory_space<vmem>> -> memref<1x80xi32, #tpu.memory_space<vmem>>
        %dma_start3A_2594 = tpu.memref_squeeze %dma_start3A_2593 : memref<1x80xi32, #tpu.memory_space<vmem>> -> memref<80xi32, #tpu.memory_space<vmem>>
        %dma_start3A_2595 = tpu.memref_slice %arg3[%dma_start3A_2582, %add3A_2581] : memref<2x320000xi32, #tpu.memory_space<hbm>> -> memref<1x80xi32, #tpu.memory_space<hbm>>
        %dma_start3A_2596 = tpu.memref_squeeze %dma_start3A_2595 : memref<1x80xi32, #tpu.memory_space<hbm>> -> memref<80xi32, #tpu.memory_space<hbm>>
        tpu.enqueue_dma source(%dma_start3A_2596 : memref<80xi32, #tpu.memory_space<hbm>>) target(%dma_start3A_2594 : memref<80xi32, #tpu.memory_space<vmem>>) target_semaphore(%dma_start3A_2591 : memref<!tpu.dma_semaphore, #tpu.memory_space<semaphore_mem>>)
      } else {
      }
      %add3A_1824 = arith.constant 1 : i32
      %add3A_1825 = arith.addi %mul3A_1718, %add3A_1824 : i32
      %mul3A_1826 = arith.constant 80 : i32
      %mul3A_1827 = arith.muli %add3A_1825, %mul3A_1826 : i32
      %add3A_1828 = arith.addi %mul3A_3, %mul3A_1827 : i32
      %dma_wait3A_1829 = arith.constant 0 : i32
      %dma_wait3A_1830 = arith.constant 1 : i32
      %dma_wait3A_1831 = arith.constant 1 : i32
      %dma_wait3A_1832 = arith.constant 0 : i32
      %dma_wait3A_1833 = tpu.memref_slice %arg5[%dma_wait3A_1830, %dma_wait3A_1832] : memref<8x80xi32, #tpu.memory_space<vmem>> -> memref<1x80xi32, #tpu.memory_space<vmem>>
      %dma_wait3A_1834 = tpu.memref_squeeze %dma_wait3A_1833 : memref<1x80xi32, #tpu.memory_space<vmem>> -> memref<80xi32, #tpu.memory_space<vmem>>
      %dma_wait3A_1835 = tpu.memref_slice %arg3[%dma_wait3A_1829, %add3A_1828] : memref<2x320000xi32, #tpu.memory_space<hbm>> -> memref<1x80xi32, #tpu.memory_space<hbm>>
      %dma_wait3A_1836 = tpu.memref_squeeze %dma_wait3A_1835 : memref<1x80xi32, #tpu.memory_space<hbm>> -> memref<80xi32, #tpu.memory_space<hbm>>
      %dma_wait3A_1837 = tpu.memref_slice %arg10[%dma_wait3A_1831] : memref<8x!tpu.dma_semaphore, #tpu.memory_space<semaphore_mem>> -> memref<1x!tpu.dma_semaphore, #tpu.memory_space<semaphore_mem>>
      %dma_wait3A_1838 = tpu.memref_squeeze %dma_wait3A_1837 : memref<1x!tpu.dma_semaphore, #tpu.memory_space<semaphore_mem>> -> memref<!tpu.dma_semaphore, #tpu.memory_space<semaphore_mem>>
      %dma_wait3A_1839 = arith.constant 0 : i32
      %dma_wait3A_1840 = tpu.memref_slice %arg5[%dma_wait3A_1830, %dma_wait3A_1839] : memref<8x80xi32, #tpu.memory_space<vmem>> -> memref<1x80xi32, #tpu.memory_space<vmem>>
      %dma_wait3A_1841 = tpu.memref_squeeze %dma_wait3A_1840 : memref<1x80xi32, #tpu.memory_space<vmem>> -> memref<80xi32, #tpu.memory_space<vmem>>
      %dma_wait3A_1842 = tpu.memref_slice %arg3[%dma_wait3A_1829, %add3A_1828] : memref<2x320000xi32, #tpu.memory_space<hbm>> -> memref<1x80xi32, #tpu.memory_space<hbm>>
      %dma_wait3A_1843 = tpu.memref_squeeze %dma_wait3A_1842 : memref<1x80xi32, #tpu.memory_space<hbm>> -> memref<80xi32, #tpu.memory_space<hbm>>
      tpu.wait_dma2 semaphore(%dma_wait3A_1838 : memref<!tpu.dma_semaphore, #tpu.memory_space<semaphore_mem>>) src(%dma_wait3A_1843 : memref<80xi32, #tpu.memory_space<hbm>>) dst(%dma_wait3A_1841 : memref<80xi32, #tpu.memory_space<vmem>>)
      %mul3A_1844 = arith.constant 80 : i32
      %mul3A_1845 = arith.muli %add3A_1825, %mul3A_1844 : i32
      %add3A_1846 = arith.addi %mul3A_3, %mul3A_1845 : i32
      %dma_wait3A_1847 = arith.constant 1 : i32
      %dma_wait3A_1848 = arith.constant 1 : i32
      %dma_wait3A_1849 = arith.constant 1 : i32
      %dma_wait3A_1850 = arith.constant 0 : i32
      %dma_wait3A_1851 = tpu.memref_slice %arg6[%dma_wait3A_1848, %dma_wait3A_1850] : memref<8x80xi32, #tpu.memory_space<vmem>> -> memref<1x80xi32, #tpu.memory_space<vmem>>
      %dma_wait3A_1852 = tpu.memref_squeeze %dma_wait3A_1851 : memref<1x80xi32, #tpu.memory_space<vmem>> -> memref<80xi32, #tpu.memory_space<vmem>>
      %dma_wait3A_1853 = tpu.memref_slice %arg3[%dma_wait3A_1847, %add3A_1846] : memref<2x320000xi32, #tpu.memory_space<hbm>> -> memref<1x80xi32, #tpu.memory_space<hbm>>
      %dma_wait3A_1854 = tpu.memref_squeeze %dma_wait3A_1853 : memref<1x80xi32, #tpu.memory_space<hbm>> -> memref<80xi32, #tpu.memory_space<hbm>>
      %dma_wait3A_1855 = tpu.memref_slice %arg11[%dma_wait3A_1849] : memref<8x!tpu.dma_semaphore, #tpu.memory_space<semaphore_mem>> -> memref<1x!tpu.dma_semaphore, #tpu.memory_space<semaphore_mem>>
      %dma_wait3A_1856 = tpu.memref_squeeze %dma_wait3A_1855 : memref<1x!tpu.dma_semaphore, #tpu.memory_space<semaphore_mem>> -> memref<!tpu.dma_semaphore, #tpu.memory_space<semaphore_mem>>
      %dma_wait3A_1857 = arith.constant 0 : i32
      %dma_wait3A_1858 = tpu.memref_slice %arg6[%dma_wait3A_1848, %dma_wait3A_1857] : memref<8x80xi32, #tpu.memory_space<vmem>> -> memref<1x80xi32, #tpu.memory_space<vmem>>
      %dma_wait3A_1859 = tpu.memref_squeeze %dma_wait3A_1858 : memref<1x80xi32, #tpu.memory_space<vmem>> -> memref<80xi32, #tpu.memory_space<vmem>>
      %dma_wait3A_1860 = tpu.memref_slice %arg3[%dma_wait3A_1847, %add3A_1846] : memref<2x320000xi32, #tpu.memory_space<hbm>> -> memref<1x80xi32, #tpu.memory_space<hbm>>
      %dma_wait3A_1861 = tpu.memref_squeeze %dma_wait3A_1860 : memref<1x80xi32, #tpu.memory_space<hbm>> -> memref<80xi32, #tpu.memory_space<hbm>>
      tpu.wait_dma2 semaphore(%dma_wait3A_1856 : memref<!tpu.dma_semaphore, #tpu.memory_space<semaphore_mem>>) src(%dma_wait3A_1861 : memref<80xi32, #tpu.memory_space<hbm>>) dst(%dma_wait3A_1859 : memref<80xi32, #tpu.memory_space<vmem>>)
      %dma_wait3A_1862 = arith.constant 1 : i32
      %dma_wait3A_1863 = arith.constant 5 : i32
      %dma_wait3A_1864 = arith.constant 1 : i32
      %dma_wait3A_1865 = arith.constant 0 : i32
      %dma_wait3A_1866 = arith.constant 0 : i32
      %dma_wait3A_1867 = tpu.memref_slice %arg7[%dma_wait3A_1862, %dma_wait3A_1865, %dma_wait3A_1866] : memref<4x80x128xbf16, #tpu.memory_space<vmem>> -> memref<1x80x128xbf16, #tpu.memory_space<vmem>>
      %dma_wait3A_1868 = tpu.memref_squeeze %dma_wait3A_1867 : memref<1x80x128xbf16, #tpu.memory_space<vmem>> -> memref<80x128xbf16, #tpu.memory_space<vmem>>
      %dma_wait3A_1869 = arith.constant 0 : i32
      %dma_wait3A_1870 = tpu.memref_slice %arg6[%dma_wait3A_1863, %dma_wait3A_1869] : memref<8x80xi32, #tpu.memory_space<vmem>> -> memref<1x80xi32, #tpu.memory_space<vmem>>
      %dma_wait3A_1871 = tpu.memref_squeeze %dma_wait3A_1870 : memref<1x80xi32, #tpu.memory_space<vmem>> -> memref<80xi32, #tpu.memory_space<vmem>>
      %dma_wait3A_1872 = arith.constant 0 : i32
      %dma_wait3A_1873 = arith.constant 0 : i32
      %dma_wait3A_1874 = tpu.memref_slice %arg9[%dma_wait3A_1872, %dma_wait3A_1873] : memref<10000x128xbf16, #tpu.memory_space<vmem_shared>> -> memref<10000x128xbf16, #tpu.memory_space<vmem_shared>>
      %dma_wait3A_1875 = tpu.memref_slice %arg13[%dma_wait3A_1864] : memref<4x!tpu.dma_semaphore, #tpu.memory_space<semaphore_mem>> -> memref<1x!tpu.dma_semaphore, #tpu.memory_space<semaphore_mem>>
      %dma_wait3A_1876 = tpu.memref_squeeze %dma_wait3A_1875 : memref<1x!tpu.dma_semaphore, #tpu.memory_space<semaphore_mem>> -> memref<!tpu.dma_semaphore, #tpu.memory_space<semaphore_mem>>
      tpu.wait_indirect_dma semaphore(%dma_wait3A_1876 : memref<!tpu.dma_semaphore, #tpu.memory_space<semaphore_mem>>) src(%dma_wait3A_1868 : memref<80x128xbf16, #tpu.memory_space<vmem>>) dst(%dma_wait3A_1874 : memref<10000x128xbf16, #tpu.memory_space<vmem_shared>>)
      %dma_start3A_1877 = arith.constant 1 : i32
      %dma_start3A_1878 = arith.constant 1 : i32
      %dma_start3A_1879 = arith.constant 1 : i32
      %dma_start3A_1880 = arith.constant 0 : i32
      %dma_start3A_1881 = arith.constant 0 : i32
      %dma_start3A_1882 = tpu.memref_slice %arg7[%dma_start3A_1878, %dma_start3A_1880, %dma_start3A_1881] : memref<4x80x128xbf16, #tpu.memory_space<vmem>> -> memref<1x80x128xbf16, #tpu.memory_space<vmem>>
      %dma_start3A_1883 = tpu.memref_squeeze %dma_start3A_1882 : memref<1x80x128xbf16, #tpu.memory_space<vmem>> -> memref<80x128xbf16, #tpu.memory_space<vmem>>
      %dma_start3A_1884 = arith.constant 0 : i32
      %dma_start3A_1885 = tpu.memref_slice %arg5[%dma_start3A_1877, %dma_start3A_1884] : memref<8x80xi32, #tpu.memory_space<vmem>> -> memref<1x80xi32, #tpu.memory_space<vmem>>
      %dma_start3A_1886 = tpu.memref_squeeze %dma_start3A_1885 : memref<1x80xi32, #tpu.memory_space<vmem>> -> memref<80xi32, #tpu.memory_space<vmem>>
      %dma_start3A_1887 = arith.constant 0 : i32
      %dma_start3A_1888 = arith.constant 0 : i32
      %dma_start3A_1889 = tpu.memref_slice %arg2[%dma_start3A_1887, %dma_start3A_1888] : memref<10000x128xbf16, #tpu.memory_space<hbm>> -> memref<10000x128xbf16, #tpu.memory_space<hbm>>
      %dma_start3A_1890 = tpu.memref_slice %arg12[%dma_start3A_1879] : memref<4x!tpu.dma_semaphore, #tpu.memory_space<semaphore_mem>> -> memref<1x!tpu.dma_semaphore, #tpu.memory_space<semaphore_mem>>
      %dma_start3A_1891 = tpu.memref_squeeze %dma_start3A_1890 : memref<1x!tpu.dma_semaphore, #tpu.memory_space<semaphore_mem>> -> memref<!tpu.dma_semaphore, #tpu.memory_space<semaphore_mem>>
      tpu.enqueue_indirect_dma source(%dma_start3A_1889 : memref<10000x128xbf16, #tpu.memory_space<hbm>>) target(%dma_start3A_1883 : memref<80x128xbf16, #tpu.memory_space<vmem>>) offsets(%dma_start3A_1886 : memref<80xi32, #tpu.memory_space<vmem>>) semaphore(%dma_start3A_1891 : memref<!tpu.dma_semaphore, #tpu.memory_space<semaphore_mem>>)
      %dma_wait3A_1892 = arith.constant 0 : i32
      %dma_wait3A_1893 = arith.constant 0 : i32
      %dma_wait3A_1894 = arith.constant 0 : i32
      %dma_wait3A_1895 = arith.constant 0 : i32
      %dma_wait3A_1896 = arith.constant 0 : i32
      %dma_wait3A_1897 = tpu.memref_slice %arg7[%dma_wait3A_1893, %dma_wait3A_1895, %dma_wait3A_1896] : memref<4x80x128xbf16, #tpu.memory_space<vmem>> -> memref<1x80x128xbf16, #tpu.memory_space<vmem>>
      %dma_wait3A_1898 = tpu.memref_squeeze %dma_wait3A_1897 : memref<1x80x128xbf16, #tpu.memory_space<vmem>> -> memref<80x128xbf16, #tpu.memory_space<vmem>>
      %dma_wait3A_1899 = arith.constant 0 : i32
      %dma_wait3A_1900 = tpu.memref_slice %arg5[%dma_wait3A_1892, %dma_wait3A_1899] : memref<8x80xi32, #tpu.memory_space<vmem>> -> memref<1x80xi32, #tpu.memory_space<vmem>>
      %dma_wait3A_1901 = tpu.memref_squeeze %dma_wait3A_1900 : memref<1x80xi32, #tpu.memory_space<vmem>> -> memref<80xi32, #tpu.memory_space<vmem>>
      %dma_wait3A_1902 = arith.constant 0 : i32
      %dma_wait3A_1903 = arith.constant 0 : i32
      %dma_wait3A_1904 = tpu.memref_slice %arg2[%dma_wait3A_1902, %dma_wait3A_1903] : memref<10000x128xbf16, #tpu.memory_space<hbm>> -> memref<10000x128xbf16, #tpu.memory_space<hbm>>
      %dma_wait3A_1905 = tpu.memref_slice %arg12[%dma_wait3A_1894] : memref<4x!tpu.dma_semaphore, #tpu.memory_space<semaphore_mem>> -> memref<1x!tpu.dma_semaphore, #tpu.memory_space<semaphore_mem>>
      %dma_wait3A_1906 = tpu.memref_squeeze %dma_wait3A_1905 : memref<1x!tpu.dma_semaphore, #tpu.memory_space<semaphore_mem>> -> memref<!tpu.dma_semaphore, #tpu.memory_space<semaphore_mem>>
      tpu.wait_indirect_dma semaphore(%dma_wait3A_1906 : memref<!tpu.dma_semaphore, #tpu.memory_space<semaphore_mem>>) src(%dma_wait3A_1904 : memref<10000x128xbf16, #tpu.memory_space<hbm>>) dst(%dma_wait3A_1898 : memref<80x128xbf16, #tpu.memory_space<vmem>>)
      %dma_start3A_1907 = arith.constant 0 : i32
      %dma_start3A_1908 = arith.constant 0 : i32
      %dma_start3A_1909 = arith.constant 0 : i32
      %dma_start3A_1910 = arith.constant 0 : i32
      %dma_start3A_1911 = arith.constant 0 : i32
      %dma_start3A_1912 = tpu.memref_slice %arg7[%dma_start3A_1907, %dma_start3A_1910, %dma_start3A_1911] : memref<4x80x128xbf16, #tpu.memory_space<vmem>> -> memref<1x80x128xbf16, #tpu.memory_space<vmem>>
      %dma_start3A_1913 = tpu.memref_squeeze %dma_start3A_1912 : memref<1x80x128xbf16, #tpu.memory_space<vmem>> -> memref<80x128xbf16, #tpu.memory_space<vmem>>
      %dma_start3A_1914 = arith.constant 0 : i32
      %dma_start3A_1915 = tpu.memref_slice %arg6[%dma_start3A_1908, %dma_start3A_1914] : memref<8x80xi32, #tpu.memory_space<vmem>> -> memref<1x80xi32, #tpu.memory_space<vmem>>
      %dma_start3A_1916 = tpu.memref_squeeze %dma_start3A_1915 : memref<1x80xi32, #tpu.memory_space<vmem>> -> memref<80xi32, #tpu.memory_space<vmem>>
      %dma_start3A_1917 = arith.constant 0 : i32
      %dma_start3A_1918 = arith.constant 0 : i32
      %dma_start3A_1919 = tpu.memref_slice %arg9[%dma_start3A_1917, %dma_start3A_1918] : memref<10000x128xbf16, #tpu.memory_space<vmem_shared>> -> memref<10000x128xbf16, #tpu.memory_space<vmem_shared>>
      %dma_start3A_1920 = tpu.memref_slice %arg13[%dma_start3A_1909] : memref<4x!tpu.dma_semaphore, #tpu.memory_space<semaphore_mem>> -> memref<1x!tpu.dma_semaphore, #tpu.memory_space<semaphore_mem>>
      %dma_start3A_1921 = tpu.memref_squeeze %dma_start3A_1920 : memref<1x!tpu.dma_semaphore, #tpu.memory_space<semaphore_mem>> -> memref<!tpu.dma_semaphore, #tpu.memory_space<semaphore_mem>>
      tpu.enqueue_indirect_dma source(%dma_start3A_1913 : memref<80x128xbf16, #tpu.memory_space<vmem>>) target(%dma_start3A_1919 : memref<10000x128xbf16, #tpu.memory_space<vmem_shared>>) offsets(%dma_start3A_1916 : memref<80xi32, #tpu.memory_space<vmem>>) semaphore(%dma_start3A_1921 : memref<!tpu.dma_semaphore, #tpu.memory_space<semaphore_mem>>) {add = true}
      %add3A_1922 = arith.constant 4 : i32
      %add3A_1923 = arith.addi %add3A_1825, %add3A_1922 : i32
      %lt3A_1924 = arith.constant 125 : i32
      %lt3A_1925 = arith.cmpi slt, %add3A_1923, %lt3A_1924 : i32
      %convert_element_type3A_1926 = arith.extui %lt3A_1925 : i1 to i32
      %cond3A_1927 = arith.constant 0 : i32
      %cond3A_1928 = arith.cmpi ne, %convert_element_type3A_1926, %cond3A_1927 : i32
      scf.if %cond3A_1928 {
        %add3A_2559 = arith.constant 4 : i32
        %add3A_2560 = arith.addi %add3A_1825, %add3A_2559 : i32
        %mul3A_2561 = arith.constant 80 : i32
        %mul3A_2562 = arith.muli %add3A_2560, %mul3A_2561 : i32
        %add3A_2563 = arith.addi %mul3A_3, %mul3A_2562 : i32
        %dma_start3A_2564 = arith.constant 0 : i32
        %dma_start3A_2565 = arith.constant 5 : i32
        %dma_start3A_2566 = arith.constant 5 : i32
        %dma_start3A_2567 = arith.constant 0 : i32
        %dma_start3A_2568 = tpu.memref_slice %arg5[%dma_start3A_2565, %dma_start3A_2567] : memref<8x80xi32, #tpu.memory_space<vmem>> -> memref<1x80xi32, #tpu.memory_space<vmem>>
        %dma_start3A_2569 = tpu.memref_squeeze %dma_start3A_2568 : memref<1x80xi32, #tpu.memory_space<vmem>> -> memref<80xi32, #tpu.memory_space<vmem>>
        %dma_start3A_2570 = tpu.memref_slice %arg3[%dma_start3A_2564, %add3A_2563] : memref<2x320000xi32, #tpu.memory_space<hbm>> -> memref<1x80xi32, #tpu.memory_space<hbm>>
        %dma_start3A_2571 = tpu.memref_squeeze %dma_start3A_2570 : memref<1x80xi32, #tpu.memory_space<hbm>> -> memref<80xi32, #tpu.memory_space<hbm>>
        %dma_start3A_2572 = tpu.memref_slice %arg10[%dma_start3A_2566] : memref<8x!tpu.dma_semaphore, #tpu.memory_space<semaphore_mem>> -> memref<1x!tpu.dma_semaphore, #tpu.memory_space<semaphore_mem>>
        %dma_start3A_2573 = tpu.memref_squeeze %dma_start3A_2572 : memref<1x!tpu.dma_semaphore, #tpu.memory_space<semaphore_mem>> -> memref<!tpu.dma_semaphore, #tpu.memory_space<semaphore_mem>>
        %dma_start3A_2574 = arith.constant 0 : i32
        %dma_start3A_2575 = tpu.memref_slice %arg5[%dma_start3A_2565, %dma_start3A_2574] : memref<8x80xi32, #tpu.memory_space<vmem>> -> memref<1x80xi32, #tpu.memory_space<vmem>>
        %dma_start3A_2576 = tpu.memref_squeeze %dma_start3A_2575 : memref<1x80xi32, #tpu.memory_space<vmem>> -> memref<80xi32, #tpu.memory_space<vmem>>
        %dma_start3A_2577 = tpu.memref_slice %arg3[%dma_start3A_2564, %add3A_2563] : memref<2x320000xi32, #tpu.memory_space<hbm>> -> memref<1x80xi32, #tpu.memory_space<hbm>>
        %dma_start3A_2578 = tpu.memref_squeeze %dma_start3A_2577 : memref<1x80xi32, #tpu.memory_space<hbm>> -> memref<80xi32, #tpu.memory_space<hbm>>
        tpu.enqueue_dma source(%dma_start3A_2578 : memref<80xi32, #tpu.memory_space<hbm>>) target(%dma_start3A_2576 : memref<80xi32, #tpu.memory_space<vmem>>) target_semaphore(%dma_start3A_2573 : memref<!tpu.dma_semaphore, #tpu.memory_space<semaphore_mem>>)
        %mul3A_2579 = arith.constant 80 : i32
        %mul3A_2580 = arith.muli %add3A_2560, %mul3A_2579 : i32
        %add3A_2581 = arith.addi %mul3A_3, %mul3A_2580 : i32
        %dma_start3A_2582 = arith.constant 1 : i32
        %dma_start3A_2583 = arith.constant 5 : i32
        %dma_start3A_2584 = arith.constant 5 : i32
        %dma_start3A_2585 = arith.constant 0 : i32
        %dma_start3A_2586 = tpu.memref_slice %arg6[%dma_start3A_2583, %dma_start3A_2585] : memref<8x80xi32, #tpu.memory_space<vmem>> -> memref<1x80xi32, #tpu.memory_space<vmem>>
        %dma_start3A_2587 = tpu.memref_squeeze %dma_start3A_2586 : memref<1x80xi32, #tpu.memory_space<vmem>> -> memref<80xi32, #tpu.memory_space<vmem>>
        %dma_start3A_2588 = tpu.memref_slice %arg3[%dma_start3A_2582, %add3A_2581] : memref<2x320000xi32, #tpu.memory_space<hbm>> -> memref<1x80xi32, #tpu.memory_space<hbm>>
        %dma_start3A_2589 = tpu.memref_squeeze %dma_start3A_2588 : memref<1x80xi32, #tpu.memory_space<hbm>> -> memref<80xi32, #tpu.memory_space<hbm>>
        %dma_start3A_2590 = tpu.memref_slice %arg11[%dma_start3A_2584] : memref<8x!tpu.dma_semaphore, #tpu.memory_space<semaphore_mem>> -> memref<1x!tpu.dma_semaphore, #tpu.memory_space<semaphore_mem>>
        %dma_start3A_2591 = tpu.memref_squeeze %dma_start3A_2590 : memref<1x!tpu.dma_semaphore, #tpu.memory_space<semaphore_mem>> -> memref<!tpu.dma_semaphore, #tpu.memory_space<semaphore_mem>>
        %dma_start3A_2592 = arith.constant 0 : i32
        %dma_start3A_2593 = tpu.memref_slice %arg6[%dma_start3A_2583, %dma_start3A_2592] : memref<8x80xi32, #tpu.memory_space<vmem>> -> memref<1x80xi32, #tpu.memory_space<vmem>>
        %dma_start3A_2594 = tpu.memref_squeeze %dma_start3A_2593 : memref<1x80xi32, #tpu.memory_space<vmem>> -> memref<80xi32, #tpu.memory_space<vmem>>
        %dma_start3A_2595 = tpu.memref_slice %arg3[%dma_start3A_2582, %add3A_2581] : memref<2x320000xi32, #tpu.memory_space<hbm>> -> memref<1x80xi32, #tpu.memory_space<hbm>>
        %dma_start3A_2596 = tpu.memref_squeeze %dma_start3A_2595 : memref<1x80xi32, #tpu.memory_space<hbm>> -> memref<80xi32, #tpu.memory_space<hbm>>
        tpu.enqueue_dma source(%dma_start3A_2596 : memref<80xi32, #tpu.memory_space<hbm>>) target(%dma_start3A_2594 : memref<80xi32, #tpu.memory_space<vmem>>) target_semaphore(%dma_start3A_2591 : memref<!tpu.dma_semaphore, #tpu.memory_space<semaphore_mem>>)
      } else {
      }
      %add3A_1929 = arith.constant 2 : i32
      %add3A_1930 = arith.addi %mul3A_1718, %add3A_1929 : i32
      %mul3A_1931 = arith.constant 80 : i32
      %mul3A_1932 = arith.muli %add3A_1930, %mul3A_1931 : i32
      %add3A_1933 = arith.addi %mul3A_3, %mul3A_1932 : i32
      %dma_wait3A_1934 = arith.constant 0 : i32
      %dma_wait3A_1935 = arith.constant 2 : i32
      %dma_wait3A_1936 = arith.constant 2 : i32
      %dma_wait3A_1937 = arith.constant 0 : i32
      %dma_wait3A_1938 = tpu.memref_slice %arg5[%dma_wait3A_1935, %dma_wait3A_1937] : memref<8x80xi32, #tpu.memory_space<vmem>> -> memref<1x80xi32, #tpu.memory_space<vmem>>
      %dma_wait3A_1939 = tpu.memref_squeeze %dma_wait3A_1938 : memref<1x80xi32, #tpu.memory_space<vmem>> -> memref<80xi32, #tpu.memory_space<vmem>>
      %dma_wait3A_1940 = tpu.memref_slice %arg3[%dma_wait3A_1934, %add3A_1933] : memref<2x320000xi32, #tpu.memory_space<hbm>> -> memref<1x80xi32, #tpu.memory_space<hbm>>
      %dma_wait3A_1941 = tpu.memref_squeeze %dma_wait3A_1940 : memref<1x80xi32, #tpu.memory_space<hbm>> -> memref<80xi32, #tpu.memory_space<hbm>>
      %dma_wait3A_1942 = tpu.memref_slice %arg10[%dma_wait3A_1936] : memref<8x!tpu.dma_semaphore, #tpu.memory_space<semaphore_mem>> -> memref<1x!tpu.dma_semaphore, #tpu.memory_space<semaphore_mem>>
      %dma_wait3A_1943 = tpu.memref_squeeze %dma_wait3A_1942 : memref<1x!tpu.dma_semaphore, #tpu.memory_space<semaphore_mem>> -> memref<!tpu.dma_semaphore, #tpu.memory_space<semaphore_mem>>
      %dma_wait3A_1944 = arith.constant 0 : i32
      %dma_wait3A_1945 = tpu.memref_slice %arg5[%dma_wait3A_1935, %dma_wait3A_1944] : memref<8x80xi32, #tpu.memory_space<vmem>> -> memref<1x80xi32, #tpu.memory_space<vmem>>
      %dma_wait3A_1946 = tpu.memref_squeeze %dma_wait3A_1945 : memref<1x80xi32, #tpu.memory_space<vmem>> -> memref<80xi32, #tpu.memory_space<vmem>>
      %dma_wait3A_1947 = tpu.memref_slice %arg3[%dma_wait3A_1934, %add3A_1933] : memref<2x320000xi32, #tpu.memory_space<hbm>> -> memref<1x80xi32, #tpu.memory_space<hbm>>
      %dma_wait3A_1948 = tpu.memref_squeeze %dma_wait3A_1947 : memref<1x80xi32, #tpu.memory_space<hbm>> -> memref<80xi32, #tpu.memory_space<hbm>>
      tpu.wait_dma2 semaphore(%dma_wait3A_1943 : memref<!tpu.dma_semaphore, #tpu.memory_space<semaphore_mem>>) src(%dma_wait3A_1948 : memref<80xi32, #tpu.memory_space<hbm>>) dst(%dma_wait3A_1946 : memref<80xi32, #tpu.memory_space<vmem>>)
      %mul3A_1949 = arith.constant 80 : i32
      %mul3A_1950 = arith.muli %add3A_1930, %mul3A_1949 : i32
      %add3A_1951 = arith.addi %mul3A_3, %mul3A_1950 : i32
      %dma_wait3A_1952 = arith.constant 1 : i32
      %dma_wait3A_1953 = arith.constant 2 : i32
      %dma_wait3A_1954 = arith.constant 2 : i32
      %dma_wait3A_1955 = arith.constant 0 : i32
      %dma_wait3A_1956 = tpu.memref_slice %arg6[%dma_wait3A_1953, %dma_wait3A_1955] : memref<8x80xi32, #tpu.memory_space<vmem>> -> memref<1x80xi32, #tpu.memory_space<vmem>>
      %dma_wait3A_1957 = tpu.memref_squeeze %dma_wait3A_1956 : memref<1x80xi32, #tpu.memory_space<vmem>> -> memref<80xi32, #tpu.memory_space<vmem>>
      %dma_wait3A_1958 = tpu.memref_slice %arg3[%dma_wait3A_1952, %add3A_1951] : memref<2x320000xi32, #tpu.memory_space<hbm>> -> memref<1x80xi32, #tpu.memory_space<hbm>>
      %dma_wait3A_1959 = tpu.memref_squeeze %dma_wait3A_1958 : memref<1x80xi32, #tpu.memory_space<hbm>> -> memref<80xi32, #tpu.memory_space<hbm>>
      %dma_wait3A_1960 = tpu.memref_slice %arg11[%dma_wait3A_1954] : memref<8x!tpu.dma_semaphore, #tpu.memory_space<semaphore_mem>> -> memref<1x!tpu.dma_semaphore, #tpu.memory_space<semaphore_mem>>
      %dma_wait3A_1961 = tpu.memref_squeeze %dma_wait3A_1960 : memref<1x!tpu.dma_semaphore, #tpu.memory_space<semaphore_mem>> -> memref<!tpu.dma_semaphore, #tpu.memory_space<semaphore_mem>>
      %dma_wait3A_1962 = arith.constant 0 : i32
      %dma_wait3A_1963 = tpu.memref_slice %arg6[%dma_wait3A_1953, %dma_wait3A_1962] : memref<8x80xi32, #tpu.memory_space<vmem>> -> memref<1x80xi32, #tpu.memory_space<vmem>>
      %dma_wait3A_1964 = tpu.memref_squeeze %dma_wait3A_1963 : memref<1x80xi32, #tpu.memory_space<vmem>> -> memref<80xi32, #tpu.memory_space<vmem>>
      %dma_wait3A_1965 = tpu.memref_slice %arg3[%dma_wait3A_1952, %add3A_1951] : memref<2x320000xi32, #tpu.memory_space<hbm>> -> memref<1x80xi32, #tpu.memory_space<hbm>>
      %dma_wait3A_1966 = tpu.memref_squeeze %dma_wait3A_1965 : memref<1x80xi32, #tpu.memory_space<hbm>> -> memref<80xi32, #tpu.memory_space<hbm>>
      tpu.wait_dma2 semaphore(%dma_wait3A_1961 : memref<!tpu.dma_semaphore, #tpu.memory_space<semaphore_mem>>) src(%dma_wait3A_1966 : memref<80xi32, #tpu.memory_space<hbm>>) dst(%dma_wait3A_1964 : memref<80xi32, #tpu.memory_space<vmem>>)
      %dma_wait3A_1967 = arith.constant 2 : i32
      %dma_wait3A_1968 = arith.constant 6 : i32
      %dma_wait3A_1969 = arith.constant 2 : i32
      %dma_wait3A_1970 = arith.constant 0 : i32
      %dma_wait3A_1971 = arith.constant 0 : i32
      %dma_wait3A_1972 = tpu.memref_slice %arg7[%dma_wait3A_1967, %dma_wait3A_1970, %dma_wait3A_1971] : memref<4x80x128xbf16, #tpu.memory_space<vmem>> -> memref<1x80x128xbf16, #tpu.memory_space<vmem>>
      %dma_wait3A_1973 = tpu.memref_squeeze %dma_wait3A_1972 : memref<1x80x128xbf16, #tpu.memory_space<vmem>> -> memref<80x128xbf16, #tpu.memory_space<vmem>>
      %dma_wait3A_1974 = arith.constant 0 : i32
      %dma_wait3A_1975 = tpu.memref_slice %arg6[%dma_wait3A_1968, %dma_wait3A_1974] : memref<8x80xi32, #tpu.memory_space<vmem>> -> memref<1x80xi32, #tpu.memory_space<vmem>>
      %dma_wait3A_1976 = tpu.memref_squeeze %dma_wait3A_1975 : memref<1x80xi32, #tpu.memory_space<vmem>> -> memref<80xi32, #tpu.memory_space<vmem>>
      %dma_wait3A_1977 = arith.constant 0 : i32
      %dma_wait3A_1978 = arith.constant 0 : i32
      %dma_wait3A_1979 = tpu.memref_slice %arg9[%dma_wait3A_1977, %dma_wait3A_1978] : memref<10000x128xbf16, #tpu.memory_space<vmem_shared>> -> memref<10000x128xbf16, #tpu.memory_space<vmem_shared>>
      %dma_wait3A_1980 = tpu.memref_slice %arg13[%dma_wait3A_1969] : memref<4x!tpu.dma_semaphore, #tpu.memory_space<semaphore_mem>> -> memref<1x!tpu.dma_semaphore, #tpu.memory_space<semaphore_mem>>
      %dma_wait3A_1981 = tpu.memref_squeeze %dma_wait3A_1980 : memref<1x!tpu.dma_semaphore, #tpu.memory_space<semaphore_mem>> -> memref<!tpu.dma_semaphore, #tpu.memory_space<semaphore_mem>>
      tpu.wait_indirect_dma semaphore(%dma_wait3A_1981 : memref<!tpu.dma_semaphore, #tpu.memory_space<semaphore_mem>>) src(%dma_wait3A_1973 : memref<80x128xbf16, #tpu.memory_space<vmem>>) dst(%dma_wait3A_1979 : memref<10000x128xbf16, #tpu.memory_space<vmem_shared>>)
      %dma_start3A_1982 = arith.constant 2 : i32
      %dma_start3A_1983 = arith.constant 2 : i32
      %dma_start3A_1984 = arith.constant 2 : i32
      %dma_start3A_1985 = arith.constant 0 : i32
      %dma_start3A_1986 = arith.constant 0 : i32
      %dma_start3A_1987 = tpu.memref_slice %arg7[%dma_start3A_1983, %dma_start3A_1985, %dma_start3A_1986] : memref<4x80x128xbf16, #tpu.memory_space<vmem>> -> memref<1x80x128xbf16, #tpu.memory_space<vmem>>
      %dma_start3A_1988 = tpu.memref_squeeze %dma_start3A_1987 : memref<1x80x128xbf16, #tpu.memory_space<vmem>> -> memref<80x128xbf16, #tpu.memory_space<vmem>>
      %dma_start3A_1989 = arith.constant 0 : i32
      %dma_start3A_1990 = tpu.memref_slice %arg5[%dma_start3A_1982, %dma_start3A_1989] : memref<8x80xi32, #tpu.memory_space<vmem>> -> memref<1x80xi32, #tpu.memory_space<vmem>>
      %dma_start3A_1991 = tpu.memref_squeeze %dma_start3A_1990 : memref<1x80xi32, #tpu.memory_space<vmem>> -> memref<80xi32, #tpu.memory_space<vmem>>
      %dma_start3A_1992 = arith.constant 0 : i32
      %dma_start3A_1993 = arith.constant 0 : i32
      %dma_start3A_1994 = tpu.memref_slice %arg2[%dma_start3A_1992, %dma_start3A_1993] : memref<10000x128xbf16, #tpu.memory_space<hbm>> -> memref<10000x128xbf16, #tpu.memory_space<hbm>>
      %dma_start3A_1995 = tpu.memref_slice %arg12[%dma_start3A_1984] : memref<4x!tpu.dma_semaphore, #tpu.memory_space<semaphore_mem>> -> memref<1x!tpu.dma_semaphore, #tpu.memory_space<semaphore_mem>>
      %dma_start3A_1996 = tpu.memref_squeeze %dma_start3A_1995 : memref<1x!tpu.dma_semaphore, #tpu.memory_space<semaphore_mem>> -> memref<!tpu.dma_semaphore, #tpu.memory_space<semaphore_mem>>
      tpu.enqueue_indirect_dma source(%dma_start3A_1994 : memref<10000x128xbf16, #tpu.memory_space<hbm>>) target(%dma_start3A_1988 : memref<80x128xbf16, #tpu.memory_space<vmem>>) offsets(%dma_start3A_1991 : memref<80xi32, #tpu.memory_space<vmem>>) semaphore(%dma_start3A_1996 : memref<!tpu.dma_semaphore, #tpu.memory_space<semaphore_mem>>)
      %dma_wait3A_1997 = arith.constant 1 : i32
      %dma_wait3A_1998 = arith.constant 1 : i32
      %dma_wait3A_1999 = arith.constant 1 : i32
      %dma_wait3A_2000 = arith.constant 0 : i32
      %dma_wait3A_2001 = arith.constant 0 : i32
      %dma_wait3A_2002 = tpu.memref_slice %arg7[%dma_wait3A_1998, %dma_wait3A_2000, %dma_wait3A_2001] : memref<4x80x128xbf16, #tpu.memory_space<vmem>> -> memref<1x80x128xbf16, #tpu.memory_space<vmem>>
      %dma_wait3A_2003 = tpu.memref_squeeze %dma_wait3A_2002 : memref<1x80x128xbf16, #tpu.memory_space<vmem>> -> memref<80x128xbf16, #tpu.memory_space<vmem>>
      %dma_wait3A_2004 = arith.constant 0 : i32
      %dma_wait3A_2005 = tpu.memref_slice %arg5[%dma_wait3A_1997, %dma_wait3A_2004] : memref<8x80xi32, #tpu.memory_space<vmem>> -> memref<1x80xi32, #tpu.memory_space<vmem>>
      %dma_wait3A_2006 = tpu.memref_squeeze %dma_wait3A_2005 : memref<1x80xi32, #tpu.memory_space<vmem>> -> memref<80xi32, #tpu.memory_space<vmem>>
      %dma_wait3A_2007 = arith.constant 0 : i32
      %dma_wait3A_2008 = arith.constant 0 : i32
      %dma_wait3A_2009 = tpu.memref_slice %arg2[%dma_wait3A_2007, %dma_wait3A_2008] : memref<10000x128xbf16, #tpu.memory_space<hbm>> -> memref<10000x128xbf16, #tpu.memory_space<hbm>>
      %dma_wait3A_2010 = tpu.memref_slice %arg12[%dma_wait3A_1999] : memref<4x!tpu.dma_semaphore, #tpu.memory_space<semaphore_mem>> -> memref<1x!tpu.dma_semaphore, #tpu.memory_space<semaphore_mem>>
      %dma_wait3A_2011 = tpu.memref_squeeze %dma_wait3A_2010 : memref<1x!tpu.dma_semaphore, #tpu.memory_space<semaphore_mem>> -> memref<!tpu.dma_semaphore, #tpu.memory_space<semaphore_mem>>
      tpu.wait_indirect_dma semaphore(%dma_wait3A_2011 : memref<!tpu.dma_semaphore, #tpu.memory_space<semaphore_mem>>) src(%dma_wait3A_2009 : memref<10000x128xbf16, #tpu.memory_space<hbm>>) dst(%dma_wait3A_2003 : memref<80x128xbf16, #tpu.memory_space<vmem>>)
      %dma_start3A_2012 = arith.constant 1 : i32
      %dma_start3A_2013 = arith.constant 1 : i32
      %dma_start3A_2014 = arith.constant 1 : i32
      %dma_start3A_2015 = arith.constant 0 : i32
      %dma_start3A_2016 = arith.constant 0 : i32
      %dma_start3A_2017 = tpu.memref_slice %arg7[%dma_start3A_2012, %dma_start3A_2015, %dma_start3A_2016] : memref<4x80x128xbf16, #tpu.memory_space<vmem>> -> memref<1x80x128xbf16, #tpu.memory_space<vmem>>
      %dma_start3A_2018 = tpu.memref_squeeze %dma_start3A_2017 : memref<1x80x128xbf16, #tpu.memory_space<vmem>> -> memref<80x128xbf16, #tpu.memory_space<vmem>>
      %dma_start3A_2019 = arith.constant 0 : i32
      %dma_start3A_2020 = tpu.memref_slice %arg6[%dma_start3A_2013, %dma_start3A_2019] : memref<8x80xi32, #tpu.memory_space<vmem>> -> memref<1x80xi32, #tpu.memory_space<vmem>>
      %dma_start3A_2021 = tpu.memref_squeeze %dma_start3A_2020 : memref<1x80xi32, #tpu.memory_space<vmem>> -> memref<80xi32, #tpu.memory_space<vmem>>
      %dma_start3A_2022 = arith.constant 0 : i32
      %dma_start3A_2023 = arith.constant 0 : i32
      %dma_start3A_2024 = tpu.memref_slice %arg9[%dma_start3A_2022, %dma_start3A_2023] : memref<10000x128xbf16, #tpu.memory_space<vmem_shared>> -> memref<10000x128xbf16, #tpu.memory_space<vmem_shared>>
      %dma_start3A_2025 = tpu.memref_slice %arg13[%dma_start3A_2014] : memref<4x!tpu.dma_semaphore, #tpu.memory_space<semaphore_mem>> -> memref<1x!tpu.dma_semaphore, #tpu.memory_space<semaphore_mem>>
      %dma_start3A_2026 = tpu.memref_squeeze %dma_start3A_2025 : memref<1x!tpu.dma_semaphore, #tpu.memory_space<semaphore_mem>> -> memref<!tpu.dma_semaphore, #tpu.memory_space<semaphore_mem>>
      tpu.enqueue_indirect_dma source(%dma_start3A_2018 : memref<80x128xbf16, #tpu.memory_space<vmem>>) target(%dma_start3A_2024 : memref<10000x128xbf16, #tpu.memory_space<vmem_shared>>) offsets(%dma_start3A_2021 : memref<80xi32, #tpu.memory_space<vmem>>) semaphore(%dma_start3A_2026 : memref<!tpu.dma_semaphore, #tpu.memory_space<semaphore_mem>>) {add = true}
      %add3A_2027 = arith.constant 4 : i32
      %add3A_2028 = arith.addi %add3A_1930, %add3A_2027 : i32
      %lt3A_2029 = arith.constant 125 : i32
      %lt3A_2030 = arith.cmpi slt, %add3A_2028, %lt3A_2029 : i32
      %convert_element_type3A_2031 = arith.extui %lt3A_2030 : i1 to i32
      %cond3A_2032 = arith.constant 0 : i32
      %cond3A_2033 = arith.cmpi ne, %convert_element_type3A_2031, %cond3A_2032 : i32
      scf.if %cond3A_2033 {
        %add3A_2559 = arith.constant 4 : i32
        %add3A_2560 = arith.addi %add3A_1930, %add3A_2559 : i32
        %mul3A_2561 = arith.constant 80 : i32
        %mul3A_2562 = arith.muli %add3A_2560, %mul3A_2561 : i32
        %add3A_2563 = arith.addi %mul3A_3, %mul3A_2562 : i32
        %dma_start3A_2564 = arith.constant 0 : i32
        %dma_start3A_2565 = arith.constant 6 : i32
        %dma_start3A_2566 = arith.constant 6 : i32
        %dma_start3A_2567 = arith.constant 0 : i32
        %dma_start3A_2568 = tpu.memref_slice %arg5[%dma_start3A_2565, %dma_start3A_2567] : memref<8x80xi32, #tpu.memory_space<vmem>> -> memref<1x80xi32, #tpu.memory_space<vmem>>
        %dma_start3A_2569 = tpu.memref_squeeze %dma_start3A_2568 : memref<1x80xi32, #tpu.memory_space<vmem>> -> memref<80xi32, #tpu.memory_space<vmem>>
        %dma_start3A_2570 = tpu.memref_slice %arg3[%dma_start3A_2564, %add3A_2563] : memref<2x320000xi32, #tpu.memory_space<hbm>> -> memref<1x80xi32, #tpu.memory_space<hbm>>
        %dma_start3A_2571 = tpu.memref_squeeze %dma_start3A_2570 : memref<1x80xi32, #tpu.memory_space<hbm>> -> memref<80xi32, #tpu.memory_space<hbm>>
        %dma_start3A_2572 = tpu.memref_slice %arg10[%dma_start3A_2566] : memref<8x!tpu.dma_semaphore, #tpu.memory_space<semaphore_mem>> -> memref<1x!tpu.dma_semaphore, #tpu.memory_space<semaphore_mem>>
        %dma_start3A_2573 = tpu.memref_squeeze %dma_start3A_2572 : memref<1x!tpu.dma_semaphore, #tpu.memory_space<semaphore_mem>> -> memref<!tpu.dma_semaphore, #tpu.memory_space<semaphore_mem>>
        %dma_start3A_2574 = arith.constant 0 : i32
        %dma_start3A_2575 = tpu.memref_slice %arg5[%dma_start3A_2565, %dma_start3A_2574] : memref<8x80xi32, #tpu.memory_space<vmem>> -> memref<1x80xi32, #tpu.memory_space<vmem>>
        %dma_start3A_2576 = tpu.memref_squeeze %dma_start3A_2575 : memref<1x80xi32, #tpu.memory_space<vmem>> -> memref<80xi32, #tpu.memory_space<vmem>>
        %dma_start3A_2577 = tpu.memref_slice %arg3[%dma_start3A_2564, %add3A_2563] : memref<2x320000xi32, #tpu.memory_space<hbm>> -> memref<1x80xi32, #tpu.memory_space<hbm>>
        %dma_start3A_2578 = tpu.memref_squeeze %dma_start3A_2577 : memref<1x80xi32, #tpu.memory_space<hbm>> -> memref<80xi32, #tpu.memory_space<hbm>>
        tpu.enqueue_dma source(%dma_start3A_2578 : memref<80xi32, #tpu.memory_space<hbm>>) target(%dma_start3A_2576 : memref<80xi32, #tpu.memory_space<vmem>>) target_semaphore(%dma_start3A_2573 : memref<!tpu.dma_semaphore, #tpu.memory_space<semaphore_mem>>)
        %mul3A_2579 = arith.constant 80 : i32
        %mul3A_2580 = arith.muli %add3A_2560, %mul3A_2579 : i32
        %add3A_2581 = arith.addi %mul3A_3, %mul3A_2580 : i32
        %dma_start3A_2582 = arith.constant 1 : i32
        %dma_start3A_2583 = arith.constant 6 : i32
        %dma_start3A_2584 = arith.constant 6 : i32
        %dma_start3A_2585 = arith.constant 0 : i32
        %dma_start3A_2586 = tpu.memref_slice %arg6[%dma_start3A_2583, %dma_start3A_2585] : memref<8x80xi32, #tpu.memory_space<vmem>> -> memref<1x80xi32, #tpu.memory_space<vmem>>
        %dma_start3A_2587 = tpu.memref_squeeze %dma_start3A_2586 : memref<1x80xi32, #tpu.memory_space<vmem>> -> memref<80xi32, #tpu.memory_space<vmem>>
        %dma_start3A_2588 = tpu.memref_slice %arg3[%dma_start3A_2582, %add3A_2581] : memref<2x320000xi32, #tpu.memory_space<hbm>> -> memref<1x80xi32, #tpu.memory_space<hbm>>
        %dma_start3A_2589 = tpu.memref_squeeze %dma_start3A_2588 : memref<1x80xi32, #tpu.memory_space<hbm>> -> memref<80xi32, #tpu.memory_space<hbm>>
        %dma_start3A_2590 = tpu.memref_slice %arg11[%dma_start3A_2584] : memref<8x!tpu.dma_semaphore, #tpu.memory_space<semaphore_mem>> -> memref<1x!tpu.dma_semaphore, #tpu.memory_space<semaphore_mem>>
        %dma_start3A_2591 = tpu.memref_squeeze %dma_start3A_2590 : memref<1x!tpu.dma_semaphore, #tpu.memory_space<semaphore_mem>> -> memref<!tpu.dma_semaphore, #tpu.memory_space<semaphore_mem>>
        %dma_start3A_2592 = arith.constant 0 : i32
        %dma_start3A_2593 = tpu.memref_slice %arg6[%dma_start3A_2583, %dma_start3A_2592] : memref<8x80xi32, #tpu.memory_space<vmem>> -> memref<1x80xi32, #tpu.memory_space<vmem>>
        %dma_start3A_2594 = tpu.memref_squeeze %dma_start3A_2593 : memref<1x80xi32, #tpu.memory_space<vmem>> -> memref<80xi32, #tpu.memory_space<vmem>>
        %dma_start3A_2595 = tpu.memref_slice %arg3[%dma_start3A_2582, %add3A_2581] : memref<2x320000xi32, #tpu.memory_space<hbm>> -> memref<1x80xi32, #tpu.memory_space<hbm>>
        %dma_start3A_2596 = tpu.memref_squeeze %dma_start3A_2595 : memref<1x80xi32, #tpu.memory_space<hbm>> -> memref<80xi32, #tpu.memory_space<hbm>>
        tpu.enqueue_dma source(%dma_start3A_2596 : memref<80xi32, #tpu.memory_space<hbm>>) target(%dma_start3A_2594 : memref<80xi32, #tpu.memory_space<vmem>>) target_semaphore(%dma_start3A_2591 : memref<!tpu.dma_semaphore, #tpu.memory_space<semaphore_mem>>)
      } else {
      }
      %add3A_2034 = arith.constant 3 : i32
      %add3A_2035 = arith.addi %mul3A_1718, %add3A_2034 : i32
      %mul3A_2036 = arith.constant 80 : i32
      %mul3A_2037 = arith.muli %add3A_2035, %mul3A_2036 : i32
      %add3A_2038 = arith.addi %mul3A_3, %mul3A_2037 : i32
      %dma_wait3A_2039 = arith.constant 0 : i32
      %dma_wait3A_2040 = arith.constant 3 : i32
      %dma_wait3A_2041 = arith.constant 3 : i32
      %dma_wait3A_2042 = arith.constant 0 : i32
      %dma_wait3A_2043 = tpu.memref_slice %arg5[%dma_wait3A_2040, %dma_wait3A_2042] : memref<8x80xi32, #tpu.memory_space<vmem>> -> memref<1x80xi32, #tpu.memory_space<vmem>>
      %dma_wait3A_2044 = tpu.memref_squeeze %dma_wait3A_2043 : memref<1x80xi32, #tpu.memory_space<vmem>> -> memref<80xi32, #tpu.memory_space<vmem>>
      %dma_wait3A_2045 = tpu.memref_slice %arg3[%dma_wait3A_2039, %add3A_2038] : memref<2x320000xi32, #tpu.memory_space<hbm>> -> memref<1x80xi32, #tpu.memory_space<hbm>>
      %dma_wait3A_2046 = tpu.memref_squeeze %dma_wait3A_2045 : memref<1x80xi32, #tpu.memory_space<hbm>> -> memref<80xi32, #tpu.memory_space<hbm>>
      %dma_wait3A_2047 = tpu.memref_slice %arg10[%dma_wait3A_2041] : memref<8x!tpu.dma_semaphore, #tpu.memory_space<semaphore_mem>> -> memref<1x!tpu.dma_semaphore, #tpu.memory_space<semaphore_mem>>
      %dma_wait3A_2048 = tpu.memref_squeeze %dma_wait3A_2047 : memref<1x!tpu.dma_semaphore, #tpu.memory_space<semaphore_mem>> -> memref<!tpu.dma_semaphore, #tpu.memory_space<semaphore_mem>>
      %dma_wait3A_2049 = arith.constant 0 : i32
      %dma_wait3A_2050 = tpu.memref_slice %arg5[%dma_wait3A_2040, %dma_wait3A_2049] : memref<8x80xi32, #tpu.memory_space<vmem>> -> memref<1x80xi32, #tpu.memory_space<vmem>>
      %dma_wait3A_2051 = tpu.memref_squeeze %dma_wait3A_2050 : memref<1x80xi32, #tpu.memory_space<vmem>> -> memref<80xi32, #tpu.memory_space<vmem>>
      %dma_wait3A_2052 = tpu.memref_slice %arg3[%dma_wait3A_2039, %add3A_2038] : memref<2x320000xi32, #tpu.memory_space<hbm>> -> memref<1x80xi32, #tpu.memory_space<hbm>>
      %dma_wait3A_2053 = tpu.memref_squeeze %dma_wait3A_2052 : memref<1x80xi32, #tpu.memory_space<hbm>> -> memref<80xi32, #tpu.memory_space<hbm>>
      tpu.wait_dma2 semaphore(%dma_wait3A_2048 : memref<!tpu.dma_semaphore, #tpu.memory_space<semaphore_mem>>) src(%dma_wait3A_2053 : memref<80xi32, #tpu.memory_space<hbm>>) dst(%dma_wait3A_2051 : memref<80xi32, #tpu.memory_space<vmem>>)
      %mul3A_2054 = arith.constant 80 : i32
      %mul3A_2055 = arith.muli %add3A_2035, %mul3A_2054 : i32
      %add3A_2056 = arith.addi %mul3A_3, %mul3A_2055 : i32
      %dma_wait3A_2057 = arith.constant 1 : i32
      %dma_wait3A_2058 = arith.constant 3 : i32
      %dma_wait3A_2059 = arith.constant 3 : i32
      %dma_wait3A_2060 = arith.constant 0 : i32
      %dma_wait3A_2061 = tpu.memref_slice %arg6[%dma_wait3A_2058, %dma_wait3A_2060] : memref<8x80xi32, #tpu.memory_space<vmem>> -> memref<1x80xi32, #tpu.memory_space<vmem>>
      %dma_wait3A_2062 = tpu.memref_squeeze %dma_wait3A_2061 : memref<1x80xi32, #tpu.memory_space<vmem>> -> memref<80xi32, #tpu.memory_space<vmem>>
      %dma_wait3A_2063 = tpu.memref_slice %arg3[%dma_wait3A_2057, %add3A_2056] : memref<2x320000xi32, #tpu.memory_space<hbm>> -> memref<1x80xi32, #tpu.memory_space<hbm>>
      %dma_wait3A_2064 = tpu.memref_squeeze %dma_wait3A_2063 : memref<1x80xi32, #tpu.memory_space<hbm>> -> memref<80xi32, #tpu.memory_space<hbm>>
      %dma_wait3A_2065 = tpu.memref_slice %arg11[%dma_wait3A_2059] : memref<8x!tpu.dma_semaphore, #tpu.memory_space<semaphore_mem>> -> memref<1x!tpu.dma_semaphore, #tpu.memory_space<semaphore_mem>>
      %dma_wait3A_2066 = tpu.memref_squeeze %dma_wait3A_2065 : memref<1x!tpu.dma_semaphore, #tpu.memory_space<semaphore_mem>> -> memref<!tpu.dma_semaphore, #tpu.memory_space<semaphore_mem>>
      %dma_wait3A_2067 = arith.constant 0 : i32
      %dma_wait3A_2068 = tpu.memref_slice %arg6[%dma_wait3A_2058, %dma_wait3A_2067] : memref<8x80xi32, #tpu.memory_space<vmem>> -> memref<1x80xi32, #tpu.memory_space<vmem>>
      %dma_wait3A_2069 = tpu.memref_squeeze %dma_wait3A_2068 : memref<1x80xi32, #tpu.memory_space<vmem>> -> memref<80xi32, #tpu.memory_space<vmem>>
      %dma_wait3A_2070 = tpu.memref_slice %arg3[%dma_wait3A_2057, %add3A_2056] : memref<2x320000xi32, #tpu.memory_space<hbm>> -> memref<1x80xi32, #tpu.memory_space<hbm>>
      %dma_wait3A_2071 = tpu.memref_squeeze %dma_wait3A_2070 : memref<1x80xi32, #tpu.memory_space<hbm>> -> memref<80xi32, #tpu.memory_space<hbm>>
      tpu.wait_dma2 semaphore(%dma_wait3A_2066 : memref<!tpu.dma_semaphore, #tpu.memory_space<semaphore_mem>>) src(%dma_wait3A_2071 : memref<80xi32, #tpu.memory_space<hbm>>) dst(%dma_wait3A_2069 : memref<80xi32, #tpu.memory_space<vmem>>)
      %dma_wait3A_2072 = arith.constant 3 : i32
      %dma_wait3A_2073 = arith.constant 7 : i32
      %dma_wait3A_2074 = arith.constant 3 : i32
      %dma_wait3A_2075 = arith.constant 0 : i32
      %dma_wait3A_2076 = arith.constant 0 : i32
      %dma_wait3A_2077 = tpu.memref_slice %arg7[%dma_wait3A_2072, %dma_wait3A_2075, %dma_wait3A_2076] : memref<4x80x128xbf16, #tpu.memory_space<vmem>> -> memref<1x80x128xbf16, #tpu.memory_space<vmem>>
      %dma_wait3A_2078 = tpu.memref_squeeze %dma_wait3A_2077 : memref<1x80x128xbf16, #tpu.memory_space<vmem>> -> memref<80x128xbf16, #tpu.memory_space<vmem>>
      %dma_wait3A_2079 = arith.constant 0 : i32
      %dma_wait3A_2080 = tpu.memref_slice %arg6[%dma_wait3A_2073, %dma_wait3A_2079] : memref<8x80xi32, #tpu.memory_space<vmem>> -> memref<1x80xi32, #tpu.memory_space<vmem>>
      %dma_wait3A_2081 = tpu.memref_squeeze %dma_wait3A_2080 : memref<1x80xi32, #tpu.memory_space<vmem>> -> memref<80xi32, #tpu.memory_space<vmem>>
      %dma_wait3A_2082 = arith.constant 0 : i32
      %dma_wait3A_2083 = arith.constant 0 : i32
      %dma_wait3A_2084 = tpu.memref_slice %arg9[%dma_wait3A_2082, %dma_wait3A_2083] : memref<10000x128xbf16, #tpu.memory_space<vmem_shared>> -> memref<10000x128xbf16, #tpu.memory_space<vmem_shared>>
      %dma_wait3A_2085 = tpu.memref_slice %arg13[%dma_wait3A_2074] : memref<4x!tpu.dma_semaphore, #tpu.memory_space<semaphore_mem>> -> memref<1x!tpu.dma_semaphore, #tpu.memory_space<semaphore_mem>>
      %dma_wait3A_2086 = tpu.memref_squeeze %dma_wait3A_2085 : memref<1x!tpu.dma_semaphore, #tpu.memory_space<semaphore_mem>> -> memref<!tpu.dma_semaphore, #tpu.memory_space<semaphore_mem>>
      tpu.wait_indirect_dma semaphore(%dma_wait3A_2086 : memref<!tpu.dma_semaphore, #tpu.memory_space<semaphore_mem>>) src(%dma_wait3A_2078 : memref<80x128xbf16, #tpu.memory_space<vmem>>) dst(%dma_wait3A_2084 : memref<10000x128xbf16, #tpu.memory_space<vmem_shared>>)
      %dma_start3A_2087 = arith.constant 3 : i32
      %dma_start3A_2088 = arith.constant 3 : i32
      %dma_start3A_2089 = arith.constant 3 : i32
      %dma_start3A_2090 = arith.constant 0 : i32
      %dma_start3A_2091 = arith.constant 0 : i32
      %dma_start3A_2092 = tpu.memref_slice %arg7[%dma_start3A_2088, %dma_start3A_2090, %dma_start3A_2091] : memref<4x80x128xbf16, #tpu.memory_space<vmem>> -> memref<1x80x128xbf16, #tpu.memory_space<vmem>>
      %dma_start3A_2093 = tpu.memref_squeeze %dma_start3A_2092 : memref<1x80x128xbf16, #tpu.memory_space<vmem>> -> memref<80x128xbf16, #tpu.memory_space<vmem>>
      %dma_start3A_2094 = arith.constant 0 : i32
      %dma_start3A_2095 = tpu.memref_slice %arg5[%dma_start3A_2087, %dma_start3A_2094] : memref<8x80xi32, #tpu.memory_space<vmem>> -> memref<1x80xi32, #tpu.memory_space<vmem>>
      %dma_start3A_2096 = tpu.memref_squeeze %dma_start3A_2095 : memref<1x80xi32, #tpu.memory_space<vmem>> -> memref<80xi32, #tpu.memory_space<vmem>>
      %dma_start3A_2097 = arith.constant 0 : i32
      %dma_start3A_2098 = arith.constant 0 : i32
      %dma_start3A_2099 = tpu.memref_slice %arg2[%dma_start3A_2097, %dma_start3A_2098] : memref<10000x128xbf16, #tpu.memory_space<hbm>> -> memref<10000x128xbf16, #tpu.memory_space<hbm>>
      %dma_start3A_2100 = tpu.memref_slice %arg12[%dma_start3A_2089] : memref<4x!tpu.dma_semaphore, #tpu.memory_space<semaphore_mem>> -> memref<1x!tpu.dma_semaphore, #tpu.memory_space<semaphore_mem>>
      %dma_start3A_2101 = tpu.memref_squeeze %dma_start3A_2100 : memref<1x!tpu.dma_semaphore, #tpu.memory_space<semaphore_mem>> -> memref<!tpu.dma_semaphore, #tpu.memory_space<semaphore_mem>>
      tpu.enqueue_indirect_dma source(%dma_start3A_2099 : memref<10000x128xbf16, #tpu.memory_space<hbm>>) target(%dma_start3A_2093 : memref<80x128xbf16, #tpu.memory_space<vmem>>) offsets(%dma_start3A_2096 : memref<80xi32, #tpu.memory_space<vmem>>) semaphore(%dma_start3A_2101 : memref<!tpu.dma_semaphore, #tpu.memory_space<semaphore_mem>>)
      %dma_wait3A_2102 = arith.constant 2 : i32
      %dma_wait3A_2103 = arith.constant 2 : i32
      %dma_wait3A_2104 = arith.constant 2 : i32
      %dma_wait3A_2105 = arith.constant 0 : i32
      %dma_wait3A_2106 = arith.constant 0 : i32
      %dma_wait3A_2107 = tpu.memref_slice %arg7[%dma_wait3A_2103, %dma_wait3A_2105, %dma_wait3A_2106] : memref<4x80x128xbf16, #tpu.memory_space<vmem>> -> memref<1x80x128xbf16, #tpu.memory_space<vmem>>
      %dma_wait3A_2108 = tpu.memref_squeeze %dma_wait3A_2107 : memref<1x80x128xbf16, #tpu.memory_space<vmem>> -> memref<80x128xbf16, #tpu.memory_space<vmem>>
      %dma_wait3A_2109 = arith.constant 0 : i32
      %dma_wait3A_2110 = tpu.memref_slice %arg5[%dma_wait3A_2102, %dma_wait3A_2109] : memref<8x80xi32, #tpu.memory_space<vmem>> -> memref<1x80xi32, #tpu.memory_space<vmem>>
      %dma_wait3A_2111 = tpu.memref_squeeze %dma_wait3A_2110 : memref<1x80xi32, #tpu.memory_space<vmem>> -> memref<80xi32, #tpu.memory_space<vmem>>
      %dma_wait3A_2112 = arith.constant 0 : i32
      %dma_wait3A_2113 = arith.constant 0 : i32
      %dma_wait3A_2114 = tpu.memref_slice %arg2[%dma_wait3A_2112, %dma_wait3A_2113] : memref<10000x128xbf16, #tpu.memory_space<hbm>> -> memref<10000x128xbf16, #tpu.memory_space<hbm>>
      %dma_wait3A_2115 = tpu.memref_slice %arg12[%dma_wait3A_2104] : memref<4x!tpu.dma_semaphore, #tpu.memory_space<semaphore_mem>> -> memref<1x!tpu.dma_semaphore, #tpu.memory_space<semaphore_mem>>
      %dma_wait3A_2116 = tpu.memref_squeeze %dma_wait3A_2115 : memref<1x!tpu.dma_semaphore, #tpu.memory_space<semaphore_mem>> -> memref<!tpu.dma_semaphore, #tpu.memory_space<semaphore_mem>>
      tpu.wait_indirect_dma semaphore(%dma_wait3A_2116 : memref<!tpu.dma_semaphore, #tpu.memory_space<semaphore_mem>>) src(%dma_wait3A_2114 : memref<10000x128xbf16, #tpu.memory_space<hbm>>) dst(%dma_wait3A_2108 : memref<80x128xbf16, #tpu.memory_space<vmem>>)
      %dma_start3A_2117 = arith.constant 2 : i32
      %dma_start3A_2118 = arith.constant 2 : i32
      %dma_start3A_2119 = arith.constant 2 : i32
      %dma_start3A_2120 = arith.constant 0 : i32
      %dma_start3A_2121 = arith.constant 0 : i32
      %dma_start3A_2122 = tpu.memref_slice %arg7[%dma_start3A_2117, %dma_start3A_2120, %dma_start3A_2121] : memref<4x80x128xbf16, #tpu.memory_space<vmem>> -> memref<1x80x128xbf16, #tpu.memory_space<vmem>>
      %dma_start3A_2123 = tpu.memref_squeeze %dma_start3A_2122 : memref<1x80x128xbf16, #tpu.memory_space<vmem>> -> memref<80x128xbf16, #tpu.memory_space<vmem>>
      %dma_start3A_2124 = arith.constant 0 : i32
      %dma_start3A_2125 = tpu.memref_slice %arg6[%dma_start3A_2118, %dma_start3A_2124] : memref<8x80xi32, #tpu.memory_space<vmem>> -> memref<1x80xi32, #tpu.memory_space<vmem>>
      %dma_start3A_2126 = tpu.memref_squeeze %dma_start3A_2125 : memref<1x80xi32, #tpu.memory_space<vmem>> -> memref<80xi32, #tpu.memory_space<vmem>>
      %dma_start3A_2127 = arith.constant 0 : i32
      %dma_start3A_2128 = arith.constant 0 : i32
      %dma_start3A_2129 = tpu.memref_slice %arg9[%dma_start3A_2127, %dma_start3A_2128] : memref<10000x128xbf16, #tpu.memory_space<vmem_shared>> -> memref<10000x128xbf16, #tpu.memory_space<vmem_shared>>
      %dma_start3A_2130 = tpu.memref_slice %arg13[%dma_start3A_2119] : memref<4x!tpu.dma_semaphore, #tpu.memory_space<semaphore_mem>> -> memref<1x!tpu.dma_semaphore, #tpu.memory_space<semaphore_mem>>
      %dma_start3A_2131 = tpu.memref_squeeze %dma_start3A_2130 : memref<1x!tpu.dma_semaphore, #tpu.memory_space<semaphore_mem>> -> memref<!tpu.dma_semaphore, #tpu.memory_space<semaphore_mem>>
      tpu.enqueue_indirect_dma source(%dma_start3A_2123 : memref<80x128xbf16, #tpu.memory_space<vmem>>) target(%dma_start3A_2129 : memref<10000x128xbf16, #tpu.memory_space<vmem_shared>>) offsets(%dma_start3A_2126 : memref<80xi32, #tpu.memory_space<vmem>>) semaphore(%dma_start3A_2131 : memref<!tpu.dma_semaphore, #tpu.memory_space<semaphore_mem>>) {add = true}
      %add3A_2132 = arith.constant 4 : i32
      %add3A_2133 = arith.addi %add3A_2035, %add3A_2132 : i32
      %lt3A_2134 = arith.constant 125 : i32
      %lt3A_2135 = arith.cmpi slt, %add3A_2133, %lt3A_2134 : i32
      %convert_element_type3A_2136 = arith.extui %lt3A_2135 : i1 to i32
      %cond3A_2137 = arith.constant 0 : i32
      %cond3A_2138 = arith.cmpi ne, %convert_element_type3A_2136, %cond3A_2137 : i32
      scf.if %cond3A_2138 {
        %add3A_2559 = arith.constant 4 : i32
        %add3A_2560 = arith.addi %add3A_2035, %add3A_2559 : i32
        %mul3A_2561 = arith.constant 80 : i32
        %mul3A_2562 = arith.muli %add3A_2560, %mul3A_2561 : i32
        %add3A_2563 = arith.addi %mul3A_3, %mul3A_2562 : i32
        %dma_start3A_2564 = arith.constant 0 : i32
        %dma_start3A_2565 = arith.constant 7 : i32
        %dma_start3A_2566 = arith.constant 7 : i32
        %dma_start3A_2567 = arith.constant 0 : i32
        %dma_start3A_2568 = tpu.memref_slice %arg5[%dma_start3A_2565, %dma_start3A_2567] : memref<8x80xi32, #tpu.memory_space<vmem>> -> memref<1x80xi32, #tpu.memory_space<vmem>>
        %dma_start3A_2569 = tpu.memref_squeeze %dma_start3A_2568 : memref<1x80xi32, #tpu.memory_space<vmem>> -> memref<80xi32, #tpu.memory_space<vmem>>
        %dma_start3A_2570 = tpu.memref_slice %arg3[%dma_start3A_2564, %add3A_2563] : memref<2x320000xi32, #tpu.memory_space<hbm>> -> memref<1x80xi32, #tpu.memory_space<hbm>>
        %dma_start3A_2571 = tpu.memref_squeeze %dma_start3A_2570 : memref<1x80xi32, #tpu.memory_space<hbm>> -> memref<80xi32, #tpu.memory_space<hbm>>
        %dma_start3A_2572 = tpu.memref_slice %arg10[%dma_start3A_2566] : memref<8x!tpu.dma_semaphore, #tpu.memory_space<semaphore_mem>> -> memref<1x!tpu.dma_semaphore, #tpu.memory_space<semaphore_mem>>
        %dma_start3A_2573 = tpu.memref_squeeze %dma_start3A_2572 : memref<1x!tpu.dma_semaphore, #tpu.memory_space<semaphore_mem>> -> memref<!tpu.dma_semaphore, #tpu.memory_space<semaphore_mem>>
        %dma_start3A_2574 = arith.constant 0 : i32
        %dma_start3A_2575 = tpu.memref_slice %arg5[%dma_start3A_2565, %dma_start3A_2574] : memref<8x80xi32, #tpu.memory_space<vmem>> -> memref<1x80xi32, #tpu.memory_space<vmem>>
        %dma_start3A_2576 = tpu.memref_squeeze %dma_start3A_2575 : memref<1x80xi32, #tpu.memory_space<vmem>> -> memref<80xi32, #tpu.memory_space<vmem>>
        %dma_start3A_2577 = tpu.memref_slice %arg3[%dma_start3A_2564, %add3A_2563] : memref<2x320000xi32, #tpu.memory_space<hbm>> -> memref<1x80xi32, #tpu.memory_space<hbm>>
        %dma_start3A_2578 = tpu.memref_squeeze %dma_start3A_2577 : memref<1x80xi32, #tpu.memory_space<hbm>> -> memref<80xi32, #tpu.memory_space<hbm>>
        tpu.enqueue_dma source(%dma_start3A_2578 : memref<80xi32, #tpu.memory_space<hbm>>) target(%dma_start3A_2576 : memref<80xi32, #tpu.memory_space<vmem>>) target_semaphore(%dma_start3A_2573 : memref<!tpu.dma_semaphore, #tpu.memory_space<semaphore_mem>>)
        %mul3A_2579 = arith.constant 80 : i32
        %mul3A_2580 = arith.muli %add3A_2560, %mul3A_2579 : i32
        %add3A_2581 = arith.addi %mul3A_3, %mul3A_2580 : i32
        %dma_start3A_2582 = arith.constant 1 : i32
        %dma_start3A_2583 = arith.constant 7 : i32
        %dma_start3A_2584 = arith.constant 7 : i32
        %dma_start3A_2585 = arith.constant 0 : i32
        %dma_start3A_2586 = tpu.memref_slice %arg6[%dma_start3A_2583, %dma_start3A_2585] : memref<8x80xi32, #tpu.memory_space<vmem>> -> memref<1x80xi32, #tpu.memory_space<vmem>>
        %dma_start3A_2587 = tpu.memref_squeeze %dma_start3A_2586 : memref<1x80xi32, #tpu.memory_space<vmem>> -> memref<80xi32, #tpu.memory_space<vmem>>
        %dma_start3A_2588 = tpu.memref_slice %arg3[%dma_start3A_2582, %add3A_2581] : memref<2x320000xi32, #tpu.memory_space<hbm>> -> memref<1x80xi32, #tpu.memory_space<hbm>>
        %dma_start3A_2589 = tpu.memref_squeeze %dma_start3A_2588 : memref<1x80xi32, #tpu.memory_space<hbm>> -> memref<80xi32, #tpu.memory_space<hbm>>
        %dma_start3A_2590 = tpu.memref_slice %arg11[%dma_start3A_2584] : memref<8x!tpu.dma_semaphore, #tpu.memory_space<semaphore_mem>> -> memref<1x!tpu.dma_semaphore, #tpu.memory_space<semaphore_mem>>
        %dma_start3A_2591 = tpu.memref_squeeze %dma_start3A_2590 : memref<1x!tpu.dma_semaphore, #tpu.memory_space<semaphore_mem>> -> memref<!tpu.dma_semaphore, #tpu.memory_space<semaphore_mem>>
        %dma_start3A_2592 = arith.constant 0 : i32
        %dma_start3A_2593 = tpu.memref_slice %arg6[%dma_start3A_2583, %dma_start3A_2592] : memref<8x80xi32, #tpu.memory_space<vmem>> -> memref<1x80xi32, #tpu.memory_space<vmem>>
        %dma_start3A_2594 = tpu.memref_squeeze %dma_start3A_2593 : memref<1x80xi32, #tpu.memory_space<vmem>> -> memref<80xi32, #tpu.memory_space<vmem>>
        %dma_start3A_2595 = tpu.memref_slice %arg3[%dma_start3A_2582, %add3A_2581] : memref<2x320000xi32, #tpu.memory_space<hbm>> -> memref<1x80xi32, #tpu.memory_space<hbm>>
        %dma_start3A_2596 = tpu.memref_squeeze %dma_start3A_2595 : memref<1x80xi32, #tpu.memory_space<hbm>> -> memref<80xi32, #tpu.memory_space<hbm>>
        tpu.enqueue_dma source(%dma_start3A_2596 : memref<80xi32, #tpu.memory_space<hbm>>) target(%dma_start3A_2594 : memref<80xi32, #tpu.memory_space<vmem>>) target_semaphore(%dma_start3A_2591 : memref<!tpu.dma_semaphore, #tpu.memory_space<semaphore_mem>>)
      } else {
      }
      %add3A_2139 = arith.constant 4 : i32
      %add3A_2140 = arith.addi %mul3A_1718, %add3A_2139 : i32
      %mul3A_2141 = arith.constant 80 : i32
      %mul3A_2142 = arith.muli %add3A_2140, %mul3A_2141 : i32
      %add3A_2143 = arith.addi %mul3A_3, %mul3A_2142 : i32
      %dma_wait3A_2144 = arith.constant 0 : i32
      %dma_wait3A_2145 = arith.constant 4 : i32
      %dma_wait3A_2146 = arith.constant 4 : i32
      %dma_wait3A_2147 = arith.constant 0 : i32
      %dma_wait3A_2148 = tpu.memref_slice %arg5[%dma_wait3A_2145, %dma_wait3A_2147] : memref<8x80xi32, #tpu.memory_space<vmem>> -> memref<1x80xi32, #tpu.memory_space<vmem>>
      %dma_wait3A_2149 = tpu.memref_squeeze %dma_wait3A_2148 : memref<1x80xi32, #tpu.memory_space<vmem>> -> memref<80xi32, #tpu.memory_space<vmem>>
      %dma_wait3A_2150 = tpu.memref_slice %arg3[%dma_wait3A_2144, %add3A_2143] : memref<2x320000xi32, #tpu.memory_space<hbm>> -> memref<1x80xi32, #tpu.memory_space<hbm>>
      %dma_wait3A_2151 = tpu.memref_squeeze %dma_wait3A_2150 : memref<1x80xi32, #tpu.memory_space<hbm>> -> memref<80xi32, #tpu.memory_space<hbm>>
      %dma_wait3A_2152 = tpu.memref_slice %arg10[%dma_wait3A_2146] : memref<8x!tpu.dma_semaphore, #tpu.memory_space<semaphore_mem>> -> memref<1x!tpu.dma_semaphore, #tpu.memory_space<semaphore_mem>>
      %dma_wait3A_2153 = tpu.memref_squeeze %dma_wait3A_2152 : memref<1x!tpu.dma_semaphore, #tpu.memory_space<semaphore_mem>> -> memref<!tpu.dma_semaphore, #tpu.memory_space<semaphore_mem>>
      %dma_wait3A_2154 = arith.constant 0 : i32
      %dma_wait3A_2155 = tpu.memref_slice %arg5[%dma_wait3A_2145, %dma_wait3A_2154] : memref<8x80xi32, #tpu.memory_space<vmem>> -> memref<1x80xi32, #tpu.memory_space<vmem>>
      %dma_wait3A_2156 = tpu.memref_squeeze %dma_wait3A_2155 : memref<1x80xi32, #tpu.memory_space<vmem>> -> memref<80xi32, #tpu.memory_space<vmem>>
      %dma_wait3A_2157 = tpu.memref_slice %arg3[%dma_wait3A_2144, %add3A_2143] : memref<2x320000xi32, #tpu.memory_space<hbm>> -> memref<1x80xi32, #tpu.memory_space<hbm>>
      %dma_wait3A_2158 = tpu.memref_squeeze %dma_wait3A_2157 : memref<1x80xi32, #tpu.memory_space<hbm>> -> memref<80xi32, #tpu.memory_space<hbm>>
      tpu.wait_dma2 semaphore(%dma_wait3A_2153 : memref<!tpu.dma_semaphore, #tpu.memory_space<semaphore_mem>>) src(%dma_wait3A_2158 : memref<80xi32, #tpu.memory_space<hbm>>) dst(%dma_wait3A_2156 : memref<80xi32, #tpu.memory_space<vmem>>)
      %mul3A_2159 = arith.constant 80 : i32
      %mul3A_2160 = arith.muli %add3A_2140, %mul3A_2159 : i32
      %add3A_2161 = arith.addi %mul3A_3, %mul3A_2160 : i32
      %dma_wait3A_2162 = arith.constant 1 : i32
      %dma_wait3A_2163 = arith.constant 4 : i32
      %dma_wait3A_2164 = arith.constant 4 : i32
      %dma_wait3A_2165 = arith.constant 0 : i32
      %dma_wait3A_2166 = tpu.memref_slice %arg6[%dma_wait3A_2163, %dma_wait3A_2165] : memref<8x80xi32, #tpu.memory_space<vmem>> -> memref<1x80xi32, #tpu.memory_space<vmem>>
      %dma_wait3A_2167 = tpu.memref_squeeze %dma_wait3A_2166 : memref<1x80xi32, #tpu.memory_space<vmem>> -> memref<80xi32, #tpu.memory_space<vmem>>
      %dma_wait3A_2168 = tpu.memref_slice %arg3[%dma_wait3A_2162, %add3A_2161] : memref<2x320000xi32, #tpu.memory_space<hbm>> -> memref<1x80xi32, #tpu.memory_space<hbm>>
      %dma_wait3A_2169 = tpu.memref_squeeze %dma_wait3A_2168 : memref<1x80xi32, #tpu.memory_space<hbm>> -> memref<80xi32, #tpu.memory_space<hbm>>
      %dma_wait3A_2170 = tpu.memref_slice %arg11[%dma_wait3A_2164] : memref<8x!tpu.dma_semaphore, #tpu.memory_space<semaphore_mem>> -> memref<1x!tpu.dma_semaphore, #tpu.memory_space<semaphore_mem>>
      %dma_wait3A_2171 = tpu.memref_squeeze %dma_wait3A_2170 : memref<1x!tpu.dma_semaphore, #tpu.memory_space<semaphore_mem>> -> memref<!tpu.dma_semaphore, #tpu.memory_space<semaphore_mem>>
      %dma_wait3A_2172 = arith.constant 0 : i32
      %dma_wait3A_2173 = tpu.memref_slice %arg6[%dma_wait3A_2163, %dma_wait3A_2172] : memref<8x80xi32, #tpu.memory_space<vmem>> -> memref<1x80xi32, #tpu.memory_space<vmem>>
      %dma_wait3A_2174 = tpu.memref_squeeze %dma_wait3A_2173 : memref<1x80xi32, #tpu.memory_space<vmem>> -> memref<80xi32, #tpu.memory_space<vmem>>
      %dma_wait3A_2175 = tpu.memref_slice %arg3[%dma_wait3A_2162, %add3A_2161] : memref<2x320000xi32, #tpu.memory_space<hbm>> -> memref<1x80xi32, #tpu.memory_space<hbm>>
      %dma_wait3A_2176 = tpu.memref_squeeze %dma_wait3A_2175 : memref<1x80xi32, #tpu.memory_space<hbm>> -> memref<80xi32, #tpu.memory_space<hbm>>
      tpu.wait_dma2 semaphore(%dma_wait3A_2171 : memref<!tpu.dma_semaphore, #tpu.memory_space<semaphore_mem>>) src(%dma_wait3A_2176 : memref<80xi32, #tpu.memory_space<hbm>>) dst(%dma_wait3A_2174 : memref<80xi32, #tpu.memory_space<vmem>>)
      %dma_wait3A_2177 = arith.constant 0 : i32
      %dma_wait3A_2178 = arith.constant 0 : i32
      %dma_wait3A_2179 = arith.constant 0 : i32
      %dma_wait3A_2180 = arith.constant 0 : i32
      %dma_wait3A_2181 = arith.constant 0 : i32
      %dma_wait3A_2182 = tpu.memref_slice %arg7[%dma_wait3A_2177, %dma_wait3A_2180, %dma_wait3A_2181] : memref<4x80x128xbf16, #tpu.memory_space<vmem>> -> memref<1x80x128xbf16, #tpu.memory_space<vmem>>
      %dma_wait3A_2183 = tpu.memref_squeeze %dma_wait3A_2182 : memref<1x80x128xbf16, #tpu.memory_space<vmem>> -> memref<80x128xbf16, #tpu.memory_space<vmem>>
      %dma_wait3A_2184 = arith.constant 0 : i32
      %dma_wait3A_2185 = tpu.memref_slice %arg6[%dma_wait3A_2178, %dma_wait3A_2184] : memref<8x80xi32, #tpu.memory_space<vmem>> -> memref<1x80xi32, #tpu.memory_space<vmem>>
      %dma_wait3A_2186 = tpu.memref_squeeze %dma_wait3A_2185 : memref<1x80xi32, #tpu.memory_space<vmem>> -> memref<80xi32, #tpu.memory_space<vmem>>
      %dma_wait3A_2187 = arith.constant 0 : i32
      %dma_wait3A_2188 = arith.constant 0 : i32
      %dma_wait3A_2189 = tpu.memref_slice %arg9[%dma_wait3A_2187, %dma_wait3A_2188] : memref<10000x128xbf16, #tpu.memory_space<vmem_shared>> -> memref<10000x128xbf16, #tpu.memory_space<vmem_shared>>
      %dma_wait3A_2190 = tpu.memref_slice %arg13[%dma_wait3A_2179] : memref<4x!tpu.dma_semaphore, #tpu.memory_space<semaphore_mem>> -> memref<1x!tpu.dma_semaphore, #tpu.memory_space<semaphore_mem>>
      %dma_wait3A_2191 = tpu.memref_squeeze %dma_wait3A_2190 : memref<1x!tpu.dma_semaphore, #tpu.memory_space<semaphore_mem>> -> memref<!tpu.dma_semaphore, #tpu.memory_space<semaphore_mem>>
      tpu.wait_indirect_dma semaphore(%dma_wait3A_2191 : memref<!tpu.dma_semaphore, #tpu.memory_space<semaphore_mem>>) src(%dma_wait3A_2183 : memref<80x128xbf16, #tpu.memory_space<vmem>>) dst(%dma_wait3A_2189 : memref<10000x128xbf16, #tpu.memory_space<vmem_shared>>)
      %dma_start3A_2192 = arith.constant 4 : i32
      %dma_start3A_2193 = arith.constant 0 : i32
      %dma_start3A_2194 = arith.constant 0 : i32
      %dma_start3A_2195 = arith.constant 0 : i32
      %dma_start3A_2196 = arith.constant 0 : i32
      %dma_start3A_2197 = tpu.memref_slice %arg7[%dma_start3A_2193, %dma_start3A_2195, %dma_start3A_2196] : memref<4x80x128xbf16, #tpu.memory_space<vmem>> -> memref<1x80x128xbf16, #tpu.memory_space<vmem>>
      %dma_start3A_2198 = tpu.memref_squeeze %dma_start3A_2197 : memref<1x80x128xbf16, #tpu.memory_space<vmem>> -> memref<80x128xbf16, #tpu.memory_space<vmem>>
      %dma_start3A_2199 = arith.constant 0 : i32
      %dma_start3A_2200 = tpu.memref_slice %arg5[%dma_start3A_2192, %dma_start3A_2199] : memref<8x80xi32, #tpu.memory_space<vmem>> -> memref<1x80xi32, #tpu.memory_space<vmem>>
      %dma_start3A_2201 = tpu.memref_squeeze %dma_start3A_2200 : memref<1x80xi32, #tpu.memory_space<vmem>> -> memref<80xi32, #tpu.memory_space<vmem>>
      %dma_start3A_2202 = arith.constant 0 : i32
      %dma_start3A_2203 = arith.constant 0 : i32
      %dma_start3A_2204 = tpu.memref_slice %arg2[%dma_start3A_2202, %dma_start3A_2203] : memref<10000x128xbf16, #tpu.memory_space<hbm>> -> memref<10000x128xbf16, #tpu.memory_space<hbm>>
      %dma_start3A_2205 = tpu.memref_slice %arg12[%dma_start3A_2194] : memref<4x!tpu.dma_semaphore, #tpu.memory_space<semaphore_mem>> -> memref<1x!tpu.dma_semaphore, #tpu.memory_space<semaphore_mem>>
      %dma_start3A_2206 = tpu.memref_squeeze %dma_start3A_2205 : memref<1x!tpu.dma_semaphore, #tpu.memory_space<semaphore_mem>> -> memref<!tpu.dma_semaphore, #tpu.memory_space<semaphore_mem>>
      tpu.enqueue_indirect_dma source(%dma_start3A_2204 : memref<10000x128xbf16, #tpu.memory_space<hbm>>) target(%dma_start3A_2198 : memref<80x128xbf16, #tpu.memory_space<vmem>>) offsets(%dma_start3A_2201 : memref<80xi32, #tpu.memory_space<vmem>>) semaphore(%dma_start3A_2206 : memref<!tpu.dma_semaphore, #tpu.memory_space<semaphore_mem>>)
      %dma_wait3A_2207 = arith.constant 3 : i32
      %dma_wait3A_2208 = arith.constant 3 : i32
      %dma_wait3A_2209 = arith.constant 3 : i32
      %dma_wait3A_2210 = arith.constant 0 : i32
      %dma_wait3A_2211 = arith.constant 0 : i32
      %dma_wait3A_2212 = tpu.memref_slice %arg7[%dma_wait3A_2208, %dma_wait3A_2210, %dma_wait3A_2211] : memref<4x80x128xbf16, #tpu.memory_space<vmem>> -> memref<1x80x128xbf16, #tpu.memory_space<vmem>>
      %dma_wait3A_2213 = tpu.memref_squeeze %dma_wait3A_2212 : memref<1x80x128xbf16, #tpu.memory_space<vmem>> -> memref<80x128xbf16, #tpu.memory_space<vmem>>
      %dma_wait3A_2214 = arith.constant 0 : i32
      %dma_wait3A_2215 = tpu.memref_slice %arg5[%dma_wait3A_2207, %dma_wait3A_2214] : memref<8x80xi32, #tpu.memory_space<vmem>> -> memref<1x80xi32, #tpu.memory_space<vmem>>
      %dma_wait3A_2216 = tpu.memref_squeeze %dma_wait3A_2215 : memref<1x80xi32, #tpu.memory_space<vmem>> -> memref<80xi32, #tpu.memory_space<vmem>>
      %dma_wait3A_2217 = arith.constant 0 : i32
      %dma_wait3A_2218 = arith.constant 0 : i32
      %dma_wait3A_2219 = tpu.memref_slice %arg2[%dma_wait3A_2217, %dma_wait3A_2218] : memref<10000x128xbf16, #tpu.memory_space<hbm>> -> memref<10000x128xbf16, #tpu.memory_space<hbm>>
      %dma_wait3A_2220 = tpu.memref_slice %arg12[%dma_wait3A_2209] : memref<4x!tpu.dma_semaphore, #tpu.memory_space<semaphore_mem>> -> memref<1x!tpu.dma_semaphore, #tpu.memory_space<semaphore_mem>>
      %dma_wait3A_2221 = tpu.memref_squeeze %dma_wait3A_2220 : memref<1x!tpu.dma_semaphore, #tpu.memory_space<semaphore_mem>> -> memref<!tpu.dma_semaphore, #tpu.memory_space<semaphore_mem>>
      tpu.wait_indirect_dma semaphore(%dma_wait3A_2221 : memref<!tpu.dma_semaphore, #tpu.memory_space<semaphore_mem>>) src(%dma_wait3A_2219 : memref<10000x128xbf16, #tpu.memory_space<hbm>>) dst(%dma_wait3A_2213 : memref<80x128xbf16, #tpu.memory_space<vmem>>)
      %dma_start3A_2222 = arith.constant 3 : i32
      %dma_start3A_2223 = arith.constant 3 : i32
      %dma_start3A_2224 = arith.constant 3 : i32
      %dma_start3A_2225 = arith.constant 0 : i32
      %dma_start3A_2226 = arith.constant 0 : i32
      %dma_start3A_2227 = tpu.memref_slice %arg7[%dma_start3A_2222, %dma_start3A_2225, %dma_start3A_2226] : memref<4x80x128xbf16, #tpu.memory_space<vmem>> -> memref<1x80x128xbf16, #tpu.memory_space<vmem>>
      %dma_start3A_2228 = tpu.memref_squeeze %dma_start3A_2227 : memref<1x80x128xbf16, #tpu.memory_space<vmem>> -> memref<80x128xbf16, #tpu.memory_space<vmem>>
      %dma_start3A_2229 = arith.constant 0 : i32
      %dma_start3A_2230 = tpu.memref_slice %arg6[%dma_start3A_2223, %dma_start3A_2229] : memref<8x80xi32, #tpu.memory_space<vmem>> -> memref<1x80xi32, #tpu.memory_space<vmem>>
      %dma_start3A_2231 = tpu.memref_squeeze %dma_start3A_2230 : memref<1x80xi32, #tpu.memory_space<vmem>> -> memref<80xi32, #tpu.memory_space<vmem>>
      %dma_start3A_2232 = arith.constant 0 : i32
      %dma_start3A_2233 = arith.constant 0 : i32
      %dma_start3A_2234 = tpu.memref_slice %arg9[%dma_start3A_2232, %dma_start3A_2233] : memref<10000x128xbf16, #tpu.memory_space<vmem_shared>> -> memref<10000x128xbf16, #tpu.memory_space<vmem_shared>>
      %dma_start3A_2235 = tpu.memref_slice %arg13[%dma_start3A_2224] : memref<4x!tpu.dma_semaphore, #tpu.memory_space<semaphore_mem>> -> memref<1x!tpu.dma_semaphore, #tpu.memory_space<semaphore_mem>>
      %dma_start3A_2236 = tpu.memref_squeeze %dma_start3A_2235 : memref<1x!tpu.dma_semaphore, #tpu.memory_space<semaphore_mem>> -> memref<!tpu.dma_semaphore, #tpu.memory_space<semaphore_mem>>
      tpu.enqueue_indirect_dma source(%dma_start3A_2228 : memref<80x128xbf16, #tpu.memory_space<vmem>>) target(%dma_start3A_2234 : memref<10000x128xbf16, #tpu.memory_space<vmem_shared>>) offsets(%dma_start3A_2231 : memref<80xi32, #tpu.memory_space<vmem>>) semaphore(%dma_start3A_2236 : memref<!tpu.dma_semaphore, #tpu.memory_space<semaphore_mem>>) {add = true}
      %add3A_2237 = arith.constant 4 : i32
      %add3A_2238 = arith.addi %add3A_2140, %add3A_2237 : i32
      %lt3A_2239 = arith.constant 125 : i32
      %lt3A_2240 = arith.cmpi slt, %add3A_2238, %lt3A_2239 : i32
      %convert_element_type3A_2241 = arith.extui %lt3A_2240 : i1 to i32
      %cond3A_2242 = arith.constant 0 : i32
      %cond3A_2243 = arith.cmpi ne, %convert_element_type3A_2241, %cond3A_2242 : i32
      scf.if %cond3A_2243 {
        %add3A_2559 = arith.constant 4 : i32
        %add3A_2560 = arith.addi %add3A_2140, %add3A_2559 : i32
        %mul3A_2561 = arith.constant 80 : i32
        %mul3A_2562 = arith.muli %add3A_2560, %mul3A_2561 : i32
        %add3A_2563 = arith.addi %mul3A_3, %mul3A_2562 : i32
        %dma_start3A_2564 = arith.constant 0 : i32
        %dma_start3A_2565 = arith.constant 0 : i32
        %dma_start3A_2566 = arith.constant 0 : i32
        %dma_start3A_2567 = arith.constant 0 : i32
        %dma_start3A_2568 = tpu.memref_slice %arg5[%dma_start3A_2565, %dma_start3A_2567] : memref<8x80xi32, #tpu.memory_space<vmem>> -> memref<1x80xi32, #tpu.memory_space<vmem>>
        %dma_start3A_2569 = tpu.memref_squeeze %dma_start3A_2568 : memref<1x80xi32, #tpu.memory_space<vmem>> -> memref<80xi32, #tpu.memory_space<vmem>>
        %dma_start3A_2570 = tpu.memref_slice %arg3[%dma_start3A_2564, %add3A_2563] : memref<2x320000xi32, #tpu.memory_space<hbm>> -> memref<1x80xi32, #tpu.memory_space<hbm>>
        %dma_start3A_2571 = tpu.memref_squeeze %dma_start3A_2570 : memref<1x80xi32, #tpu.memory_space<hbm>> -> memref<80xi32, #tpu.memory_space<hbm>>
        %dma_start3A_2572 = tpu.memref_slice %arg10[%dma_start3A_2566] : memref<8x!tpu.dma_semaphore, #tpu.memory_space<semaphore_mem>> -> memref<1x!tpu.dma_semaphore, #tpu.memory_space<semaphore_mem>>
        %dma_start3A_2573 = tpu.memref_squeeze %dma_start3A_2572 : memref<1x!tpu.dma_semaphore, #tpu.memory_space<semaphore_mem>> -> memref<!tpu.dma_semaphore, #tpu.memory_space<semaphore_mem>>
        %dma_start3A_2574 = arith.constant 0 : i32
        %dma_start3A_2575 = tpu.memref_slice %arg5[%dma_start3A_2565, %dma_start3A_2574] : memref<8x80xi32, #tpu.memory_space<vmem>> -> memref<1x80xi32, #tpu.memory_space<vmem>>
        %dma_start3A_2576 = tpu.memref_squeeze %dma_start3A_2575 : memref<1x80xi32, #tpu.memory_space<vmem>> -> memref<80xi32, #tpu.memory_space<vmem>>
        %dma_start3A_2577 = tpu.memref_slice %arg3[%dma_start3A_2564, %add3A_2563] : memref<2x320000xi32, #tpu.memory_space<hbm>> -> memref<1x80xi32, #tpu.memory_space<hbm>>
        %dma_start3A_2578 = tpu.memref_squeeze %dma_start3A_2577 : memref<1x80xi32, #tpu.memory_space<hbm>> -> memref<80xi32, #tpu.memory_space<hbm>>
        tpu.enqueue_dma source(%dma_start3A_2578 : memref<80xi32, #tpu.memory_space<hbm>>) target(%dma_start3A_2576 : memref<80xi32, #tpu.memory_space<vmem>>) target_semaphore(%dma_start3A_2573 : memref<!tpu.dma_semaphore, #tpu.memory_space<semaphore_mem>>)
        %mul3A_2579 = arith.constant 80 : i32
        %mul3A_2580 = arith.muli %add3A_2560, %mul3A_2579 : i32
        %add3A_2581 = arith.addi %mul3A_3, %mul3A_2580 : i32
        %dma_start3A_2582 = arith.constant 1 : i32
        %dma_start3A_2583 = arith.constant 0 : i32
        %dma_start3A_2584 = arith.constant 0 : i32
        %dma_start3A_2585 = arith.constant 0 : i32
        %dma_start3A_2586 = tpu.memref_slice %arg6[%dma_start3A_2583, %dma_start3A_2585] : memref<8x80xi32, #tpu.memory_space<vmem>> -> memref<1x80xi32, #tpu.memory_space<vmem>>
        %dma_start3A_2587 = tpu.memref_squeeze %dma_start3A_2586 : memref<1x80xi32, #tpu.memory_space<vmem>> -> memref<80xi32, #tpu.memory_space<vmem>>
        %dma_start3A_2588 = tpu.memref_slice %arg3[%dma_start3A_2582, %add3A_2581] : memref<2x320000xi32, #tpu.memory_space<hbm>> -> memref<1x80xi32, #tpu.memory_space<hbm>>
        %dma_start3A_2589 = tpu.memref_squeeze %dma_start3A_2588 : memref<1x80xi32, #tpu.memory_space<hbm>> -> memref<80xi32, #tpu.memory_space<hbm>>
        %dma_start3A_2590 = tpu.memref_slice %arg11[%dma_start3A_2584] : memref<8x!tpu.dma_semaphore, #tpu.memory_space<semaphore_mem>> -> memref<1x!tpu.dma_semaphore, #tpu.memory_space<semaphore_mem>>
        %dma_start3A_2591 = tpu.memref_squeeze %dma_start3A_2590 : memref<1x!tpu.dma_semaphore, #tpu.memory_space<semaphore_mem>> -> memref<!tpu.dma_semaphore, #tpu.memory_space<semaphore_mem>>
        %dma_start3A_2592 = arith.constant 0 : i32
        %dma_start3A_2593 = tpu.memref_slice %arg6[%dma_start3A_2583, %dma_start3A_2592] : memref<8x80xi32, #tpu.memory_space<vmem>> -> memref<1x80xi32, #tpu.memory_space<vmem>>
        %dma_start3A_2594 = tpu.memref_squeeze %dma_start3A_2593 : memref<1x80xi32, #tpu.memory_space<vmem>> -> memref<80xi32, #tpu.memory_space<vmem>>
        %dma_start3A_2595 = tpu.memref_slice %arg3[%dma_start3A_2582, %add3A_2581] : memref<2x320000xi32, #tpu.memory_space<hbm>> -> memref<1x80xi32, #tpu.memory_space<hbm>>
        %dma_start3A_2596 = tpu.memref_squeeze %dma_start3A_2595 : memref<1x80xi32, #tpu.memory_space<hbm>> -> memref<80xi32, #tpu.memory_space<hbm>>
        tpu.enqueue_dma source(%dma_start3A_2596 : memref<80xi32, #tpu.memory_space<hbm>>) target(%dma_start3A_2594 : memref<80xi32, #tpu.memory_space<vmem>>) target_semaphore(%dma_start3A_2591 : memref<!tpu.dma_semaphore, #tpu.memory_space<semaphore_mem>>)
      } else {
      }
      %add3A_2244 = arith.constant 5 : i32
      %add3A_2245 = arith.addi %mul3A_1718, %add3A_2244 : i32
      %mul3A_2246 = arith.constant 80 : i32
      %mul3A_2247 = arith.muli %add3A_2245, %mul3A_2246 : i32
      %add3A_2248 = arith.addi %mul3A_3, %mul3A_2247 : i32
      %dma_wait3A_2249 = arith.constant 0 : i32
      %dma_wait3A_2250 = arith.constant 5 : i32
      %dma_wait3A_2251 = arith.constant 5 : i32
      %dma_wait3A_2252 = arith.constant 0 : i32
      %dma_wait3A_2253 = tpu.memref_slice %arg5[%dma_wait3A_2250, %dma_wait3A_2252] : memref<8x80xi32, #tpu.memory_space<vmem>> -> memref<1x80xi32, #tpu.memory_space<vmem>>
      %dma_wait3A_2254 = tpu.memref_squeeze %dma_wait3A_2253 : memref<1x80xi32, #tpu.memory_space<vmem>> -> memref<80xi32, #tpu.memory_space<vmem>>
      %dma_wait3A_2255 = tpu.memref_slice %arg3[%dma_wait3A_2249, %add3A_2248] : memref<2x320000xi32, #tpu.memory_space<hbm>> -> memref<1x80xi32, #tpu.memory_space<hbm>>
      %dma_wait3A_2256 = tpu.memref_squeeze %dma_wait3A_2255 : memref<1x80xi32, #tpu.memory_space<hbm>> -> memref<80xi32, #tpu.memory_space<hbm>>
      %dma_wait3A_2257 = tpu.memref_slice %arg10[%dma_wait3A_2251] : memref<8x!tpu.dma_semaphore, #tpu.memory_space<semaphore_mem>> -> memref<1x!tpu.dma_semaphore, #tpu.memory_space<semaphore_mem>>
      %dma_wait3A_2258 = tpu.memref_squeeze %dma_wait3A_2257 : memref<1x!tpu.dma_semaphore, #tpu.memory_space<semaphore_mem>> -> memref<!tpu.dma_semaphore, #tpu.memory_space<semaphore_mem>>
      %dma_wait3A_2259 = arith.constant 0 : i32
      %dma_wait3A_2260 = tpu.memref_slice %arg5[%dma_wait3A_2250, %dma_wait3A_2259] : memref<8x80xi32, #tpu.memory_space<vmem>> -> memref<1x80xi32, #tpu.memory_space<vmem>>
      %dma_wait3A_2261 = tpu.memref_squeeze %dma_wait3A_2260 : memref<1x80xi32, #tpu.memory_space<vmem>> -> memref<80xi32, #tpu.memory_space<vmem>>
      %dma_wait3A_2262 = tpu.memref_slice %arg3[%dma_wait3A_2249, %add3A_2248] : memref<2x320000xi32, #tpu.memory_space<hbm>> -> memref<1x80xi32, #tpu.memory_space<hbm>>
      %dma_wait3A_2263 = tpu.memref_squeeze %dma_wait3A_2262 : memref<1x80xi32, #tpu.memory_space<hbm>> -> memref<80xi32, #tpu.memory_space<hbm>>
      tpu.wait_dma2 semaphore(%dma_wait3A_2258 : memref<!tpu.dma_semaphore, #tpu.memory_space<semaphore_mem>>) src(%dma_wait3A_2263 : memref<80xi32, #tpu.memory_space<hbm>>) dst(%dma_wait3A_2261 : memref<80xi32, #tpu.memory_space<vmem>>)
      %mul3A_2264 = arith.constant 80 : i32
      %mul3A_2265 = arith.muli %add3A_2245, %mul3A_2264 : i32
      %add3A_2266 = arith.addi %mul3A_3, %mul3A_2265 : i32
      %dma_wait3A_2267 = arith.constant 1 : i32
      %dma_wait3A_2268 = arith.constant 5 : i32
      %dma_wait3A_2269 = arith.constant 5 : i32
      %dma_wait3A_2270 = arith.constant 0 : i32
      %dma_wait3A_2271 = tpu.memref_slice %arg6[%dma_wait3A_2268, %dma_wait3A_2270] : memref<8x80xi32, #tpu.memory_space<vmem>> -> memref<1x80xi32, #tpu.memory_space<vmem>>
      %dma_wait3A_2272 = tpu.memref_squeeze %dma_wait3A_2271 : memref<1x80xi32, #tpu.memory_space<vmem>> -> memref<80xi32, #tpu.memory_space<vmem>>
      %dma_wait3A_2273 = tpu.memref_slice %arg3[%dma_wait3A_2267, %add3A_2266] : memref<2x320000xi32, #tpu.memory_space<hbm>> -> memref<1x80xi32, #tpu.memory_space<hbm>>
      %dma_wait3A_2274 = tpu.memref_squeeze %dma_wait3A_2273 : memref<1x80xi32, #tpu.memory_space<hbm>> -> memref<80xi32, #tpu.memory_space<hbm>>
      %dma_wait3A_2275 = tpu.memref_slice %arg11[%dma_wait3A_2269] : memref<8x!tpu.dma_semaphore, #tpu.memory_space<semaphore_mem>> -> memref<1x!tpu.dma_semaphore, #tpu.memory_space<semaphore_mem>>
      %dma_wait3A_2276 = tpu.memref_squeeze %dma_wait3A_2275 : memref<1x!tpu.dma_semaphore, #tpu.memory_space<semaphore_mem>> -> memref<!tpu.dma_semaphore, #tpu.memory_space<semaphore_mem>>
      %dma_wait3A_2277 = arith.constant 0 : i32
      %dma_wait3A_2278 = tpu.memref_slice %arg6[%dma_wait3A_2268, %dma_wait3A_2277] : memref<8x80xi32, #tpu.memory_space<vmem>> -> memref<1x80xi32, #tpu.memory_space<vmem>>
      %dma_wait3A_2279 = tpu.memref_squeeze %dma_wait3A_2278 : memref<1x80xi32, #tpu.memory_space<vmem>> -> memref<80xi32, #tpu.memory_space<vmem>>
      %dma_wait3A_2280 = tpu.memref_slice %arg3[%dma_wait3A_2267, %add3A_2266] : memref<2x320000xi32, #tpu.memory_space<hbm>> -> memref<1x80xi32, #tpu.memory_space<hbm>>
      %dma_wait3A_2281 = tpu.memref_squeeze %dma_wait3A_2280 : memref<1x80xi32, #tpu.memory_space<hbm>> -> memref<80xi32, #tpu.memory_space<hbm>>
      tpu.wait_dma2 semaphore(%dma_wait3A_2276 : memref<!tpu.dma_semaphore, #tpu.memory_space<semaphore_mem>>) src(%dma_wait3A_2281 : memref<80xi32, #tpu.memory_space<hbm>>) dst(%dma_wait3A_2279 : memref<80xi32, #tpu.memory_space<vmem>>)
      %dma_wait3A_2282 = arith.constant 1 : i32
      %dma_wait3A_2283 = arith.constant 1 : i32
      %dma_wait3A_2284 = arith.constant 1 : i32
      %dma_wait3A_2285 = arith.constant 0 : i32
      %dma_wait3A_2286 = arith.constant 0 : i32
      %dma_wait3A_2287 = tpu.memref_slice %arg7[%dma_wait3A_2282, %dma_wait3A_2285, %dma_wait3A_2286] : memref<4x80x128xbf16, #tpu.memory_space<vmem>> -> memref<1x80x128xbf16, #tpu.memory_space<vmem>>
      %dma_wait3A_2288 = tpu.memref_squeeze %dma_wait3A_2287 : memref<1x80x128xbf16, #tpu.memory_space<vmem>> -> memref<80x128xbf16, #tpu.memory_space<vmem>>
      %dma_wait3A_2289 = arith.constant 0 : i32
      %dma_wait3A_2290 = tpu.memref_slice %arg6[%dma_wait3A_2283, %dma_wait3A_2289] : memref<8x80xi32, #tpu.memory_space<vmem>> -> memref<1x80xi32, #tpu.memory_space<vmem>>
      %dma_wait3A_2291 = tpu.memref_squeeze %dma_wait3A_2290 : memref<1x80xi32, #tpu.memory_space<vmem>> -> memref<80xi32, #tpu.memory_space<vmem>>
      %dma_wait3A_2292 = arith.constant 0 : i32
      %dma_wait3A_2293 = arith.constant 0 : i32
      %dma_wait3A_2294 = tpu.memref_slice %arg9[%dma_wait3A_2292, %dma_wait3A_2293] : memref<10000x128xbf16, #tpu.memory_space<vmem_shared>> -> memref<10000x128xbf16, #tpu.memory_space<vmem_shared>>
      %dma_wait3A_2295 = tpu.memref_slice %arg13[%dma_wait3A_2284] : memref<4x!tpu.dma_semaphore, #tpu.memory_space<semaphore_mem>> -> memref<1x!tpu.dma_semaphore, #tpu.memory_space<semaphore_mem>>
      %dma_wait3A_2296 = tpu.memref_squeeze %dma_wait3A_2295 : memref<1x!tpu.dma_semaphore, #tpu.memory_space<semaphore_mem>> -> memref<!tpu.dma_semaphore, #tpu.memory_space<semaphore_mem>>
      tpu.wait_indirect_dma semaphore(%dma_wait3A_2296 : memref<!tpu.dma_semaphore, #tpu.memory_space<semaphore_mem>>) src(%dma_wait3A_2288 : memref<80x128xbf16, #tpu.memory_space<vmem>>) dst(%dma_wait3A_2294 : memref<10000x128xbf16, #tpu.memory_space<vmem_shared>>)
      %dma_start3A_2297 = arith.constant 5 : i32
      %dma_start3A_2298 = arith.constant 1 : i32
      %dma_start3A_2299 = arith.constant 1 : i32
      %dma_start3A_2300 = arith.constant 0 : i32
      %dma_start3A_2301 = arith.constant 0 : i32
      %dma_start3A_2302 = tpu.memref_slice %arg7[%dma_start3A_2298, %dma_start3A_2300, %dma_start3A_2301] : memref<4x80x128xbf16, #tpu.memory_space<vmem>> -> memref<1x80x128xbf16, #tpu.memory_space<vmem>>
      %dma_start3A_2303 = tpu.memref_squeeze %dma_start3A_2302 : memref<1x80x128xbf16, #tpu.memory_space<vmem>> -> memref<80x128xbf16, #tpu.memory_space<vmem>>
      %dma_start3A_2304 = arith.constant 0 : i32
      %dma_start3A_2305 = tpu.memref_slice %arg5[%dma_start3A_2297, %dma_start3A_2304] : memref<8x80xi32, #tpu.memory_space<vmem>> -> memref<1x80xi32, #tpu.memory_space<vmem>>
      %dma_start3A_2306 = tpu.memref_squeeze %dma_start3A_2305 : memref<1x80xi32, #tpu.memory_space<vmem>> -> memref<80xi32, #tpu.memory_space<vmem>>
      %dma_start3A_2307 = arith.constant 0 : i32
      %dma_start3A_2308 = arith.constant 0 : i32
      %dma_start3A_2309 = tpu.memref_slice %arg2[%dma_start3A_2307, %dma_start3A_2308] : memref<10000x128xbf16, #tpu.memory_space<hbm>> -> memref<10000x128xbf16, #tpu.memory_space<hbm>>
      %dma_start3A_2310 = tpu.memref_slice %arg12[%dma_start3A_2299] : memref<4x!tpu.dma_semaphore, #tpu.memory_space<semaphore_mem>> -> memref<1x!tpu.dma_semaphore, #tpu.memory_space<semaphore_mem>>
      %dma_start3A_2311 = tpu.memref_squeeze %dma_start3A_2310 : memref<1x!tpu.dma_semaphore, #tpu.memory_space<semaphore_mem>> -> memref<!tpu.dma_semaphore, #tpu.memory_space<semaphore_mem>>
      tpu.enqueue_indirect_dma source(%dma_start3A_2309 : memref<10000x128xbf16, #tpu.memory_space<hbm>>) target(%dma_start3A_2303 : memref<80x128xbf16, #tpu.memory_space<vmem>>) offsets(%dma_start3A_2306 : memref<80xi32, #tpu.memory_space<vmem>>) semaphore(%dma_start3A_2311 : memref<!tpu.dma_semaphore, #tpu.memory_space<semaphore_mem>>)
      %dma_wait3A_2312 = arith.constant 4 : i32
      %dma_wait3A_2313 = arith.constant 0 : i32
      %dma_wait3A_2314 = arith.constant 0 : i32
      %dma_wait3A_2315 = arith.constant 0 : i32
      %dma_wait3A_2316 = arith.constant 0 : i32
      %dma_wait3A_2317 = tpu.memref_slice %arg7[%dma_wait3A_2313, %dma_wait3A_2315, %dma_wait3A_2316] : memref<4x80x128xbf16, #tpu.memory_space<vmem>> -> memref<1x80x128xbf16, #tpu.memory_space<vmem>>
      %dma_wait3A_2318 = tpu.memref_squeeze %dma_wait3A_2317 : memref<1x80x128xbf16, #tpu.memory_space<vmem>> -> memref<80x128xbf16, #tpu.memory_space<vmem>>
      %dma_wait3A_2319 = arith.constant 0 : i32
      %dma_wait3A_2320 = tpu.memref_slice %arg5[%dma_wait3A_2312, %dma_wait3A_2319] : memref<8x80xi32, #tpu.memory_space<vmem>> -> memref<1x80xi32, #tpu.memory_space<vmem>>
      %dma_wait3A_2321 = tpu.memref_squeeze %dma_wait3A_2320 : memref<1x80xi32, #tpu.memory_space<vmem>> -> memref<80xi32, #tpu.memory_space<vmem>>
      %dma_wait3A_2322 = arith.constant 0 : i32
      %dma_wait3A_2323 = arith.constant 0 : i32
      %dma_wait3A_2324 = tpu.memref_slice %arg2[%dma_wait3A_2322, %dma_wait3A_2323] : memref<10000x128xbf16, #tpu.memory_space<hbm>> -> memref<10000x128xbf16, #tpu.memory_space<hbm>>
      %dma_wait3A_2325 = tpu.memref_slice %arg12[%dma_wait3A_2314] : memref<4x!tpu.dma_semaphore, #tpu.memory_space<semaphore_mem>> -> memref<1x!tpu.dma_semaphore, #tpu.memory_space<semaphore_mem>>
      %dma_wait3A_2326 = tpu.memref_squeeze %dma_wait3A_2325 : memref<1x!tpu.dma_semaphore, #tpu.memory_space<semaphore_mem>> -> memref<!tpu.dma_semaphore, #tpu.memory_space<semaphore_mem>>
      tpu.wait_indirect_dma semaphore(%dma_wait3A_2326 : memref<!tpu.dma_semaphore, #tpu.memory_space<semaphore_mem>>) src(%dma_wait3A_2324 : memref<10000x128xbf16, #tpu.memory_space<hbm>>) dst(%dma_wait3A_2318 : memref<80x128xbf16, #tpu.memory_space<vmem>>)
      %dma_start3A_2327 = arith.constant 0 : i32
      %dma_start3A_2328 = arith.constant 4 : i32
      %dma_start3A_2329 = arith.constant 0 : i32
      %dma_start3A_2330 = arith.constant 0 : i32
      %dma_start3A_2331 = arith.constant 0 : i32
      %dma_start3A_2332 = tpu.memref_slice %arg7[%dma_start3A_2327, %dma_start3A_2330, %dma_start3A_2331] : memref<4x80x128xbf16, #tpu.memory_space<vmem>> -> memref<1x80x128xbf16, #tpu.memory_space<vmem>>
      %dma_start3A_2333 = tpu.memref_squeeze %dma_start3A_2332 : memref<1x80x128xbf16, #tpu.memory_space<vmem>> -> memref<80x128xbf16, #tpu.memory_space<vmem>>
      %dma_start3A_2334 = arith.constant 0 : i32
      %dma_start3A_2335 = tpu.memref_slice %arg6[%dma_start3A_2328, %dma_start3A_2334] : memref<8x80xi32, #tpu.memory_space<vmem>> -> memref<1x80xi32, #tpu.memory_space<vmem>>
      %dma_start3A_2336 = tpu.memref_squeeze %dma_start3A_2335 : memref<1x80xi32, #tpu.memory_space<vmem>> -> memref<80xi32, #tpu.memory_space<vmem>>
      %dma_start3A_2337 = arith.constant 0 : i32
      %dma_start3A_2338 = arith.constant 0 : i32
      %dma_start3A_2339 = tpu.memref_slice %arg9[%dma_start3A_2337, %dma_start3A_2338] : memref<10000x128xbf16, #tpu.memory_space<vmem_shared>> -> memref<10000x128xbf16, #tpu.memory_space<vmem_shared>>
      %dma_start3A_2340 = tpu.memref_slice %arg13[%dma_start3A_2329] : memref<4x!tpu.dma_semaphore, #tpu.memory_space<semaphore_mem>> -> memref<1x!tpu.dma_semaphore, #tpu.memory_space<semaphore_mem>>
      %dma_start3A_2341 = tpu.memref_squeeze %dma_start3A_2340 : memref<1x!tpu.dma_semaphore, #tpu.memory_space<semaphore_mem>> -> memref<!tpu.dma_semaphore, #tpu.memory_space<semaphore_mem>>
      tpu.enqueue_indirect_dma source(%dma_start3A_2333 : memref<80x128xbf16, #tpu.memory_space<vmem>>) target(%dma_start3A_2339 : memref<10000x128xbf16, #tpu.memory_space<vmem_shared>>) offsets(%dma_start3A_2336 : memref<80xi32, #tpu.memory_space<vmem>>) semaphore(%dma_start3A_2341 : memref<!tpu.dma_semaphore, #tpu.memory_space<semaphore_mem>>) {add = true}
      %add3A_2342 = arith.constant 4 : i32
      %add3A_2343 = arith.addi %add3A_2245, %add3A_2342 : i32
      %lt3A_2344 = arith.constant 125 : i32
      %lt3A_2345 = arith.cmpi slt, %add3A_2343, %lt3A_2344 : i32
      %convert_element_type3A_2346 = arith.extui %lt3A_2345 : i1 to i32
      %cond3A_2347 = arith.constant 0 : i32
      %cond3A_2348 = arith.cmpi ne, %convert_element_type3A_2346, %cond3A_2347 : i32
      scf.if %cond3A_2348 {
        %add3A_2559 = arith.constant 4 : i32
        %add3A_2560 = arith.addi %add3A_2245, %add3A_2559 : i32
        %mul3A_2561 = arith.constant 80 : i32
        %mul3A_2562 = arith.muli %add3A_2560, %mul3A_2561 : i32
        %add3A_2563 = arith.addi %mul3A_3, %mul3A_2562 : i32
        %dma_start3A_2564 = arith.constant 0 : i32
        %dma_start3A_2565 = arith.constant 1 : i32
        %dma_start3A_2566 = arith.constant 1 : i32
        %dma_start3A_2567 = arith.constant 0 : i32
        %dma_start3A_2568 = tpu.memref_slice %arg5[%dma_start3A_2565, %dma_start3A_2567] : memref<8x80xi32, #tpu.memory_space<vmem>> -> memref<1x80xi32, #tpu.memory_space<vmem>>
        %dma_start3A_2569 = tpu.memref_squeeze %dma_start3A_2568 : memref<1x80xi32, #tpu.memory_space<vmem>> -> memref<80xi32, #tpu.memory_space<vmem>>
        %dma_start3A_2570 = tpu.memref_slice %arg3[%dma_start3A_2564, %add3A_2563] : memref<2x320000xi32, #tpu.memory_space<hbm>> -> memref<1x80xi32, #tpu.memory_space<hbm>>
        %dma_start3A_2571 = tpu.memref_squeeze %dma_start3A_2570 : memref<1x80xi32, #tpu.memory_space<hbm>> -> memref<80xi32, #tpu.memory_space<hbm>>
        %dma_start3A_2572 = tpu.memref_slice %arg10[%dma_start3A_2566] : memref<8x!tpu.dma_semaphore, #tpu.memory_space<semaphore_mem>> -> memref<1x!tpu.dma_semaphore, #tpu.memory_space<semaphore_mem>>
        %dma_start3A_2573 = tpu.memref_squeeze %dma_start3A_2572 : memref<1x!tpu.dma_semaphore, #tpu.memory_space<semaphore_mem>> -> memref<!tpu.dma_semaphore, #tpu.memory_space<semaphore_mem>>
        %dma_start3A_2574 = arith.constant 0 : i32
        %dma_start3A_2575 = tpu.memref_slice %arg5[%dma_start3A_2565, %dma_start3A_2574] : memref<8x80xi32, #tpu.memory_space<vmem>> -> memref<1x80xi32, #tpu.memory_space<vmem>>
        %dma_start3A_2576 = tpu.memref_squeeze %dma_start3A_2575 : memref<1x80xi32, #tpu.memory_space<vmem>> -> memref<80xi32, #tpu.memory_space<vmem>>
        %dma_start3A_2577 = tpu.memref_slice %arg3[%dma_start3A_2564, %add3A_2563] : memref<2x320000xi32, #tpu.memory_space<hbm>> -> memref<1x80xi32, #tpu.memory_space<hbm>>
        %dma_start3A_2578 = tpu.memref_squeeze %dma_start3A_2577 : memref<1x80xi32, #tpu.memory_space<hbm>> -> memref<80xi32, #tpu.memory_space<hbm>>
        tpu.enqueue_dma source(%dma_start3A_2578 : memref<80xi32, #tpu.memory_space<hbm>>) target(%dma_start3A_2576 : memref<80xi32, #tpu.memory_space<vmem>>) target_semaphore(%dma_start3A_2573 : memref<!tpu.dma_semaphore, #tpu.memory_space<semaphore_mem>>)
        %mul3A_2579 = arith.constant 80 : i32
        %mul3A_2580 = arith.muli %add3A_2560, %mul3A_2579 : i32
        %add3A_2581 = arith.addi %mul3A_3, %mul3A_2580 : i32
        %dma_start3A_2582 = arith.constant 1 : i32
        %dma_start3A_2583 = arith.constant 1 : i32
        %dma_start3A_2584 = arith.constant 1 : i32
        %dma_start3A_2585 = arith.constant 0 : i32
        %dma_start3A_2586 = tpu.memref_slice %arg6[%dma_start3A_2583, %dma_start3A_2585] : memref<8x80xi32, #tpu.memory_space<vmem>> -> memref<1x80xi32, #tpu.memory_space<vmem>>
        %dma_start3A_2587 = tpu.memref_squeeze %dma_start3A_2586 : memref<1x80xi32, #tpu.memory_space<vmem>> -> memref<80xi32, #tpu.memory_space<vmem>>
        %dma_start3A_2588 = tpu.memref_slice %arg3[%dma_start3A_2582, %add3A_2581] : memref<2x320000xi32, #tpu.memory_space<hbm>> -> memref<1x80xi32, #tpu.memory_space<hbm>>
        %dma_start3A_2589 = tpu.memref_squeeze %dma_start3A_2588 : memref<1x80xi32, #tpu.memory_space<hbm>> -> memref<80xi32, #tpu.memory_space<hbm>>
        %dma_start3A_2590 = tpu.memref_slice %arg11[%dma_start3A_2584] : memref<8x!tpu.dma_semaphore, #tpu.memory_space<semaphore_mem>> -> memref<1x!tpu.dma_semaphore, #tpu.memory_space<semaphore_mem>>
        %dma_start3A_2591 = tpu.memref_squeeze %dma_start3A_2590 : memref<1x!tpu.dma_semaphore, #tpu.memory_space<semaphore_mem>> -> memref<!tpu.dma_semaphore, #tpu.memory_space<semaphore_mem>>
        %dma_start3A_2592 = arith.constant 0 : i32
        %dma_start3A_2593 = tpu.memref_slice %arg6[%dma_start3A_2583, %dma_start3A_2592] : memref<8x80xi32, #tpu.memory_space<vmem>> -> memref<1x80xi32, #tpu.memory_space<vmem>>
        %dma_start3A_2594 = tpu.memref_squeeze %dma_start3A_2593 : memref<1x80xi32, #tpu.memory_space<vmem>> -> memref<80xi32, #tpu.memory_space<vmem>>
        %dma_start3A_2595 = tpu.memref_slice %arg3[%dma_start3A_2582, %add3A_2581] : memref<2x320000xi32, #tpu.memory_space<hbm>> -> memref<1x80xi32, #tpu.memory_space<hbm>>
        %dma_start3A_2596 = tpu.memref_squeeze %dma_start3A_2595 : memref<1x80xi32, #tpu.memory_space<hbm>> -> memref<80xi32, #tpu.memory_space<hbm>>
        tpu.enqueue_dma source(%dma_start3A_2596 : memref<80xi32, #tpu.memory_space<hbm>>) target(%dma_start3A_2594 : memref<80xi32, #tpu.memory_space<vmem>>) target_semaphore(%dma_start3A_2591 : memref<!tpu.dma_semaphore, #tpu.memory_space<semaphore_mem>>)
      } else {
      }
      %add3A_2349 = arith.constant 6 : i32
      %add3A_2350 = arith.addi %mul3A_1718, %add3A_2349 : i32
      %mul3A_2351 = arith.constant 80 : i32
      %mul3A_2352 = arith.muli %add3A_2350, %mul3A_2351 : i32
      %add3A_2353 = arith.addi %mul3A_3, %mul3A_2352 : i32
      %dma_wait3A_2354 = arith.constant 0 : i32
      %dma_wait3A_2355 = arith.constant 6 : i32
      %dma_wait3A_2356 = arith.constant 6 : i32
      %dma_wait3A_2357 = arith.constant 0 : i32
      %dma_wait3A_2358 = tpu.memref_slice %arg5[%dma_wait3A_2355, %dma_wait3A_2357] : memref<8x80xi32, #tpu.memory_space<vmem>> -> memref<1x80xi32, #tpu.memory_space<vmem>>
      %dma_wait3A_2359 = tpu.memref_squeeze %dma_wait3A_2358 : memref<1x80xi32, #tpu.memory_space<vmem>> -> memref<80xi32, #tpu.memory_space<vmem>>
      %dma_wait3A_2360 = tpu.memref_slice %arg3[%dma_wait3A_2354, %add3A_2353] : memref<2x320000xi32, #tpu.memory_space<hbm>> -> memref<1x80xi32, #tpu.memory_space<hbm>>
      %dma_wait3A_2361 = tpu.memref_squeeze %dma_wait3A_2360 : memref<1x80xi32, #tpu.memory_space<hbm>> -> memref<80xi32, #tpu.memory_space<hbm>>
      %dma_wait3A_2362 = tpu.memref_slice %arg10[%dma_wait3A_2356] : memref<8x!tpu.dma_semaphore, #tpu.memory_space<semaphore_mem>> -> memref<1x!tpu.dma_semaphore, #tpu.memory_space<semaphore_mem>>
      %dma_wait3A_2363 = tpu.memref_squeeze %dma_wait3A_2362 : memref<1x!tpu.dma_semaphore, #tpu.memory_space<semaphore_mem>> -> memref<!tpu.dma_semaphore, #tpu.memory_space<semaphore_mem>>
      %dma_wait3A_2364 = arith.constant 0 : i32
      %dma_wait3A_2365 = tpu.memref_slice %arg5[%dma_wait3A_2355, %dma_wait3A_2364] : memref<8x80xi32, #tpu.memory_space<vmem>> -> memref<1x80xi32, #tpu.memory_space<vmem>>
      %dma_wait3A_2366 = tpu.memref_squeeze %dma_wait3A_2365 : memref<1x80xi32, #tpu.memory_space<vmem>> -> memref<80xi32, #tpu.memory_space<vmem>>
      %dma_wait3A_2367 = tpu.memref_slice %arg3[%dma_wait3A_2354, %add3A_2353] : memref<2x320000xi32, #tpu.memory_space<hbm>> -> memref<1x80xi32, #tpu.memory_space<hbm>>
      %dma_wait3A_2368 = tpu.memref_squeeze %dma_wait3A_2367 : memref<1x80xi32, #tpu.memory_space<hbm>> -> memref<80xi32, #tpu.memory_space<hbm>>
      tpu.wait_dma2 semaphore(%dma_wait3A_2363 : memref<!tpu.dma_semaphore, #tpu.memory_space<semaphore_mem>>) src(%dma_wait3A_2368 : memref<80xi32, #tpu.memory_space<hbm>>) dst(%dma_wait3A_2366 : memref<80xi32, #tpu.memory_space<vmem>>)
      %mul3A_2369 = arith.constant 80 : i32
      %mul3A_2370 = arith.muli %add3A_2350, %mul3A_2369 : i32
      %add3A_2371 = arith.addi %mul3A_3, %mul3A_2370 : i32
      %dma_wait3A_2372 = arith.constant 1 : i32
      %dma_wait3A_2373 = arith.constant 6 : i32
      %dma_wait3A_2374 = arith.constant 6 : i32
      %dma_wait3A_2375 = arith.constant 0 : i32
      %dma_wait3A_2376 = tpu.memref_slice %arg6[%dma_wait3A_2373, %dma_wait3A_2375] : memref<8x80xi32, #tpu.memory_space<vmem>> -> memref<1x80xi32, #tpu.memory_space<vmem>>
      %dma_wait3A_2377 = tpu.memref_squeeze %dma_wait3A_2376 : memref<1x80xi32, #tpu.memory_space<vmem>> -> memref<80xi32, #tpu.memory_space<vmem>>
      %dma_wait3A_2378 = tpu.memref_slice %arg3[%dma_wait3A_2372, %add3A_2371] : memref<2x320000xi32, #tpu.memory_space<hbm>> -> memref<1x80xi32, #tpu.memory_space<hbm>>
      %dma_wait3A_2379 = tpu.memref_squeeze %dma_wait3A_2378 : memref<1x80xi32, #tpu.memory_space<hbm>> -> memref<80xi32, #tpu.memory_space<hbm>>
      %dma_wait3A_2380 = tpu.memref_slice %arg11[%dma_wait3A_2374] : memref<8x!tpu.dma_semaphore, #tpu.memory_space<semaphore_mem>> -> memref<1x!tpu.dma_semaphore, #tpu.memory_space<semaphore_mem>>
      %dma_wait3A_2381 = tpu.memref_squeeze %dma_wait3A_2380 : memref<1x!tpu.dma_semaphore, #tpu.memory_space<semaphore_mem>> -> memref<!tpu.dma_semaphore, #tpu.memory_space<semaphore_mem>>
      %dma_wait3A_2382 = arith.constant 0 : i32
      %dma_wait3A_2383 = tpu.memref_slice %arg6[%dma_wait3A_2373, %dma_wait3A_2382] : memref<8x80xi32, #tpu.memory_space<vmem>> -> memref<1x80xi32, #tpu.memory_space<vmem>>
      %dma_wait3A_2384 = tpu.memref_squeeze %dma_wait3A_2383 : memref<1x80xi32, #tpu.memory_space<vmem>> -> memref<80xi32, #tpu.memory_space<vmem>>
      %dma_wait3A_2385 = tpu.memref_slice %arg3[%dma_wait3A_2372, %add3A_2371] : memref<2x320000xi32, #tpu.memory_space<hbm>> -> memref<1x80xi32, #tpu.memory_space<hbm>>
      %dma_wait3A_2386 = tpu.memref_squeeze %dma_wait3A_2385 : memref<1x80xi32, #tpu.memory_space<hbm>> -> memref<80xi32, #tpu.memory_space<hbm>>
      tpu.wait_dma2 semaphore(%dma_wait3A_2381 : memref<!tpu.dma_semaphore, #tpu.memory_space<semaphore_mem>>) src(%dma_wait3A_2386 : memref<80xi32, #tpu.memory_space<hbm>>) dst(%dma_wait3A_2384 : memref<80xi32, #tpu.memory_space<vmem>>)
      %dma_wait3A_2387 = arith.constant 2 : i32
      %dma_wait3A_2388 = arith.constant 2 : i32
      %dma_wait3A_2389 = arith.constant 2 : i32
      %dma_wait3A_2390 = arith.constant 0 : i32
      %dma_wait3A_2391 = arith.constant 0 : i32
      %dma_wait3A_2392 = tpu.memref_slice %arg7[%dma_wait3A_2387, %dma_wait3A_2390, %dma_wait3A_2391] : memref<4x80x128xbf16, #tpu.memory_space<vmem>> -> memref<1x80x128xbf16, #tpu.memory_space<vmem>>
      %dma_wait3A_2393 = tpu.memref_squeeze %dma_wait3A_2392 : memref<1x80x128xbf16, #tpu.memory_space<vmem>> -> memref<80x128xbf16, #tpu.memory_space<vmem>>
      %dma_wait3A_2394 = arith.constant 0 : i32
      %dma_wait3A_2395 = tpu.memref_slice %arg6[%dma_wait3A_2388, %dma_wait3A_2394] : memref<8x80xi32, #tpu.memory_space<vmem>> -> memref<1x80xi32, #tpu.memory_space<vmem>>
      %dma_wait3A_2396 = tpu.memref_squeeze %dma_wait3A_2395 : memref<1x80xi32, #tpu.memory_space<vmem>> -> memref<80xi32, #tpu.memory_space<vmem>>
      %dma_wait3A_2397 = arith.constant 0 : i32
      %dma_wait3A_2398 = arith.constant 0 : i32
      %dma_wait3A_2399 = tpu.memref_slice %arg9[%dma_wait3A_2397, %dma_wait3A_2398] : memref<10000x128xbf16, #tpu.memory_space<vmem_shared>> -> memref<10000x128xbf16, #tpu.memory_space<vmem_shared>>
      %dma_wait3A_2400 = tpu.memref_slice %arg13[%dma_wait3A_2389] : memref<4x!tpu.dma_semaphore, #tpu.memory_space<semaphore_mem>> -> memref<1x!tpu.dma_semaphore, #tpu.memory_space<semaphore_mem>>
      %dma_wait3A_2401 = tpu.memref_squeeze %dma_wait3A_2400 : memref<1x!tpu.dma_semaphore, #tpu.memory_space<semaphore_mem>> -> memref<!tpu.dma_semaphore, #tpu.memory_space<semaphore_mem>>
      tpu.wait_indirect_dma semaphore(%dma_wait3A_2401 : memref<!tpu.dma_semaphore, #tpu.memory_space<semaphore_mem>>) src(%dma_wait3A_2393 : memref<80x128xbf16, #tpu.memory_space<vmem>>) dst(%dma_wait3A_2399 : memref<10000x128xbf16, #tpu.memory_space<vmem_shared>>)
      %dma_start3A_2402 = arith.constant 6 : i32
      %dma_start3A_2403 = arith.constant 2 : i32
      %dma_start3A_2404 = arith.constant 2 : i32
      %dma_start3A_2405 = arith.constant 0 : i32
      %dma_start3A_2406 = arith.constant 0 : i32
      %dma_start3A_2407 = tpu.memref_slice %arg7[%dma_start3A_2403, %dma_start3A_2405, %dma_start3A_2406] : memref<4x80x128xbf16, #tpu.memory_space<vmem>> -> memref<1x80x128xbf16, #tpu.memory_space<vmem>>
      %dma_start3A_2408 = tpu.memref_squeeze %dma_start3A_2407 : memref<1x80x128xbf16, #tpu.memory_space<vmem>> -> memref<80x128xbf16, #tpu.memory_space<vmem>>
      %dma_start3A_2409 = arith.constant 0 : i32
      %dma_start3A_2410 = tpu.memref_slice %arg5[%dma_start3A_2402, %dma_start3A_2409] : memref<8x80xi32, #tpu.memory_space<vmem>> -> memref<1x80xi32, #tpu.memory_space<vmem>>
      %dma_start3A_2411 = tpu.memref_squeeze %dma_start3A_2410 : memref<1x80xi32, #tpu.memory_space<vmem>> -> memref<80xi32, #tpu.memory_space<vmem>>
      %dma_start3A_2412 = arith.constant 0 : i32
      %dma_start3A_2413 = arith.constant 0 : i32
      %dma_start3A_2414 = tpu.memref_slice %arg2[%dma_start3A_2412, %dma_start3A_2413] : memref<10000x128xbf16, #tpu.memory_space<hbm>> -> memref<10000x128xbf16, #tpu.memory_space<hbm>>
      %dma_start3A_2415 = tpu.memref_slice %arg12[%dma_start3A_2404] : memref<4x!tpu.dma_semaphore, #tpu.memory_space<semaphore_mem>> -> memref<1x!tpu.dma_semaphore, #tpu.memory_space<semaphore_mem>>
      %dma_start3A_2416 = tpu.memref_squeeze %dma_start3A_2415 : memref<1x!tpu.dma_semaphore, #tpu.memory_space<semaphore_mem>> -> memref<!tpu.dma_semaphore, #tpu.memory_space<semaphore_mem>>
      tpu.enqueue_indirect_dma source(%dma_start3A_2414 : memref<10000x128xbf16, #tpu.memory_space<hbm>>) target(%dma_start3A_2408 : memref<80x128xbf16, #tpu.memory_space<vmem>>) offsets(%dma_start3A_2411 : memref<80xi32, #tpu.memory_space<vmem>>) semaphore(%dma_start3A_2416 : memref<!tpu.dma_semaphore, #tpu.memory_space<semaphore_mem>>)
      %dma_wait3A_2417 = arith.constant 5 : i32
      %dma_wait3A_2418 = arith.constant 1 : i32
      %dma_wait3A_2419 = arith.constant 1 : i32
      %dma_wait3A_2420 = arith.constant 0 : i32
      %dma_wait3A_2421 = arith.constant 0 : i32
      %dma_wait3A_2422 = tpu.memref_slice %arg7[%dma_wait3A_2418, %dma_wait3A_2420, %dma_wait3A_2421] : memref<4x80x128xbf16, #tpu.memory_space<vmem>> -> memref<1x80x128xbf16, #tpu.memory_space<vmem>>
      %dma_wait3A_2423 = tpu.memref_squeeze %dma_wait3A_2422 : memref<1x80x128xbf16, #tpu.memory_space<vmem>> -> memref<80x128xbf16, #tpu.memory_space<vmem>>
      %dma_wait3A_2424 = arith.constant 0 : i32
      %dma_wait3A_2425 = tpu.memref_slice %arg5[%dma_wait3A_2417, %dma_wait3A_2424] : memref<8x80xi32, #tpu.memory_space<vmem>> -> memref<1x80xi32, #tpu.memory_space<vmem>>
      %dma_wait3A_2426 = tpu.memref_squeeze %dma_wait3A_2425 : memref<1x80xi32, #tpu.memory_space<vmem>> -> memref<80xi32, #tpu.memory_space<vmem>>
      %dma_wait3A_2427 = arith.constant 0 : i32
      %dma_wait3A_2428 = arith.constant 0 : i32
      %dma_wait3A_2429 = tpu.memref_slice %arg2[%dma_wait3A_2427, %dma_wait3A_2428] : memref<10000x128xbf16, #tpu.memory_space<hbm>> -> memref<10000x128xbf16, #tpu.memory_space<hbm>>
      %dma_wait3A_2430 = tpu.memref_slice %arg12[%dma_wait3A_2419] : memref<4x!tpu.dma_semaphore, #tpu.memory_space<semaphore_mem>> -> memref<1x!tpu.dma_semaphore, #tpu.memory_space<semaphore_mem>>
      %dma_wait3A_2431 = tpu.memref_squeeze %dma_wait3A_2430 : memref<1x!tpu.dma_semaphore, #tpu.memory_space<semaphore_mem>> -> memref<!tpu.dma_semaphore, #tpu.memory_space<semaphore_mem>>
      tpu.wait_indirect_dma semaphore(%dma_wait3A_2431 : memref<!tpu.dma_semaphore, #tpu.memory_space<semaphore_mem>>) src(%dma_wait3A_2429 : memref<10000x128xbf16, #tpu.memory_space<hbm>>) dst(%dma_wait3A_2423 : memref<80x128xbf16, #tpu.memory_space<vmem>>)
      %dma_start3A_2432 = arith.constant 1 : i32
      %dma_start3A_2433 = arith.constant 5 : i32
      %dma_start3A_2434 = arith.constant 1 : i32
      %dma_start3A_2435 = arith.constant 0 : i32
      %dma_start3A_2436 = arith.constant 0 : i32
      %dma_start3A_2437 = tpu.memref_slice %arg7[%dma_start3A_2432, %dma_start3A_2435, %dma_start3A_2436] : memref<4x80x128xbf16, #tpu.memory_space<vmem>> -> memref<1x80x128xbf16, #tpu.memory_space<vmem>>
      %dma_start3A_2438 = tpu.memref_squeeze %dma_start3A_2437 : memref<1x80x128xbf16, #tpu.memory_space<vmem>> -> memref<80x128xbf16, #tpu.memory_space<vmem>>
      %dma_start3A_2439 = arith.constant 0 : i32
      %dma_start3A_2440 = tpu.memref_slice %arg6[%dma_start3A_2433, %dma_start3A_2439] : memref<8x80xi32, #tpu.memory_space<vmem>> -> memref<1x80xi32, #tpu.memory_space<vmem>>
      %dma_start3A_2441 = tpu.memref_squeeze %dma_start3A_2440 : memref<1x80xi32, #tpu.memory_space<vmem>> -> memref<80xi32, #tpu.memory_space<vmem>>
      %dma_start3A_2442 = arith.constant 0 : i32
      %dma_start3A_2443 = arith.constant 0 : i32
      %dma_start3A_2444 = tpu.memref_slice %arg9[%dma_start3A_2442, %dma_start3A_2443] : memref<10000x128xbf16, #tpu.memory_space<vmem_shared>> -> memref<10000x128xbf16, #tpu.memory_space<vmem_shared>>
      %dma_start3A_2445 = tpu.memref_slice %arg13[%dma_start3A_2434] : memref<4x!tpu.dma_semaphore, #tpu.memory_space<semaphore_mem>> -> memref<1x!tpu.dma_semaphore, #tpu.memory_space<semaphore_mem>>
      %dma_start3A_2446 = tpu.memref_squeeze %dma_start3A_2445 : memref<1x!tpu.dma_semaphore, #tpu.memory_space<semaphore_mem>> -> memref<!tpu.dma_semaphore, #tpu.memory_space<semaphore_mem>>
      tpu.enqueue_indirect_dma source(%dma_start3A_2438 : memref<80x128xbf16, #tpu.memory_space<vmem>>) target(%dma_start3A_2444 : memref<10000x128xbf16, #tpu.memory_space<vmem_shared>>) offsets(%dma_start3A_2441 : memref<80xi32, #tpu.memory_space<vmem>>) semaphore(%dma_start3A_2446 : memref<!tpu.dma_semaphore, #tpu.memory_space<semaphore_mem>>) {add = true}
      %add3A_2447 = arith.constant 4 : i32
      %add3A_2448 = arith.addi %add3A_2350, %add3A_2447 : i32
      %lt3A_2449 = arith.constant 125 : i32
      %lt3A_2450 = arith.cmpi slt, %add3A_2448, %lt3A_2449 : i32
      %convert_element_type3A_2451 = arith.extui %lt3A_2450 : i1 to i32
      %cond3A_2452 = arith.constant 0 : i32
      %cond3A_2453 = arith.cmpi ne, %convert_element_type3A_2451, %cond3A_2452 : i32
      scf.if %cond3A_2453 {
        %add3A_2559 = arith.constant 4 : i32
        %add3A_2560 = arith.addi %add3A_2350, %add3A_2559 : i32
        %mul3A_2561 = arith.constant 80 : i32
        %mul3A_2562 = arith.muli %add3A_2560, %mul3A_2561 : i32
        %add3A_2563 = arith.addi %mul3A_3, %mul3A_2562 : i32
        %dma_start3A_2564 = arith.constant 0 : i32
        %dma_start3A_2565 = arith.constant 2 : i32
        %dma_start3A_2566 = arith.constant 2 : i32
        %dma_start3A_2567 = arith.constant 0 : i32
        %dma_start3A_2568 = tpu.memref_slice %arg5[%dma_start3A_2565, %dma_start3A_2567] : memref<8x80xi32, #tpu.memory_space<vmem>> -> memref<1x80xi32, #tpu.memory_space<vmem>>
        %dma_start3A_2569 = tpu.memref_squeeze %dma_start3A_2568 : memref<1x80xi32, #tpu.memory_space<vmem>> -> memref<80xi32, #tpu.memory_space<vmem>>
        %dma_start3A_2570 = tpu.memref_slice %arg3[%dma_start3A_2564, %add3A_2563] : memref<2x320000xi32, #tpu.memory_space<hbm>> -> memref<1x80xi32, #tpu.memory_space<hbm>>
        %dma_start3A_2571 = tpu.memref_squeeze %dma_start3A_2570 : memref<1x80xi32, #tpu.memory_space<hbm>> -> memref<80xi32, #tpu.memory_space<hbm>>
        %dma_start3A_2572 = tpu.memref_slice %arg10[%dma_start3A_2566] : memref<8x!tpu.dma_semaphore, #tpu.memory_space<semaphore_mem>> -> memref<1x!tpu.dma_semaphore, #tpu.memory_space<semaphore_mem>>
        %dma_start3A_2573 = tpu.memref_squeeze %dma_start3A_2572 : memref<1x!tpu.dma_semaphore, #tpu.memory_space<semaphore_mem>> -> memref<!tpu.dma_semaphore, #tpu.memory_space<semaphore_mem>>
        %dma_start3A_2574 = arith.constant 0 : i32
        %dma_start3A_2575 = tpu.memref_slice %arg5[%dma_start3A_2565, %dma_start3A_2574] : memref<8x80xi32, #tpu.memory_space<vmem>> -> memref<1x80xi32, #tpu.memory_space<vmem>>
        %dma_start3A_2576 = tpu.memref_squeeze %dma_start3A_2575 : memref<1x80xi32, #tpu.memory_space<vmem>> -> memref<80xi32, #tpu.memory_space<vmem>>
        %dma_start3A_2577 = tpu.memref_slice %arg3[%dma_start3A_2564, %add3A_2563] : memref<2x320000xi32, #tpu.memory_space<hbm>> -> memref<1x80xi32, #tpu.memory_space<hbm>>
        %dma_start3A_2578 = tpu.memref_squeeze %dma_start3A_2577 : memref<1x80xi32, #tpu.memory_space<hbm>> -> memref<80xi32, #tpu.memory_space<hbm>>
        tpu.enqueue_dma source(%dma_start3A_2578 : memref<80xi32, #tpu.memory_space<hbm>>) target(%dma_start3A_2576 : memref<80xi32, #tpu.memory_space<vmem>>) target_semaphore(%dma_start3A_2573 : memref<!tpu.dma_semaphore, #tpu.memory_space<semaphore_mem>>)
        %mul3A_2579 = arith.constant 80 : i32
        %mul3A_2580 = arith.muli %add3A_2560, %mul3A_2579 : i32
        %add3A_2581 = arith.addi %mul3A_3, %mul3A_2580 : i32
        %dma_start3A_2582 = arith.constant 1 : i32
        %dma_start3A_2583 = arith.constant 2 : i32
        %dma_start3A_2584 = arith.constant 2 : i32
        %dma_start3A_2585 = arith.constant 0 : i32
        %dma_start3A_2586 = tpu.memref_slice %arg6[%dma_start3A_2583, %dma_start3A_2585] : memref<8x80xi32, #tpu.memory_space<vmem>> -> memref<1x80xi32, #tpu.memory_space<vmem>>
        %dma_start3A_2587 = tpu.memref_squeeze %dma_start3A_2586 : memref<1x80xi32, #tpu.memory_space<vmem>> -> memref<80xi32, #tpu.memory_space<vmem>>
        %dma_start3A_2588 = tpu.memref_slice %arg3[%dma_start3A_2582, %add3A_2581] : memref<2x320000xi32, #tpu.memory_space<hbm>> -> memref<1x80xi32, #tpu.memory_space<hbm>>
        %dma_start3A_2589 = tpu.memref_squeeze %dma_start3A_2588 : memref<1x80xi32, #tpu.memory_space<hbm>> -> memref<80xi32, #tpu.memory_space<hbm>>
        %dma_start3A_2590 = tpu.memref_slice %arg11[%dma_start3A_2584] : memref<8x!tpu.dma_semaphore, #tpu.memory_space<semaphore_mem>> -> memref<1x!tpu.dma_semaphore, #tpu.memory_space<semaphore_mem>>
        %dma_start3A_2591 = tpu.memref_squeeze %dma_start3A_2590 : memref<1x!tpu.dma_semaphore, #tpu.memory_space<semaphore_mem>> -> memref<!tpu.dma_semaphore, #tpu.memory_space<semaphore_mem>>
        %dma_start3A_2592 = arith.constant 0 : i32
        %dma_start3A_2593 = tpu.memref_slice %arg6[%dma_start3A_2583, %dma_start3A_2592] : memref<8x80xi32, #tpu.memory_space<vmem>> -> memref<1x80xi32, #tpu.memory_space<vmem>>
        %dma_start3A_2594 = tpu.memref_squeeze %dma_start3A_2593 : memref<1x80xi32, #tpu.memory_space<vmem>> -> memref<80xi32, #tpu.memory_space<vmem>>
        %dma_start3A_2595 = tpu.memref_slice %arg3[%dma_start3A_2582, %add3A_2581] : memref<2x320000xi32, #tpu.memory_space<hbm>> -> memref<1x80xi32, #tpu.memory_space<hbm>>
        %dma_start3A_2596 = tpu.memref_squeeze %dma_start3A_2595 : memref<1x80xi32, #tpu.memory_space<hbm>> -> memref<80xi32, #tpu.memory_space<hbm>>
        tpu.enqueue_dma source(%dma_start3A_2596 : memref<80xi32, #tpu.memory_space<hbm>>) target(%dma_start3A_2594 : memref<80xi32, #tpu.memory_space<vmem>>) target_semaphore(%dma_start3A_2591 : memref<!tpu.dma_semaphore, #tpu.memory_space<semaphore_mem>>)
      } else {
      }
      %add3A_2454 = arith.constant 7 : i32
      %add3A_2455 = arith.addi %mul3A_1718, %add3A_2454 : i32
      %mul3A_2456 = arith.constant 80 : i32
      %mul3A_2457 = arith.muli %add3A_2455, %mul3A_2456 : i32
      %add3A_2458 = arith.addi %mul3A_3, %mul3A_2457 : i32
      %dma_wait3A_2459 = arith.constant 0 : i32
      %dma_wait3A_2460 = arith.constant 7 : i32
      %dma_wait3A_2461 = arith.constant 7 : i32
      %dma_wait3A_2462 = arith.constant 0 : i32
      %dma_wait3A_2463 = tpu.memref_slice %arg5[%dma_wait3A_2460, %dma_wait3A_2462] : memref<8x80xi32, #tpu.memory_space<vmem>> -> memref<1x80xi32, #tpu.memory_space<vmem>>
      %dma_wait3A_2464 = tpu.memref_squeeze %dma_wait3A_2463 : memref<1x80xi32, #tpu.memory_space<vmem>> -> memref<80xi32, #tpu.memory_space<vmem>>
      %dma_wait3A_2465 = tpu.memref_slice %arg3[%dma_wait3A_2459, %add3A_2458] : memref<2x320000xi32, #tpu.memory_space<hbm>> -> memref<1x80xi32, #tpu.memory_space<hbm>>
      %dma_wait3A_2466 = tpu.memref_squeeze %dma_wait3A_2465 : memref<1x80xi32, #tpu.memory_space<hbm>> -> memref<80xi32, #tpu.memory_space<hbm>>
      %dma_wait3A_2467 = tpu.memref_slice %arg10[%dma_wait3A_2461] : memref<8x!tpu.dma_semaphore, #tpu.memory_space<semaphore_mem>> -> memref<1x!tpu.dma_semaphore, #tpu.memory_space<semaphore_mem>>
      %dma_wait3A_2468 = tpu.memref_squeeze %dma_wait3A_2467 : memref<1x!tpu.dma_semaphore, #tpu.memory_space<semaphore_mem>> -> memref<!tpu.dma_semaphore, #tpu.memory_space<semaphore_mem>>
      %dma_wait3A_2469 = arith.constant 0 : i32
      %dma_wait3A_2470 = tpu.memref_slice %arg5[%dma_wait3A_2460, %dma_wait3A_2469] : memref<8x80xi32, #tpu.memory_space<vmem>> -> memref<1x80xi32, #tpu.memory_space<vmem>>
      %dma_wait3A_2471 = tpu.memref_squeeze %dma_wait3A_2470 : memref<1x80xi32, #tpu.memory_space<vmem>> -> memref<80xi32, #tpu.memory_space<vmem>>
      %dma_wait3A_2472 = tpu.memref_slice %arg3[%dma_wait3A_2459, %add3A_2458] : memref<2x320000xi32, #tpu.memory_space<hbm>> -> memref<1x80xi32, #tpu.memory_space<hbm>>
      %dma_wait3A_2473 = tpu.memref_squeeze %dma_wait3A_2472 : memref<1x80xi32, #tpu.memory_space<hbm>> -> memref<80xi32, #tpu.memory_space<hbm>>
      tpu.wait_dma2 semaphore(%dma_wait3A_2468 : memref<!tpu.dma_semaphore, #tpu.memory_space<semaphore_mem>>) src(%dma_wait3A_2473 : memref<80xi32, #tpu.memory_space<hbm>>) dst(%dma_wait3A_2471 : memref<80xi32, #tpu.memory_space<vmem>>)
      %mul3A_2474 = arith.constant 80 : i32
      %mul3A_2475 = arith.muli %add3A_2455, %mul3A_2474 : i32
      %add3A_2476 = arith.addi %mul3A_3, %mul3A_2475 : i32
      %dma_wait3A_2477 = arith.constant 1 : i32
      %dma_wait3A_2478 = arith.constant 7 : i32
      %dma_wait3A_2479 = arith.constant 7 : i32
      %dma_wait3A_2480 = arith.constant 0 : i32
      %dma_wait3A_2481 = tpu.memref_slice %arg6[%dma_wait3A_2478, %dma_wait3A_2480] : memref<8x80xi32, #tpu.memory_space<vmem>> -> memref<1x80xi32, #tpu.memory_space<vmem>>
      %dma_wait3A_2482 = tpu.memref_squeeze %dma_wait3A_2481 : memref<1x80xi32, #tpu.memory_space<vmem>> -> memref<80xi32, #tpu.memory_space<vmem>>
      %dma_wait3A_2483 = tpu.memref_slice %arg3[%dma_wait3A_2477, %add3A_2476] : memref<2x320000xi32, #tpu.memory_space<hbm>> -> memref<1x80xi32, #tpu.memory_space<hbm>>
      %dma_wait3A_2484 = tpu.memref_squeeze %dma_wait3A_2483 : memref<1x80xi32, #tpu.memory_space<hbm>> -> memref<80xi32, #tpu.memory_space<hbm>>
      %dma_wait3A_2485 = tpu.memref_slice %arg11[%dma_wait3A_2479] : memref<8x!tpu.dma_semaphore, #tpu.memory_space<semaphore_mem>> -> memref<1x!tpu.dma_semaphore, #tpu.memory_space<semaphore_mem>>
      %dma_wait3A_2486 = tpu.memref_squeeze %dma_wait3A_2485 : memref<1x!tpu.dma_semaphore, #tpu.memory_space<semaphore_mem>> -> memref<!tpu.dma_semaphore, #tpu.memory_space<semaphore_mem>>
      %dma_wait3A_2487 = arith.constant 0 : i32
      %dma_wait3A_2488 = tpu.memref_slice %arg6[%dma_wait3A_2478, %dma_wait3A_2487] : memref<8x80xi32, #tpu.memory_space<vmem>> -> memref<1x80xi32, #tpu.memory_space<vmem>>
      %dma_wait3A_2489 = tpu.memref_squeeze %dma_wait3A_2488 : memref<1x80xi32, #tpu.memory_space<vmem>> -> memref<80xi32, #tpu.memory_space<vmem>>
      %dma_wait3A_2490 = tpu.memref_slice %arg3[%dma_wait3A_2477, %add3A_2476] : memref<2x320000xi32, #tpu.memory_space<hbm>> -> memref<1x80xi32, #tpu.memory_space<hbm>>
      %dma_wait3A_2491 = tpu.memref_squeeze %dma_wait3A_2490 : memref<1x80xi32, #tpu.memory_space<hbm>> -> memref<80xi32, #tpu.memory_space<hbm>>
      tpu.wait_dma2 semaphore(%dma_wait3A_2486 : memref<!tpu.dma_semaphore, #tpu.memory_space<semaphore_mem>>) src(%dma_wait3A_2491 : memref<80xi32, #tpu.memory_space<hbm>>) dst(%dma_wait3A_2489 : memref<80xi32, #tpu.memory_space<vmem>>)
      %dma_wait3A_2492 = arith.constant 3 : i32
      %dma_wait3A_2493 = arith.constant 3 : i32
      %dma_wait3A_2494 = arith.constant 3 : i32
      %dma_wait3A_2495 = arith.constant 0 : i32
      %dma_wait3A_2496 = arith.constant 0 : i32
      %dma_wait3A_2497 = tpu.memref_slice %arg7[%dma_wait3A_2492, %dma_wait3A_2495, %dma_wait3A_2496] : memref<4x80x128xbf16, #tpu.memory_space<vmem>> -> memref<1x80x128xbf16, #tpu.memory_space<vmem>>
      %dma_wait3A_2498 = tpu.memref_squeeze %dma_wait3A_2497 : memref<1x80x128xbf16, #tpu.memory_space<vmem>> -> memref<80x128xbf16, #tpu.memory_space<vmem>>
      %dma_wait3A_2499 = arith.constant 0 : i32
      %dma_wait3A_2500 = tpu.memref_slice %arg6[%dma_wait3A_2493, %dma_wait3A_2499] : memref<8x80xi32, #tpu.memory_space<vmem>> -> memref<1x80xi32, #tpu.memory_space<vmem>>
      %dma_wait3A_2501 = tpu.memref_squeeze %dma_wait3A_2500 : memref<1x80xi32, #tpu.memory_space<vmem>> -> memref<80xi32, #tpu.memory_space<vmem>>
      %dma_wait3A_2502 = arith.constant 0 : i32
      %dma_wait3A_2503 = arith.constant 0 : i32
      %dma_wait3A_2504 = tpu.memref_slice %arg9[%dma_wait3A_2502, %dma_wait3A_2503] : memref<10000x128xbf16, #tpu.memory_space<vmem_shared>> -> memref<10000x128xbf16, #tpu.memory_space<vmem_shared>>
      %dma_wait3A_2505 = tpu.memref_slice %arg13[%dma_wait3A_2494] : memref<4x!tpu.dma_semaphore, #tpu.memory_space<semaphore_mem>> -> memref<1x!tpu.dma_semaphore, #tpu.memory_space<semaphore_mem>>
      %dma_wait3A_2506 = tpu.memref_squeeze %dma_wait3A_2505 : memref<1x!tpu.dma_semaphore, #tpu.memory_space<semaphore_mem>> -> memref<!tpu.dma_semaphore, #tpu.memory_space<semaphore_mem>>
      tpu.wait_indirect_dma semaphore(%dma_wait3A_2506 : memref<!tpu.dma_semaphore, #tpu.memory_space<semaphore_mem>>) src(%dma_wait3A_2498 : memref<80x128xbf16, #tpu.memory_space<vmem>>) dst(%dma_wait3A_2504 : memref<10000x128xbf16, #tpu.memory_space<vmem_shared>>)
      %dma_start3A_2507 = arith.constant 7 : i32
      %dma_start3A_2508 = arith.constant 3 : i32
      %dma_start3A_2509 = arith.constant 3 : i32
      %dma_start3A_2510 = arith.constant 0 : i32
      %dma_start3A_2511 = arith.constant 0 : i32
      %dma_start3A_2512 = tpu.memref_slice %arg7[%dma_start3A_2508, %dma_start3A_2510, %dma_start3A_2511] : memref<4x80x128xbf16, #tpu.memory_space<vmem>> -> memref<1x80x128xbf16, #tpu.memory_space<vmem>>
      %dma_start3A_2513 = tpu.memref_squeeze %dma_start3A_2512 : memref<1x80x128xbf16, #tpu.memory_space<vmem>> -> memref<80x128xbf16, #tpu.memory_space<vmem>>
      %dma_start3A_2514 = arith.constant 0 : i32
      %dma_start3A_2515 = tpu.memref_slice %arg5[%dma_start3A_2507, %dma_start3A_2514] : memref<8x80xi32, #tpu.memory_space<vmem>> -> memref<1x80xi32, #tpu.memory_space<vmem>>
      %dma_start3A_2516 = tpu.memref_squeeze %dma_start3A_2515 : memref<1x80xi32, #tpu.memory_space<vmem>> -> memref<80xi32, #tpu.memory_space<vmem>>
      %dma_start3A_2517 = arith.constant 0 : i32
      %dma_start3A_2518 = arith.constant 0 : i32
      %dma_start3A_2519 = tpu.memref_slice %arg2[%dma_start3A_2517, %dma_start3A_2518] : memref<10000x128xbf16, #tpu.memory_space<hbm>> -> memref<10000x128xbf16, #tpu.memory_space<hbm>>
      %dma_start3A_2520 = tpu.memref_slice %arg12[%dma_start3A_2509] : memref<4x!tpu.dma_semaphore, #tpu.memory_space<semaphore_mem>> -> memref<1x!tpu.dma_semaphore, #tpu.memory_space<semaphore_mem>>
      %dma_start3A_2521 = tpu.memref_squeeze %dma_start3A_2520 : memref<1x!tpu.dma_semaphore, #tpu.memory_space<semaphore_mem>> -> memref<!tpu.dma_semaphore, #tpu.memory_space<semaphore_mem>>
      tpu.enqueue_indirect_dma source(%dma_start3A_2519 : memref<10000x128xbf16, #tpu.memory_space<hbm>>) target(%dma_start3A_2513 : memref<80x128xbf16, #tpu.memory_space<vmem>>) offsets(%dma_start3A_2516 : memref<80xi32, #tpu.memory_space<vmem>>) semaphore(%dma_start3A_2521 : memref<!tpu.dma_semaphore, #tpu.memory_space<semaphore_mem>>)
      %dma_wait3A_2522 = arith.constant 6 : i32
      %dma_wait3A_2523 = arith.constant 2 : i32
      %dma_wait3A_2524 = arith.constant 2 : i32
      %dma_wait3A_2525 = arith.constant 0 : i32
      %dma_wait3A_2526 = arith.constant 0 : i32
      %dma_wait3A_2527 = tpu.memref_slice %arg7[%dma_wait3A_2523, %dma_wait3A_2525, %dma_wait3A_2526] : memref<4x80x128xbf16, #tpu.memory_space<vmem>> -> memref<1x80x128xbf16, #tpu.memory_space<vmem>>
      %dma_wait3A_2528 = tpu.memref_squeeze %dma_wait3A_2527 : memref<1x80x128xbf16, #tpu.memory_space<vmem>> -> memref<80x128xbf16, #tpu.memory_space<vmem>>
      %dma_wait3A_2529 = arith.constant 0 : i32
      %dma_wait3A_2530 = tpu.memref_slice %arg5[%dma_wait3A_2522, %dma_wait3A_2529] : memref<8x80xi32, #tpu.memory_space<vmem>> -> memref<1x80xi32, #tpu.memory_space<vmem>>
      %dma_wait3A_2531 = tpu.memref_squeeze %dma_wait3A_2530 : memref<1x80xi32, #tpu.memory_space<vmem>> -> memref<80xi32, #tpu.memory_space<vmem>>
      %dma_wait3A_2532 = arith.constant 0 : i32
      %dma_wait3A_2533 = arith.constant 0 : i32
      %dma_wait3A_2534 = tpu.memref_slice %arg2[%dma_wait3A_2532, %dma_wait3A_2533] : memref<10000x128xbf16, #tpu.memory_space<hbm>> -> memref<10000x128xbf16, #tpu.memory_space<hbm>>
      %dma_wait3A_2535 = tpu.memref_slice %arg12[%dma_wait3A_2524] : memref<4x!tpu.dma_semaphore, #tpu.memory_space<semaphore_mem>> -> memref<1x!tpu.dma_semaphore, #tpu.memory_space<semaphore_mem>>
      %dma_wait3A_2536 = tpu.memref_squeeze %dma_wait3A_2535 : memref<1x!tpu.dma_semaphore, #tpu.memory_space<semaphore_mem>> -> memref<!tpu.dma_semaphore, #tpu.memory_space<semaphore_mem>>
      tpu.wait_indirect_dma semaphore(%dma_wait3A_2536 : memref<!tpu.dma_semaphore, #tpu.memory_space<semaphore_mem>>) src(%dma_wait3A_2534 : memref<10000x128xbf16, #tpu.memory_space<hbm>>) dst(%dma_wait3A_2528 : memref<80x128xbf16, #tpu.memory_space<vmem>>)
      %dma_start3A_2537 = arith.constant 2 : i32
      %dma_start3A_2538 = arith.constant 6 : i32
      %dma_start3A_2539 = arith.constant 2 : i32
      %dma_start3A_2540 = arith.constant 0 : i32
      %dma_start3A_2541 = arith.constant 0 : i32
      %dma_start3A_2542 = tpu.memref_slice %arg7[%dma_start3A_2537, %dma_start3A_2540, %dma_start3A_2541] : memref<4x80x128xbf16, #tpu.memory_space<vmem>> -> memref<1x80x128xbf16, #tpu.memory_space<vmem>>
      %dma_start3A_2543 = tpu.memref_squeeze %dma_start3A_2542 : memref<1x80x128xbf16, #tpu.memory_space<vmem>> -> memref<80x128xbf16, #tpu.memory_space<vmem>>
      %dma_start3A_2544 = arith.constant 0 : i32
      %dma_start3A_2545 = tpu.memref_slice %arg6[%dma_start3A_2538, %dma_start3A_2544] : memref<8x80xi32, #tpu.memory_space<vmem>> -> memref<1x80xi32, #tpu.memory_space<vmem>>
      %dma_start3A_2546 = tpu.memref_squeeze %dma_start3A_2545 : memref<1x80xi32, #tpu.memory_space<vmem>> -> memref<80xi32, #tpu.memory_space<vmem>>
      %dma_start3A_2547 = arith.constant 0 : i32
      %dma_start3A_2548 = arith.constant 0 : i32
      %dma_start3A_2549 = tpu.memref_slice %arg9[%dma_start3A_2547, %dma_start3A_2548] : memref<10000x128xbf16, #tpu.memory_space<vmem_shared>> -> memref<10000x128xbf16, #tpu.memory_space<vmem_shared>>
      %dma_start3A_2550 = tpu.memref_slice %arg13[%dma_start3A_2539] : memref<4x!tpu.dma_semaphore, #tpu.memory_space<semaphore_mem>> -> memref<1x!tpu.dma_semaphore, #tpu.memory_space<semaphore_mem>>
      %dma_start3A_2551 = tpu.memref_squeeze %dma_start3A_2550 : memref<1x!tpu.dma_semaphore, #tpu.memory_space<semaphore_mem>> -> memref<!tpu.dma_semaphore, #tpu.memory_space<semaphore_mem>>
      tpu.enqueue_indirect_dma source(%dma_start3A_2543 : memref<80x128xbf16, #tpu.memory_space<vmem>>) target(%dma_start3A_2549 : memref<10000x128xbf16, #tpu.memory_space<vmem_shared>>) offsets(%dma_start3A_2546 : memref<80xi32, #tpu.memory_space<vmem>>) semaphore(%dma_start3A_2551 : memref<!tpu.dma_semaphore, #tpu.memory_space<semaphore_mem>>) {add = true}
      %add3A_2552 = arith.constant 4 : i32
      %add3A_2553 = arith.addi %add3A_2455, %add3A_2552 : i32
      %lt3A_2554 = arith.constant 125 : i32
      %lt3A_2555 = arith.cmpi slt, %add3A_2553, %lt3A_2554 : i32
      %convert_element_type3A_2556 = arith.extui %lt3A_2555 : i1 to i32
      %cond3A_2557 = arith.constant 0 : i32
      %cond3A_2558 = arith.cmpi ne, %convert_element_type3A_2556, %cond3A_2557 : i32
      scf.if %cond3A_2558 {
        %add3A_2559 = arith.constant 4 : i32
        %add3A_2560 = arith.addi %add3A_2455, %add3A_2559 : i32
        %mul3A_2561 = arith.constant 80 : i32
        %mul3A_2562 = arith.muli %add3A_2560, %mul3A_2561 : i32
        %add3A_2563 = arith.addi %mul3A_3, %mul3A_2562 : i32
        %dma_start3A_2564 = arith.constant 0 : i32
        %dma_start3A_2565 = arith.constant 3 : i32
        %dma_start3A_2566 = arith.constant 3 : i32
        %dma_start3A_2567 = arith.constant 0 : i32
        %dma_start3A_2568 = tpu.memref_slice %arg5[%dma_start3A_2565, %dma_start3A_2567] : memref<8x80xi32, #tpu.memory_space<vmem>> -> memref<1x80xi32, #tpu.memory_space<vmem>>
        %dma_start3A_2569 = tpu.memref_squeeze %dma_start3A_2568 : memref<1x80xi32, #tpu.memory_space<vmem>> -> memref<80xi32, #tpu.memory_space<vmem>>
        %dma_start3A_2570 = tpu.memref_slice %arg3[%dma_start3A_2564, %add3A_2563] : memref<2x320000xi32, #tpu.memory_space<hbm>> -> memref<1x80xi32, #tpu.memory_space<hbm>>
        %dma_start3A_2571 = tpu.memref_squeeze %dma_start3A_2570 : memref<1x80xi32, #tpu.memory_space<hbm>> -> memref<80xi32, #tpu.memory_space<hbm>>
        %dma_start3A_2572 = tpu.memref_slice %arg10[%dma_start3A_2566] : memref<8x!tpu.dma_semaphore, #tpu.memory_space<semaphore_mem>> -> memref<1x!tpu.dma_semaphore, #tpu.memory_space<semaphore_mem>>
        %dma_start3A_2573 = tpu.memref_squeeze %dma_start3A_2572 : memref<1x!tpu.dma_semaphore, #tpu.memory_space<semaphore_mem>> -> memref<!tpu.dma_semaphore, #tpu.memory_space<semaphore_mem>>
        %dma_start3A_2574 = arith.constant 0 : i32
        %dma_start3A_2575 = tpu.memref_slice %arg5[%dma_start3A_2565, %dma_start3A_2574] : memref<8x80xi32, #tpu.memory_space<vmem>> -> memref<1x80xi32, #tpu.memory_space<vmem>>
        %dma_start3A_2576 = tpu.memref_squeeze %dma_start3A_2575 : memref<1x80xi32, #tpu.memory_space<vmem>> -> memref<80xi32, #tpu.memory_space<vmem>>
        %dma_start3A_2577 = tpu.memref_slice %arg3[%dma_start3A_2564, %add3A_2563] : memref<2x320000xi32, #tpu.memory_space<hbm>> -> memref<1x80xi32, #tpu.memory_space<hbm>>
        %dma_start3A_2578 = tpu.memref_squeeze %dma_start3A_2577 : memref<1x80xi32, #tpu.memory_space<hbm>> -> memref<80xi32, #tpu.memory_space<hbm>>
        tpu.enqueue_dma source(%dma_start3A_2578 : memref<80xi32, #tpu.memory_space<hbm>>) target(%dma_start3A_2576 : memref<80xi32, #tpu.memory_space<vmem>>) target_semaphore(%dma_start3A_2573 : memref<!tpu.dma_semaphore, #tpu.memory_space<semaphore_mem>>)
        %mul3A_2579 = arith.constant 80 : i32
        %mul3A_2580 = arith.muli %add3A_2560, %mul3A_2579 : i32
        %add3A_2581 = arith.addi %mul3A_3, %mul3A_2580 : i32
        %dma_start3A_2582 = arith.constant 1 : i32
        %dma_start3A_2583 = arith.constant 3 : i32
        %dma_start3A_2584 = arith.constant 3 : i32
        %dma_start3A_2585 = arith.constant 0 : i32
        %dma_start3A_2586 = tpu.memref_slice %arg6[%dma_start3A_2583, %dma_start3A_2585] : memref<8x80xi32, #tpu.memory_space<vmem>> -> memref<1x80xi32, #tpu.memory_space<vmem>>
        %dma_start3A_2587 = tpu.memref_squeeze %dma_start3A_2586 : memref<1x80xi32, #tpu.memory_space<vmem>> -> memref<80xi32, #tpu.memory_space<vmem>>
        %dma_start3A_2588 = tpu.memref_slice %arg3[%dma_start3A_2582, %add3A_2581] : memref<2x320000xi32, #tpu.memory_space<hbm>> -> memref<1x80xi32, #tpu.memory_space<hbm>>
        %dma_start3A_2589 = tpu.memref_squeeze %dma_start3A_2588 : memref<1x80xi32, #tpu.memory_space<hbm>> -> memref<80xi32, #tpu.memory_space<hbm>>
        %dma_start3A_2590 = tpu.memref_slice %arg11[%dma_start3A_2584] : memref<8x!tpu.dma_semaphore, #tpu.memory_space<semaphore_mem>> -> memref<1x!tpu.dma_semaphore, #tpu.memory_space<semaphore_mem>>
        %dma_start3A_2591 = tpu.memref_squeeze %dma_start3A_2590 : memref<1x!tpu.dma_semaphore, #tpu.memory_space<semaphore_mem>> -> memref<!tpu.dma_semaphore, #tpu.memory_space<semaphore_mem>>
        %dma_start3A_2592 = arith.constant 0 : i32
        %dma_start3A_2593 = tpu.memref_slice %arg6[%dma_start3A_2583, %dma_start3A_2592] : memref<8x80xi32, #tpu.memory_space<vmem>> -> memref<1x80xi32, #tpu.memory_space<vmem>>
        %dma_start3A_2594 = tpu.memref_squeeze %dma_start3A_2593 : memref<1x80xi32, #tpu.memory_space<vmem>> -> memref<80xi32, #tpu.memory_space<vmem>>
        %dma_start3A_2595 = tpu.memref_slice %arg3[%dma_start3A_2582, %add3A_2581] : memref<2x320000xi32, #tpu.memory_space<hbm>> -> memref<1x80xi32, #tpu.memory_space<hbm>>
        %dma_start3A_2596 = tpu.memref_squeeze %dma_start3A_2595 : memref<1x80xi32, #tpu.memory_space<hbm>> -> memref<80xi32, #tpu.memory_space<hbm>>
        tpu.enqueue_dma source(%dma_start3A_2596 : memref<80xi32, #tpu.memory_space<hbm>>) target(%dma_start3A_2594 : memref<80xi32, #tpu.memory_space<vmem>>) target_semaphore(%dma_start3A_2591 : memref<!tpu.dma_semaphore, #tpu.memory_space<semaphore_mem>>)
      } else {
      }
    }
    %scan3A_1113 = arith.constant 14 : i32
    %add3A_1114 = arith.constant 9600 : i32
    %add3A_1115 = arith.addi %mul3A_3, %add3A_1114 : i32
    %dma_wait3A_1116 = arith.constant 0 : i32
    %dma_wait3A_1117 = arith.constant 0 : i32
    %dma_wait3A_1118 = arith.constant 0 : i32
    %dma_wait3A_1119 = arith.constant 0 : i32
    %dma_wait3A_1120 = tpu.memref_slice %arg5[%dma_wait3A_1117, %dma_wait3A_1119] : memref<8x80xi32, #tpu.memory_space<vmem>> -> memref<1x80xi32, #tpu.memory_space<vmem>>
    %dma_wait3A_1121 = tpu.memref_squeeze %dma_wait3A_1120 : memref<1x80xi32, #tpu.memory_space<vmem>> -> memref<80xi32, #tpu.memory_space<vmem>>
    %dma_wait3A_1122 = tpu.memref_slice %arg3[%dma_wait3A_1116, %add3A_1115] : memref<2x320000xi32, #tpu.memory_space<hbm>> -> memref<1x80xi32, #tpu.memory_space<hbm>>
    %dma_wait3A_1123 = tpu.memref_squeeze %dma_wait3A_1122 : memref<1x80xi32, #tpu.memory_space<hbm>> -> memref<80xi32, #tpu.memory_space<hbm>>
    %dma_wait3A_1124 = tpu.memref_slice %arg10[%dma_wait3A_1118] : memref<8x!tpu.dma_semaphore, #tpu.memory_space<semaphore_mem>> -> memref<1x!tpu.dma_semaphore, #tpu.memory_space<semaphore_mem>>
    %dma_wait3A_1125 = tpu.memref_squeeze %dma_wait3A_1124 : memref<1x!tpu.dma_semaphore, #tpu.memory_space<semaphore_mem>> -> memref<!tpu.dma_semaphore, #tpu.memory_space<semaphore_mem>>
    %dma_wait3A_1126 = arith.constant 0 : i32
    %dma_wait3A_1127 = tpu.memref_slice %arg5[%dma_wait3A_1117, %dma_wait3A_1126] : memref<8x80xi32, #tpu.memory_space<vmem>> -> memref<1x80xi32, #tpu.memory_space<vmem>>
    %dma_wait3A_1128 = tpu.memref_squeeze %dma_wait3A_1127 : memref<1x80xi32, #tpu.memory_space<vmem>> -> memref<80xi32, #tpu.memory_space<vmem>>
    %dma_wait3A_1129 = tpu.memref_slice %arg3[%dma_wait3A_1116, %add3A_1115] : memref<2x320000xi32, #tpu.memory_space<hbm>> -> memref<1x80xi32, #tpu.memory_space<hbm>>
    %dma_wait3A_1130 = tpu.memref_squeeze %dma_wait3A_1129 : memref<1x80xi32, #tpu.memory_space<hbm>> -> memref<80xi32, #tpu.memory_space<hbm>>
    tpu.wait_dma2 semaphore(%dma_wait3A_1125 : memref<!tpu.dma_semaphore, #tpu.memory_space<semaphore_mem>>) src(%dma_wait3A_1130 : memref<80xi32, #tpu.memory_space<hbm>>) dst(%dma_wait3A_1128 : memref<80xi32, #tpu.memory_space<vmem>>)
    %add3A_1131 = arith.constant 9600 : i32
    %add3A_1132 = arith.addi %mul3A_3, %add3A_1131 : i32
    %dma_wait3A_1133 = arith.constant 1 : i32
    %dma_wait3A_1134 = arith.constant 0 : i32
    %dma_wait3A_1135 = arith.constant 0 : i32
    %dma_wait3A_1136 = arith.constant 0 : i32
    %dma_wait3A_1137 = tpu.memref_slice %arg6[%dma_wait3A_1134, %dma_wait3A_1136] : memref<8x80xi32, #tpu.memory_space<vmem>> -> memref<1x80xi32, #tpu.memory_space<vmem>>
    %dma_wait3A_1138 = tpu.memref_squeeze %dma_wait3A_1137 : memref<1x80xi32, #tpu.memory_space<vmem>> -> memref<80xi32, #tpu.memory_space<vmem>>
    %dma_wait3A_1139 = tpu.memref_slice %arg3[%dma_wait3A_1133, %add3A_1132] : memref<2x320000xi32, #tpu.memory_space<hbm>> -> memref<1x80xi32, #tpu.memory_space<hbm>>
    %dma_wait3A_1140 = tpu.memref_squeeze %dma_wait3A_1139 : memref<1x80xi32, #tpu.memory_space<hbm>> -> memref<80xi32, #tpu.memory_space<hbm>>
    %dma_wait3A_1141 = tpu.memref_slice %arg11[%dma_wait3A_1135] : memref<8x!tpu.dma_semaphore, #tpu.memory_space<semaphore_mem>> -> memref<1x!tpu.dma_semaphore, #tpu.memory_space<semaphore_mem>>
    %dma_wait3A_1142 = tpu.memref_squeeze %dma_wait3A_1141 : memref<1x!tpu.dma_semaphore, #tpu.memory_space<semaphore_mem>> -> memref<!tpu.dma_semaphore, #tpu.memory_space<semaphore_mem>>
    %dma_wait3A_1143 = arith.constant 0 : i32
    %dma_wait3A_1144 = tpu.memref_slice %arg6[%dma_wait3A_1134, %dma_wait3A_1143] : memref<8x80xi32, #tpu.memory_space<vmem>> -> memref<1x80xi32, #tpu.memory_space<vmem>>
    %dma_wait3A_1145 = tpu.memref_squeeze %dma_wait3A_1144 : memref<1x80xi32, #tpu.memory_space<vmem>> -> memref<80xi32, #tpu.memory_space<vmem>>
    %dma_wait3A_1146 = tpu.memref_slice %arg3[%dma_wait3A_1133, %add3A_1132] : memref<2x320000xi32, #tpu.memory_space<hbm>> -> memref<1x80xi32, #tpu.memory_space<hbm>>
    %dma_wait3A_1147 = tpu.memref_squeeze %dma_wait3A_1146 : memref<1x80xi32, #tpu.memory_space<hbm>> -> memref<80xi32, #tpu.memory_space<hbm>>
    tpu.wait_dma2 semaphore(%dma_wait3A_1142 : memref<!tpu.dma_semaphore, #tpu.memory_space<semaphore_mem>>) src(%dma_wait3A_1147 : memref<80xi32, #tpu.memory_space<hbm>>) dst(%dma_wait3A_1145 : memref<80xi32, #tpu.memory_space<vmem>>)
    %dma_wait3A_1148 = arith.constant 0 : i32
    %dma_wait3A_1149 = arith.constant 4 : i32
    %dma_wait3A_1150 = arith.constant 0 : i32
    %dma_wait3A_1151 = arith.constant 0 : i32
    %dma_wait3A_1152 = arith.constant 0 : i32
    %dma_wait3A_1153 = tpu.memref_slice %arg7[%dma_wait3A_1148, %dma_wait3A_1151, %dma_wait3A_1152] : memref<4x80x128xbf16, #tpu.memory_space<vmem>> -> memref<1x80x128xbf16, #tpu.memory_space<vmem>>
    %dma_wait3A_1154 = tpu.memref_squeeze %dma_wait3A_1153 : memref<1x80x128xbf16, #tpu.memory_space<vmem>> -> memref<80x128xbf16, #tpu.memory_space<vmem>>
    %dma_wait3A_1155 = arith.constant 0 : i32
    %dma_wait3A_1156 = tpu.memref_slice %arg6[%dma_wait3A_1149, %dma_wait3A_1155] : memref<8x80xi32, #tpu.memory_space<vmem>> -> memref<1x80xi32, #tpu.memory_space<vmem>>
    %dma_wait3A_1157 = tpu.memref_squeeze %dma_wait3A_1156 : memref<1x80xi32, #tpu.memory_space<vmem>> -> memref<80xi32, #tpu.memory_space<vmem>>
    %dma_wait3A_1158 = arith.constant 0 : i32
    %dma_wait3A_1159 = arith.constant 0 : i32
    %dma_wait3A_1160 = tpu.memref_slice %arg9[%dma_wait3A_1158, %dma_wait3A_1159] : memref<10000x128xbf16, #tpu.memory_space<vmem_shared>> -> memref<10000x128xbf16, #tpu.memory_space<vmem_shared>>
    %dma_wait3A_1161 = tpu.memref_slice %arg13[%dma_wait3A_1150] : memref<4x!tpu.dma_semaphore, #tpu.memory_space<semaphore_mem>> -> memref<1x!tpu.dma_semaphore, #tpu.memory_space<semaphore_mem>>
    %dma_wait3A_1162 = tpu.memref_squeeze %dma_wait3A_1161 : memref<1x!tpu.dma_semaphore, #tpu.memory_space<semaphore_mem>> -> memref<!tpu.dma_semaphore, #tpu.memory_space<semaphore_mem>>
    tpu.wait_indirect_dma semaphore(%dma_wait3A_1162 : memref<!tpu.dma_semaphore, #tpu.memory_space<semaphore_mem>>) src(%dma_wait3A_1154 : memref<80x128xbf16, #tpu.memory_space<vmem>>) dst(%dma_wait3A_1160 : memref<10000x128xbf16, #tpu.memory_space<vmem_shared>>)
    %dma_start3A_1163 = arith.constant 0 : i32
    %dma_start3A_1164 = arith.constant 0 : i32
    %dma_start3A_1165 = arith.constant 0 : i32
    %dma_start3A_1166 = arith.constant 0 : i32
    %dma_start3A_1167 = arith.constant 0 : i32
    %dma_start3A_1168 = tpu.memref_slice %arg7[%dma_start3A_1164, %dma_start3A_1166, %dma_start3A_1167] : memref<4x80x128xbf16, #tpu.memory_space<vmem>> -> memref<1x80x128xbf16, #tpu.memory_space<vmem>>
    %dma_start3A_1169 = tpu.memref_squeeze %dma_start3A_1168 : memref<1x80x128xbf16, #tpu.memory_space<vmem>> -> memref<80x128xbf16, #tpu.memory_space<vmem>>
    %dma_start3A_1170 = arith.constant 0 : i32
    %dma_start3A_1171 = tpu.memref_slice %arg5[%dma_start3A_1163, %dma_start3A_1170] : memref<8x80xi32, #tpu.memory_space<vmem>> -> memref<1x80xi32, #tpu.memory_space<vmem>>
    %dma_start3A_1172 = tpu.memref_squeeze %dma_start3A_1171 : memref<1x80xi32, #tpu.memory_space<vmem>> -> memref<80xi32, #tpu.memory_space<vmem>>
    %dma_start3A_1173 = arith.constant 0 : i32
    %dma_start3A_1174 = arith.constant 0 : i32
    %dma_start3A_1175 = tpu.memref_slice %arg2[%dma_start3A_1173, %dma_start3A_1174] : memref<10000x128xbf16, #tpu.memory_space<hbm>> -> memref<10000x128xbf16, #tpu.memory_space<hbm>>
    %dma_start3A_1176 = tpu.memref_slice %arg12[%dma_start3A_1165] : memref<4x!tpu.dma_semaphore, #tpu.memory_space<semaphore_mem>> -> memref<1x!tpu.dma_semaphore, #tpu.memory_space<semaphore_mem>>
    %dma_start3A_1177 = tpu.memref_squeeze %dma_start3A_1176 : memref<1x!tpu.dma_semaphore, #tpu.memory_space<semaphore_mem>> -> memref<!tpu.dma_semaphore, #tpu.memory_space<semaphore_mem>>
    tpu.enqueue_indirect_dma source(%dma_start3A_1175 : memref<10000x128xbf16, #tpu.memory_space<hbm>>) target(%dma_start3A_1169 : memref<80x128xbf16, #tpu.memory_space<vmem>>) offsets(%dma_start3A_1172 : memref<80xi32, #tpu.memory_space<vmem>>) semaphore(%dma_start3A_1177 : memref<!tpu.dma_semaphore, #tpu.memory_space<semaphore_mem>>)
    %dma_wait3A_1178 = arith.constant 7 : i32
    %dma_wait3A_1179 = arith.constant 3 : i32
    %dma_wait3A_1180 = arith.constant 3 : i32
    %dma_wait3A_1181 = arith.constant 0 : i32
    %dma_wait3A_1182 = arith.constant 0 : i32
    %dma_wait3A_1183 = tpu.memref_slice %arg7[%dma_wait3A_1179, %dma_wait3A_1181, %dma_wait3A_1182] : memref<4x80x128xbf16, #tpu.memory_space<vmem>> -> memref<1x80x128xbf16, #tpu.memory_space<vmem>>
    %dma_wait3A_1184 = tpu.memref_squeeze %dma_wait3A_1183 : memref<1x80x128xbf16, #tpu.memory_space<vmem>> -> memref<80x128xbf16, #tpu.memory_space<vmem>>
    %dma_wait3A_1185 = arith.constant 0 : i32
    %dma_wait3A_1186 = tpu.memref_slice %arg5[%dma_wait3A_1178, %dma_wait3A_1185] : memref<8x80xi32, #tpu.memory_space<vmem>> -> memref<1x80xi32, #tpu.memory_space<vmem>>
    %dma_wait3A_1187 = tpu.memref_squeeze %dma_wait3A_1186 : memref<1x80xi32, #tpu.memory_space<vmem>> -> memref<80xi32, #tpu.memory_space<vmem>>
    %dma_wait3A_1188 = arith.constant 0 : i32
    %dma_wait3A_1189 = arith.constant 0 : i32
    %dma_wait3A_1190 = tpu.memref_slice %arg2[%dma_wait3A_1188, %dma_wait3A_1189] : memref<10000x128xbf16, #tpu.memory_space<hbm>> -> memref<10000x128xbf16, #tpu.memory_space<hbm>>
    %dma_wait3A_1191 = tpu.memref_slice %arg12[%dma_wait3A_1180] : memref<4x!tpu.dma_semaphore, #tpu.memory_space<semaphore_mem>> -> memref<1x!tpu.dma_semaphore, #tpu.memory_space<semaphore_mem>>
    %dma_wait3A_1192 = tpu.memref_squeeze %dma_wait3A_1191 : memref<1x!tpu.dma_semaphore, #tpu.memory_space<semaphore_mem>> -> memref<!tpu.dma_semaphore, #tpu.memory_space<semaphore_mem>>
    tpu.wait_indirect_dma semaphore(%dma_wait3A_1192 : memref<!tpu.dma_semaphore, #tpu.memory_space<semaphore_mem>>) src(%dma_wait3A_1190 : memref<10000x128xbf16, #tpu.memory_space<hbm>>) dst(%dma_wait3A_1184 : memref<80x128xbf16, #tpu.memory_space<vmem>>)
    %dma_start3A_1193 = arith.constant 3 : i32
    %dma_start3A_1194 = arith.constant 7 : i32
    %dma_start3A_1195 = arith.constant 3 : i32
    %dma_start3A_1196 = arith.constant 0 : i32
    %dma_start3A_1197 = arith.constant 0 : i32
    %dma_start3A_1198 = tpu.memref_slice %arg7[%dma_start3A_1193, %dma_start3A_1196, %dma_start3A_1197] : memref<4x80x128xbf16, #tpu.memory_space<vmem>> -> memref<1x80x128xbf16, #tpu.memory_space<vmem>>
    %dma_start3A_1199 = tpu.memref_squeeze %dma_start3A_1198 : memref<1x80x128xbf16, #tpu.memory_space<vmem>> -> memref<80x128xbf16, #tpu.memory_space<vmem>>
    %dma_start3A_1200 = arith.constant 0 : i32
    %dma_start3A_1201 = tpu.memref_slice %arg6[%dma_start3A_1194, %dma_start3A_1200] : memref<8x80xi32, #tpu.memory_space<vmem>> -> memref<1x80xi32, #tpu.memory_space<vmem>>
    %dma_start3A_1202 = tpu.memref_squeeze %dma_start3A_1201 : memref<1x80xi32, #tpu.memory_space<vmem>> -> memref<80xi32, #tpu.memory_space<vmem>>
    %dma_start3A_1203 = arith.constant 0 : i32
    %dma_start3A_1204 = arith.constant 0 : i32
    %dma_start3A_1205 = tpu.memref_slice %arg9[%dma_start3A_1203, %dma_start3A_1204] : memref<10000x128xbf16, #tpu.memory_space<vmem_shared>> -> memref<10000x128xbf16, #tpu.memory_space<vmem_shared>>
    %dma_start3A_1206 = tpu.memref_slice %arg13[%dma_start3A_1195] : memref<4x!tpu.dma_semaphore, #tpu.memory_space<semaphore_mem>> -> memref<1x!tpu.dma_semaphore, #tpu.memory_space<semaphore_mem>>
    %dma_start3A_1207 = tpu.memref_squeeze %dma_start3A_1206 : memref<1x!tpu.dma_semaphore, #tpu.memory_space<semaphore_mem>> -> memref<!tpu.dma_semaphore, #tpu.memory_space<semaphore_mem>>
    tpu.enqueue_indirect_dma source(%dma_start3A_1199 : memref<80x128xbf16, #tpu.memory_space<vmem>>) target(%dma_start3A_1205 : memref<10000x128xbf16, #tpu.memory_space<vmem_shared>>) offsets(%dma_start3A_1202 : memref<80xi32, #tpu.memory_space<vmem>>) semaphore(%dma_start3A_1207 : memref<!tpu.dma_semaphore, #tpu.memory_space<semaphore_mem>>) {add = true}
    %add3A_1208 = arith.constant 9920 : i32
    %add3A_1209 = arith.addi %mul3A_3, %add3A_1208 : i32
    %dma_start3A_1210 = arith.constant 0 : i32
    %dma_start3A_1211 = arith.constant 4 : i32
    %dma_start3A_1212 = arith.constant 4 : i32
    %dma_start3A_1213 = arith.constant 0 : i32
    %dma_start3A_1214 = tpu.memref_slice %arg5[%dma_start3A_1211, %dma_start3A_1213] : memref<8x80xi32, #tpu.memory_space<vmem>> -> memref<1x80xi32, #tpu.memory_space<vmem>>
    %dma_start3A_1215 = tpu.memref_squeeze %dma_start3A_1214 : memref<1x80xi32, #tpu.memory_space<vmem>> -> memref<80xi32, #tpu.memory_space<vmem>>
    %dma_start3A_1216 = tpu.memref_slice %arg3[%dma_start3A_1210, %add3A_1209] : memref<2x320000xi32, #tpu.memory_space<hbm>> -> memref<1x80xi32, #tpu.memory_space<hbm>>
    %dma_start3A_1217 = tpu.memref_squeeze %dma_start3A_1216 : memref<1x80xi32, #tpu.memory_space<hbm>> -> memref<80xi32, #tpu.memory_space<hbm>>
    %dma_start3A_1218 = tpu.memref_slice %arg10[%dma_start3A_1212] : memref<8x!tpu.dma_semaphore, #tpu.memory_space<semaphore_mem>> -> memref<1x!tpu.dma_semaphore, #tpu.memory_space<semaphore_mem>>
    %dma_start3A_1219 = tpu.memref_squeeze %dma_start3A_1218 : memref<1x!tpu.dma_semaphore, #tpu.memory_space<semaphore_mem>> -> memref<!tpu.dma_semaphore, #tpu.memory_space<semaphore_mem>>
    %dma_start3A_1220 = arith.constant 0 : i32
    %dma_start3A_1221 = tpu.memref_slice %arg5[%dma_start3A_1211, %dma_start3A_1220] : memref<8x80xi32, #tpu.memory_space<vmem>> -> memref<1x80xi32, #tpu.memory_space<vmem>>
    %dma_start3A_1222 = tpu.memref_squeeze %dma_start3A_1221 : memref<1x80xi32, #tpu.memory_space<vmem>> -> memref<80xi32, #tpu.memory_space<vmem>>
    %dma_start3A_1223 = tpu.memref_slice %arg3[%dma_start3A_1210, %add3A_1209] : memref<2x320000xi32, #tpu.memory_space<hbm>> -> memref<1x80xi32, #tpu.memory_space<hbm>>
    %dma_start3A_1224 = tpu.memref_squeeze %dma_start3A_1223 : memref<1x80xi32, #tpu.memory_space<hbm>> -> memref<80xi32, #tpu.memory_space<hbm>>
    tpu.enqueue_dma source(%dma_start3A_1224 : memref<80xi32, #tpu.memory_space<hbm>>) target(%dma_start3A_1222 : memref<80xi32, #tpu.memory_space<vmem>>) target_semaphore(%dma_start3A_1219 : memref<!tpu.dma_semaphore, #tpu.memory_space<semaphore_mem>>)
    %add3A_1225 = arith.constant 9920 : i32
    %add3A_1226 = arith.addi %mul3A_3, %add3A_1225 : i32
    %dma_start3A_1227 = arith.constant 1 : i32
    %dma_start3A_1228 = arith.constant 4 : i32
    %dma_start3A_1229 = arith.constant 4 : i32
    %dma_start3A_1230 = arith.constant 0 : i32
    %dma_start3A_1231 = tpu.memref_slice %arg6[%dma_start3A_1228, %dma_start3A_1230] : memref<8x80xi32, #tpu.memory_space<vmem>> -> memref<1x80xi32, #tpu.memory_space<vmem>>
    %dma_start3A_1232 = tpu.memref_squeeze %dma_start3A_1231 : memref<1x80xi32, #tpu.memory_space<vmem>> -> memref<80xi32, #tpu.memory_space<vmem>>
    %dma_start3A_1233 = tpu.memref_slice %arg3[%dma_start3A_1227, %add3A_1226] : memref<2x320000xi32, #tpu.memory_space<hbm>> -> memref<1x80xi32, #tpu.memory_space<hbm>>
    %dma_start3A_1234 = tpu.memref_squeeze %dma_start3A_1233 : memref<1x80xi32, #tpu.memory_space<hbm>> -> memref<80xi32, #tpu.memory_space<hbm>>
    %dma_start3A_1235 = tpu.memref_slice %arg11[%dma_start3A_1229] : memref<8x!tpu.dma_semaphore, #tpu.memory_space<semaphore_mem>> -> memref<1x!tpu.dma_semaphore, #tpu.memory_space<semaphore_mem>>
    %dma_start3A_1236 = tpu.memref_squeeze %dma_start3A_1235 : memref<1x!tpu.dma_semaphore, #tpu.memory_space<semaphore_mem>> -> memref<!tpu.dma_semaphore, #tpu.memory_space<semaphore_mem>>
    %dma_start3A_1237 = arith.constant 0 : i32
    %dma_start3A_1238 = tpu.memref_slice %arg6[%dma_start3A_1228, %dma_start3A_1237] : memref<8x80xi32, #tpu.memory_space<vmem>> -> memref<1x80xi32, #tpu.memory_space<vmem>>
    %dma_start3A_1239 = tpu.memref_squeeze %dma_start3A_1238 : memref<1x80xi32, #tpu.memory_space<vmem>> -> memref<80xi32, #tpu.memory_space<vmem>>
    %dma_start3A_1240 = tpu.memref_slice %arg3[%dma_start3A_1227, %add3A_1226] : memref<2x320000xi32, #tpu.memory_space<hbm>> -> memref<1x80xi32, #tpu.memory_space<hbm>>
    %dma_start3A_1241 = tpu.memref_squeeze %dma_start3A_1240 : memref<1x80xi32, #tpu.memory_space<hbm>> -> memref<80xi32, #tpu.memory_space<hbm>>
    tpu.enqueue_dma source(%dma_start3A_1241 : memref<80xi32, #tpu.memory_space<hbm>>) target(%dma_start3A_1239 : memref<80xi32, #tpu.memory_space<vmem>>) target_semaphore(%dma_start3A_1236 : memref<!tpu.dma_semaphore, #tpu.memory_space<semaphore_mem>>)
    %add3A_1242 = arith.constant 9680 : i32
    %add3A_1243 = arith.addi %mul3A_3, %add3A_1242 : i32
    %dma_wait3A_1244 = arith.constant 0 : i32
    %dma_wait3A_1245 = arith.constant 1 : i32
    %dma_wait3A_1246 = arith.constant 1 : i32
    %dma_wait3A_1247 = arith.constant 0 : i32
    %dma_wait3A_1248 = tpu.memref_slice %arg5[%dma_wait3A_1245, %dma_wait3A_1247] : memref<8x80xi32, #tpu.memory_space<vmem>> -> memref<1x80xi32, #tpu.memory_space<vmem>>
    %dma_wait3A_1249 = tpu.memref_squeeze %dma_wait3A_1248 : memref<1x80xi32, #tpu.memory_space<vmem>> -> memref<80xi32, #tpu.memory_space<vmem>>
    %dma_wait3A_1250 = tpu.memref_slice %arg3[%dma_wait3A_1244, %add3A_1243] : memref<2x320000xi32, #tpu.memory_space<hbm>> -> memref<1x80xi32, #tpu.memory_space<hbm>>
    %dma_wait3A_1251 = tpu.memref_squeeze %dma_wait3A_1250 : memref<1x80xi32, #tpu.memory_space<hbm>> -> memref<80xi32, #tpu.memory_space<hbm>>
    %dma_wait3A_1252 = tpu.memref_slice %arg10[%dma_wait3A_1246] : memref<8x!tpu.dma_semaphore, #tpu.memory_space<semaphore_mem>> -> memref<1x!tpu.dma_semaphore, #tpu.memory_space<semaphore_mem>>
    %dma_wait3A_1253 = tpu.memref_squeeze %dma_wait3A_1252 : memref<1x!tpu.dma_semaphore, #tpu.memory_space<semaphore_mem>> -> memref<!tpu.dma_semaphore, #tpu.memory_space<semaphore_mem>>
    %dma_wait3A_1254 = arith.constant 0 : i32
    %dma_wait3A_1255 = tpu.memref_slice %arg5[%dma_wait3A_1245, %dma_wait3A_1254] : memref<8x80xi32, #tpu.memory_space<vmem>> -> memref<1x80xi32, #tpu.memory_space<vmem>>
    %dma_wait3A_1256 = tpu.memref_squeeze %dma_wait3A_1255 : memref<1x80xi32, #tpu.memory_space<vmem>> -> memref<80xi32, #tpu.memory_space<vmem>>
    %dma_wait3A_1257 = tpu.memref_slice %arg3[%dma_wait3A_1244, %add3A_1243] : memref<2x320000xi32, #tpu.memory_space<hbm>> -> memref<1x80xi32, #tpu.memory_space<hbm>>
    %dma_wait3A_1258 = tpu.memref_squeeze %dma_wait3A_1257 : memref<1x80xi32, #tpu.memory_space<hbm>> -> memref<80xi32, #tpu.memory_space<hbm>>
    tpu.wait_dma2 semaphore(%dma_wait3A_1253 : memref<!tpu.dma_semaphore, #tpu.memory_space<semaphore_mem>>) src(%dma_wait3A_1258 : memref<80xi32, #tpu.memory_space<hbm>>) dst(%dma_wait3A_1256 : memref<80xi32, #tpu.memory_space<vmem>>)
    %add3A_1259 = arith.constant 9680 : i32
    %add3A_1260 = arith.addi %mul3A_3, %add3A_1259 : i32
    %dma_wait3A_1261 = arith.constant 1 : i32
    %dma_wait3A_1262 = arith.constant 1 : i32
    %dma_wait3A_1263 = arith.constant 1 : i32
    %dma_wait3A_1264 = arith.constant 0 : i32
    %dma_wait3A_1265 = tpu.memref_slice %arg6[%dma_wait3A_1262, %dma_wait3A_1264] : memref<8x80xi32, #tpu.memory_space<vmem>> -> memref<1x80xi32, #tpu.memory_space<vmem>>
    %dma_wait3A_1266 = tpu.memref_squeeze %dma_wait3A_1265 : memref<1x80xi32, #tpu.memory_space<vmem>> -> memref<80xi32, #tpu.memory_space<vmem>>
    %dma_wait3A_1267 = tpu.memref_slice %arg3[%dma_wait3A_1261, %add3A_1260] : memref<2x320000xi32, #tpu.memory_space<hbm>> -> memref<1x80xi32, #tpu.memory_space<hbm>>
    %dma_wait3A_1268 = tpu.memref_squeeze %dma_wait3A_1267 : memref<1x80xi32, #tpu.memory_space<hbm>> -> memref<80xi32, #tpu.memory_space<hbm>>
    %dma_wait3A_1269 = tpu.memref_slice %arg11[%dma_wait3A_1263] : memref<8x!tpu.dma_semaphore, #tpu.memory_space<semaphore_mem>> -> memref<1x!tpu.dma_semaphore, #tpu.memory_space<semaphore_mem>>
    %dma_wait3A_1270 = tpu.memref_squeeze %dma_wait3A_1269 : memref<1x!tpu.dma_semaphore, #tpu.memory_space<semaphore_mem>> -> memref<!tpu.dma_semaphore, #tpu.memory_space<semaphore_mem>>
    %dma_wait3A_1271 = arith.constant 0 : i32
    %dma_wait3A_1272 = tpu.memref_slice %arg6[%dma_wait3A_1262, %dma_wait3A_1271] : memref<8x80xi32, #tpu.memory_space<vmem>> -> memref<1x80xi32, #tpu.memory_space<vmem>>
    %dma_wait3A_1273 = tpu.memref_squeeze %dma_wait3A_1272 : memref<1x80xi32, #tpu.memory_space<vmem>> -> memref<80xi32, #tpu.memory_space<vmem>>
    %dma_wait3A_1274 = tpu.memref_slice %arg3[%dma_wait3A_1261, %add3A_1260] : memref<2x320000xi32, #tpu.memory_space<hbm>> -> memref<1x80xi32, #tpu.memory_space<hbm>>
    %dma_wait3A_1275 = tpu.memref_squeeze %dma_wait3A_1274 : memref<1x80xi32, #tpu.memory_space<hbm>> -> memref<80xi32, #tpu.memory_space<hbm>>
    tpu.wait_dma2 semaphore(%dma_wait3A_1270 : memref<!tpu.dma_semaphore, #tpu.memory_space<semaphore_mem>>) src(%dma_wait3A_1275 : memref<80xi32, #tpu.memory_space<hbm>>) dst(%dma_wait3A_1273 : memref<80xi32, #tpu.memory_space<vmem>>)
    %dma_wait3A_1276 = arith.constant 1 : i32
    %dma_wait3A_1277 = arith.constant 5 : i32
    %dma_wait3A_1278 = arith.constant 1 : i32
    %dma_wait3A_1279 = arith.constant 0 : i32
    %dma_wait3A_1280 = arith.constant 0 : i32
    %dma_wait3A_1281 = tpu.memref_slice %arg7[%dma_wait3A_1276, %dma_wait3A_1279, %dma_wait3A_1280] : memref<4x80x128xbf16, #tpu.memory_space<vmem>> -> memref<1x80x128xbf16, #tpu.memory_space<vmem>>
    %dma_wait3A_1282 = tpu.memref_squeeze %dma_wait3A_1281 : memref<1x80x128xbf16, #tpu.memory_space<vmem>> -> memref<80x128xbf16, #tpu.memory_space<vmem>>
    %dma_wait3A_1283 = arith.constant 0 : i32
    %dma_wait3A_1284 = tpu.memref_slice %arg6[%dma_wait3A_1277, %dma_wait3A_1283] : memref<8x80xi32, #tpu.memory_space<vmem>> -> memref<1x80xi32, #tpu.memory_space<vmem>>
    %dma_wait3A_1285 = tpu.memref_squeeze %dma_wait3A_1284 : memref<1x80xi32, #tpu.memory_space<vmem>> -> memref<80xi32, #tpu.memory_space<vmem>>
    %dma_wait3A_1286 = arith.constant 0 : i32
    %dma_wait3A_1287 = arith.constant 0 : i32
    %dma_wait3A_1288 = tpu.memref_slice %arg9[%dma_wait3A_1286, %dma_wait3A_1287] : memref<10000x128xbf16, #tpu.memory_space<vmem_shared>> -> memref<10000x128xbf16, #tpu.memory_space<vmem_shared>>
    %dma_wait3A_1289 = tpu.memref_slice %arg13[%dma_wait3A_1278] : memref<4x!tpu.dma_semaphore, #tpu.memory_space<semaphore_mem>> -> memref<1x!tpu.dma_semaphore, #tpu.memory_space<semaphore_mem>>
    %dma_wait3A_1290 = tpu.memref_squeeze %dma_wait3A_1289 : memref<1x!tpu.dma_semaphore, #tpu.memory_space<semaphore_mem>> -> memref<!tpu.dma_semaphore, #tpu.memory_space<semaphore_mem>>
    tpu.wait_indirect_dma semaphore(%dma_wait3A_1290 : memref<!tpu.dma_semaphore, #tpu.memory_space<semaphore_mem>>) src(%dma_wait3A_1282 : memref<80x128xbf16, #tpu.memory_space<vmem>>) dst(%dma_wait3A_1288 : memref<10000x128xbf16, #tpu.memory_space<vmem_shared>>)
    %dma_start3A_1291 = arith.constant 1 : i32
    %dma_start3A_1292 = arith.constant 1 : i32
    %dma_start3A_1293 = arith.constant 1 : i32
    %dma_start3A_1294 = arith.constant 0 : i32
    %dma_start3A_1295 = arith.constant 0 : i32
    %dma_start3A_1296 = tpu.memref_slice %arg7[%dma_start3A_1292, %dma_start3A_1294, %dma_start3A_1295] : memref<4x80x128xbf16, #tpu.memory_space<vmem>> -> memref<1x80x128xbf16, #tpu.memory_space<vmem>>
    %dma_start3A_1297 = tpu.memref_squeeze %dma_start3A_1296 : memref<1x80x128xbf16, #tpu.memory_space<vmem>> -> memref<80x128xbf16, #tpu.memory_space<vmem>>
    %dma_start3A_1298 = arith.constant 0 : i32
    %dma_start3A_1299 = tpu.memref_slice %arg5[%dma_start3A_1291, %dma_start3A_1298] : memref<8x80xi32, #tpu.memory_space<vmem>> -> memref<1x80xi32, #tpu.memory_space<vmem>>
    %dma_start3A_1300 = tpu.memref_squeeze %dma_start3A_1299 : memref<1x80xi32, #tpu.memory_space<vmem>> -> memref<80xi32, #tpu.memory_space<vmem>>
    %dma_start3A_1301 = arith.constant 0 : i32
    %dma_start3A_1302 = arith.constant 0 : i32
    %dma_start3A_1303 = tpu.memref_slice %arg2[%dma_start3A_1301, %dma_start3A_1302] : memref<10000x128xbf16, #tpu.memory_space<hbm>> -> memref<10000x128xbf16, #tpu.memory_space<hbm>>
    %dma_start3A_1304 = tpu.memref_slice %arg12[%dma_start3A_1293] : memref<4x!tpu.dma_semaphore, #tpu.memory_space<semaphore_mem>> -> memref<1x!tpu.dma_semaphore, #tpu.memory_space<semaphore_mem>>
    %dma_start3A_1305 = tpu.memref_squeeze %dma_start3A_1304 : memref<1x!tpu.dma_semaphore, #tpu.memory_space<semaphore_mem>> -> memref<!tpu.dma_semaphore, #tpu.memory_space<semaphore_mem>>
    tpu.enqueue_indirect_dma source(%dma_start3A_1303 : memref<10000x128xbf16, #tpu.memory_space<hbm>>) target(%dma_start3A_1297 : memref<80x128xbf16, #tpu.memory_space<vmem>>) offsets(%dma_start3A_1300 : memref<80xi32, #tpu.memory_space<vmem>>) semaphore(%dma_start3A_1305 : memref<!tpu.dma_semaphore, #tpu.memory_space<semaphore_mem>>)
    %dma_wait3A_1306 = arith.constant 0 : i32
    %dma_wait3A_1307 = arith.constant 0 : i32
    %dma_wait3A_1308 = arith.constant 0 : i32
    %dma_wait3A_1309 = arith.constant 0 : i32
    %dma_wait3A_1310 = arith.constant 0 : i32
    %dma_wait3A_1311 = tpu.memref_slice %arg7[%dma_wait3A_1307, %dma_wait3A_1309, %dma_wait3A_1310] : memref<4x80x128xbf16, #tpu.memory_space<vmem>> -> memref<1x80x128xbf16, #tpu.memory_space<vmem>>
    %dma_wait3A_1312 = tpu.memref_squeeze %dma_wait3A_1311 : memref<1x80x128xbf16, #tpu.memory_space<vmem>> -> memref<80x128xbf16, #tpu.memory_space<vmem>>
    %dma_wait3A_1313 = arith.constant 0 : i32
    %dma_wait3A_1314 = tpu.memref_slice %arg5[%dma_wait3A_1306, %dma_wait3A_1313] : memref<8x80xi32, #tpu.memory_space<vmem>> -> memref<1x80xi32, #tpu.memory_space<vmem>>
    %dma_wait3A_1315 = tpu.memref_squeeze %dma_wait3A_1314 : memref<1x80xi32, #tpu.memory_space<vmem>> -> memref<80xi32, #tpu.memory_space<vmem>>
    %dma_wait3A_1316 = arith.constant 0 : i32
    %dma_wait3A_1317 = arith.constant 0 : i32
    %dma_wait3A_1318 = tpu.memref_slice %arg2[%dma_wait3A_1316, %dma_wait3A_1317] : memref<10000x128xbf16, #tpu.memory_space<hbm>> -> memref<10000x128xbf16, #tpu.memory_space<hbm>>
    %dma_wait3A_1319 = tpu.memref_slice %arg12[%dma_wait3A_1308] : memref<4x!tpu.dma_semaphore, #tpu.memory_space<semaphore_mem>> -> memref<1x!tpu.dma_semaphore, #tpu.memory_space<semaphore_mem>>
    %dma_wait3A_1320 = tpu.memref_squeeze %dma_wait3A_1319 : memref<1x!tpu.dma_semaphore, #tpu.memory_space<semaphore_mem>> -> memref<!tpu.dma_semaphore, #tpu.memory_space<semaphore_mem>>
    tpu.wait_indirect_dma semaphore(%dma_wait3A_1320 : memref<!tpu.dma_semaphore, #tpu.memory_space<semaphore_mem>>) src(%dma_wait3A_1318 : memref<10000x128xbf16, #tpu.memory_space<hbm>>) dst(%dma_wait3A_1312 : memref<80x128xbf16, #tpu.memory_space<vmem>>)
    %dma_start3A_1321 = arith.constant 0 : i32
    %dma_start3A_1322 = arith.constant 0 : i32
    %dma_start3A_1323 = arith.constant 0 : i32
    %dma_start3A_1324 = arith.constant 0 : i32
    %dma_start3A_1325 = arith.constant 0 : i32
    %dma_start3A_1326 = tpu.memref_slice %arg7[%dma_start3A_1321, %dma_start3A_1324, %dma_start3A_1325] : memref<4x80x128xbf16, #tpu.memory_space<vmem>> -> memref<1x80x128xbf16, #tpu.memory_space<vmem>>
    %dma_start3A_1327 = tpu.memref_squeeze %dma_start3A_1326 : memref<1x80x128xbf16, #tpu.memory_space<vmem>> -> memref<80x128xbf16, #tpu.memory_space<vmem>>
    %dma_start3A_1328 = arith.constant 0 : i32
    %dma_start3A_1329 = tpu.memref_slice %arg6[%dma_start3A_1322, %dma_start3A_1328] : memref<8x80xi32, #tpu.memory_space<vmem>> -> memref<1x80xi32, #tpu.memory_space<vmem>>
    %dma_start3A_1330 = tpu.memref_squeeze %dma_start3A_1329 : memref<1x80xi32, #tpu.memory_space<vmem>> -> memref<80xi32, #tpu.memory_space<vmem>>
    %dma_start3A_1331 = arith.constant 0 : i32
    %dma_start3A_1332 = arith.constant 0 : i32
    %dma_start3A_1333 = tpu.memref_slice %arg9[%dma_start3A_1331, %dma_start3A_1332] : memref<10000x128xbf16, #tpu.memory_space<vmem_shared>> -> memref<10000x128xbf16, #tpu.memory_space<vmem_shared>>
    %dma_start3A_1334 = tpu.memref_slice %arg13[%dma_start3A_1323] : memref<4x!tpu.dma_semaphore, #tpu.memory_space<semaphore_mem>> -> memref<1x!tpu.dma_semaphore, #tpu.memory_space<semaphore_mem>>
    %dma_start3A_1335 = tpu.memref_squeeze %dma_start3A_1334 : memref<1x!tpu.dma_semaphore, #tpu.memory_space<semaphore_mem>> -> memref<!tpu.dma_semaphore, #tpu.memory_space<semaphore_mem>>
    tpu.enqueue_indirect_dma source(%dma_start3A_1327 : memref<80x128xbf16, #tpu.memory_space<vmem>>) target(%dma_start3A_1333 : memref<10000x128xbf16, #tpu.memory_space<vmem_shared>>) offsets(%dma_start3A_1330 : memref<80xi32, #tpu.memory_space<vmem>>) semaphore(%dma_start3A_1335 : memref<!tpu.dma_semaphore, #tpu.memory_space<semaphore_mem>>) {add = true}
    %add3A_1336 = arith.constant 9760 : i32
    %add3A_1337 = arith.addi %mul3A_3, %add3A_1336 : i32
    %dma_wait3A_1338 = arith.constant 0 : i32
    %dma_wait3A_1339 = arith.constant 2 : i32
    %dma_wait3A_1340 = arith.constant 2 : i32
    %dma_wait3A_1341 = arith.constant 0 : i32
    %dma_wait3A_1342 = tpu.memref_slice %arg5[%dma_wait3A_1339, %dma_wait3A_1341] : memref<8x80xi32, #tpu.memory_space<vmem>> -> memref<1x80xi32, #tpu.memory_space<vmem>>
    %dma_wait3A_1343 = tpu.memref_squeeze %dma_wait3A_1342 : memref<1x80xi32, #tpu.memory_space<vmem>> -> memref<80xi32, #tpu.memory_space<vmem>>
    %dma_wait3A_1344 = tpu.memref_slice %arg3[%dma_wait3A_1338, %add3A_1337] : memref<2x320000xi32, #tpu.memory_space<hbm>> -> memref<1x80xi32, #tpu.memory_space<hbm>>
    %dma_wait3A_1345 = tpu.memref_squeeze %dma_wait3A_1344 : memref<1x80xi32, #tpu.memory_space<hbm>> -> memref<80xi32, #tpu.memory_space<hbm>>
    %dma_wait3A_1346 = tpu.memref_slice %arg10[%dma_wait3A_1340] : memref<8x!tpu.dma_semaphore, #tpu.memory_space<semaphore_mem>> -> memref<1x!tpu.dma_semaphore, #tpu.memory_space<semaphore_mem>>
    %dma_wait3A_1347 = tpu.memref_squeeze %dma_wait3A_1346 : memref<1x!tpu.dma_semaphore, #tpu.memory_space<semaphore_mem>> -> memref<!tpu.dma_semaphore, #tpu.memory_space<semaphore_mem>>
    %dma_wait3A_1348 = arith.constant 0 : i32
    %dma_wait3A_1349 = tpu.memref_slice %arg5[%dma_wait3A_1339, %dma_wait3A_1348] : memref<8x80xi32, #tpu.memory_space<vmem>> -> memref<1x80xi32, #tpu.memory_space<vmem>>
    %dma_wait3A_1350 = tpu.memref_squeeze %dma_wait3A_1349 : memref<1x80xi32, #tpu.memory_space<vmem>> -> memref<80xi32, #tpu.memory_space<vmem>>
    %dma_wait3A_1351 = tpu.memref_slice %arg3[%dma_wait3A_1338, %add3A_1337] : memref<2x320000xi32, #tpu.memory_space<hbm>> -> memref<1x80xi32, #tpu.memory_space<hbm>>
    %dma_wait3A_1352 = tpu.memref_squeeze %dma_wait3A_1351 : memref<1x80xi32, #tpu.memory_space<hbm>> -> memref<80xi32, #tpu.memory_space<hbm>>
    tpu.wait_dma2 semaphore(%dma_wait3A_1347 : memref<!tpu.dma_semaphore, #tpu.memory_space<semaphore_mem>>) src(%dma_wait3A_1352 : memref<80xi32, #tpu.memory_space<hbm>>) dst(%dma_wait3A_1350 : memref<80xi32, #tpu.memory_space<vmem>>)
    %add3A_1353 = arith.constant 9760 : i32
    %add3A_1354 = arith.addi %mul3A_3, %add3A_1353 : i32
    %dma_wait3A_1355 = arith.constant 1 : i32
    %dma_wait3A_1356 = arith.constant 2 : i32
    %dma_wait3A_1357 = arith.constant 2 : i32
    %dma_wait3A_1358 = arith.constant 0 : i32
    %dma_wait3A_1359 = tpu.memref_slice %arg6[%dma_wait3A_1356, %dma_wait3A_1358] : memref<8x80xi32, #tpu.memory_space<vmem>> -> memref<1x80xi32, #tpu.memory_space<vmem>>
    %dma_wait3A_1360 = tpu.memref_squeeze %dma_wait3A_1359 : memref<1x80xi32, #tpu.memory_space<vmem>> -> memref<80xi32, #tpu.memory_space<vmem>>
    %dma_wait3A_1361 = tpu.memref_slice %arg3[%dma_wait3A_1355, %add3A_1354] : memref<2x320000xi32, #tpu.memory_space<hbm>> -> memref<1x80xi32, #tpu.memory_space<hbm>>
    %dma_wait3A_1362 = tpu.memref_squeeze %dma_wait3A_1361 : memref<1x80xi32, #tpu.memory_space<hbm>> -> memref<80xi32, #tpu.memory_space<hbm>>
    %dma_wait3A_1363 = tpu.memref_slice %arg11[%dma_wait3A_1357] : memref<8x!tpu.dma_semaphore, #tpu.memory_space<semaphore_mem>> -> memref<1x!tpu.dma_semaphore, #tpu.memory_space<semaphore_mem>>
    %dma_wait3A_1364 = tpu.memref_squeeze %dma_wait3A_1363 : memref<1x!tpu.dma_semaphore, #tpu.memory_space<semaphore_mem>> -> memref<!tpu.dma_semaphore, #tpu.memory_space<semaphore_mem>>
    %dma_wait3A_1365 = arith.constant 0 : i32
    %dma_wait3A_1366 = tpu.memref_slice %arg6[%dma_wait3A_1356, %dma_wait3A_1365] : memref<8x80xi32, #tpu.memory_space<vmem>> -> memref<1x80xi32, #tpu.memory_space<vmem>>
    %dma_wait3A_1367 = tpu.memref_squeeze %dma_wait3A_1366 : memref<1x80xi32, #tpu.memory_space<vmem>> -> memref<80xi32, #tpu.memory_space<vmem>>
    %dma_wait3A_1368 = tpu.memref_slice %arg3[%dma_wait3A_1355, %add3A_1354] : memref<2x320000xi32, #tpu.memory_space<hbm>> -> memref<1x80xi32, #tpu.memory_space<hbm>>
    %dma_wait3A_1369 = tpu.memref_squeeze %dma_wait3A_1368 : memref<1x80xi32, #tpu.memory_space<hbm>> -> memref<80xi32, #tpu.memory_space<hbm>>
    tpu.wait_dma2 semaphore(%dma_wait3A_1364 : memref<!tpu.dma_semaphore, #tpu.memory_space<semaphore_mem>>) src(%dma_wait3A_1369 : memref<80xi32, #tpu.memory_space<hbm>>) dst(%dma_wait3A_1367 : memref<80xi32, #tpu.memory_space<vmem>>)
    %dma_wait3A_1370 = arith.constant 2 : i32
    %dma_wait3A_1371 = arith.constant 6 : i32
    %dma_wait3A_1372 = arith.constant 2 : i32
    %dma_wait3A_1373 = arith.constant 0 : i32
    %dma_wait3A_1374 = arith.constant 0 : i32
    %dma_wait3A_1375 = tpu.memref_slice %arg7[%dma_wait3A_1370, %dma_wait3A_1373, %dma_wait3A_1374] : memref<4x80x128xbf16, #tpu.memory_space<vmem>> -> memref<1x80x128xbf16, #tpu.memory_space<vmem>>
    %dma_wait3A_1376 = tpu.memref_squeeze %dma_wait3A_1375 : memref<1x80x128xbf16, #tpu.memory_space<vmem>> -> memref<80x128xbf16, #tpu.memory_space<vmem>>
    %dma_wait3A_1377 = arith.constant 0 : i32
    %dma_wait3A_1378 = tpu.memref_slice %arg6[%dma_wait3A_1371, %dma_wait3A_1377] : memref<8x80xi32, #tpu.memory_space<vmem>> -> memref<1x80xi32, #tpu.memory_space<vmem>>
    %dma_wait3A_1379 = tpu.memref_squeeze %dma_wait3A_1378 : memref<1x80xi32, #tpu.memory_space<vmem>> -> memref<80xi32, #tpu.memory_space<vmem>>
    %dma_wait3A_1380 = arith.constant 0 : i32
    %dma_wait3A_1381 = arith.constant 0 : i32
    %dma_wait3A_1382 = tpu.memref_slice %arg9[%dma_wait3A_1380, %dma_wait3A_1381] : memref<10000x128xbf16, #tpu.memory_space<vmem_shared>> -> memref<10000x128xbf16, #tpu.memory_space<vmem_shared>>
    %dma_wait3A_1383 = tpu.memref_slice %arg13[%dma_wait3A_1372] : memref<4x!tpu.dma_semaphore, #tpu.memory_space<semaphore_mem>> -> memref<1x!tpu.dma_semaphore, #tpu.memory_space<semaphore_mem>>
    %dma_wait3A_1384 = tpu.memref_squeeze %dma_wait3A_1383 : memref<1x!tpu.dma_semaphore, #tpu.memory_space<semaphore_mem>> -> memref<!tpu.dma_semaphore, #tpu.memory_space<semaphore_mem>>
    tpu.wait_indirect_dma semaphore(%dma_wait3A_1384 : memref<!tpu.dma_semaphore, #tpu.memory_space<semaphore_mem>>) src(%dma_wait3A_1376 : memref<80x128xbf16, #tpu.memory_space<vmem>>) dst(%dma_wait3A_1382 : memref<10000x128xbf16, #tpu.memory_space<vmem_shared>>)
    %dma_start3A_1385 = arith.constant 2 : i32
    %dma_start3A_1386 = arith.constant 2 : i32
    %dma_start3A_1387 = arith.constant 2 : i32
    %dma_start3A_1388 = arith.constant 0 : i32
    %dma_start3A_1389 = arith.constant 0 : i32
    %dma_start3A_1390 = tpu.memref_slice %arg7[%dma_start3A_1386, %dma_start3A_1388, %dma_start3A_1389] : memref<4x80x128xbf16, #tpu.memory_space<vmem>> -> memref<1x80x128xbf16, #tpu.memory_space<vmem>>
    %dma_start3A_1391 = tpu.memref_squeeze %dma_start3A_1390 : memref<1x80x128xbf16, #tpu.memory_space<vmem>> -> memref<80x128xbf16, #tpu.memory_space<vmem>>
    %dma_start3A_1392 = arith.constant 0 : i32
    %dma_start3A_1393 = tpu.memref_slice %arg5[%dma_start3A_1385, %dma_start3A_1392] : memref<8x80xi32, #tpu.memory_space<vmem>> -> memref<1x80xi32, #tpu.memory_space<vmem>>
    %dma_start3A_1394 = tpu.memref_squeeze %dma_start3A_1393 : memref<1x80xi32, #tpu.memory_space<vmem>> -> memref<80xi32, #tpu.memory_space<vmem>>
    %dma_start3A_1395 = arith.constant 0 : i32
    %dma_start3A_1396 = arith.constant 0 : i32
    %dma_start3A_1397 = tpu.memref_slice %arg2[%dma_start3A_1395, %dma_start3A_1396] : memref<10000x128xbf16, #tpu.memory_space<hbm>> -> memref<10000x128xbf16, #tpu.memory_space<hbm>>
    %dma_start3A_1398 = tpu.memref_slice %arg12[%dma_start3A_1387] : memref<4x!tpu.dma_semaphore, #tpu.memory_space<semaphore_mem>> -> memref<1x!tpu.dma_semaphore, #tpu.memory_space<semaphore_mem>>
    %dma_start3A_1399 = tpu.memref_squeeze %dma_start3A_1398 : memref<1x!tpu.dma_semaphore, #tpu.memory_space<semaphore_mem>> -> memref<!tpu.dma_semaphore, #tpu.memory_space<semaphore_mem>>
    tpu.enqueue_indirect_dma source(%dma_start3A_1397 : memref<10000x128xbf16, #tpu.memory_space<hbm>>) target(%dma_start3A_1391 : memref<80x128xbf16, #tpu.memory_space<vmem>>) offsets(%dma_start3A_1394 : memref<80xi32, #tpu.memory_space<vmem>>) semaphore(%dma_start3A_1399 : memref<!tpu.dma_semaphore, #tpu.memory_space<semaphore_mem>>)
    %dma_wait3A_1400 = arith.constant 1 : i32
    %dma_wait3A_1401 = arith.constant 1 : i32
    %dma_wait3A_1402 = arith.constant 1 : i32
    %dma_wait3A_1403 = arith.constant 0 : i32
    %dma_wait3A_1404 = arith.constant 0 : i32
    %dma_wait3A_1405 = tpu.memref_slice %arg7[%dma_wait3A_1401, %dma_wait3A_1403, %dma_wait3A_1404] : memref<4x80x128xbf16, #tpu.memory_space<vmem>> -> memref<1x80x128xbf16, #tpu.memory_space<vmem>>
    %dma_wait3A_1406 = tpu.memref_squeeze %dma_wait3A_1405 : memref<1x80x128xbf16, #tpu.memory_space<vmem>> -> memref<80x128xbf16, #tpu.memory_space<vmem>>
    %dma_wait3A_1407 = arith.constant 0 : i32
    %dma_wait3A_1408 = tpu.memref_slice %arg5[%dma_wait3A_1400, %dma_wait3A_1407] : memref<8x80xi32, #tpu.memory_space<vmem>> -> memref<1x80xi32, #tpu.memory_space<vmem>>
    %dma_wait3A_1409 = tpu.memref_squeeze %dma_wait3A_1408 : memref<1x80xi32, #tpu.memory_space<vmem>> -> memref<80xi32, #tpu.memory_space<vmem>>
    %dma_wait3A_1410 = arith.constant 0 : i32
    %dma_wait3A_1411 = arith.constant 0 : i32
    %dma_wait3A_1412 = tpu.memref_slice %arg2[%dma_wait3A_1410, %dma_wait3A_1411] : memref<10000x128xbf16, #tpu.memory_space<hbm>> -> memref<10000x128xbf16, #tpu.memory_space<hbm>>
    %dma_wait3A_1413 = tpu.memref_slice %arg12[%dma_wait3A_1402] : memref<4x!tpu.dma_semaphore, #tpu.memory_space<semaphore_mem>> -> memref<1x!tpu.dma_semaphore, #tpu.memory_space<semaphore_mem>>
    %dma_wait3A_1414 = tpu.memref_squeeze %dma_wait3A_1413 : memref<1x!tpu.dma_semaphore, #tpu.memory_space<semaphore_mem>> -> memref<!tpu.dma_semaphore, #tpu.memory_space<semaphore_mem>>
    tpu.wait_indirect_dma semaphore(%dma_wait3A_1414 : memref<!tpu.dma_semaphore, #tpu.memory_space<semaphore_mem>>) src(%dma_wait3A_1412 : memref<10000x128xbf16, #tpu.memory_space<hbm>>) dst(%dma_wait3A_1406 : memref<80x128xbf16, #tpu.memory_space<vmem>>)
    %dma_start3A_1415 = arith.constant 1 : i32
    %dma_start3A_1416 = arith.constant 1 : i32
    %dma_start3A_1417 = arith.constant 1 : i32
    %dma_start3A_1418 = arith.constant 0 : i32
    %dma_start3A_1419 = arith.constant 0 : i32
    %dma_start3A_1420 = tpu.memref_slice %arg7[%dma_start3A_1415, %dma_start3A_1418, %dma_start3A_1419] : memref<4x80x128xbf16, #tpu.memory_space<vmem>> -> memref<1x80x128xbf16, #tpu.memory_space<vmem>>
    %dma_start3A_1421 = tpu.memref_squeeze %dma_start3A_1420 : memref<1x80x128xbf16, #tpu.memory_space<vmem>> -> memref<80x128xbf16, #tpu.memory_space<vmem>>
    %dma_start3A_1422 = arith.constant 0 : i32
    %dma_start3A_1423 = tpu.memref_slice %arg6[%dma_start3A_1416, %dma_start3A_1422] : memref<8x80xi32, #tpu.memory_space<vmem>> -> memref<1x80xi32, #tpu.memory_space<vmem>>
    %dma_start3A_1424 = tpu.memref_squeeze %dma_start3A_1423 : memref<1x80xi32, #tpu.memory_space<vmem>> -> memref<80xi32, #tpu.memory_space<vmem>>
    %dma_start3A_1425 = arith.constant 0 : i32
    %dma_start3A_1426 = arith.constant 0 : i32
    %dma_start3A_1427 = tpu.memref_slice %arg9[%dma_start3A_1425, %dma_start3A_1426] : memref<10000x128xbf16, #tpu.memory_space<vmem_shared>> -> memref<10000x128xbf16, #tpu.memory_space<vmem_shared>>
    %dma_start3A_1428 = tpu.memref_slice %arg13[%dma_start3A_1417] : memref<4x!tpu.dma_semaphore, #tpu.memory_space<semaphore_mem>> -> memref<1x!tpu.dma_semaphore, #tpu.memory_space<semaphore_mem>>
    %dma_start3A_1429 = tpu.memref_squeeze %dma_start3A_1428 : memref<1x!tpu.dma_semaphore, #tpu.memory_space<semaphore_mem>> -> memref<!tpu.dma_semaphore, #tpu.memory_space<semaphore_mem>>
    tpu.enqueue_indirect_dma source(%dma_start3A_1421 : memref<80x128xbf16, #tpu.memory_space<vmem>>) target(%dma_start3A_1427 : memref<10000x128xbf16, #tpu.memory_space<vmem_shared>>) offsets(%dma_start3A_1424 : memref<80xi32, #tpu.memory_space<vmem>>) semaphore(%dma_start3A_1429 : memref<!tpu.dma_semaphore, #tpu.memory_space<semaphore_mem>>) {add = true}
    %add3A_1430 = arith.constant 9840 : i32
    %add3A_1431 = arith.addi %mul3A_3, %add3A_1430 : i32
    %dma_wait3A_1432 = arith.constant 0 : i32
    %dma_wait3A_1433 = arith.constant 3 : i32
    %dma_wait3A_1434 = arith.constant 3 : i32
    %dma_wait3A_1435 = arith.constant 0 : i32
    %dma_wait3A_1436 = tpu.memref_slice %arg5[%dma_wait3A_1433, %dma_wait3A_1435] : memref<8x80xi32, #tpu.memory_space<vmem>> -> memref<1x80xi32, #tpu.memory_space<vmem>>
    %dma_wait3A_1437 = tpu.memref_squeeze %dma_wait3A_1436 : memref<1x80xi32, #tpu.memory_space<vmem>> -> memref<80xi32, #tpu.memory_space<vmem>>
    %dma_wait3A_1438 = tpu.memref_slice %arg3[%dma_wait3A_1432, %add3A_1431] : memref<2x320000xi32, #tpu.memory_space<hbm>> -> memref<1x80xi32, #tpu.memory_space<hbm>>
    %dma_wait3A_1439 = tpu.memref_squeeze %dma_wait3A_1438 : memref<1x80xi32, #tpu.memory_space<hbm>> -> memref<80xi32, #tpu.memory_space<hbm>>
    %dma_wait3A_1440 = tpu.memref_slice %arg10[%dma_wait3A_1434] : memref<8x!tpu.dma_semaphore, #tpu.memory_space<semaphore_mem>> -> memref<1x!tpu.dma_semaphore, #tpu.memory_space<semaphore_mem>>
    %dma_wait3A_1441 = tpu.memref_squeeze %dma_wait3A_1440 : memref<1x!tpu.dma_semaphore, #tpu.memory_space<semaphore_mem>> -> memref<!tpu.dma_semaphore, #tpu.memory_space<semaphore_mem>>
    %dma_wait3A_1442 = arith.constant 0 : i32
    %dma_wait3A_1443 = tpu.memref_slice %arg5[%dma_wait3A_1433, %dma_wait3A_1442] : memref<8x80xi32, #tpu.memory_space<vmem>> -> memref<1x80xi32, #tpu.memory_space<vmem>>
    %dma_wait3A_1444 = tpu.memref_squeeze %dma_wait3A_1443 : memref<1x80xi32, #tpu.memory_space<vmem>> -> memref<80xi32, #tpu.memory_space<vmem>>
    %dma_wait3A_1445 = tpu.memref_slice %arg3[%dma_wait3A_1432, %add3A_1431] : memref<2x320000xi32, #tpu.memory_space<hbm>> -> memref<1x80xi32, #tpu.memory_space<hbm>>
    %dma_wait3A_1446 = tpu.memref_squeeze %dma_wait3A_1445 : memref<1x80xi32, #tpu.memory_space<hbm>> -> memref<80xi32, #tpu.memory_space<hbm>>
    tpu.wait_dma2 semaphore(%dma_wait3A_1441 : memref<!tpu.dma_semaphore, #tpu.memory_space<semaphore_mem>>) src(%dma_wait3A_1446 : memref<80xi32, #tpu.memory_space<hbm>>) dst(%dma_wait3A_1444 : memref<80xi32, #tpu.memory_space<vmem>>)
    %add3A_1447 = arith.constant 9840 : i32
    %add3A_1448 = arith.addi %mul3A_3, %add3A_1447 : i32
    %dma_wait3A_1449 = arith.constant 1 : i32
    %dma_wait3A_1450 = arith.constant 3 : i32
    %dma_wait3A_1451 = arith.constant 3 : i32
    %dma_wait3A_1452 = arith.constant 0 : i32
    %dma_wait3A_1453 = tpu.memref_slice %arg6[%dma_wait3A_1450, %dma_wait3A_1452] : memref<8x80xi32, #tpu.memory_space<vmem>> -> memref<1x80xi32, #tpu.memory_space<vmem>>
    %dma_wait3A_1454 = tpu.memref_squeeze %dma_wait3A_1453 : memref<1x80xi32, #tpu.memory_space<vmem>> -> memref<80xi32, #tpu.memory_space<vmem>>
    %dma_wait3A_1455 = tpu.memref_slice %arg3[%dma_wait3A_1449, %add3A_1448] : memref<2x320000xi32, #tpu.memory_space<hbm>> -> memref<1x80xi32, #tpu.memory_space<hbm>>
    %dma_wait3A_1456 = tpu.memref_squeeze %dma_wait3A_1455 : memref<1x80xi32, #tpu.memory_space<hbm>> -> memref<80xi32, #tpu.memory_space<hbm>>
    %dma_wait3A_1457 = tpu.memref_slice %arg11[%dma_wait3A_1451] : memref<8x!tpu.dma_semaphore, #tpu.memory_space<semaphore_mem>> -> memref<1x!tpu.dma_semaphore, #tpu.memory_space<semaphore_mem>>
    %dma_wait3A_1458 = tpu.memref_squeeze %dma_wait3A_1457 : memref<1x!tpu.dma_semaphore, #tpu.memory_space<semaphore_mem>> -> memref<!tpu.dma_semaphore, #tpu.memory_space<semaphore_mem>>
    %dma_wait3A_1459 = arith.constant 0 : i32
    %dma_wait3A_1460 = tpu.memref_slice %arg6[%dma_wait3A_1450, %dma_wait3A_1459] : memref<8x80xi32, #tpu.memory_space<vmem>> -> memref<1x80xi32, #tpu.memory_space<vmem>>
    %dma_wait3A_1461 = tpu.memref_squeeze %dma_wait3A_1460 : memref<1x80xi32, #tpu.memory_space<vmem>> -> memref<80xi32, #tpu.memory_space<vmem>>
    %dma_wait3A_1462 = tpu.memref_slice %arg3[%dma_wait3A_1449, %add3A_1448] : memref<2x320000xi32, #tpu.memory_space<hbm>> -> memref<1x80xi32, #tpu.memory_space<hbm>>
    %dma_wait3A_1463 = tpu.memref_squeeze %dma_wait3A_1462 : memref<1x80xi32, #tpu.memory_space<hbm>> -> memref<80xi32, #tpu.memory_space<hbm>>
    tpu.wait_dma2 semaphore(%dma_wait3A_1458 : memref<!tpu.dma_semaphore, #tpu.memory_space<semaphore_mem>>) src(%dma_wait3A_1463 : memref<80xi32, #tpu.memory_space<hbm>>) dst(%dma_wait3A_1461 : memref<80xi32, #tpu.memory_space<vmem>>)
    %dma_wait3A_1464 = arith.constant 3 : i32
    %dma_wait3A_1465 = arith.constant 7 : i32
    %dma_wait3A_1466 = arith.constant 3 : i32
    %dma_wait3A_1467 = arith.constant 0 : i32
    %dma_wait3A_1468 = arith.constant 0 : i32
    %dma_wait3A_1469 = tpu.memref_slice %arg7[%dma_wait3A_1464, %dma_wait3A_1467, %dma_wait3A_1468] : memref<4x80x128xbf16, #tpu.memory_space<vmem>> -> memref<1x80x128xbf16, #tpu.memory_space<vmem>>
    %dma_wait3A_1470 = tpu.memref_squeeze %dma_wait3A_1469 : memref<1x80x128xbf16, #tpu.memory_space<vmem>> -> memref<80x128xbf16, #tpu.memory_space<vmem>>
    %dma_wait3A_1471 = arith.constant 0 : i32
    %dma_wait3A_1472 = tpu.memref_slice %arg6[%dma_wait3A_1465, %dma_wait3A_1471] : memref<8x80xi32, #tpu.memory_space<vmem>> -> memref<1x80xi32, #tpu.memory_space<vmem>>
    %dma_wait3A_1473 = tpu.memref_squeeze %dma_wait3A_1472 : memref<1x80xi32, #tpu.memory_space<vmem>> -> memref<80xi32, #tpu.memory_space<vmem>>
    %dma_wait3A_1474 = arith.constant 0 : i32
    %dma_wait3A_1475 = arith.constant 0 : i32
    %dma_wait3A_1476 = tpu.memref_slice %arg9[%dma_wait3A_1474, %dma_wait3A_1475] : memref<10000x128xbf16, #tpu.memory_space<vmem_shared>> -> memref<10000x128xbf16, #tpu.memory_space<vmem_shared>>
    %dma_wait3A_1477 = tpu.memref_slice %arg13[%dma_wait3A_1466] : memref<4x!tpu.dma_semaphore, #tpu.memory_space<semaphore_mem>> -> memref<1x!tpu.dma_semaphore, #tpu.memory_space<semaphore_mem>>
    %dma_wait3A_1478 = tpu.memref_squeeze %dma_wait3A_1477 : memref<1x!tpu.dma_semaphore, #tpu.memory_space<semaphore_mem>> -> memref<!tpu.dma_semaphore, #tpu.memory_space<semaphore_mem>>
    tpu.wait_indirect_dma semaphore(%dma_wait3A_1478 : memref<!tpu.dma_semaphore, #tpu.memory_space<semaphore_mem>>) src(%dma_wait3A_1470 : memref<80x128xbf16, #tpu.memory_space<vmem>>) dst(%dma_wait3A_1476 : memref<10000x128xbf16, #tpu.memory_space<vmem_shared>>)
    %dma_start3A_1479 = arith.constant 3 : i32
    %dma_start3A_1480 = arith.constant 3 : i32
    %dma_start3A_1481 = arith.constant 3 : i32
    %dma_start3A_1482 = arith.constant 0 : i32
    %dma_start3A_1483 = arith.constant 0 : i32
    %dma_start3A_1484 = tpu.memref_slice %arg7[%dma_start3A_1480, %dma_start3A_1482, %dma_start3A_1483] : memref<4x80x128xbf16, #tpu.memory_space<vmem>> -> memref<1x80x128xbf16, #tpu.memory_space<vmem>>
    %dma_start3A_1485 = tpu.memref_squeeze %dma_start3A_1484 : memref<1x80x128xbf16, #tpu.memory_space<vmem>> -> memref<80x128xbf16, #tpu.memory_space<vmem>>
    %dma_start3A_1486 = arith.constant 0 : i32
    %dma_start3A_1487 = tpu.memref_slice %arg5[%dma_start3A_1479, %dma_start3A_1486] : memref<8x80xi32, #tpu.memory_space<vmem>> -> memref<1x80xi32, #tpu.memory_space<vmem>>
    %dma_start3A_1488 = tpu.memref_squeeze %dma_start3A_1487 : memref<1x80xi32, #tpu.memory_space<vmem>> -> memref<80xi32, #tpu.memory_space<vmem>>
    %dma_start3A_1489 = arith.constant 0 : i32
    %dma_start3A_1490 = arith.constant 0 : i32
    %dma_start3A_1491 = tpu.memref_slice %arg2[%dma_start3A_1489, %dma_start3A_1490] : memref<10000x128xbf16, #tpu.memory_space<hbm>> -> memref<10000x128xbf16, #tpu.memory_space<hbm>>
    %dma_start3A_1492 = tpu.memref_slice %arg12[%dma_start3A_1481] : memref<4x!tpu.dma_semaphore, #tpu.memory_space<semaphore_mem>> -> memref<1x!tpu.dma_semaphore, #tpu.memory_space<semaphore_mem>>
    %dma_start3A_1493 = tpu.memref_squeeze %dma_start3A_1492 : memref<1x!tpu.dma_semaphore, #tpu.memory_space<semaphore_mem>> -> memref<!tpu.dma_semaphore, #tpu.memory_space<semaphore_mem>>
    tpu.enqueue_indirect_dma source(%dma_start3A_1491 : memref<10000x128xbf16, #tpu.memory_space<hbm>>) target(%dma_start3A_1485 : memref<80x128xbf16, #tpu.memory_space<vmem>>) offsets(%dma_start3A_1488 : memref<80xi32, #tpu.memory_space<vmem>>) semaphore(%dma_start3A_1493 : memref<!tpu.dma_semaphore, #tpu.memory_space<semaphore_mem>>)
    %dma_wait3A_1494 = arith.constant 2 : i32
    %dma_wait3A_1495 = arith.constant 2 : i32
    %dma_wait3A_1496 = arith.constant 2 : i32
    %dma_wait3A_1497 = arith.constant 0 : i32
    %dma_wait3A_1498 = arith.constant 0 : i32
    %dma_wait3A_1499 = tpu.memref_slice %arg7[%dma_wait3A_1495, %dma_wait3A_1497, %dma_wait3A_1498] : memref<4x80x128xbf16, #tpu.memory_space<vmem>> -> memref<1x80x128xbf16, #tpu.memory_space<vmem>>
    %dma_wait3A_1500 = tpu.memref_squeeze %dma_wait3A_1499 : memref<1x80x128xbf16, #tpu.memory_space<vmem>> -> memref<80x128xbf16, #tpu.memory_space<vmem>>
    %dma_wait3A_1501 = arith.constant 0 : i32
    %dma_wait3A_1502 = tpu.memref_slice %arg5[%dma_wait3A_1494, %dma_wait3A_1501] : memref<8x80xi32, #tpu.memory_space<vmem>> -> memref<1x80xi32, #tpu.memory_space<vmem>>
    %dma_wait3A_1503 = tpu.memref_squeeze %dma_wait3A_1502 : memref<1x80xi32, #tpu.memory_space<vmem>> -> memref<80xi32, #tpu.memory_space<vmem>>
    %dma_wait3A_1504 = arith.constant 0 : i32
    %dma_wait3A_1505 = arith.constant 0 : i32
    %dma_wait3A_1506 = tpu.memref_slice %arg2[%dma_wait3A_1504, %dma_wait3A_1505] : memref<10000x128xbf16, #tpu.memory_space<hbm>> -> memref<10000x128xbf16, #tpu.memory_space<hbm>>
    %dma_wait3A_1507 = tpu.memref_slice %arg12[%dma_wait3A_1496] : memref<4x!tpu.dma_semaphore, #tpu.memory_space<semaphore_mem>> -> memref<1x!tpu.dma_semaphore, #tpu.memory_space<semaphore_mem>>
    %dma_wait3A_1508 = tpu.memref_squeeze %dma_wait3A_1507 : memref<1x!tpu.dma_semaphore, #tpu.memory_space<semaphore_mem>> -> memref<!tpu.dma_semaphore, #tpu.memory_space<semaphore_mem>>
    tpu.wait_indirect_dma semaphore(%dma_wait3A_1508 : memref<!tpu.dma_semaphore, #tpu.memory_space<semaphore_mem>>) src(%dma_wait3A_1506 : memref<10000x128xbf16, #tpu.memory_space<hbm>>) dst(%dma_wait3A_1500 : memref<80x128xbf16, #tpu.memory_space<vmem>>)
    %dma_start3A_1509 = arith.constant 2 : i32
    %dma_start3A_1510 = arith.constant 2 : i32
    %dma_start3A_1511 = arith.constant 2 : i32
    %dma_start3A_1512 = arith.constant 0 : i32
    %dma_start3A_1513 = arith.constant 0 : i32
    %dma_start3A_1514 = tpu.memref_slice %arg7[%dma_start3A_1509, %dma_start3A_1512, %dma_start3A_1513] : memref<4x80x128xbf16, #tpu.memory_space<vmem>> -> memref<1x80x128xbf16, #tpu.memory_space<vmem>>
    %dma_start3A_1515 = tpu.memref_squeeze %dma_start3A_1514 : memref<1x80x128xbf16, #tpu.memory_space<vmem>> -> memref<80x128xbf16, #tpu.memory_space<vmem>>
    %dma_start3A_1516 = arith.constant 0 : i32
    %dma_start3A_1517 = tpu.memref_slice %arg6[%dma_start3A_1510, %dma_start3A_1516] : memref<8x80xi32, #tpu.memory_space<vmem>> -> memref<1x80xi32, #tpu.memory_space<vmem>>
    %dma_start3A_1518 = tpu.memref_squeeze %dma_start3A_1517 : memref<1x80xi32, #tpu.memory_space<vmem>> -> memref<80xi32, #tpu.memory_space<vmem>>
    %dma_start3A_1519 = arith.constant 0 : i32
    %dma_start3A_1520 = arith.constant 0 : i32
    %dma_start3A_1521 = tpu.memref_slice %arg9[%dma_start3A_1519, %dma_start3A_1520] : memref<10000x128xbf16, #tpu.memory_space<vmem_shared>> -> memref<10000x128xbf16, #tpu.memory_space<vmem_shared>>
    %dma_start3A_1522 = tpu.memref_slice %arg13[%dma_start3A_1511] : memref<4x!tpu.dma_semaphore, #tpu.memory_space<semaphore_mem>> -> memref<1x!tpu.dma_semaphore, #tpu.memory_space<semaphore_mem>>
    %dma_start3A_1523 = tpu.memref_squeeze %dma_start3A_1522 : memref<1x!tpu.dma_semaphore, #tpu.memory_space<semaphore_mem>> -> memref<!tpu.dma_semaphore, #tpu.memory_space<semaphore_mem>>
    tpu.enqueue_indirect_dma source(%dma_start3A_1515 : memref<80x128xbf16, #tpu.memory_space<vmem>>) target(%dma_start3A_1521 : memref<10000x128xbf16, #tpu.memory_space<vmem_shared>>) offsets(%dma_start3A_1518 : memref<80xi32, #tpu.memory_space<vmem>>) semaphore(%dma_start3A_1523 : memref<!tpu.dma_semaphore, #tpu.memory_space<semaphore_mem>>) {add = true}
    %add3A_1524 = arith.constant 9920 : i32
    %add3A_1525 = arith.addi %mul3A_3, %add3A_1524 : i32
    %dma_wait3A_1526 = arith.constant 0 : i32
    %dma_wait3A_1527 = arith.constant 4 : i32
    %dma_wait3A_1528 = arith.constant 4 : i32
    %dma_wait3A_1529 = arith.constant 0 : i32
    %dma_wait3A_1530 = tpu.memref_slice %arg5[%dma_wait3A_1527, %dma_wait3A_1529] : memref<8x80xi32, #tpu.memory_space<vmem>> -> memref<1x80xi32, #tpu.memory_space<vmem>>
    %dma_wait3A_1531 = tpu.memref_squeeze %dma_wait3A_1530 : memref<1x80xi32, #tpu.memory_space<vmem>> -> memref<80xi32, #tpu.memory_space<vmem>>
    %dma_wait3A_1532 = tpu.memref_slice %arg3[%dma_wait3A_1526, %add3A_1525] : memref<2x320000xi32, #tpu.memory_space<hbm>> -> memref<1x80xi32, #tpu.memory_space<hbm>>
    %dma_wait3A_1533 = tpu.memref_squeeze %dma_wait3A_1532 : memref<1x80xi32, #tpu.memory_space<hbm>> -> memref<80xi32, #tpu.memory_space<hbm>>
    %dma_wait3A_1534 = tpu.memref_slice %arg10[%dma_wait3A_1528] : memref<8x!tpu.dma_semaphore, #tpu.memory_space<semaphore_mem>> -> memref<1x!tpu.dma_semaphore, #tpu.memory_space<semaphore_mem>>
    %dma_wait3A_1535 = tpu.memref_squeeze %dma_wait3A_1534 : memref<1x!tpu.dma_semaphore, #tpu.memory_space<semaphore_mem>> -> memref<!tpu.dma_semaphore, #tpu.memory_space<semaphore_mem>>
    %dma_wait3A_1536 = arith.constant 0 : i32
    %dma_wait3A_1537 = tpu.memref_slice %arg5[%dma_wait3A_1527, %dma_wait3A_1536] : memref<8x80xi32, #tpu.memory_space<vmem>> -> memref<1x80xi32, #tpu.memory_space<vmem>>
    %dma_wait3A_1538 = tpu.memref_squeeze %dma_wait3A_1537 : memref<1x80xi32, #tpu.memory_space<vmem>> -> memref<80xi32, #tpu.memory_space<vmem>>
    %dma_wait3A_1539 = tpu.memref_slice %arg3[%dma_wait3A_1526, %add3A_1525] : memref<2x320000xi32, #tpu.memory_space<hbm>> -> memref<1x80xi32, #tpu.memory_space<hbm>>
    %dma_wait3A_1540 = tpu.memref_squeeze %dma_wait3A_1539 : memref<1x80xi32, #tpu.memory_space<hbm>> -> memref<80xi32, #tpu.memory_space<hbm>>
    tpu.wait_dma2 semaphore(%dma_wait3A_1535 : memref<!tpu.dma_semaphore, #tpu.memory_space<semaphore_mem>>) src(%dma_wait3A_1540 : memref<80xi32, #tpu.memory_space<hbm>>) dst(%dma_wait3A_1538 : memref<80xi32, #tpu.memory_space<vmem>>)
    %add3A_1541 = arith.constant 9920 : i32
    %add3A_1542 = arith.addi %mul3A_3, %add3A_1541 : i32
    %dma_wait3A_1543 = arith.constant 1 : i32
    %dma_wait3A_1544 = arith.constant 4 : i32
    %dma_wait3A_1545 = arith.constant 4 : i32
    %dma_wait3A_1546 = arith.constant 0 : i32
    %dma_wait3A_1547 = tpu.memref_slice %arg6[%dma_wait3A_1544, %dma_wait3A_1546] : memref<8x80xi32, #tpu.memory_space<vmem>> -> memref<1x80xi32, #tpu.memory_space<vmem>>
    %dma_wait3A_1548 = tpu.memref_squeeze %dma_wait3A_1547 : memref<1x80xi32, #tpu.memory_space<vmem>> -> memref<80xi32, #tpu.memory_space<vmem>>
    %dma_wait3A_1549 = tpu.memref_slice %arg3[%dma_wait3A_1543, %add3A_1542] : memref<2x320000xi32, #tpu.memory_space<hbm>> -> memref<1x80xi32, #tpu.memory_space<hbm>>
    %dma_wait3A_1550 = tpu.memref_squeeze %dma_wait3A_1549 : memref<1x80xi32, #tpu.memory_space<hbm>> -> memref<80xi32, #tpu.memory_space<hbm>>
    %dma_wait3A_1551 = tpu.memref_slice %arg11[%dma_wait3A_1545] : memref<8x!tpu.dma_semaphore, #tpu.memory_space<semaphore_mem>> -> memref<1x!tpu.dma_semaphore, #tpu.memory_space<semaphore_mem>>
    %dma_wait3A_1552 = tpu.memref_squeeze %dma_wait3A_1551 : memref<1x!tpu.dma_semaphore, #tpu.memory_space<semaphore_mem>> -> memref<!tpu.dma_semaphore, #tpu.memory_space<semaphore_mem>>
    %dma_wait3A_1553 = arith.constant 0 : i32
    %dma_wait3A_1554 = tpu.memref_slice %arg6[%dma_wait3A_1544, %dma_wait3A_1553] : memref<8x80xi32, #tpu.memory_space<vmem>> -> memref<1x80xi32, #tpu.memory_space<vmem>>
    %dma_wait3A_1555 = tpu.memref_squeeze %dma_wait3A_1554 : memref<1x80xi32, #tpu.memory_space<vmem>> -> memref<80xi32, #tpu.memory_space<vmem>>
    %dma_wait3A_1556 = tpu.memref_slice %arg3[%dma_wait3A_1543, %add3A_1542] : memref<2x320000xi32, #tpu.memory_space<hbm>> -> memref<1x80xi32, #tpu.memory_space<hbm>>
    %dma_wait3A_1557 = tpu.memref_squeeze %dma_wait3A_1556 : memref<1x80xi32, #tpu.memory_space<hbm>> -> memref<80xi32, #tpu.memory_space<hbm>>
    tpu.wait_dma2 semaphore(%dma_wait3A_1552 : memref<!tpu.dma_semaphore, #tpu.memory_space<semaphore_mem>>) src(%dma_wait3A_1557 : memref<80xi32, #tpu.memory_space<hbm>>) dst(%dma_wait3A_1555 : memref<80xi32, #tpu.memory_space<vmem>>)
    %dma_wait3A_1558 = arith.constant 0 : i32
    %dma_wait3A_1559 = arith.constant 0 : i32
    %dma_wait3A_1560 = arith.constant 0 : i32
    %dma_wait3A_1561 = arith.constant 0 : i32
    %dma_wait3A_1562 = arith.constant 0 : i32
    %dma_wait3A_1563 = tpu.memref_slice %arg7[%dma_wait3A_1558, %dma_wait3A_1561, %dma_wait3A_1562] : memref<4x80x128xbf16, #tpu.memory_space<vmem>> -> memref<1x80x128xbf16, #tpu.memory_space<vmem>>
    %dma_wait3A_1564 = tpu.memref_squeeze %dma_wait3A_1563 : memref<1x80x128xbf16, #tpu.memory_space<vmem>> -> memref<80x128xbf16, #tpu.memory_space<vmem>>
    %dma_wait3A_1565 = arith.constant 0 : i32
    %dma_wait3A_1566 = tpu.memref_slice %arg6[%dma_wait3A_1559, %dma_wait3A_1565] : memref<8x80xi32, #tpu.memory_space<vmem>> -> memref<1x80xi32, #tpu.memory_space<vmem>>
    %dma_wait3A_1567 = tpu.memref_squeeze %dma_wait3A_1566 : memref<1x80xi32, #tpu.memory_space<vmem>> -> memref<80xi32, #tpu.memory_space<vmem>>
    %dma_wait3A_1568 = arith.constant 0 : i32
    %dma_wait3A_1569 = arith.constant 0 : i32
    %dma_wait3A_1570 = tpu.memref_slice %arg9[%dma_wait3A_1568, %dma_wait3A_1569] : memref<10000x128xbf16, #tpu.memory_space<vmem_shared>> -> memref<10000x128xbf16, #tpu.memory_space<vmem_shared>>
    %dma_wait3A_1571 = tpu.memref_slice %arg13[%dma_wait3A_1560] : memref<4x!tpu.dma_semaphore, #tpu.memory_space<semaphore_mem>> -> memref<1x!tpu.dma_semaphore, #tpu.memory_space<semaphore_mem>>
    %dma_wait3A_1572 = tpu.memref_squeeze %dma_wait3A_1571 : memref<1x!tpu.dma_semaphore, #tpu.memory_space<semaphore_mem>> -> memref<!tpu.dma_semaphore, #tpu.memory_space<semaphore_mem>>
    tpu.wait_indirect_dma semaphore(%dma_wait3A_1572 : memref<!tpu.dma_semaphore, #tpu.memory_space<semaphore_mem>>) src(%dma_wait3A_1564 : memref<80x128xbf16, #tpu.memory_space<vmem>>) dst(%dma_wait3A_1570 : memref<10000x128xbf16, #tpu.memory_space<vmem_shared>>)
    %dma_start3A_1573 = arith.constant 4 : i32
    %dma_start3A_1574 = arith.constant 0 : i32
    %dma_start3A_1575 = arith.constant 0 : i32
    %dma_start3A_1576 = arith.constant 0 : i32
    %dma_start3A_1577 = arith.constant 0 : i32
    %dma_start3A_1578 = tpu.memref_slice %arg7[%dma_start3A_1574, %dma_start3A_1576, %dma_start3A_1577] : memref<4x80x128xbf16, #tpu.memory_space<vmem>> -> memref<1x80x128xbf16, #tpu.memory_space<vmem>>
    %dma_start3A_1579 = tpu.memref_squeeze %dma_start3A_1578 : memref<1x80x128xbf16, #tpu.memory_space<vmem>> -> memref<80x128xbf16, #tpu.memory_space<vmem>>
    %dma_start3A_1580 = arith.constant 0 : i32
    %dma_start3A_1581 = tpu.memref_slice %arg5[%dma_start3A_1573, %dma_start3A_1580] : memref<8x80xi32, #tpu.memory_space<vmem>> -> memref<1x80xi32, #tpu.memory_space<vmem>>
    %dma_start3A_1582 = tpu.memref_squeeze %dma_start3A_1581 : memref<1x80xi32, #tpu.memory_space<vmem>> -> memref<80xi32, #tpu.memory_space<vmem>>
    %dma_start3A_1583 = arith.constant 0 : i32
    %dma_start3A_1584 = arith.constant 0 : i32
    %dma_start3A_1585 = tpu.memref_slice %arg2[%dma_start3A_1583, %dma_start3A_1584] : memref<10000x128xbf16, #tpu.memory_space<hbm>> -> memref<10000x128xbf16, #tpu.memory_space<hbm>>
    %dma_start3A_1586 = tpu.memref_slice %arg12[%dma_start3A_1575] : memref<4x!tpu.dma_semaphore, #tpu.memory_space<semaphore_mem>> -> memref<1x!tpu.dma_semaphore, #tpu.memory_space<semaphore_mem>>
    %dma_start3A_1587 = tpu.memref_squeeze %dma_start3A_1586 : memref<1x!tpu.dma_semaphore, #tpu.memory_space<semaphore_mem>> -> memref<!tpu.dma_semaphore, #tpu.memory_space<semaphore_mem>>
    tpu.enqueue_indirect_dma source(%dma_start3A_1585 : memref<10000x128xbf16, #tpu.memory_space<hbm>>) target(%dma_start3A_1579 : memref<80x128xbf16, #tpu.memory_space<vmem>>) offsets(%dma_start3A_1582 : memref<80xi32, #tpu.memory_space<vmem>>) semaphore(%dma_start3A_1587 : memref<!tpu.dma_semaphore, #tpu.memory_space<semaphore_mem>>)
    %dma_wait3A_1588 = arith.constant 3 : i32
    %dma_wait3A_1589 = arith.constant 3 : i32
    %dma_wait3A_1590 = arith.constant 3 : i32
    %dma_wait3A_1591 = arith.constant 0 : i32
    %dma_wait3A_1592 = arith.constant 0 : i32
    %dma_wait3A_1593 = tpu.memref_slice %arg7[%dma_wait3A_1589, %dma_wait3A_1591, %dma_wait3A_1592] : memref<4x80x128xbf16, #tpu.memory_space<vmem>> -> memref<1x80x128xbf16, #tpu.memory_space<vmem>>
    %dma_wait3A_1594 = tpu.memref_squeeze %dma_wait3A_1593 : memref<1x80x128xbf16, #tpu.memory_space<vmem>> -> memref<80x128xbf16, #tpu.memory_space<vmem>>
    %dma_wait3A_1595 = arith.constant 0 : i32
    %dma_wait3A_1596 = tpu.memref_slice %arg5[%dma_wait3A_1588, %dma_wait3A_1595] : memref<8x80xi32, #tpu.memory_space<vmem>> -> memref<1x80xi32, #tpu.memory_space<vmem>>
    %dma_wait3A_1597 = tpu.memref_squeeze %dma_wait3A_1596 : memref<1x80xi32, #tpu.memory_space<vmem>> -> memref<80xi32, #tpu.memory_space<vmem>>
    %dma_wait3A_1598 = arith.constant 0 : i32
    %dma_wait3A_1599 = arith.constant 0 : i32
    %dma_wait3A_1600 = tpu.memref_slice %arg2[%dma_wait3A_1598, %dma_wait3A_1599] : memref<10000x128xbf16, #tpu.memory_space<hbm>> -> memref<10000x128xbf16, #tpu.memory_space<hbm>>
    %dma_wait3A_1601 = tpu.memref_slice %arg12[%dma_wait3A_1590] : memref<4x!tpu.dma_semaphore, #tpu.memory_space<semaphore_mem>> -> memref<1x!tpu.dma_semaphore, #tpu.memory_space<semaphore_mem>>
    %dma_wait3A_1602 = tpu.memref_squeeze %dma_wait3A_1601 : memref<1x!tpu.dma_semaphore, #tpu.memory_space<semaphore_mem>> -> memref<!tpu.dma_semaphore, #tpu.memory_space<semaphore_mem>>
    tpu.wait_indirect_dma semaphore(%dma_wait3A_1602 : memref<!tpu.dma_semaphore, #tpu.memory_space<semaphore_mem>>) src(%dma_wait3A_1600 : memref<10000x128xbf16, #tpu.memory_space<hbm>>) dst(%dma_wait3A_1594 : memref<80x128xbf16, #tpu.memory_space<vmem>>)
    %dma_start3A_1603 = arith.constant 3 : i32
    %dma_start3A_1604 = arith.constant 3 : i32
    %dma_start3A_1605 = arith.constant 3 : i32
    %dma_start3A_1606 = arith.constant 0 : i32
    %dma_start3A_1607 = arith.constant 0 : i32
    %dma_start3A_1608 = tpu.memref_slice %arg7[%dma_start3A_1603, %dma_start3A_1606, %dma_start3A_1607] : memref<4x80x128xbf16, #tpu.memory_space<vmem>> -> memref<1x80x128xbf16, #tpu.memory_space<vmem>>
    %dma_start3A_1609 = tpu.memref_squeeze %dma_start3A_1608 : memref<1x80x128xbf16, #tpu.memory_space<vmem>> -> memref<80x128xbf16, #tpu.memory_space<vmem>>
    %dma_start3A_1610 = arith.constant 0 : i32
    %dma_start3A_1611 = tpu.memref_slice %arg6[%dma_start3A_1604, %dma_start3A_1610] : memref<8x80xi32, #tpu.memory_space<vmem>> -> memref<1x80xi32, #tpu.memory_space<vmem>>
    %dma_start3A_1612 = tpu.memref_squeeze %dma_start3A_1611 : memref<1x80xi32, #tpu.memory_space<vmem>> -> memref<80xi32, #tpu.memory_space<vmem>>
    %dma_start3A_1613 = arith.constant 0 : i32
    %dma_start3A_1614 = arith.constant 0 : i32
    %dma_start3A_1615 = tpu.memref_slice %arg9[%dma_start3A_1613, %dma_start3A_1614] : memref<10000x128xbf16, #tpu.memory_space<vmem_shared>> -> memref<10000x128xbf16, #tpu.memory_space<vmem_shared>>
    %dma_start3A_1616 = tpu.memref_slice %arg13[%dma_start3A_1605] : memref<4x!tpu.dma_semaphore, #tpu.memory_space<semaphore_mem>> -> memref<1x!tpu.dma_semaphore, #tpu.memory_space<semaphore_mem>>
    %dma_start3A_1617 = tpu.memref_squeeze %dma_start3A_1616 : memref<1x!tpu.dma_semaphore, #tpu.memory_space<semaphore_mem>> -> memref<!tpu.dma_semaphore, #tpu.memory_space<semaphore_mem>>
    tpu.enqueue_indirect_dma source(%dma_start3A_1609 : memref<80x128xbf16, #tpu.memory_space<vmem>>) target(%dma_start3A_1615 : memref<10000x128xbf16, #tpu.memory_space<vmem_shared>>) offsets(%dma_start3A_1612 : memref<80xi32, #tpu.memory_space<vmem>>) semaphore(%dma_start3A_1617 : memref<!tpu.dma_semaphore, #tpu.memory_space<semaphore_mem>>) {add = true}
    %dma_wait3A_1618 = arith.constant 4 : i32
    %dma_wait3A_1619 = arith.constant 0 : i32
    %dma_wait3A_1620 = arith.constant 0 : i32
    %dma_wait3A_1621 = arith.constant 0 : i32
    %dma_wait3A_1622 = arith.constant 0 : i32
    %dma_wait3A_1623 = tpu.memref_slice %arg7[%dma_wait3A_1619, %dma_wait3A_1621, %dma_wait3A_1622] : memref<4x80x128xbf16, #tpu.memory_space<vmem>> -> memref<1x80x128xbf16, #tpu.memory_space<vmem>>
    %dma_wait3A_1624 = tpu.memref_squeeze %dma_wait3A_1623 : memref<1x80x128xbf16, #tpu.memory_space<vmem>> -> memref<80x128xbf16, #tpu.memory_space<vmem>>
    %dma_wait3A_1625 = arith.constant 0 : i32
    %dma_wait3A_1626 = tpu.memref_slice %arg5[%dma_wait3A_1618, %dma_wait3A_1625] : memref<8x80xi32, #tpu.memory_space<vmem>> -> memref<1x80xi32, #tpu.memory_space<vmem>>
    %dma_wait3A_1627 = tpu.memref_squeeze %dma_wait3A_1626 : memref<1x80xi32, #tpu.memory_space<vmem>> -> memref<80xi32, #tpu.memory_space<vmem>>
    %dma_wait3A_1628 = arith.constant 0 : i32
    %dma_wait3A_1629 = arith.constant 0 : i32
    %dma_wait3A_1630 = tpu.memref_slice %arg2[%dma_wait3A_1628, %dma_wait3A_1629] : memref<10000x128xbf16, #tpu.memory_space<hbm>> -> memref<10000x128xbf16, #tpu.memory_space<hbm>>
    %dma_wait3A_1631 = tpu.memref_slice %arg12[%dma_wait3A_1620] : memref<4x!tpu.dma_semaphore, #tpu.memory_space<semaphore_mem>> -> memref<1x!tpu.dma_semaphore, #tpu.memory_space<semaphore_mem>>
    %dma_wait3A_1632 = tpu.memref_squeeze %dma_wait3A_1631 : memref<1x!tpu.dma_semaphore, #tpu.memory_space<semaphore_mem>> -> memref<!tpu.dma_semaphore, #tpu.memory_space<semaphore_mem>>
    tpu.wait_indirect_dma semaphore(%dma_wait3A_1632 : memref<!tpu.dma_semaphore, #tpu.memory_space<semaphore_mem>>) src(%dma_wait3A_1630 : memref<10000x128xbf16, #tpu.memory_space<hbm>>) dst(%dma_wait3A_1624 : memref<80x128xbf16, #tpu.memory_space<vmem>>)
    %dma_start3A_1633 = arith.constant 0 : i32
    %dma_start3A_1634 = arith.constant 4 : i32
    %dma_start3A_1635 = arith.constant 0 : i32
    %dma_start3A_1636 = arith.constant 0 : i32
    %dma_start3A_1637 = arith.constant 0 : i32
    %dma_start3A_1638 = tpu.memref_slice %arg7[%dma_start3A_1633, %dma_start3A_1636, %dma_start3A_1637] : memref<4x80x128xbf16, #tpu.memory_space<vmem>> -> memref<1x80x128xbf16, #tpu.memory_space<vmem>>
    %dma_start3A_1639 = tpu.memref_squeeze %dma_start3A_1638 : memref<1x80x128xbf16, #tpu.memory_space<vmem>> -> memref<80x128xbf16, #tpu.memory_space<vmem>>
    %dma_start3A_1640 = arith.constant 0 : i32
    %dma_start3A_1641 = tpu.memref_slice %arg6[%dma_start3A_1634, %dma_start3A_1640] : memref<8x80xi32, #tpu.memory_space<vmem>> -> memref<1x80xi32, #tpu.memory_space<vmem>>
    %dma_start3A_1642 = tpu.memref_squeeze %dma_start3A_1641 : memref<1x80xi32, #tpu.memory_space<vmem>> -> memref<80xi32, #tpu.memory_space<vmem>>
    %dma_start3A_1643 = arith.constant 0 : i32
    %dma_start3A_1644 = arith.constant 0 : i32
    %dma_start3A_1645 = tpu.memref_slice %arg9[%dma_start3A_1643, %dma_start3A_1644] : memref<10000x128xbf16, #tpu.memory_space<vmem_shared>> -> memref<10000x128xbf16, #tpu.memory_space<vmem_shared>>
    %dma_start3A_1646 = tpu.memref_slice %arg13[%dma_start3A_1635] : memref<4x!tpu.dma_semaphore, #tpu.memory_space<semaphore_mem>> -> memref<1x!tpu.dma_semaphore, #tpu.memory_space<semaphore_mem>>
    %dma_start3A_1647 = tpu.memref_squeeze %dma_start3A_1646 : memref<1x!tpu.dma_semaphore, #tpu.memory_space<semaphore_mem>> -> memref<!tpu.dma_semaphore, #tpu.memory_space<semaphore_mem>>
    tpu.enqueue_indirect_dma source(%dma_start3A_1639 : memref<80x128xbf16, #tpu.memory_space<vmem>>) target(%dma_start3A_1645 : memref<10000x128xbf16, #tpu.memory_space<vmem_shared>>) offsets(%dma_start3A_1642 : memref<80xi32, #tpu.memory_space<vmem>>) semaphore(%dma_start3A_1647 : memref<!tpu.dma_semaphore, #tpu.memory_space<semaphore_mem>>) {add = true}
    %dma_wait3A_1648 = arith.constant 1 : i32
    %dma_wait3A_1649 = arith.constant 1 : i32
    %dma_wait3A_1650 = arith.constant 1 : i32
    %dma_wait3A_1651 = arith.constant 0 : i32
    %dma_wait3A_1652 = arith.constant 0 : i32
    %dma_wait3A_1653 = tpu.memref_slice %arg7[%dma_wait3A_1648, %dma_wait3A_1651, %dma_wait3A_1652] : memref<4x80x128xbf16, #tpu.memory_space<vmem>> -> memref<1x80x128xbf16, #tpu.memory_space<vmem>>
    %dma_wait3A_1654 = tpu.memref_squeeze %dma_wait3A_1653 : memref<1x80x128xbf16, #tpu.memory_space<vmem>> -> memref<80x128xbf16, #tpu.memory_space<vmem>>
    %dma_wait3A_1655 = arith.constant 0 : i32
    %dma_wait3A_1656 = tpu.memref_slice %arg6[%dma_wait3A_1649, %dma_wait3A_1655] : memref<8x80xi32, #tpu.memory_space<vmem>> -> memref<1x80xi32, #tpu.memory_space<vmem>>
    %dma_wait3A_1657 = tpu.memref_squeeze %dma_wait3A_1656 : memref<1x80xi32, #tpu.memory_space<vmem>> -> memref<80xi32, #tpu.memory_space<vmem>>
    %dma_wait3A_1658 = arith.constant 0 : i32
    %dma_wait3A_1659 = arith.constant 0 : i32
    %dma_wait3A_1660 = tpu.memref_slice %arg9[%dma_wait3A_1658, %dma_wait3A_1659] : memref<10000x128xbf16, #tpu.memory_space<vmem_shared>> -> memref<10000x128xbf16, #tpu.memory_space<vmem_shared>>
    %dma_wait3A_1661 = tpu.memref_slice %arg13[%dma_wait3A_1650] : memref<4x!tpu.dma_semaphore, #tpu.memory_space<semaphore_mem>> -> memref<1x!tpu.dma_semaphore, #tpu.memory_space<semaphore_mem>>
    %dma_wait3A_1662 = tpu.memref_squeeze %dma_wait3A_1661 : memref<1x!tpu.dma_semaphore, #tpu.memory_space<semaphore_mem>> -> memref<!tpu.dma_semaphore, #tpu.memory_space<semaphore_mem>>
    tpu.wait_indirect_dma semaphore(%dma_wait3A_1662 : memref<!tpu.dma_semaphore, #tpu.memory_space<semaphore_mem>>) src(%dma_wait3A_1654 : memref<80x128xbf16, #tpu.memory_space<vmem>>) dst(%dma_wait3A_1660 : memref<10000x128xbf16, #tpu.memory_space<vmem_shared>>)
    %dma_wait3A_1663 = arith.constant 2 : i32
    %dma_wait3A_1664 = arith.constant 2 : i32
    %dma_wait3A_1665 = arith.constant 2 : i32
    %dma_wait3A_1666 = arith.constant 0 : i32
    %dma_wait3A_1667 = arith.constant 0 : i32
    %dma_wait3A_1668 = tpu.memref_slice %arg7[%dma_wait3A_1663, %dma_wait3A_1666, %dma_wait3A_1667] : memref<4x80x128xbf16, #tpu.memory_space<vmem>> -> memref<1x80x128xbf16, #tpu.memory_space<vmem>>
    %dma_wait3A_1669 = tpu.memref_squeeze %dma_wait3A_1668 : memref<1x80x128xbf16, #tpu.memory_space<vmem>> -> memref<80x128xbf16, #tpu.memory_space<vmem>>
    %dma_wait3A_1670 = arith.constant 0 : i32
    %dma_wait3A_1671 = tpu.memref_slice %arg6[%dma_wait3A_1664, %dma_wait3A_1670] : memref<8x80xi32, #tpu.memory_space<vmem>> -> memref<1x80xi32, #tpu.memory_space<vmem>>
    %dma_wait3A_1672 = tpu.memref_squeeze %dma_wait3A_1671 : memref<1x80xi32, #tpu.memory_space<vmem>> -> memref<80xi32, #tpu.memory_space<vmem>>
    %dma_wait3A_1673 = arith.constant 0 : i32
    %dma_wait3A_1674 = arith.constant 0 : i32
    %dma_wait3A_1675 = tpu.memref_slice %arg9[%dma_wait3A_1673, %dma_wait3A_1674] : memref<10000x128xbf16, #tpu.memory_space<vmem_shared>> -> memref<10000x128xbf16, #tpu.memory_space<vmem_shared>>
    %dma_wait3A_1676 = tpu.memref_slice %arg13[%dma_wait3A_1665] : memref<4x!tpu.dma_semaphore, #tpu.memory_space<semaphore_mem>> -> memref<1x!tpu.dma_semaphore, #tpu.memory_space<semaphore_mem>>
    %dma_wait3A_1677 = tpu.memref_squeeze %dma_wait3A_1676 : memref<1x!tpu.dma_semaphore, #tpu.memory_space<semaphore_mem>> -> memref<!tpu.dma_semaphore, #tpu.memory_space<semaphore_mem>>
    tpu.wait_indirect_dma semaphore(%dma_wait3A_1677 : memref<!tpu.dma_semaphore, #tpu.memory_space<semaphore_mem>>) src(%dma_wait3A_1669 : memref<80x128xbf16, #tpu.memory_space<vmem>>) dst(%dma_wait3A_1675 : memref<10000x128xbf16, #tpu.memory_space<vmem_shared>>)
    %dma_wait3A_1678 = arith.constant 3 : i32
    %dma_wait3A_1679 = arith.constant 3 : i32
    %dma_wait3A_1680 = arith.constant 3 : i32
    %dma_wait3A_1681 = arith.constant 0 : i32
    %dma_wait3A_1682 = arith.constant 0 : i32
    %dma_wait3A_1683 = tpu.memref_slice %arg7[%dma_wait3A_1678, %dma_wait3A_1681, %dma_wait3A_1682] : memref<4x80x128xbf16, #tpu.memory_space<vmem>> -> memref<1x80x128xbf16, #tpu.memory_space<vmem>>
    %dma_wait3A_1684 = tpu.memref_squeeze %dma_wait3A_1683 : memref<1x80x128xbf16, #tpu.memory_space<vmem>> -> memref<80x128xbf16, #tpu.memory_space<vmem>>
    %dma_wait3A_1685 = arith.constant 0 : i32
    %dma_wait3A_1686 = tpu.memref_slice %arg6[%dma_wait3A_1679, %dma_wait3A_1685] : memref<8x80xi32, #tpu.memory_space<vmem>> -> memref<1x80xi32, #tpu.memory_space<vmem>>
    %dma_wait3A_1687 = tpu.memref_squeeze %dma_wait3A_1686 : memref<1x80xi32, #tpu.memory_space<vmem>> -> memref<80xi32, #tpu.memory_space<vmem>>
    %dma_wait3A_1688 = arith.constant 0 : i32
    %dma_wait3A_1689 = arith.constant 0 : i32
    %dma_wait3A_1690 = tpu.memref_slice %arg9[%dma_wait3A_1688, %dma_wait3A_1689] : memref<10000x128xbf16, #tpu.memory_space<vmem_shared>> -> memref<10000x128xbf16, #tpu.memory_space<vmem_shared>>
    %dma_wait3A_1691 = tpu.memref_slice %arg13[%dma_wait3A_1680] : memref<4x!tpu.dma_semaphore, #tpu.memory_space<semaphore_mem>> -> memref<1x!tpu.dma_semaphore, #tpu.memory_space<semaphore_mem>>
    %dma_wait3A_1692 = tpu.memref_squeeze %dma_wait3A_1691 : memref<1x!tpu.dma_semaphore, #tpu.memory_space<semaphore_mem>> -> memref<!tpu.dma_semaphore, #tpu.memory_space<semaphore_mem>>
    tpu.wait_indirect_dma semaphore(%dma_wait3A_1692 : memref<!tpu.dma_semaphore, #tpu.memory_space<semaphore_mem>>) src(%dma_wait3A_1684 : memref<80x128xbf16, #tpu.memory_space<vmem>>) dst(%dma_wait3A_1690 : memref<10000x128xbf16, #tpu.memory_space<vmem_shared>>)
    %dma_wait3A_1693 = arith.constant 0 : i32
    %dma_wait3A_1694 = arith.constant 4 : i32
    %dma_wait3A_1695 = arith.constant 0 : i32
    %dma_wait3A_1696 = arith.constant 0 : i32
    %dma_wait3A_1697 = arith.constant 0 : i32
    %dma_wait3A_1698 = tpu.memref_slice %arg7[%dma_wait3A_1693, %dma_wait3A_1696, %dma_wait3A_1697] : memref<4x80x128xbf16, #tpu.memory_space<vmem>> -> memref<1x80x128xbf16, #tpu.memory_space<vmem>>
    %dma_wait3A_1699 = tpu.memref_squeeze %dma_wait3A_1698 : memref<1x80x128xbf16, #tpu.memory_space<vmem>> -> memref<80x128xbf16, #tpu.memory_space<vmem>>
    %dma_wait3A_1700 = arith.constant 0 : i32
    %dma_wait3A_1701 = tpu.memref_slice %arg6[%dma_wait3A_1694, %dma_wait3A_1700] : memref<8x80xi32, #tpu.memory_space<vmem>> -> memref<1x80xi32, #tpu.memory_space<vmem>>
    %dma_wait3A_1702 = tpu.memref_squeeze %dma_wait3A_1701 : memref<1x80xi32, #tpu.memory_space<vmem>> -> memref<80xi32, #tpu.memory_space<vmem>>
    %dma_wait3A_1703 = arith.constant 0 : i32
    %dma_wait3A_1704 = arith.constant 0 : i32
    %dma_wait3A_1705 = tpu.memref_slice %arg9[%dma_wait3A_1703, %dma_wait3A_1704] : memref<10000x128xbf16, #tpu.memory_space<vmem_shared>> -> memref<10000x128xbf16, #tpu.memory_space<vmem_shared>>
    %dma_wait3A_1706 = tpu.memref_slice %arg13[%dma_wait3A_1695] : memref<4x!tpu.dma_semaphore, #tpu.memory_space<semaphore_mem>> -> memref<1x!tpu.dma_semaphore, #tpu.memory_space<semaphore_mem>>
    %dma_wait3A_1707 = tpu.memref_squeeze %dma_wait3A_1706 : memref<1x!tpu.dma_semaphore, #tpu.memory_space<semaphore_mem>> -> memref<!tpu.dma_semaphore, #tpu.memory_space<semaphore_mem>>
    tpu.wait_indirect_dma semaphore(%dma_wait3A_1707 : memref<!tpu.dma_semaphore, #tpu.memory_space<semaphore_mem>>) src(%dma_wait3A_1699 : memref<80x128xbf16, #tpu.memory_space<vmem>>) dst(%dma_wait3A_1705 : memref<10000x128xbf16, #tpu.memory_space<vmem_shared>>)
    %barrier3A_1708 = arith.constant 0 : index
    tpu.barrier barrier_id(%barrier3A_1708)
    %lt3A = arith.constant 15 : i32
    %lt3A_1709 = arith.cmpi slt, %arg1, %lt3A : i32
    %convert_element_type3A = arith.extui %lt3A_1709 : i1 to i32
    %cond3A = arith.constant 0 : i32
    %cond3A_1710 = arith.cmpi ne, %convert_element_type3A, %cond3A : i32
    scf.if %cond3A_1710 {
      "tpu.region"() ({
        %run_scoped3A = tpu.sem_alloc : memref<!tpu.dma_semaphore, #tpu.memory_space<semaphore_mem>>
        %dma_start3A_1716 = arith.constant 0 : i32
        %dma_start3A_1717 = tpu.memref_slice %arg4[%arg0, %mul3A_145, %dma_start3A_1716] : memref<2x10000x128xbf16, #tpu.memory_space<hbm>> -> memref<1x624x128xbf16, #tpu.memory_space<hbm>>
        %dma_start3A_1718 = tpu.memref_squeeze %dma_start3A_1717 : memref<1x624x128xbf16, #tpu.memory_space<hbm>> -> memref<624x128xbf16, #tpu.memory_space<hbm>>
        %dma_start3A_1719 = arith.constant 0 : i32
        %dma_start3A_1720 = tpu.memref_slice %arg9[%mul3A_145, %dma_start3A_1719] : memref<10000x128xbf16, #tpu.memory_space<vmem_shared>> -> memref<624x128xbf16, #tpu.memory_space<vmem_shared>>
        tpu.enqueue_dma source(%dma_start3A_1720 : memref<624x128xbf16, #tpu.memory_space<vmem_shared>>) target(%dma_start3A_1718 : memref<624x128xbf16, #tpu.memory_space<hbm>>) target_semaphore(%run_scoped3A : memref<!tpu.dma_semaphore, #tpu.memory_space<semaphore_mem>>)
        %dma_wait3A_1721 = arith.constant 0 : i32
        %dma_wait3A_1722 = tpu.memref_slice %arg4[%arg0, %mul3A_145, %dma_wait3A_1721] : memref<2x10000x128xbf16, #tpu.memory_space<hbm>> -> memref<1x624x128xbf16, #tpu.memory_space<hbm>>
        %dma_wait3A_1723 = tpu.memref_squeeze %dma_wait3A_1722 : memref<1x624x128xbf16, #tpu.memory_space<hbm>> -> memref<624x128xbf16, #tpu.memory_space<hbm>>
        %dma_wait3A_1724 = arith.constant 0 : i32
        %dma_wait3A_1725 = tpu.memref_slice %arg9[%mul3A_145, %dma_wait3A_1724] : memref<10000x128xbf16, #tpu.memory_space<vmem_shared>> -> memref<624x128xbf16, #tpu.memory_space<vmem_shared>>
        tpu.wait_dma2 semaphore(%run_scoped3A : memref<!tpu.dma_semaphore, #tpu.memory_space<semaphore_mem>>) src(%dma_wait3A_1725 : memref<624x128xbf16, #tpu.memory_space<vmem_shared>>) dst(%dma_wait3A_1723 : memref<624x128xbf16, #tpu.memory_space<hbm>>)
        tpu.yield
      }) : () -> ()
    } else {
    }
    %eq3A_1711 = arith.constant 15 : i32
    %eq3A_1712 = arith.cmpi eq, %arg1, %eq3A_1711 : i32
    %convert_element_type3A_1713 = arith.extui %eq3A_1712 : i1 to i32
    %cond3A_1714 = arith.constant 0 : i32
    %cond3A_1715 = arith.cmpi ne, %convert_element_type3A_1713, %cond3A_1714 : i32
    scf.if %cond3A_1715 {
      "tpu.region"() ({
        %run_scoped3A = tpu.sem_alloc : memref<!tpu.dma_semaphore, #tpu.memory_space<semaphore_mem>>
        %dma_start3A_1716 = arith.constant 0 : i32
        %dma_start3A_1717 = tpu.memref_slice %arg4[%arg0, %mul3A_145, %dma_start3A_1716] : memref<2x10000x128xbf16, #tpu.memory_space<hbm>> -> memref<1x640x128xbf16, #tpu.memory_space<hbm>>
        %dma_start3A_1718 = tpu.memref_squeeze %dma_start3A_1717 : memref<1x640x128xbf16, #tpu.memory_space<hbm>> -> memref<640x128xbf16, #tpu.memory_space<hbm>>
        %dma_start3A_1719 = arith.constant 0 : i32
        %dma_start3A_1720 = tpu.memref_slice %arg9[%mul3A_145, %dma_start3A_1719] : memref<10000x128xbf16, #tpu.memory_space<vmem_shared>> -> memref<640x128xbf16, #tpu.memory_space<vmem_shared>>
        tpu.enqueue_dma source(%dma_start3A_1720 : memref<640x128xbf16, #tpu.memory_space<vmem_shared>>) target(%dma_start3A_1718 : memref<640x128xbf16, #tpu.memory_space<hbm>>) target_semaphore(%run_scoped3A : memref<!tpu.dma_semaphore, #tpu.memory_space<semaphore_mem>>)
        %dma_wait3A_1721 = arith.constant 0 : i32
        %dma_wait3A_1722 = tpu.memref_slice %arg4[%arg0, %mul3A_145, %dma_wait3A_1721] : memref<2x10000x128xbf16, #tpu.memory_space<hbm>> -> memref<1x640x128xbf16, #tpu.memory_space<hbm>>
        %dma_wait3A_1723 = tpu.memref_squeeze %dma_wait3A_1722 : memref<1x640x128xbf16, #tpu.memory_space<hbm>> -> memref<640x128xbf16, #tpu.memory_space<hbm>>
        %dma_wait3A_1724 = arith.constant 0 : i32
        %dma_wait3A_1725 = tpu.memref_slice %arg9[%mul3A_145, %dma_wait3A_1724] : memref<10000x128xbf16, #tpu.memory_space<vmem_shared>> -> memref<640x128xbf16, #tpu.memory_space<vmem_shared>>
        tpu.wait_dma2 semaphore(%run_scoped3A : memref<!tpu.dma_semaphore, #tpu.memory_space<semaphore_mem>>) src(%dma_wait3A_1725 : memref<640x128xbf16, #tpu.memory_space<vmem_shared>>) dst(%dma_wait3A_1723 : memref<640x128xbf16, #tpu.memory_space<hbm>>)
        tpu.yield
      }) : () -> ()
    } else {
    }
    return
  }
}

module attributes {stable_mosaic.version = 14 : i64} {
  func.func @_tc_scale_t_body(%arg0: i32, %arg1: memref<128x1024xf32, #tpu.memory_space<vmem>>, %arg2: memref<32x1024xf32, #tpu.memory_space<vmem>>, %arg3: memref<1024x128xbf16, #tpu.memory_space<vmem>>) attributes {dimension_semantics = [#tpu.dimension_semantics<arbitrary>], iteration_bounds = array<i64: 10>, scalar_prefetch = 0 : i64, scratch_operands = 0 : i64, tpu.core_type = #tpu.core_type<tc>, window_params = [{transform_indices = @transform_0, window_bounds = array<i64: 128, 1024>}, {transform_indices = @transform_1, window_bounds = array<i64: 32, 1024>}, {transform_indices = @transform_2, window_bounds = array<i64: 1024, 128>}]} {
    %get3A = arith.constant 0 : index
    %get3A_0 = arith.constant 0 : index
    %get3A_1 = vector.load %arg2[%get3A, %get3A_0] : memref<32x1024xf32, #tpu.memory_space<vmem>>, vector<32x1024xf32>
    %reduce_sum3A = arith.constant dense<0.000000e+00> : vector<1024xf32>
    %reduce_sum3A_2 = vector.multi_reduction <add>, %get3A_1, %reduce_sum3A [0] : vector<32x1024xf32> to vector<1024xf32>
    %max3A = arith.constant 1.000000e+00 : f32
    %max3A_3 = vector.broadcast %max3A : f32 to vector<1024xf32>
    %max3A_4 = arith.maximumf %reduce_sum3A_2, %max3A_3 : vector<1024xf32>
    %rsqrt3A = math.rsqrt %max3A_4 : vector<1024xf32>
    %get3A_5 = arith.constant 0 : index
    %get3A_6 = arith.constant 0 : index
    %get3A_7 = vector.load %arg1[%get3A_5, %get3A_6] : memref<128x1024xf32, #tpu.memory_space<vmem>>, vector<128x1024xf32>
    %transpose3A = tpu.transpose %get3A_7, [1, 0] : vector<128x1024xf32> -> vector<1024x128xf32>
    %broadcast_in_dim3A = vector.shape_cast %rsqrt3A : vector<1024xf32> to vector<1024x1xf32>
    %mul3A = vector.broadcast %broadcast_in_dim3A : vector<1024x1xf32> to vector<1024x128xf32>
    %mul3A_8 = arith.mulf %transpose3A, %mul3A : vector<1024x128xf32>
    %convert_element_type3A = arith.truncf %mul3A_8 : vector<1024x128xf32> to vector<1024x128xbf16>
    %swap3A = arith.constant 0 : index
    %swap3A_9 = arith.constant 0 : index
    %swap3A_10 = vector.load %arg3[%swap3A, %swap3A_9] : memref<1024x128xbf16, #tpu.memory_space<vmem>>, vector<1024x128xbf16>
    tpu.vector_store %arg3[%swap3A, %swap3A_9], %convert_element_type3A {strides = array<i32>} : memref<1024x128xbf16, #tpu.memory_space<vmem>>, vector<1024x128xbf16>,
    return
  }
  func.func @transform_0(%arg0: i32) -> (i32, i32) {
    %c0_i32 = arith.constant 0 : i32
    %c0_i32_0 = arith.constant 0 : i32
    return %c0_i32, %arg0 : i32, i32
  }
  func.func @transform_1(%arg0: i32) -> (i32, i32) {
    %c0_i32 = arith.constant 0 : i32
    %c0_i32_0 = arith.constant 0 : i32
    return %c0_i32, %arg0 : i32, i32
  }
  func.func @transform_2(%arg0: i32) -> (i32, i32) {
    %c0_i32 = arith.constant 0 : i32
    %c0_i32_0 = arith.constant 0 : i32
    return %arg0, %c0_i32 : i32, i32
  }
}

module attributes {stable_mosaic.version = 14 : i64} {
  func.func @_tc_out_body(%arg0: i32, %arg1: memref<2x1024x128xbf16, #tpu.memory_space<vmem>>, %arg2: memref<32x1024xf32, #tpu.memory_space<vmem>>, %arg3: memref<128x128xf32, #tpu.memory_space<vmem>>, %arg4: memref<1x128xf32, #tpu.memory_space<vmem>>, %arg5: memref<128x1024xf32, #tpu.memory_space<vmem>>) attributes {dimension_semantics = [#tpu.dimension_semantics<arbitrary>], iteration_bounds = array<i64: 10>, scalar_prefetch = 0 : i64, scratch_operands = 0 : i64, tpu.core_type = #tpu.core_type<tc>, window_params = [{transform_indices = @transform_0, window_bounds = array<i64: 2, 1024, 128>}, {transform_indices = @transform_1, window_bounds = array<i64: 32, 1024>}, {pipeline_mode = #tpu.pipeline_mode<synchronous>, transform_indices = @transform_2, window_bounds = array<i64: 128, 128>}, {pipeline_mode = #tpu.pipeline_mode<synchronous>, transform_indices = @transform_3, window_bounds = array<i64: 1, 128>}, {transform_indices = @transform_4, window_bounds = array<i64: 128, 1024>}]} {
    %get3A = arith.constant 0 : index
    %get3A_0 = arith.constant 0 : index
    %get3A_1 = arith.constant 0 : index
    %get3A_2 = vector.load %arg1[%get3A, %get3A_0, %get3A_1] : memref<2x1024x128xbf16, #tpu.memory_space<vmem>>, vector<1x1024x128xbf16>
    %get3A_3 = vector.shape_cast %get3A_2 : vector<1x1024x128xbf16> to vector<1024x128xbf16>
    %convert_element_type3A = arith.extf %get3A_3 : vector<1024x128xbf16> to vector<1024x128xf32>
    %get3A_4 = arith.constant 1 : index
    %get3A_5 = arith.constant 0 : index
    %get3A_6 = arith.constant 0 : index
    %get3A_7 = vector.load %arg1[%get3A_4, %get3A_5, %get3A_6] : memref<2x1024x128xbf16, #tpu.memory_space<vmem>>, vector<1x1024x128xbf16>
    %get3A_8 = vector.shape_cast %get3A_7 : vector<1x1024x128xbf16> to vector<1024x128xbf16>
    %convert_element_type3A_9 = arith.extf %get3A_8 : vector<1024x128xbf16> to vector<1024x128xf32>
    %add3A = arith.addf %convert_element_type3A, %convert_element_type3A_9 : vector<1024x128xf32>
    %get3A_10 = arith.constant 0 : index
    %get3A_11 = arith.constant 0 : index
    %get3A_12 = vector.load %arg2[%get3A_10, %get3A_11] : memref<32x1024xf32, #tpu.memory_space<vmem>>, vector<32x1024xf32>
    %reduce_sum3A = arith.constant dense<0.000000e+00> : vector<1024xf32>
    %reduce_sum3A_13 = vector.multi_reduction <add>, %get3A_12, %reduce_sum3A [0] : vector<32x1024xf32> to vector<1024xf32>
    %max3A = arith.constant 1.000000e+00 : f32
    %max3A_14 = vector.broadcast %max3A : f32 to vector<1024xf32>
    %max3A_15 = arith.maximumf %reduce_sum3A_13, %max3A_14 : vector<1024xf32>
    %rsqrt3A = math.rsqrt %max3A_15 : vector<1024xf32>
    %broadcast_in_dim3A = vector.shape_cast %rsqrt3A : vector<1024xf32> to vector<1024x1xf32>
    %mul3A = vector.broadcast %broadcast_in_dim3A : vector<1024x1xf32> to vector<1024x128xf32>
    %mul3A_16 = arith.mulf %add3A, %mul3A : vector<1024x128xf32>
    %get3A_17 = arith.constant 0 : index
    %get3A_18 = arith.constant 0 : index
    %get3A_19 = vector.load %arg3[%get3A_17, %get3A_18] : memref<128x128xf32, #tpu.memory_space<vmem>>, vector<128x128xf32>
    %dot_general3A = arith.constant dense<0.000000e+00> : vector<128x1024xf32>
    %dot_general3A_20 = tpu.matmul %get3A_19, %mul3A_16, %dot_general3A {dimension_numbers = #tpu.dot_dimension_numbers<[0], [1], [1], [0], [0, 1, 1, 0], [], []>, transpose_lhs_hint = false} : vector<128x128xf32>, vector<1024x128xf32>, vector<128x1024xf32> -> vector<128x1024xf32>
    %get3A_21 = arith.constant 0 : index
    %get3A_22 = arith.constant 0 : index
    %get3A_23 = vector.load %arg4[%get3A_21, %get3A_22] : memref<1x128xf32, #tpu.memory_space<vmem>>, vector<1x128xf32>
    %transpose3A = tpu.transpose %get3A_23, [1, 0] : vector<1x128xf32> -> vector<128x1xf32>
    %add3A_24 = vector.broadcast %transpose3A : vector<128x1xf32> to vector<128x1024xf32>
    %add3A_25 = arith.addf %dot_general3A_20, %add3A_24 : vector<128x1024xf32>
    %max3A_26 = arith.constant 0.000000e+00 : f32
    %max3A_27 = vector.broadcast %max3A_26 : f32 to vector<128x1024xf32>
    %max3A_28 = arith.maximumf %add3A_25, %max3A_27 : vector<128x1024xf32>
    %swap3A = arith.constant 0 : index
    %swap3A_29 = arith.constant 0 : index
    %swap3A_30 = vector.load %arg5[%swap3A, %swap3A_29] : memref<128x1024xf32, #tpu.memory_space<vmem>>, vector<128x1024xf32>
    tpu.vector_store %arg5[%swap3A, %swap3A_29], %max3A_28 {strides = array<i32>} : memref<128x1024xf32, #tpu.memory_space<vmem>>, vector<128x1024xf32>,
    return
  }
  func.func @transform_0(%arg0: i32) -> (i32, i32, i32) {
    %c0_i32 = arith.constant 0 : i32
    %c0_i32_0 = arith.constant 0 : i32
    %c0_i32_1 = arith.constant 0 : i32
    return %c0_i32, %arg0, %c0_i32_0 : i32, i32, i32
  }
  func.func @transform_1(%arg0: i32) -> (i32, i32) {
    %c0_i32 = arith.constant 0 : i32
    %c0_i32_0 = arith.constant 0 : i32
    return %c0_i32, %arg0 : i32, i32
  }
  func.func @transform_2(%arg0: i32) -> (i32, i32) {
    %c0_i32 = arith.constant 0 : i32
    %c0_i32_0 = arith.constant 0 : i32
    %c0_i32_1 = arith.constant 0 : i32
    return %c0_i32, %c0_i32_0 : i32, i32
  }
  func.func @transform_3(%arg0: i32) -> (i32, i32) {
    %c0_i32 = arith.constant 0 : i32
    %c0_i32_0 = arith.constant 0 : i32
    %c0_i32_1 = arith.constant 0 : i32
    return %c0_i32, %c0_i32_0 : i32, i32
  }
  func.func @transform_4(%arg0: i32) -> (i32, i32) {
    %c0_i32 = arith.constant 0 : i32
    %c0_i32_0 = arith.constant 0 : i32
    return %c0_i32, %arg0 : i32, i32
  }
}

</mosaic_0001>

<sc_bundles>
// kernel: kernel.6.cloned.1.call-start
scs
__scs_entry_jumppad:
0x0: {  	(pc) =	sbr.rel $0x88, $3  }
0x1: {  	(tag) =	ssettag $0x0;
	lr =	simm.s32 $0x1  }
0x2: {  	[smem:$0x3F9D] =	sst lr;
	_ =	strace $0xD0000000  }
0x3: {  	_ = 	snop  }
0x4: {  	_ = 	snop  }
0x5: {  	_ = 	snop  }
0x6: {  	_ = 	snop  }
0x7: {  	_ = 	snop  }
__scs_overlays_trampoline_lowered:
0x8: {  	[smem:$0x3FAC] =	sst s0  }
0x9: {  	[smem:$0x3FAD] =	sst s1  }
0xa: {  	[smem:$0x3FAE] =	sst s2  }
0xb: {  	[smem:$0x3FAF] =	sst s3  }
0xc: {  	[smem:$0x3FB0] =	sst s4  }
0xd: {  	[smem:$0x3FB1] =	sst s5  }
0xe: {  	[smem:$0x3FB2] =	sst s6  }
0xf: {  	[smem:$0x3FB3] =	sst s7  }
0x10: {  	[smem:$0x3FB4] =	sst s8  }
0x11: {  	[smem:$0x3FB5] =	sst s9;
	s0 =	simm.s32 @!p0 $0x0  }
0x12: {  	s1 =	sld [smem:$0x3F9B];
	s0 =	simm.s32 @p0 $0x1  }
0x13: {  	[smem:$0x3FB6] =	sst s0;
	s0 =	simm.s32 @!p1 $0x0  }
0x14: {  	s2 =	sld [smem:$0x3F9A];
	s0 =	simm.s32 @p1 $0x1  }
0x15: {  	[smem:$0x3FB7] =	sst s0;
	s0 =	simm.s32 @!p2 $0x0  }
0x16: {  	s3 =	sld [smem:$0x3FDB];
	s0 =	simm.s32 @p2 $0x1  }
0x17: {  	s4 =	simm.s32 $0x1BF5;
	[smem:$0x3FB9] =	sst s0  }
0x18: {  	s0 =	sld [smem:$0x3F9C];
	_ =	swait.ge [sflag:s4], $0x0  }
0x19: {  	s7 =	sld [smem:$0x3F9D]  }
0x1a: {  	s8 =	sadd.s32 $0xFFFFE003, lr  }
0x1b: {  	s9 =	sadd.s32 $0xFFFFFEF7, lr;
	s5 =	simm.s32 $0xFFFFFFFF;
	p2 =	slt.u32 s8, $0xFFFFF086  }
0x1c: {  	p1 =	slt.u32 s9, $0xF7A;
	s5 =	simm.s32 @!p2 $0x0  }
0x1d: {  	s5 =	simm.s32 @p1 $0x1;
	p0 =	seq.s32 s7, s2  }
0x1e: {  	s7 =	smul.u32 @!p0 $0xF7A, s2;
	p2 =	seq.s32 @!p0 s5, $0x0  }
0x1f: {  	s9 =	smul.u32 $0xF7A, s1;
	s8 =	simm.s32 @!p0 $0x1BF5;
	p2 =	por !p2, p0  }
0x20: {  	[sflag:s8] =	ssyncset.s32 @!p0 $0xFFFFF086;
	s6 =	sadd.s32 @!p0 s3, s7;
	s7 =	simm.s32 @!p0 $0x108  }
0x21: {  	s3 =	sadd.s32 s3, s9;
	s6 =	sadd.s32 @!p0 $0x88, s6;
	s7 =	simm.s32 @p2 $0x1082  }
0x22: {  	[simem:s7], [sflag:s8] =	dma.local @!p0 [hbm:s6], $0xF7A  }
0x23: {  	s9 =	sor.u32 $0xD0000000, s2;
	s6 =	simm.s32 $0x108;
	_ =	swait.ge @!p0 [sflag:s8], $0x0  }
0x24: {  	s3 =	sadd.s32 $0x88, s3;
	s6 =	simm.s32 @!p1 $0x1082;
	[sflag:s4] =	ssyncset.s32 $0xFFFFF086  }
0x25: {  	[simem:s6], [sflag:s4] =	dma.local [hbm:s3], $0xF7A  }
0x26: {  	[smem:$0x3F9D] =	sst s1;
	(tag) =	ssettag s2;
	_ =	strace s9  }
0x27: {  	s1 =	sld [smem:$0x3FAD]  }
0x28: {  	s2 =	sld [smem:$0x3FAE]  }
0x29: {  	s4 =	sld [smem:$0x3FB0]  }
0x2a: {  	p0 =	seq.s32 s5, $0x0;
	s5 =	sld [smem:$0x3FB1]  }
0x2b: {  	s6 =	sld [smem:$0x3FB2]  }
0x2c: {  	s7 =	sld [smem:$0x3FB3]  }
0x2d: {  	s3 =	simm.s32 $0x108;
	s8 =	sld [smem:$0x3FB4]  }
0x2e: {  	s3 =	simm.s32 @!p0 $0x1082;
	s9 =	sld [smem:$0x3FB5]  }
0x2f: {  	lr =	sadd.s32 s0, s3;
	s0 =	sld [smem:$0x3FAC]  }
0x30: {  	s3 =	sld [smem:$0x3FAF]  }
0x31: {  	[smem:$0x3FB8] =	sst s10  }
0x32: {  	s10 =	sld [smem:$0x3FB6];
	_ =	sdelay $0x3  }
0x33: {  	p0 =	seq.s32 s10, $0x1;
	s10 =	sld [smem:$0x3FB8];
	_ =	sdelay $0x3  }
0x34: {  	[smem:$0x3FB8] =	sst s10  }
0x35: {  	s10 =	sld [smem:$0x3FB7];
	_ =	sdelay $0x3  }
0x36: {  	p1 =	seq.s32 s10, $0x1;
	s10 =	sld [smem:$0x3FB8];
	_ =	sdelay $0x3  }
0x37: {  	[smem:$0x3FB8] =	sst s10  }
0x38: {  	s10 =	sld [smem:$0x3FB9]  }
0x39: {  	_ = 	snop;
	(pc) =	sbr.ind lr, $3  }
0x3a: {  	_ = 	snop  }
0x3b: {  	_ = 	snop  }
0x3c: {  	p2 =	seq.s32 s10, $0x1;
	s10 =	sld [smem:$0x3FB8]  }
0x3d: {  	_ =	shalt  }
0x3e: {  	_ =	shalt  }
0x3f: {  	_ =	shalt  }
0x40: {  	_ =	shalt  }
0x41: {  	_ =	shalt  }
0x42: {  	_ =	shalt  }
0x43: {  	_ =	shalt  }
0x44: {  	_ =	shalt  }
0x45: {  	_ =	shalt  }
0x46: {  	_ =	shalt  }
0x47: {  	_ =	shalt  }
0x48: {  	_ =	shalt  }
0x49: {  	_ =	shalt  }
0x4a: {  	_ =	shalt  }
0x4b: {  	_ =	shalt  }
0x4c: {  	_ =	shalt  }
0x4d: {  	_ =	shalt  }
0x4e: {  	_ =	shalt  }
0x4f: {  	_ =	shalt  }
0x50: {  	_ =	shalt  }
0x51: {  	_ =	shalt  }
0x52: {  	_ =	shalt  }
0x53: {  	_ =	shalt  }
0x54: {  	_ =	shalt  }
0x55: {  	_ =	shalt  }
0x56: {  	_ =	shalt  }
0x57: {  	_ =	shalt  }
0x58: {  	_ =	shalt  }
0x59: {  	_ =	shalt  }
0x5a: {  	_ =	shalt  }
0x5b: {  	_ =	shalt  }
0x5c: {  	_ =	shalt  }
0x5d: {  	_ =	shalt  }
0x5e: {  	_ =	shalt  }
0x5f: {  	_ =	shalt  }
0x60: {  	_ =	shalt  }
0x61: {  	_ =	shalt  }
0x62: {  	_ =	shalt  }
0x63: {  	_ =	shalt  }
0x64: {  	_ =	shalt  }
0x65: {  	_ =	shalt  }
0x66: {  	_ =	shalt  }
0x67: {  	_ =	shalt  }
0x68: {  	_ =	shalt  }
0x69: {  	_ =	shalt  }
0x6a: {  	_ =	shalt  }
0x6b: {  	_ =	shalt  }
0x6c: {  	_ =	shalt  }
0x6d: {  	_ =	shalt  }
0x6e: {  	_ =	shalt  }
0x6f: {  	_ =	shalt  }
0x70: {  	_ =	shalt  }
0x71: {  	_ =	shalt  }
0x72: {  	_ =	shalt  }
0x73: {  	_ =	shalt  }
0x74: {  	_ =	shalt  }
0x75: {  	_ =	shalt  }
0x76: {  	_ =	shalt  }
0x77: {  	_ =	shalt  }
0x78: {  	_ =	shalt  }
0x79: {  	_ =	shalt  }
0x7a: {  	_ =	shalt  }
0x7b: {  	_ =	shalt  }
0x7c: {  	_ =	shalt  }
0x7d: {  	_ =	shalt  }
0x7e: {  	_ =	shalt  }
0x7f: {  	_ =	shalt  }
0x80: {  	_ =	shalt  }
0x81: {  	_ =	shalt  }
0x82: {  	_ =	shalt  }
0x83: {  	_ =	shalt  }
0x84: {  	_ =	shalt  }
0x85: {  	_ =	shalt  }
0x86: {  	_ =	shalt  }
0x87: {  	_ =	shalt  }
.Lfunc_end0:
.L_simem_size_0:
called_computation_lowered:
.L_overlay_start_0:
0x88: {  	s2 =	sld [smem:$0x3FD9]  }
0x89: {  	s3 =	sld [smem:$0x3FFE];
	_ =	sdelay $0x1  }
0x8a: {  	s1 =	srdreg.scid  }
0x8b: {  	s0 =	sand.u32 $0x1, s1  }
0x8c: {  	s17 =	sshll.u32 s0, $0xA;
	s2 =	sadd.s32 s3, s2  }
0x8d: {  	s2 =	sadd.s32 s2, s17  }
0x8e: {  	[smem:$0x3FC4] =	sst s2  }
0x8f: {  	_ = 	snop  }
0x90: {  	s2 =	sld [smem:$0x3FC8]  }
0x91: {  	s18 =	sld [smem:$0x3FD0];
	(tm) =	ssettm $0x1  }
0x92: {  	s4 =	sld [smem:$0x3FFB];
	_ =	sdelay $0x3  }
0x93: {  	_ =	strace s4  }
0x94: {  	s4 =	sld [smem:$0x3FFC];
	_ =	sdelay $0x3  }
0x95: {  	_ =	strace s4  }
0x96: {  	s4 =	sld [smem:$0x3FFD];
	_ =	sdelay $0x3  }
0x97: {  	_ =	strace s4  }
0x98: {  	_ =	strace $0x8FFFFFFF  }
0x99: {  	s19 =	sld [smem:$0x3FDB];
	_ =	sdelay $0x1  }
0x9a: {  	s5 =	simm.s32 $_scs_section_size  }
0x9b: {  	s6 =	simm.s32 $_size__tile_overlayer_lowered;
	s7 =	simm.s32 $_tile_overlayer_lowered  }
0x9c: {  	s22 =	simm.s32 $0x1BFF;
	s21 =	sshll.u32 s7, $0x1;
	s4 =	sadd.s32 s5, s19  }
0x9d: {  	s8 =	simm.s32 $0x0;
	s20 =	sshll.u32 s6, $0x1;
	s6 =	sadd.s32 s21, s4  }
0x9e: {  	[timem:s8], [sflag:s22] =	dma.local [hbm:s6], s20  }
0x9f: {  	_ =	swait.ge [sflag:s22], s20  }
0xa0: {  	s5 =	ssub.s32 $0x0, s20;
	[sflag:s22] =	ssyncset.done $0x0  }
0xa1: {  	[sflag:s22] =	ssyncadd.s32 s5;
	_ =	sdelay $0x1  }
0xa2: {  	s23 =	simm.s32 $0x1B8B  }
0xa3: {  	_ =	swait.ge [sflag:s23], $0x1  }
0xa4: {  	[sflag:s23] =	ssyncset.done $0x0  }
0xa5: {  	s25 =	simm.s32 $0x1B8E;
	s24 =	sld [smem:$0x3FFE];
	[sflag:s23] =	ssyncadd.s32 $0xFFFFFFFF  }
0xa6: {  	s26 =	simm.s32 $execute0_lowered;
	[smem:$0x3FD2] =	sst s25  }
0xa7: {  	s6 =	sshll.u32 s26, $0x1;
	_ =	strace $0x80000046;
	[dreg:$0x1] =	wrdreg $0xFFFFFFFF  }
0xa8: {  	s28 =	simm.s32 $_size_execute0_lowered;
	s4 =	sadd.s32 s4, s6;
	[dreg:$0x0] =	wrdreg $0x0  }
0xa9: {  	s6 =	sshll.u32 s28, $0x1;
	[dreg:$0x2] =	wrdreg s4  }
0xaa: {  	[dreg:$0x3] =	wrdreg s6  }
0xab: {  	[dreg:$0x4] =	wrdreg $0xC0  }
0xac: {  	_ =	task [dreg:s8], $0x5FFFF  }
0xad: {  	[dreg:$0x1] =	wrdreg $0xFFFFFFFF  }
0xae: {  	[dreg:$0x0] =	wrdreg $0x60  }
0xaf: {  	[dreg:$0x2] =	wrdreg s2  }
0xb0: {  	[dreg:$0x3] =	wrdreg s18  }
0xb1: {  	[dreg:$0x4] =	wrdreg s24  }
0xb2: {  	[dreg:$0x5] =	wrdreg $0x9  }
0xb3: {  	_ =	task.clear_ibuf [dreg:s8], $0x6FFFF;
	_ =	strace $0x90000046  }
0xb4: {  	s29 =	simm.s32 $0x9;
	_ =	strace $0x80000048  }
0xb5: {  	_ =	swait.ge [sflag:s29], $0x1  }
0xb6: {  	[sflag:s29] =	ssyncadd.s32 $0xFFFFFFFF  }
0xb7: {  	_ =	strace $0x90000048  }
0xb8: {  	_ =	sfence  }
0xb9: {  	s30 =	sld [smem:$0x0];
	_ =	sdelay $0x2  }
0xba: {  	s31 =	sshll.u32 s1, $0xD;
	s1 =	sshrl.u32 s1, $0x2  }
0xbb: {  	s3 =	sand.u32 $0x4000, s31;
	s1 =	sadd.s32 s1, s30  }
0xbc: {  	s0 =	sor.u32 s3, s0;
	s1 =	sshll.u32 s1, $0x11  }
0xbd: {  	s0 =	sor.u32 s1, s0  }
0xbe: {  	s0 =	sadd.s32 $0x8F2B, s0  }
0xbf: {  	[sflag:s0] =	ssyncadd.remote.s32 $0x1  }
0xc0: {  	_ =	sfence.sel $0xFFFF  }
0xc1: {  	[dreg:$0x0] =	wrdreg $0xFFFFFFFF;
	(pc) =	sbr.abs _section_cstart, $3  }
0xc2: {  	[dreg:$0x1] =	wrdreg $0xFFFFFFFF  }
0xc3: {  	_ =	task.clear_ibuf [dreg:s8], $0x2FFFF;
	_ =	strace $0x9FFFFFFF  }
0xc4: {  	(tm) =	ssettm $0x7FFFFFFF  }
0xc5: {  	_ =	shalt  }
tec
execute0_lowered:
.L_overlay_start_1:
0x0: {  	(tag) =	ssettag $0x1  }
0x1: {  	s4 =	rddreg [dreg:$0x0]  }
0x2: {  	s6 =	rddreg [dreg:$0x1];
	s1 =	srdreg.scid  }
0x3: {  	s0 =	stileid.u32;
	s3 =	rddreg [dreg:$0x2];
	s12 =	simm.s32 $0x400  }
0x4: {  	s13 =	simm.s32 $0x1;
	s5 =	sand.u32 $0x1, s1;
	s2 =	sshll.u32 s0, $0x1  }
0x5: {  	s1 =	rddreg [dreg:$0x3];
	s8 =	sshrl.u32 s0, $0x2;
	s7 =	sor.u32 s5, s2  }
0x6: {  	s2 =	simm.s32 $0x0;
	s8 =	smul.u32 $0x13C00, s8;
	s5 =	ssub.s32 $0x2, s5  }
0x7: {  	s9 =	sshll.u32 s7, $0x7;
	[smem:$0x7FF] =	sst s2;
	s31 =	sshrl.u32 s5, $0x1  }
0x8: {  	s10 =	smul.u32 $0xA00, s7;
	p0 =	seq.s32 s7, $0x1F;
	s9 =	sand.u32 $0x380, s9  }
0x9: {  	s8 =	sor.u32 s8, s9;
	s9 =	ssub.s32 s5, s31;
	s5 =	simm.s32 $0xA00  }
0xa: {  	_ =	strace $0x80000047;
	s8 =	sshrl.u32 s8, $0x3;
	s5 =	simm.s32 @!p0 $0x2800  }
0xb: {  	s11 =	sadd.s32 s8, s3;
	s3 =	sadd.s32 s4, s10;
	s4 =	sadd.s32 $0x13600, s4  }
0xc: {  	s6 =	sadd.s32 s6, s8;
	s8 =	smax.u32 s9, $0x1;
	s9 =	simm.s32 $0x5000  }
0xd: {  	v0 =	vimm.f32 $0.0e+00;
	v1 =	vimm.f32 $1.000000000e+00;
	s10 =	simm.s32 $0x7780;
	s7 =	sadd.s32 $0x1E00, s11;
	s11 =	simm.s32 $0x80  }
.LBB2_1:
0xe: {  	s14 =	simm.s32 @p0 $0x0  }
0xf: {  	[tilespmem:s14], [sflag:$0x1] =	stream.linear.gather @p0 [hbm4b:s4+s14], $0x1400, $0x38;
	[tilespmem:$0x9F00] =	vst v63  }
0x10: {  	s14 =	simm.s32 @p0 $0x1  }
0x11: {  	_ =	swait.ge @p0 [sflag:s14], $0x1400  }
0x12: {  	[sflag:s14] =	ssyncset.done @p0 $0x0  }
0x13: {  	[sflag:s14] =	ssyncadd.s32 @p0 $0xFFFFEC00;
	s14 =	simm.s32 @!p0 $0x0  }
0x14: {  	[tilespmem:s14], [sflag:$0x1] =	stream.linear.gather @!p0 [hbm4b:s3+s14], $0x5000, $0x38;
	[tilespmem:$0x9F00] =	vst v63  }
0x15: {  	s14 =	simm.s32 @!p0 $0x1  }
0x16: {  	_ =	swait.ge @!p0 [sflag:s14], $0x5000  }
0x17: {  	[sflag:s14] =	ssyncset.done @!p0 $0x0  }
0x18: {  	[sflag:s14] =	ssyncadd.s32 @!p0 $0xFFFFB000;
	s14 =	simm.s32 $0x0  }
.LBB2_2:
0x19: {  	p1 =	sne.s32 s14, $0x9C00  }
.Ltmp0:
0x1a: {  	_ = 	snop;
	(pc) =	sbr.rel @p1 .LBB2_2-.Ltmp0, $4  }
0x1b: {  	_ = 	snop  }
0x1c: {  	s15 =	sshra.s32 s14, $0x2  }
0x1d: {  	[tilespmem:s15+$0x5000] =	vst v0  }
0x1e: {  	s14 =	sadd.s32 $0x40, s14;
	[tilespmem:s15+$0x7780] =	vst v0  }
0x1f: {  	s14 =	simm.s32 $0x0  }
0x20: {  	s15 =	sand.u32 $0x70, s14;
	s14 =	sand.u32 $0xFFFFFF00, s14  }
0x21: {  	s15 =	sor.u32 s15, s14  }
0x22: {  	v2 =	vld [tilespmem:s15+$0x0]  }
0x23: {  	v3 =	vld [tilespmem:s15+$0x80]  }
0x24: {  	p1 =	sne.s32 s5, $0x10  }
.Ltmp1:
0x25: {  	_ = 	snop;
	(pc) =	sbr.rel @!p1 .LBB2_5-.Ltmp1, $2  }
0x26: {  	_ =	sdelay $0x2  }
0x27: {  	s14 =	simm.s32 $0x10;
	s15 =	simm.s32 $0x20  }
.LBB2_4:
0x28: {  	s16 =	sand.u32 $0x70, s14;
	s17 =	sand.u32 $0xFFFFFF00, s15;
	[tilespmem:v2+s9+$0x0] =	vst.idx.add.f32.msk $0xffff, v1  }
0x29: {  	s14 =	sadd.s32 $0x10, s14;
	s16 =	sor.u32 s16, s17;
	[tilespmem:v3+s10+$0x0] =	vst.idx.add.f32.msk $0xffff, v1  }
0x2a: {  	p1 =	sne.s32 s5, s14;
	v2 =	vld [tilespmem:s16+$0x0]  }
0x2b: {  	v3 =	vld [tilespmem:s16+$0x80];
	_ =	sdelay $0x1  }
.Ltmp2:
0x2c: {  	(pc) =	sbr.rel @p1 .LBB2_4-.Ltmp2, $2  }
0x2d: {  	_ =	sdelay $0x2  }
0x2e: {  	s15 =	sadd.s32 $0x20, s15  }
.LBB2_5:
0x2f: {  	_ =	sdelay $0x3  }
0x30: {  	[tilespmem:v2+s9+$0x0] =	vst.idx.add.f32.msk $0xffff, v1  }
0x31: {  	[tilespmem:v3+s10+$0x0] =	vst.idx.add.f32.msk $0xffff, v1  }
0x32: {  	[hbm4b:s6+s11] =	stream.strided.scatter [tilespmem:s9], [sflag:$0x1], $0x2780, s12, s11, $0x38;
	[tilespmem:$0x9F00] =	vst v63  }
0x33: {  	s2 =	sadd.s32 $0x1, s2;
	_ =	swait.ge [sflag:s13], $0x2780  }
0x34: {  	p1 =	sne.s32 s2, s8;
	[sflag:s13] =	ssyncset.done $0x0  }
.Ltmp3:
0x35: {  	[sflag:s13] =	ssyncadd.s32 $0xFFFFD880;
	(pc) =	sbr.rel @p1 .LBB2_1-.Ltmp3, $4  }
0x36: {  	[hbm4b:s7+s11] =	stream.strided.scatter [tilespmem:s10], [sflag:$0x1], $0x2780, s12, s11, $0x38;
	[tilespmem:$0x9F00] =	vst v63  }
0x37: {  	_ =	swait.ge [sflag:s13], $0x2780  }
0x38: {  	[sflag:s13] =	ssyncset.done $0x0  }
0x39: {  	[sflag:s13] =	ssyncadd.s32 $0xFFFFD880  }
0x3a: {  	_ =	sfence.sel $0x180000  }
0x3b: {  	[bflag:$0x0] =	sbarrier.arrive $0xFFFF  }
0x3c: {  	p0 =	sne.s32 s0, $0x0;
	_ =	strace $0x90000047  }
0x3d: {  	s0 =	sadd.s32 @!p0 $0x100000, s1;
	[bflag:$0x2] =	sbarrier.arrive $0xFFFF  }
0x3e: {  	[sflag:s0] =	ssyncadd.tile.s32 @!p0 $0x1;
	_ =	shalt  }
.Lfunc_end2:
_tile_overlayer_lowered:
.L_overlay_start_2:
0x3f: {  	(tag) =	ssettag $0x2  }
0x40: {  	s0 =	rddreg [dreg:$0x0];
	s2 =	stileid.u32  }
0x41: {  	s1 =	rddreg [dreg:$0x1];
	p0 =	sne.s32 s2, $0x0  }
0x42: {  	s3 =	rddreg [dreg:$0x2];
	[bflag:$0x3] =	sbarrier.arrive $0xFFFF;
	s2 =	simm.s32 @!p0 $0x1C01  }
0x43: {  	[timem:s3], [sflag:s2] =	dma.local @!p0 [hbm:s0], s1  }
0x44: {  	s0 =	simm.s32 @!p0 $0x1  }
0x45: {  	_ =	swait.ge @!p0 [sflag:s0], s1  }
0x46: {  	s1 =	ssub.s32 @!p0 $0x0, s1;
	[sflag:s0] =	ssyncset.done @!p0 $0x0  }
0x47: {  	[sflag:s0] =	ssyncadd.s32 @!p0 s1  }
0x48: {  	[bflag:$0x3] =	sbarrier.arrive $0xFFFF  }
0x49: {  	_ =	shalt  }

// kernel: kernel.9.cloned.1.call-start
scs
__scs_entry_jumppad:
0x0: {  	(pc) =	sbr.rel $0x88, $3  }
0x1: {  	(tag) =	ssettag $0x0;
	lr =	simm.s32 $0x1  }
0x2: {  	[smem:$0x3F9D] =	sst lr;
	_ =	strace $0xD0000000  }
0x3: {  	_ = 	snop  }
0x4: {  	_ = 	snop  }
0x5: {  	_ = 	snop  }
0x6: {  	_ = 	snop  }
0x7: {  	_ = 	snop  }
__scs_overlays_trampoline_lowered:
0x8: {  	[smem:$0x3FAC] =	sst s0  }
0x9: {  	[smem:$0x3FAD] =	sst s1  }
0xa: {  	[smem:$0x3FAE] =	sst s2  }
0xb: {  	[smem:$0x3FAF] =	sst s3  }
0xc: {  	[smem:$0x3FB0] =	sst s4  }
0xd: {  	[smem:$0x3FB1] =	sst s5  }
0xe: {  	[smem:$0x3FB2] =	sst s6  }
0xf: {  	[smem:$0x3FB3] =	sst s7  }
0x10: {  	[smem:$0x3FB4] =	sst s8  }
0x11: {  	[smem:$0x3FB5] =	sst s9;
	s0 =	simm.s32 @!p0 $0x0  }
0x12: {  	s1 =	sld [smem:$0x3F9B];
	s0 =	simm.s32 @p0 $0x1  }
0x13: {  	[smem:$0x3FB6] =	sst s0;
	s0 =	simm.s32 @!p1 $0x0  }
0x14: {  	s2 =	sld [smem:$0x3F9A];
	s0 =	simm.s32 @p1 $0x1  }
0x15: {  	[smem:$0x3FB7] =	sst s0;
	s0 =	simm.s32 @!p2 $0x0  }
0x16: {  	s3 =	sld [smem:$0x3FDB];
	s0 =	simm.s32 @p2 $0x1  }
0x17: {  	s4 =	simm.s32 $0x1BF5;
	[smem:$0x3FB9] =	sst s0  }
0x18: {  	s0 =	sld [smem:$0x3F9C];
	_ =	swait.ge [sflag:s4], $0x0  }
0x19: {  	s7 =	sld [smem:$0x3F9D]  }
0x1a: {  	s8 =	sadd.s32 $0xFFFFE003, lr  }
0x1b: {  	s9 =	sadd.s32 $0xFFFFFEF7, lr;
	s5 =	simm.s32 $0xFFFFFFFF;
	p2 =	slt.u32 s8, $0xFFFFF086  }
0x1c: {  	p1 =	slt.u32 s9, $0xF7A;
	s5 =	simm.s32 @!p2 $0x0  }
0x1d: {  	s5 =	simm.s32 @p1 $0x1;
	p0 =	seq.s32 s7, s2  }
0x1e: {  	s7 =	smul.u32 @!p0 $0xF7A, s2;
	p2 =	seq.s32 @!p0 s5, $0x0  }
0x1f: {  	s9 =	smul.u32 $0xF7A, s1;
	s8 =	simm.s32 @!p0 $0x1BF5;
	p2 =	por !p2, p0  }
0x20: {  	[sflag:s8] =	ssyncset.s32 @!p0 $0xFFFFF086;
	s6 =	sadd.s32 @!p0 s3, s7;
	s7 =	simm.s32 @!p0 $0x108  }
0x21: {  	s3 =	sadd.s32 s3, s9;
	s6 =	sadd.s32 @!p0 $0x88, s6;
	s7 =	simm.s32 @p2 $0x1082  }
0x22: {  	[simem:s7], [sflag:s8] =	dma.local @!p0 [hbm:s6], $0xF7A  }
0x23: {  	s9 =	sor.u32 $0xD0000000, s2;
	s6 =	simm.s32 $0x108;
	_ =	swait.ge @!p0 [sflag:s8], $0x0  }
0x24: {  	s3 =	sadd.s32 $0x88, s3;
	s6 =	simm.s32 @!p1 $0x1082;
	[sflag:s4] =	ssyncset.s32 $0xFFFFF086  }
0x25: {  	[simem:s6], [sflag:s4] =	dma.local [hbm:s3], $0xF7A  }
0x26: {  	[smem:$0x3F9D] =	sst s1;
	(tag) =	ssettag s2;
	_ =	strace s9  }
0x27: {  	s1 =	sld [smem:$0x3FAD]  }
0x28: {  	s2 =	sld [smem:$0x3FAE]  }
0x29: {  	s4 =	sld [smem:$0x3FB0]  }
0x2a: {  	p0 =	seq.s32 s5, $0x0;
	s5 =	sld [smem:$0x3FB1]  }
0x2b: {  	s6 =	sld [smem:$0x3FB2]  }
0x2c: {  	s7 =	sld [smem:$0x3FB3]  }
0x2d: {  	s3 =	simm.s32 $0x108;
	s8 =	sld [smem:$0x3FB4]  }
0x2e: {  	s3 =	simm.s32 @!p0 $0x1082;
	s9 =	sld [smem:$0x3FB5]  }
0x2f: {  	lr =	sadd.s32 s0, s3;
	s0 =	sld [smem:$0x3FAC]  }
0x30: {  	s3 =	sld [smem:$0x3FAF]  }
0x31: {  	[smem:$0x3FB8] =	sst s10  }
0x32: {  	s10 =	sld [smem:$0x3FB6];
	_ =	sdelay $0x3  }
0x33: {  	p0 =	seq.s32 s10, $0x1;
	s10 =	sld [smem:$0x3FB8];
	_ =	sdelay $0x3  }
0x34: {  	[smem:$0x3FB8] =	sst s10  }
0x35: {  	s10 =	sld [smem:$0x3FB7];
	_ =	sdelay $0x3  }
0x36: {  	p1 =	seq.s32 s10, $0x1;
	s10 =	sld [smem:$0x3FB8];
	_ =	sdelay $0x3  }
0x37: {  	[smem:$0x3FB8] =	sst s10  }
0x38: {  	s10 =	sld [smem:$0x3FB9]  }
0x39: {  	_ = 	snop;
	(pc) =	sbr.ind lr, $3  }
0x3a: {  	_ = 	snop  }
0x3b: {  	_ = 	snop  }
0x3c: {  	p2 =	seq.s32 s10, $0x1;
	s10 =	sld [smem:$0x3FB8]  }
0x3d: {  	_ =	shalt  }
0x3e: {  	_ =	shalt  }
0x3f: {  	_ =	shalt  }
0x40: {  	_ =	shalt  }
0x41: {  	_ =	shalt  }
0x42: {  	_ =	shalt  }
0x43: {  	_ =	shalt  }
0x44: {  	_ =	shalt  }
0x45: {  	_ =	shalt  }
0x46: {  	_ =	shalt  }
0x47: {  	_ =	shalt  }
0x48: {  	_ =	shalt  }
0x49: {  	_ =	shalt  }
0x4a: {  	_ =	shalt  }
0x4b: {  	_ =	shalt  }
0x4c: {  	_ =	shalt  }
0x4d: {  	_ =	shalt  }
0x4e: {  	_ =	shalt  }
0x4f: {  	_ =	shalt  }
0x50: {  	_ =	shalt  }
0x51: {  	_ =	shalt  }
0x52: {  	_ =	shalt  }
0x53: {  	_ =	shalt  }
0x54: {  	_ =	shalt  }
0x55: {  	_ =	shalt  }
0x56: {  	_ =	shalt  }
0x57: {  	_ =	shalt  }
0x58: {  	_ =	shalt  }
0x59: {  	_ =	shalt  }
0x5a: {  	_ =	shalt  }
0x5b: {  	_ =	shalt  }
0x5c: {  	_ =	shalt  }
0x5d: {  	_ =	shalt  }
0x5e: {  	_ =	shalt  }
0x5f: {  	_ =	shalt  }
0x60: {  	_ =	shalt  }
0x61: {  	_ =	shalt  }
0x62: {  	_ =	shalt  }
0x63: {  	_ =	shalt  }
0x64: {  	_ =	shalt  }
0x65: {  	_ =	shalt  }
0x66: {  	_ =	shalt  }
0x67: {  	_ =	shalt  }
0x68: {  	_ =	shalt  }
0x69: {  	_ =	shalt  }
0x6a: {  	_ =	shalt  }
0x6b: {  	_ =	shalt  }
0x6c: {  	_ =	shalt  }
0x6d: {  	_ =	shalt  }
0x6e: {  	_ =	shalt  }
0x6f: {  	_ =	shalt  }
0x70: {  	_ =	shalt  }
0x71: {  	_ =	shalt  }
0x72: {  	_ =	shalt  }
0x73: {  	_ =	shalt  }
0x74: {  	_ =	shalt  }
0x75: {  	_ =	shalt  }
0x76: {  	_ =	shalt  }
0x77: {  	_ =	shalt  }
0x78: {  	_ =	shalt  }
0x79: {  	_ =	shalt  }
0x7a: {  	_ =	shalt  }
0x7b: {  	_ =	shalt  }
0x7c: {  	_ =	shalt  }
0x7d: {  	_ =	shalt  }
0x7e: {  	_ =	shalt  }
0x7f: {  	_ =	shalt  }
0x80: {  	_ =	shalt  }
0x81: {  	_ =	shalt  }
0x82: {  	_ =	shalt  }
0x83: {  	_ =	shalt  }
0x84: {  	_ =	shalt  }
0x85: {  	_ =	shalt  }
0x86: {  	_ =	shalt  }
0x87: {  	_ =	shalt  }
.Lfunc_end0:
.L_simem_size_0:
called_computation.1_lowered:
.L_overlay_start_0:
0x88: {  	s2 =	sld [smem:$0x3FD9]  }
0x89: {  	s3 =	sld [smem:$0x3FFE];
	_ =	sdelay $0x1  }
0x8a: {  	s1 =	srdreg.scid  }
0x8b: {  	s0 =	sand.u32 $0x1, s1  }
0x8c: {  	s17 =	sshll.u32 s0, $0xA;
	s2 =	sadd.s32 s3, s2  }
0x8d: {  	s2 =	sadd.s32 s2, s17  }
0x8e: {  	[smem:$0x3FC4] =	sst s2  }
0x8f: {  	_ = 	snop  }
0x90: {  	s2 =	sld [smem:$0x3FD0];
	(tm) =	ssettm $0x1  }
0x91: {  	s18 =	sld [smem:$0x3FFB];
	_ =	sdelay $0x3  }
0x92: {  	_ =	strace s18  }
0x93: {  	s3 =	sld [smem:$0x3FFC];
	_ =	sdelay $0x3  }
0x94: {  	_ =	strace s3  }
0x95: {  	s3 =	sld [smem:$0x3FFD];
	_ =	sdelay $0x3  }
0x96: {  	_ =	strace s3  }
0x97: {  	_ =	strace $0x8FFFFFFF  }
0x98: {  	s19 =	sld [smem:$0x3FDB];
	_ =	sdelay $0x1  }
0x99: {  	s4 =	simm.s32 $_scs_section_size  }
0x9a: {  	s5 =	simm.s32 $_size__tile_overlayer_lowered;
	s6 =	simm.s32 $_tile_overlayer_lowered  }
0x9b: {  	s22 =	simm.s32 $0x1BFF;
	s21 =	sshll.u32 s6, $0x1;
	s3 =	sadd.s32 s4, s19  }
0x9c: {  	s7 =	simm.s32 $0x0;
	s20 =	sshll.u32 s5, $0x1;
	s5 =	sadd.s32 s21, s3  }
0x9d: {  	[timem:s7], [sflag:s22] =	dma.local [hbm:s5], s20  }
0x9e: {  	_ =	swait.ge [sflag:s22], s20  }
0x9f: {  	s4 =	ssub.s32 $0x0, s20;
	[sflag:s22] =	ssyncset.done $0x0  }
0xa0: {  	[sflag:s22] =	ssyncadd.s32 s4;
	_ =	sdelay $0x1  }
0xa1: {  	s23 =	simm.s32 $0x1B8B  }
0xa2: {  	_ =	swait.ge [sflag:s23], $0x1  }
0xa3: {  	[sflag:s23] =	ssyncset.done $0x0  }
0xa4: {  	s25 =	simm.s32 $0x1B8E;
	s24 =	sld [smem:$0x3FFE];
	[sflag:s23] =	ssyncadd.s32 $0xFFFFFFFF  }
0xa5: {  	s26 =	simm.s32 $execute0_lowered;
	[smem:$0x3FD2] =	sst s25  }
0xa6: {  	s5 =	sshll.u32 s26, $0x1;
	_ =	strace $0x80000049;
	[dreg:$0x1] =	wrdreg $0xFFFFFFFF  }
0xa7: {  	s28 =	simm.s32 $_size_execute0_lowered;
	s3 =	sadd.s32 s3, s5;
	[dreg:$0x0] =	wrdreg $0x0  }
0xa8: {  	s5 =	sshll.u32 s28, $0x1;
	[dreg:$0x2] =	wrdreg s3  }
0xa9: {  	[dreg:$0x3] =	wrdreg s5  }
0xaa: {  	[dreg:$0x4] =	wrdreg $0xC0  }
0xab: {  	_ =	task [dreg:s7], $0x5FFFF  }
0xac: {  	[dreg:$0x1] =	wrdreg $0xFFFFFFFF  }
0xad: {  	[dreg:$0x0] =	wrdreg $0x60  }
0xae: {  	[dreg:$0x2] =	wrdreg s24  }
0xaf: {  	[dreg:$0x3] =	wrdreg s2  }
0xb0: {  	[dreg:$0x4] =	wrdreg $0x59000  }
0xb1: {  	[dreg:$0x5] =	wrdreg $0x9  }
0xb2: {  	_ =	task.clear_ibuf [dreg:s7], $0x6FFFF;
	_ =	strace $0x90000049  }
0xb3: {  	s29 =	simm.s32 $0x9;
	_ =	strace $0x8000004B  }
0xb4: {  	_ =	swait.ge [sflag:s29], $0x1  }
0xb5: {  	[sflag:s29] =	ssyncadd.s32 $0xFFFFFFFF  }
0xb6: {  	_ =	strace $0x9000004B  }
0xb7: {  	_ =	sfence  }
0xb8: {  	s30 =	sld [smem:$0x0];
	_ =	sdelay $0x2  }
0xb9: {  	s31 =	sshll.u32 s1, $0xD;
	s1 =	sshrl.u32 s1, $0x2  }
0xba: {  	s3 =	sand.u32 $0x4000, s31;
	s1 =	sadd.s32 s1, s30  }
0xbb: {  	s0 =	sor.u32 s3, s0;
	s1 =	sshll.u32 s1, $0x11  }
0xbc: {  	s0 =	sor.u32 s1, s0  }
0xbd: {  	s0 =	sadd.s32 $0x8F2B, s0  }
0xbe: {  	[sflag:s0] =	ssyncadd.remote.s32 $0x1  }
0xbf: {  	_ =	sfence.sel $0xFFFF  }
0xc0: {  	[dreg:$0x0] =	wrdreg $0xFFFFFFFF;
	(pc) =	sbr.abs _section_cstart, $3  }
0xc1: {  	[dreg:$0x1] =	wrdreg $0xFFFFFFFF  }
0xc2: {  	_ =	task.clear_ibuf [dreg:s7], $0x2FFFF;
	_ =	strace $0x9FFFFFFF  }
0xc3: {  	(tm) =	ssettm $0x7FFFFFFF  }
tec
execute0_lowered:
.L_overlay_start_1:
0x0: {  	(tag) =	ssettag $0x1  }
0x1: {  	s0 =	srdreg.scid;
	s10 =	stileid.u32  }
0x2: {  	s1 =	rddreg [dreg:$0x0];
	s7 =	sand.u32 $0x1, s0;
	s16 =	sshll.u32 s10, $0x1  }
0x3: {  	s6 =	rddreg [dreg:$0x1];
	s0 =	sor.u32 s7, s16  }
0x4: {  	s25 =	rddreg [dreg:$0x2];
	s5 =	ssub.s32 $0x2, s7;
	s4 =	smul.u32 $0x2710, s0  }
0x5: {  	s3 =	simm.s32 $0x0;
	s0 =	sadd.s32 $0xBC00, s1;
	s17 =	sshrl.u32 s5, $0x1  }
0x6: {  	s8 =	sshrl.u32 s4, $0x3;
	s4 =	sadd.s32 $0x1F600, s1;
	s1 =	ssub.s32 s5, s17  }
0x7: {  	s28 =	simm.s32 $0x2D0;
	[smem:$0x7FF] =	sst s3;
	s1 =	smax.u32 s1, $0x1  }
0x8: {  	_ =	strace $0x8000004A;
	s11 =	sadd.s32 s0, s8;
	[smem:$0x7EF] =	sst s1  }
0x9: {  	s19 =	smul.u32 $0x27000, s10;
	s18 =	sadd.s32 $0x9C40, s11;
	[dreg:$0x14] =	wrdreg s11  }
0xa: {  	p0 =	seq.s32 s10, $0xF;
	s20 =	sadd.s32 $0xA, s11;
	[dreg:$0x15] =	wrdreg s18  }
0xb: {  	s9 =	smul.u32 $0x138800, s7;
	s21 =	sadd.s32 $0x9C4A, s11;
	[dreg:$0x16] =	wrdreg s20  }
0xc: {  	s7 =	smul.u32 $0x2710, s7;
	s22 =	sadd.s32 $0x14, s11;
	[dreg:$0x17] =	wrdreg s21  }
0xd: {  	s5 =	smul.u32 $0x13800, s10;
	s23 =	sadd.s32 $0x9C54, s11;
	[dreg:$0x18] =	wrdreg s22  }
0xe: {  	s10 =	smul.u32 $0x4E20, s10;
	s12 =	sadd.s32 $0x1E, s11;
	[dreg:$0x19] =	wrdreg s23  }
0xf: {  	s8 =	sshrl.u32 s19, $0x2;
	s13 =	sadd.s32 $0x9C5E, s11;
	[dreg:$0x1a] =	wrdreg s12  }
0x10: {  	s8 =	sadd.s32 s8, s25;
	s24 =	sadd.s32 $0x28, s11;
	[dreg:$0x1c] =	wrdreg s13  }
0x11: {  	s26 =	sadd.s32 s5, s9;
	s7 =	sadd.s32 s7, s10;
	[dreg:$0x1d] =	wrdreg s8  }
0x12: {  	s31 =	sadd.s32 $0x9C68, s11;
	s9 =	sshrl.u32 s9, $0x4;
	[dreg:$0x1e] =	wrdreg s24  }
0x13: {  	s12 =	simm.s32 $0x28;
	[dreg:$0x1f] =	wrdreg s31;
	s8 =	sshrl.u32 s26, $0x4  }
0x14: {  	s2 =	sadd.s32 $0x500, s7;
	s13 =	sadd.s32 $0x4E700, s7;
	s15 =	sadd.s32 $0x550, s7  }
0x15: {  	s16 =	sadd.s32 $0x4E750, s7;
	s20 =	sadd.s32 $0x5A0, s7;
	s22 =	sadd.s32 $0x4E7A0, s7  }
0x16: {  	s23 =	sadd.s32 $0x5F0, s7;
	s12 =	simm.s32 @!p0 $0x27;
	s8 =	sadd.s32 s6, s8  }
0x17: {  	s10 =	sshrl.u32 s2, $0x3;
	s6 =	sadd.s32 s6, s9;
	s14 =	sshrl.u32 s13, $0x3  }
0x18: {  	s9 =	sshrl.u32 s15, $0x3;
	s18 =	sshrl.u32 s16, $0x3;
	[dreg:$0x1b] =	wrdreg s12  }
0x19: {  	s21 =	sshrl.u32 s20, $0x3;
	[smem:$0x7E9] =	sst s8;
	s12 =	sadd.s32 s10, s0  }
0x1a: {  	s26 =	sshrl.u32 s23, $0x3;
	s8 =	sadd.s32 s14, s0;
	[dreg:$0x4] =	wrdreg s12  }
0x1b: {  	s2 =	sadd.s32 $0x4E7F0, s7;
	s17 =	sadd.s32 s9, s0;
	[dreg:$0x5] =	wrdreg s8  }
0x1c: {  	s13 =	sadd.s32 $0x4E6B0, s7;
	s19 =	sadd.s32 s18, s0;
	[dreg:$0x6] =	wrdreg s17  }
0x1d: {  	s20 =	sadd.s32 $0x410, s7;
	s31 =	sadd.s32 s26, s0;
	[dreg:$0x7] =	wrdreg s19  }
0x1e: {  	s10 =	sshrl.u32 s2, $0x3;
	s2 =	sadd.s32 $0x32, s11;
	[dreg:$0xa] =	wrdreg s31  }
0x1f: {  	s15 =	sshrl.u32 s13, $0x3;
	s13 =	sadd.s32 $0x3C, s11;
	[smem:$0x7EA] =	sst s2  }
0x20: {  	s9 =	sshrl.u32 s22, $0x3;
	s6 =	sadd.s32 $0x12480, s6;
	[smem:$0x7EC] =	sst s13  }
0x21: {  	s22 =	sshrl.u32 s20, $0x3;
	s20 =	sadd.s32 $0x9C9A, s11;
	[smem:$0x7EE] =	sst s6  }
0x22: {  	s29 =	simm.s32 $0xA0;
	s8 =	sadd.s32 s21, s0;
	[smem:$0x7F7] =	sst s20  }
0x23: {  	s30 =	simm.s32 $0x320;
	s24 =	sadd.s32 s9, s0;
	[dreg:$0x8] =	wrdreg s8  }
0x24: {  	s5 =	sshrl.u32 s5, $0x1;
	s16 =	sadd.s32 s15, s0;
	[dreg:$0x9] =	wrdreg s24  }
0x25: {  	s1 =	simm.s32 $0x0;
	s23 =	sadd.s32 s22, s0;
	[dreg:$0xd] =	wrdreg s16  }
0x26: {  	s5 =	sadd.s32 s5, s25;
	s15 =	sadd.s32 $0x46, s11;
	[dreg:$0x10] =	wrdreg s23  }
0x27: {  	s12 =	sadd.s32 $0x4B0, s7;
	s22 =	sadd.s32 $0x9CA4, s11;
	[smem:$0x7F2] =	sst s15  }
0x28: {  	s17 =	sadd.s32 $0x460, s7;
	s8 =	sadd.s32 s10, s0;
	[smem:$0x7F9] =	sst s22  }
0x29: {  	s9 =	sshrl.u32 s12, $0x3;
	s12 =	sadd.s32 $0x9C72, s11;
	[dreg:$0xb] =	wrdreg s8  }
0x2a: {  	s19 =	sadd.s32 $0x4E660, s7;
	s16 =	sadd.s32 $0x9C86, s11;
	[smem:$0x7EB] =	sst s12  }
0x2b: {  	s18 =	sshrl.u32 s17, $0x3;
	s17 =	sadd.s32 $0x50, s11;
	[smem:$0x7F3] =	sst s16  }
0x2c: {  	s31 =	sadd.s32 $0x3C0, s7;
	s23 =	sadd.s32 $0x6E, s11;
	[smem:$0x7F4] =	sst s17  }
0x2d: {  	s13 =	simm.s32 $0x50;
	s14 =	sadd.s32 s9, s0;
	[smem:$0x7FA] =	sst s23  }
0x2e: {  	s20 =	simm.s32 $0x4100;
	s8 =	sadd.s32 s18, s0;
	[dreg:$0xc] =	wrdreg s14  }
0x2f: {  	s24 =	sadd.s32 $0x4E610, s7;
	s18 =	sadd.s32 $0x9C90, s11;
	[dreg:$0xe] =	wrdreg s8  }
0x30: {  	s9 =	sshrl.u32 s19, $0x3;
	s19 =	sadd.s32 $0x5A, s11;
	[smem:$0x7F5] =	sst s18  }
0x31: {  	s26 =	sshrl.u32 s24, $0x3;
	s24 =	sadd.s32 $0x9CAE, s11;
	[smem:$0x7F6] =	sst s19  }
0x32: {  	s2 =	simm.s32 $0x18;
	s21 =	sadd.s32 s9, s0;
	[smem:$0x7FB] =	sst s24  }
0x33: {  	s7 =	sadd.s32 $0x4E5C0, s7;
	s8 =	sadd.s32 s26, s0;
	[dreg:$0xf] =	wrdreg s21  }
0x34: {  	s7 =	sshrl.u32 s7, $0x3;
	s14 =	sadd.s32 $0x9C7C, s11;
	[dreg:$0x11] =	wrdreg s8  }
0x35: {  	s23 =	simm.s32 $0x280;
	s26 =	sadd.s32 $0x4D8, s11;
	[smem:$0x7ED] =	sst s14  }
0x36: {  	s9 =	sshrl.u32 s31, $0x3;
	s31 =	sadd.s32 $0xA118, s11;
	[smem:$0x7FC] =	sst s26  }
0x37: {  	s24 =	simm.s32 $0x1900;
	s10 =	sadd.s32 s9, s0;
	[smem:$0x7FD] =	sst s31  }
0x38: {  	s0 =	sadd.s32 s7, s0;
	s21 =	sadd.s32 $0x64, s11;
	[dreg:$0x12] =	wrdreg s10  }
0x39: {  	s7 =	simm.s32 $0xF0;
	[dreg:$0x13] =	wrdreg s0;
	s0 =	sadd.s32 $0x92400, s25  }
0x3a: {  	s26 =	simm.s32 $0x500;
	[smem:$0x7F8] =	sst s21;
	s0 =	sshrl.u32 @p0 s0, $0x3  }
0x3b: {  	s9 =	simm.s32 $0x11;
	[smem:$0x7F0] =	sst s0;
	s0 =	sshrl.u32 @!p0 s5, $0x3  }
0x3c: {  	v0 =	vimm.bf16 $0.0e+00;
	s8 =	simm.s32 $0x2D00;
	s5 =	simm.s32 $0x370;
	[smem:$0x7F1] =	sst s0  }
.LBB2_1:
0x3d: {  	s6 =	rddreg [dreg:$0x14]  }
0x3e: {  	[tilespmem:s3], [sflag:$0x1] =	stream.linear.gather [hbm4b:s6+s3], $0x50, $0x38;
	[tilespmem:$0xF540] =	vst v63  }
0x3f: {  	s18 =	rddreg [dreg:$0x15]  }
0x40: {  	[tilespmem:s23], [sflag:$0x9] =	stream.linear.gather [hbm4b:s18+s3], $0x50, $0x38;
	[tilespmem:$0xF540] =	vst v63  }
0x41: {  	s19 =	rddreg [dreg:$0x16]  }
0x42: {  	[tilespmem:s13], [sflag:$0x2] =	stream.linear.gather [hbm4b:s19+s3], $0x50, $0x38;
	[tilespmem:$0xF540] =	vst v63  }
0x43: {  	s21 =	rddreg [dreg:$0x17]  }
0x44: {  	[tilespmem:s28], [sflag:$0xA] =	stream.linear.gather [hbm4b:s21+s3], $0x50, $0x38;
	[tilespmem:$0xF540] =	vst v63  }
0x45: {  	s22 =	rddreg [dreg:$0x18]  }
0x46: {  	[tilespmem:s29], [sflag:$0x3] =	stream.linear.gather [hbm4b:s22+s3], $0x50, $0x38;
	[tilespmem:$0xF540] =	vst v63  }
0x47: {  	s31 =	sand.u32 $0xF00, s3;
	s23 =	rddreg [dreg:$0x19];
	s28 =	sand.u32 $0x60, s3  }
0x48: {  	[tilespmem:s30], [sflag:$0xB] =	stream.linear.gather [hbm4b:s23+s3], $0x50, $0x38;
	[tilespmem:$0xF540] =	vst v63  }
0x49: {  	s28 =	sshrl.u32 s28, $0x1;
	s29 =	rddreg [dreg:$0x1a];
	s23 =	sshrl.u32 s31, $0x2  }
0x4a: {  	[tilespmem:s7], [sflag:$0x4] =	stream.linear.gather [hbm4b:s29+s3], $0x50, $0x38;
	[tilespmem:$0xF540] =	vst v63  }
0x4b: {  	s30 =	rddreg [dreg:$0x1c];
	s28 =	sor.u32 s28, s23  }
0x4c: {  	[tilespmem:s5], [sflag:$0xC] =	stream.linear.gather [hbm4b:s30+s3], $0x50, $0x38;
	[tilespmem:$0xF540] =	vst v63  }
0x4d: {  	s10 =	simm.s32 $0xF0;
	s23 =	simm.s32 $0x40;
	[tilespmem:s28+$0x5500] =	vst v0;
	s28 =	simm.s32 $0x0  }
.LBB2_2:
0x4e: {  	p1 =	sne.s32 s23, $0xFC0  }
.Ltmp0:
0x4f: {  	s29 =	sand.u32 $0xF00, s23;
	s28 =	sadd.s32 $0x20, s28;
	(pc) =	sbr.rel @p1 .LBB2_2-.Ltmp0, $4  }
0x50: {  	s23 =	sadd.s32 $0x40, s23;
	s6 =	sand.u32 $0x60, s28  }
0x51: {  	s29 =	sshrl.u32 s29, $0x2;
	s6 =	sshrl.u32 s6, $0x1  }
0x52: {  	s6 =	sor.u32 s6, s29  }
0x53: {  	[tilespmem:s6+$0x5500] =	vst v0  }
0x54: {  	s6 =	rddreg [dreg:$0x1b]  }
0x55: {  	p1 =	sne.s32 s6, $0x1  }
.Ltmp1:
0x56: {  	[smem:$0x7E8] =	sst s1;
	(pc) =	sbr.rel @!p1 .LBB2_5-.Ltmp1, $4  }
0x57: {  	s28 =	rddreg [dreg:$0x1d];
	s12 =	simm.s32 $0x5500;
	s14 =	simm.s32 $0x19  }
0x58: {  	[spmem:s28] =	stream.linear.scatter [tilespmem:s12], [sflag:$0x19], $0x400, $0x38;
	[tilespmem:$0xF540] =	vst v63  }
0x59: {  	_ =	swait.ge [sflag:s14], $0x400  }
0x5a: {  	s23 =	sadd.s32 $0xFFFFFFFF, s6;
	[sflag:s14] =	ssyncset.done $0x0  }
.LBB2_4:
0x5b: {  	p1 =	sne.s32 s23, $0x1;
	[sflag:s14] =	ssyncadd.s32 $0xFFFFFC00;
	s28 =	sadd.s32 $0x400, s28  }
.Ltmp2:
0x5c: {  	s23 =	sadd.s32 $0xFFFFFFFF, s23;
	(pc) =	sbr.rel @p1 .LBB2_4-.Ltmp2, $4  }
0x5d: {  	_ = 	snop  }
0x5e: {  	[spmem:s28] =	stream.linear.scatter [tilespmem:s12], [sflag:$0x19], $0x400, $0x38;
	[tilespmem:$0xF540] =	vst v63  }
0x5f: {  	_ =	swait.ge [sflag:s14], $0x400  }
0x60: {  	[sflag:s14] =	ssyncset.done $0x0  }
.LBB2_5:
0x61: {  	[sflag:s14] =	ssyncadd.s32 $0xFFFFFC00  }
0x62: {  	s29 =	simm.s32 $0x1;
	[bflag:$0x0] =	sbarrier.arrive $0xFFFF  }
0x63: {  	_ =	swait.ge [sflag:s29], $0x50  }
0x64: {  	[sflag:s29] =	ssyncset.done $0x0  }
0x65: {  	s5 =	simm.s32 $0x9;
	[sflag:s29] =	ssyncadd.s32 $0xFFFFFFB0  }
0x66: {  	_ =	swait.ge [sflag:s5], $0x50  }
0x67: {  	[sflag:s5] =	ssyncset.done $0x0  }
0x68: {  	s23 =	simm.s32 $0x0;
	[sflag:s5] =	ssyncadd.s32 $0xFFFFFFB0  }
0x69: {  	[tilespmem:s26], [sflag:$0x11] =	stream.indirect.gather [hbm4b:s4+s13], $0x40, s23, s13, $0xb8;
	[tilespmem:$0xF540] =	vst v63  }
0x6a: {  	s0 =	simm.s32 $0x140;
	s6 =	rddreg [dreg:$0x1e]  }
0x6b: {  	[tilespmem:s0], [sflag:$0x5] =	stream.linear.gather [hbm4b:s6+s23], $0x50, $0x38;
	[tilespmem:$0xF540] =	vst v63  }
0x6c: {  	s30 =	simm.s32 $0x3C0;
	s12 =	simm.s32 $0x2;
	s22 =	rddreg [dreg:$0x1f]  }
0x6d: {  	[tilespmem:s30], [sflag:$0xD] =	stream.linear.gather [hbm4b:s22+s23], $0x50, $0x38;
	[tilespmem:$0xF540] =	vst v63  }
0x6e: {  	_ =	swait.ge [sflag:s12], $0x50  }
0x6f: {  	[sflag:s12] =	ssyncset.done $0x0  }
0x70: {  	s7 =	simm.s32 $0xA;
	[sflag:s12] =	ssyncadd.s32 $0xFFFFFFB0  }
0x71: {  	_ =	swait.ge [sflag:s7], $0x50  }
0x72: {  	[sflag:s7] =	ssyncset.done $0x0  }
0x73: {  	[sflag:s7] =	ssyncadd.s32 $0xFFFFFFB0  }
0x74: {  	[tilespmem:s24], [sflag:$0x12] =	stream.indirect.gather [hbm4b:s4+s13], $0x40, s13, s13, $0xb8;
	[tilespmem:$0xF540] =	vst v63  }
0x75: {  	_ =	swait.ge [sflag:s9], $0x1400  }
0x76: {  	[sflag:s9] =	ssyncset.done $0x0  }
0x77: {  	s6 =	simm.s32 $0x280;
	[sflag:s9] =	ssyncadd.s32 $0xFFFFEC00;
	s9 =	sld [smem:$0x7EA]  }
0x78: {  	[spmem:s25] =	stream.indirect.scatter.add.bf16 [tilespmem:s26], [sflag:$0x15], $0x40, s6, s13, $0xb8;
	[tilespmem:$0xF540] =	vst v63  }
0x79: {  	s11 =	simm.s32 $0x190;
	s14 =	sld [smem:$0x7EB]  }
0x7a: {  	[tilespmem:s11], [sflag:$0x6] =	stream.linear.gather [hbm4b:s9+s23], $0x50, $0x38;
	[tilespmem:$0xF540] =	vst v63  }
0x7b: {  	s16 =	simm.s32 $0x410  }
0x7c: {  	[tilespmem:s16], [sflag:$0xE] =	stream.linear.gather [hbm4b:s14+s23], $0x50, $0x38;
	[tilespmem:$0xF540] =	vst v63  }
0x7d: {  	s16 =	simm.s32 $0x3  }
0x7e: {  	_ =	swait.ge [sflag:s16], $0x50  }
0x7f: {  	[sflag:s16] =	ssyncset.done $0x0  }
0x80: {  	s14 =	simm.s32 $0xB;
	[sflag:s16] =	ssyncadd.s32 $0xFFFFFFB0  }
0x81: {  	_ =	swait.ge [sflag:s14], $0x50  }
0x82: {  	[sflag:s14] =	ssyncset.done $0x0  }
0x83: {  	s17 =	simm.s32 $0xA0;
	s11 =	simm.s32 $0x12;
	[sflag:s14] =	ssyncadd.s32 $0xFFFFFFB0  }
0x84: {  	[tilespmem:s8], [sflag:$0x13] =	stream.indirect.gather [hbm4b:s4+s13], $0x40, s17, s13, $0xb8;
	[tilespmem:$0xF540] =	vst v63  }
0x85: {  	_ =	swait.ge [sflag:s11], $0x1400  }
0x86: {  	[sflag:s11] =	ssyncset.done $0x0  }
0x87: {  	s18 =	simm.s32 $0x2D0;
	s19 =	sld [smem:$0x7EC];
	[sflag:s11] =	ssyncadd.s32 $0xFFFFEC00  }
0x88: {  	[spmem:s25] =	stream.indirect.scatter.add.bf16 [tilespmem:s24], [sflag:$0x16], $0x40, s18, s13, $0xb8;
	[tilespmem:$0xF540] =	vst v63  }
0x89: {  	s21 =	simm.s32 $0x1E0;
	s24 =	sld [smem:$0x7ED]  }
0x8a: {  	[tilespmem:s21], [sflag:$0x7] =	stream.linear.gather [hbm4b:s19+s23], $0x50, $0x38;
	[tilespmem:$0xF540] =	vst v63  }
0x8b: {  	s26 =	simm.s32 $0x460;
	s21 =	simm.s32 $0x4  }
0x8c: {  	[tilespmem:s26], [sflag:$0xF] =	stream.linear.gather [hbm4b:s24+s23], $0x50, $0x38;
	[tilespmem:$0xF540] =	vst v63  }
0x8d: {  	_ =	swait.ge [sflag:s21], $0x50  }
0x8e: {  	[sflag:s21] =	ssyncset.done $0x0  }
0x8f: {  	s17 =	simm.s32 $0xC;
	[sflag:s21] =	ssyncadd.s32 $0xFFFFFFB0  }
0x90: {  	_ =	swait.ge [sflag:s17], $0x50  }
0x91: {  	[sflag:s17] =	ssyncset.done $0x0  }
0x92: {  	s18 =	simm.s32 $0x13;
	[sflag:s17] =	ssyncadd.s32 $0xFFFFFFB0  }
0x93: {  	[tilespmem:s20], [sflag:$0x14] =	stream.indirect.gather [hbm4b:s4+s13], $0x40, s10, s13, $0xb8;
	[tilespmem:$0xF540] =	vst v63  }
0x94: {  	_ =	swait.ge [sflag:s18], $0x1400  }
0x95: {  	[sflag:s18] =	ssyncset.done $0x0  }
0x96: {  	s6 =	simm.s32 $0x320;
	s10 =	sld [smem:$0x7F2];
	[sflag:s18] =	ssyncadd.s32 $0xFFFFEC00  }
0x97: {  	[spmem:s25] =	stream.indirect.scatter.add.bf16 [tilespmem:s8], [sflag:$0x17], $0x40, s6, s13, $0xb8;
	[tilespmem:$0xF540] =	vst v63  }
0x98: {  	s19 =	simm.s32 $0x230;
	s24 =	sld [smem:$0x7F3]  }
0x99: {  	[tilespmem:s19], [sflag:$0x8] =	stream.linear.gather [hbm4b:s10+s23], $0x50, $0x38;
	[tilespmem:$0xF540] =	vst v63  }
0x9a: {  	s28 =	simm.s32 $0x5;
	s26 =	simm.s32 $0x4B0  }
0x9b: {  	[tilespmem:s26], [sflag:$0x10] =	stream.linear.gather [hbm4b:s24+s23], $0x50, $0x38;
	[tilespmem:$0xF540] =	vst v63  }
0x9c: {  	_ =	swait.ge [sflag:s28], $0x50  }
0x9d: {  	[sflag:s28] =	ssyncset.done $0x0  }
0x9e: {  	s26 =	simm.s32 $0xD;
	[sflag:s28] =	ssyncadd.s32 $0xFFFFFFB0  }
0x9f: {  	_ =	swait.ge [sflag:s26], $0x50  }
0xa0: {  	[sflag:s26] =	ssyncset.done $0x0  }
0xa1: {  	s19 =	simm.s32 $0x15;
	[sflag:s26] =	ssyncadd.s32 $0xFFFFFFB0  }
0xa2: {  	_ =	swait.ge [sflag:s19], $0x1400  }
0xa3: {  	s1 =	simm.s32 $0x140;
	[sflag:s19] =	ssyncset.done $0x0  }
0xa4: {  	s0 =	simm.s32 $0x14;
	s24 =	simm.s32 $0x500;
	[sflag:s19] =	ssyncadd.s32 $0xFFFFEC00  }
0xa5: {  	[tilespmem:s24], [sflag:$0x11] =	stream.indirect.gather [hbm4b:s4+s13], $0x40, s1, s13, $0xb8;
	[tilespmem:$0xF540] =	vst v63  }
0xa6: {  	_ =	swait.ge [sflag:s0], $0x1400  }
0xa7: {  	[sflag:s0] =	ssyncset.done $0x0  }
0xa8: {  	s8 =	simm.s32 $0x370;
	s10 =	sld [smem:$0x7F4];
	[sflag:s0] =	ssyncadd.s32 $0xFFFFEC00  }
0xa9: {  	[spmem:s25] =	stream.indirect.scatter.add.bf16 [tilespmem:s20], [sflag:$0x18], $0x40, s8, s13, $0xb8;
	[tilespmem:$0xF540] =	vst v63  }
0xaa: {  	s1 =	sld [smem:$0x7F5]  }
0xab: {  	[tilespmem:s23], [sflag:$0x1] =	stream.linear.gather [hbm4b:s10+s23], $0x50, $0x38;
	[tilespmem:$0xF540] =	vst v63  }
0xac: {  	s15 =	simm.s32 $0x280  }
0xad: {  	[tilespmem:s15], [sflag:$0x9] =	stream.linear.gather [hbm4b:s1+s23], $0x50, $0x38;
	[tilespmem:$0xF540] =	vst v63  }
0xae: {  	s1 =	simm.s32 $0x6  }
0xaf: {  	_ =	swait.ge [sflag:s1], $0x50  }
0xb0: {  	[sflag:s1] =	ssyncset.done $0x0  }
0xb1: {  	s10 =	simm.s32 $0xE;
	[sflag:s1] =	ssyncadd.s32 $0xFFFFFFB0  }
0xb2: {  	_ =	swait.ge [sflag:s10], $0x50  }
0xb3: {  	[sflag:s10] =	ssyncset.done $0x0  }
0xb4: {  	s15 =	simm.s32 $0x16;
	[sflag:s10] =	ssyncadd.s32 $0xFFFFFFB0  }
0xb5: {  	_ =	swait.ge [sflag:s15], $0x1400  }
0xb6: {  	s30 =	simm.s32 $0x190;
	[sflag:s15] =	ssyncset.done $0x0  }
0xb7: {  	s9 =	simm.s32 $0x11;
	s8 =	simm.s32 $0x1900;
	[sflag:s15] =	ssyncadd.s32 $0xFFFFEC00  }
0xb8: {  	[tilespmem:s8], [sflag:$0x12] =	stream.indirect.gather [hbm4b:s4+s13], $0x40, s30, s13, $0xb8;
	[tilespmem:$0xF540] =	vst v63  }
0xb9: {  	_ =	swait.ge [sflag:s9], $0x1400  }
0xba: {  	[sflag:s9] =	ssyncset.done $0x0  }
0xbb: {  	s22 =	simm.s32 $0x3C0;
	[sflag:s9] =	ssyncadd.s32 $0xFFFFEC00  }
0xbc: {  	[spmem:s25] =	stream.indirect.scatter.add.bf16 [tilespmem:s24], [sflag:$0x15], $0x40, s22, s13, $0xb8;
	[tilespmem:$0xF540] =	vst v63  }
0xbd: {  	s22 =	sld [smem:$0x7F6];
	_ =	sdelay $0x1  }
0xbe: {  	s30 =	sld [smem:$0x7F7]  }
0xbf: {  	[tilespmem:s13], [sflag:$0x2] =	stream.linear.gather [hbm4b:s22+s23], $0x50, $0x38;
	[tilespmem:$0xF540] =	vst v63  }
0xc0: {  	s31 =	simm.s32 $0x2D0  }
0xc1: {  	[tilespmem:s31], [sflag:$0xA] =	stream.linear.gather [hbm4b:s30+s23], $0x50, $0x38;
	[tilespmem:$0xF540] =	vst v63  }
0xc2: {  	s30 =	simm.s32 $0x7  }
0xc3: {  	_ =	swait.ge [sflag:s30], $0x50  }
0xc4: {  	[sflag:s30] =	ssyncset.done $0x0  }
0xc5: {  	s31 =	simm.s32 $0xF;
	[sflag:s30] =	ssyncadd.s32 $0xFFFFFFB0  }
0xc6: {  	_ =	swait.ge [sflag:s31], $0x50  }
0xc7: {  	[sflag:s31] =	ssyncset.done $0x0  }
0xc8: {  	s22 =	simm.s32 $0x17;
	[sflag:s31] =	ssyncadd.s32 $0xFFFFFFB0  }
0xc9: {  	_ =	swait.ge [sflag:s22], $0x1400  }
0xca: {  	[sflag:s22] =	ssyncset.done $0x0  }
0xcb: {  	s6 =	simm.s32 $0x2D00;
	s8 =	simm.s32 $0x1E0;
	[sflag:s22] =	ssyncadd.s32 $0xFFFFEC00  }
0xcc: {  	[tilespmem:s6], [sflag:$0x13] =	stream.indirect.gather [hbm4b:s4+s13], $0x40, s8, s13, $0xb8;
	[tilespmem:$0xF540] =	vst v63  }
0xcd: {  	_ =	swait.ge [sflag:s11], $0x1400  }
0xce: {  	[sflag:s11] =	ssyncset.done $0x0  }
0xcf: {  	s6 =	simm.s32 $0x1900;
	s8 =	simm.s32 $0x410;
	[sflag:s11] =	ssyncadd.s32 $0xFFFFEC00  }
0xd0: {  	[spmem:s25] =	stream.indirect.scatter.add.bf16 [tilespmem:s6], [sflag:$0x16], $0x40, s8, s13, $0xb8;
	[tilespmem:$0xF540] =	vst v63  }
0xd1: {  	s6 =	sld [smem:$0x7F8];
	_ =	sdelay $0x1  }
0xd2: {  	s8 =	simm.s32 $0xA0  }
0xd3: {  	[tilespmem:s8], [sflag:$0x3] =	stream.linear.gather [hbm4b:s6+s23], $0x50, $0x38;
	[tilespmem:$0xF540] =	vst v63  }
0xd4: {  	s6 =	sld [smem:$0x7F9];
	_ =	sdelay $0x1  }
0xd5: {  	s8 =	simm.s32 $0x320  }
0xd6: {  	[tilespmem:s8], [sflag:$0xB] =	stream.linear.gather [hbm4b:s6+s23], $0x50, $0x38;
	[tilespmem:$0xF540] =	vst v63  }
0xd7: {  	s8 =	simm.s32 $0x8  }
0xd8: {  	_ =	swait.ge [sflag:s8], $0x50  }
0xd9: {  	[sflag:s8] =	ssyncset.done $0x0  }
0xda: {  	[sflag:s8] =	ssyncadd.s32 $0xFFFFFFB0;
	s8 =	simm.s32 $0x10  }
0xdb: {  	_ =	swait.ge [sflag:s8], $0x50  }
0xdc: {  	[sflag:s8] =	ssyncset.done $0x0  }
0xdd: {  	[sflag:s8] =	ssyncadd.s32 $0xFFFFFFB0  }
0xde: {  	_ =	swait.ge [sflag:s2], $0x1400  }
0xdf: {  	[sflag:s2] =	ssyncset.done $0x0  }
0xe0: {  	s8 =	simm.s32 $0x230;
	[sflag:s2] =	ssyncadd.s32 $0xFFFFEC00  }
0xe1: {  	[tilespmem:s20], [sflag:$0x14] =	stream.indirect.gather [hbm4b:s4+s13], $0x40, s8, s13, $0xb8;
	[tilespmem:$0xF540] =	vst v63  }
0xe2: {  	_ =	swait.ge [sflag:s18], $0x1400  }
0xe3: {  	s8 =	simm.s32 $0x2D00;
	[sflag:s18] =	ssyncset.done $0x0  }
0xe4: {  	s6 =	sld [smem:$0x7FA];
	[sflag:s18] =	ssyncadd.s32 $0xFFFFEC00;
	s18 =	simm.s32 $0x460  }
0xe5: {  	[spmem:s25] =	stream.indirect.scatter.add.bf16 [tilespmem:s8], [sflag:$0x17], $0x40, s18, s13, $0xb8;
	[tilespmem:$0xF540] =	vst v63  }
0xe6: {  	s8 =	simm.s32 $0xF0  }
0xe7: {  	[tilespmem:s8], [sflag:$0x4] =	stream.linear.gather [hbm4b:s6+s23], $0x50, $0x38;
	[tilespmem:$0xF540] =	vst v63  }
0xe8: {  	s6 =	sld [smem:$0x7FB];
	_ =	sdelay $0x1  }
0xe9: {  	s8 =	simm.s32 $0x370  }
0xea: {  	[tilespmem:s8], [sflag:$0xC] =	stream.linear.gather [hbm4b:s6+s23], $0x50, $0x38;
	[tilespmem:$0xF540] =	vst v63  }
0xeb: {  	_ =	swait.ge [sflag:s29], $0x50  }
0xec: {  	[sflag:s29] =	ssyncset.done $0x0  }
0xed: {  	[sflag:s29] =	ssyncadd.s32 $0xFFFFFFB0  }
0xee: {  	_ =	swait.ge [sflag:s5], $0x50  }
0xef: {  	[sflag:s5] =	ssyncset.done $0x0  }
0xf0: {  	[sflag:s5] =	ssyncadd.s32 $0xFFFFFFB0  }
0xf1: {  	_ =	swait.ge [sflag:s19], $0x1400  }
0xf2: {  	[sflag:s19] =	ssyncset.done $0x0  }
0xf3: {  	[sflag:s19] =	ssyncadd.s32 $0xFFFFEC00  }
0xf4: {  	[tilespmem:s24], [sflag:$0x11] =	stream.indirect.gather [hbm4b:s4+s13], $0x40, s3, s13, $0xb8;
	[tilespmem:$0xF540] =	vst v63  }
0xf5: {  	_ =	swait.ge [sflag:s0], $0x1400  }
0xf6: {  	[sflag:s0] =	ssyncset.done $0x0  }
0xf7: {  	s8 =	simm.s32 $0x4B0;
	s6 =	rddreg [dreg:$0x12];
	[sflag:s0] =	ssyncadd.s32 $0xFFFFEC00  }
0xf8: {  	[spmem:s25] =	stream.indirect.scatter.add.bf16 [tilespmem:s20], [sflag:$0x18], $0x40, s8, s13, $0xb8;
	[tilespmem:$0xF540] =	vst v63  }
0xf9: {  	s23 =	rddreg [dreg:$0x13];
	s6 =	sadd.s32 $0x0, s6;
	s8 =	simm.s32 $0x140  }
0xfa: {  	[tilespmem:s8], [sflag:$0x5] =	stream.linear.gather [hbm4b:s6+s3], $0x50, $0x38;
	[tilespmem:$0xF540] =	vst v63  }
0xfb: {  	s5 =	sadd.s32 $0x0, s23;
	s8 =	simm.s32 $0x3C0  }
0xfc: {  	[tilespmem:s8], [sflag:$0xD] =	stream.linear.gather [hbm4b:s5+s3], $0x50, $0x38;
	[tilespmem:$0xF540] =	vst v63  }
0xfd: {  	_ =	swait.ge [sflag:s12], $0x50  }
0xfe: {  	[sflag:s12] =	ssyncset.done $0x0  }
0xff: {  	[sflag:s12] =	ssyncadd.s32 $0xFFFFFFB0  }
0x100: {  	_ =	swait.ge [sflag:s7], $0x50  }
0x101: {  	[sflag:s7] =	ssyncset.done $0x0  }
0x102: {  	[sflag:s7] =	ssyncadd.s32 $0xFFFFFFB0  }
0x103: {  	_ =	swait.ge [sflag:s15], $0x1400  }
0x104: {  	[sflag:s15] =	ssyncset.done $0x0  }
0x105: {  	s23 =	simm.s32 $0x1900;
	[sflag:s15] =	ssyncadd.s32 $0xFFFFEC00  }
0x106: {  	[tilespmem:s23], [sflag:$0x12] =	stream.indirect.gather [hbm4b:s4+s13], $0x40, s13, s13, $0xb8;
	[tilespmem:$0xF540] =	vst v63  }
0x107: {  	_ =	swait.ge [sflag:s9], $0x1400  }
0x108: {  	[sflag:s9] =	ssyncset.done $0x0  }
0x109: {  	s7 =	simm.s32 $0x280;
	s5 =	rddreg [dreg:$0x10];
	[sflag:s9] =	ssyncadd.s32 $0xFFFFEC00  }
0x10a: {  	[spmem:s25] =	stream.indirect.scatter.add.bf16 [tilespmem:s24], [sflag:$0x15], $0x40, s7, s13, $0xb8;
	[tilespmem:$0xF540] =	vst v63  }
0x10b: {  	s23 =	rddreg [dreg:$0x11];
	s6 =	sadd.s32 $0x0, s5;
	s5 =	simm.s32 $0x190  }
0x10c: {  	[tilespmem:s5], [sflag:$0x6] =	stream.linear.gather [hbm4b:s6+s3], $0x50, $0x38;
	[tilespmem:$0xF540] =	vst v63  }
0x10d: {  	s5 =	sadd.s32 $0x0, s23;
	s23 =	simm.s32 $0x410  }
0x10e: {  	[tilespmem:s23], [sflag:$0xE] =	stream.linear.gather [hbm4b:s5+s3], $0x50, $0x38;
	[tilespmem:$0xF540] =	vst v63  }
0x10f: {  	_ =	swait.ge [sflag:s16], $0x50  }
0x110: {  	[sflag:s16] =	ssyncset.done $0x0  }
0x111: {  	[sflag:s16] =	ssyncadd.s32 $0xFFFFFFB0  }
0x112: {  	_ =	swait.ge [sflag:s14], $0x50  }
0x113: {  	[sflag:s14] =	ssyncset.done $0x0  }
0x114: {  	[sflag:s14] =	ssyncadd.s32 $0xFFFFFFB0  }
0x115: {  	_ =	swait.ge [sflag:s22], $0x1400  }
0x116: {  	[sflag:s22] =	ssyncset.done $0x0  }
0x117: {  	s8 =	simm.s32 $0x2D00;
	s16 =	simm.s32 $0xA0;
	[sflag:s22] =	ssyncadd.s32 $0xFFFFEC00  }
0x118: {  	[tilespmem:s8], [sflag:$0x13] =	stream.indirect.gather [hbm4b:s4+s13], $0x40, s16, s13, $0xb8;
	[tilespmem:$0xF540] =	vst v63  }
0x119: {  	_ =	swait.ge [sflag:s11], $0x1400  }
0x11a: {  	s24 =	simm.s32 $0x1900;
	[sflag:s11] =	ssyncset.done $0x0  }
0x11b: {  	s5 =	simm.s32 $0x2D0;
	s14 =	rddreg [dreg:$0xe];
	[sflag:s11] =	ssyncadd.s32 $0xFFFFEC00  }
0x11c: {  	[spmem:s25] =	stream.indirect.scatter.add.bf16 [tilespmem:s24], [sflag:$0x16], $0x40, s5, s13, $0xb8;
	[tilespmem:$0xF540] =	vst v63  }
0x11d: {  	s23 =	rddreg [dreg:$0xf];
	s6 =	sadd.s32 $0x0, s14;
	s14 =	simm.s32 $0x1E0  }
0x11e: {  	[tilespmem:s14], [sflag:$0x7] =	stream.linear.gather [hbm4b:s6+s3], $0x50, $0x38;
	[tilespmem:$0xF540] =	vst v63  }
0x11f: {  	s23 =	sadd.s32 $0x0, s23  }
0x120: {  	[tilespmem:s18], [sflag:$0xF] =	stream.linear.gather [hbm4b:s23+s3], $0x50, $0x38;
	[tilespmem:$0xF540] =	vst v63  }
0x121: {  	_ =	swait.ge [sflag:s21], $0x50  }
0x122: {  	[sflag:s21] =	ssyncset.done $0x0  }
0x123: {  	[sflag:s21] =	ssyncadd.s32 $0xFFFFFFB0  }
0x124: {  	_ =	swait.ge [sflag:s17], $0x50  }
0x125: {  	[sflag:s17] =	ssyncset.done $0x0  }
0x126: {  	[sflag:s17] =	ssyncadd.s32 $0xFFFFFFB0  }
0x127: {  	_ =	swait.ge [sflag:s2], $0x1400  }
0x128: {  	[sflag:s2] =	ssyncset.done $0x0  }
0x129: {  	s12 =	simm.s32 $0x13;
	s23 =	simm.s32 $0xF0;
	[sflag:s2] =	ssyncadd.s32 $0xFFFFEC00  }
0x12a: {  	[tilespmem:s20], [sflag:$0x14] =	stream.indirect.gather [hbm4b:s4+s13], $0x40, s23, s13, $0xb8;
	[tilespmem:$0xF540] =	vst v63  }
0x12b: {  	_ =	swait.ge [sflag:s12], $0x1400  }
0x12c: {  	[sflag:s12] =	ssyncset.done $0x0  }
0x12d: {  	s21 =	simm.s32 $0x320;
	s17 =	rddreg [dreg:$0xc];
	[sflag:s12] =	ssyncadd.s32 $0xFFFFEC00  }
0x12e: {  	[spmem:s25] =	stream.indirect.scatter.add.bf16 [tilespmem:s8], [sflag:$0x17], $0x40, s21, s13, $0xb8;
	[tilespmem:$0xF540] =	vst v63  }
0x12f: {  	s23 =	rddreg [dreg:$0xd];
	s6 =	sadd.s32 $0x0, s17;
	s17 =	simm.s32 $0x230  }
0x130: {  	[tilespmem:s17], [sflag:$0x8] =	stream.linear.gather [hbm4b:s6+s3], $0x50, $0x38;
	[tilespmem:$0xF540] =	vst v63  }
0x131: {  	s6 =	sadd.s32 $0x0, s23;
	s23 =	simm.s32 $0x4B0  }
0x132: {  	[tilespmem:s23], [sflag:$0x10] =	stream.linear.gather [hbm4b:s6+s3], $0x50, $0x38;
	[tilespmem:$0xF540] =	vst v63  }
0x133: {  	_ =	swait.ge [sflag:s28], $0x50  }
0x134: {  	[sflag:s28] =	ssyncset.done $0x0  }
0x135: {  	[sflag:s28] =	ssyncadd.s32 $0xFFFFFFB0  }
0x136: {  	_ =	swait.ge [sflag:s26], $0x50  }
0x137: {  	[sflag:s26] =	ssyncset.done $0x0  }
0x138: {  	[sflag:s26] =	ssyncadd.s32 $0xFFFFFFB0  }
0x139: {  	_ =	swait.ge [sflag:s19], $0x1400  }
0x13a: {  	[sflag:s19] =	ssyncset.done $0x0  }
0x13b: {  	s23 =	simm.s32 $0x140;
	s26 =	simm.s32 $0x500;
	[sflag:s19] =	ssyncadd.s32 $0xFFFFEC00  }
0x13c: {  	[tilespmem:s26], [sflag:$0x11] =	stream.indirect.gather [hbm4b:s4+s13], $0x40, s23, s13, $0xb8;
	[tilespmem:$0xF540] =	vst v63  }
0x13d: {  	_ =	swait.ge [sflag:s0], $0x1400  }
0x13e: {  	[sflag:s0] =	ssyncset.done $0x0  }
0x13f: {  	s19 =	simm.s32 $0x370;
	s6 =	rddreg [dreg:$0x4];
	[sflag:s0] =	ssyncadd.s32 $0xFFFFEC00  }
0x140: {  	[spmem:s25] =	stream.indirect.scatter.add.bf16 [tilespmem:s20], [sflag:$0x18], $0x40, s19, s13, $0xb8;
	[tilespmem:$0xF540] =	vst v63  }
0x141: {  	s23 =	rddreg [dreg:$0x5];
	s6 =	sadd.s32 $0x0, s6  }
0x142: {  	[tilespmem:s3], [sflag:$0x1] =	stream.linear.gather [hbm4b:s6+s3], $0x50, $0x38;
	[tilespmem:$0xF540] =	vst v63  }
0x143: {  	s0 =	sadd.s32 $0x0, s23  }
0x144: {  	[tilespmem:s7], [sflag:$0x9] =	stream.linear.gather [hbm4b:s0+s3], $0x50, $0x38;
	[tilespmem:$0xF540] =	vst v63  }
0x145: {  	_ =	swait.ge [sflag:s1], $0x50  }
0x146: {  	[sflag:s1] =	ssyncset.done $0x0  }
0x147: {  	[sflag:s1] =	ssyncadd.s32 $0xFFFFFFB0  }
0x148: {  	_ =	swait.ge [sflag:s10], $0x50  }
0x149: {  	[sflag:s10] =	ssyncset.done $0x0  }
0x14a: {  	[sflag:s10] =	ssyncadd.s32 $0xFFFFFFB0  }
0x14b: {  	_ =	swait.ge [sflag:s15], $0x1400  }
0x14c: {  	[sflag:s15] =	ssyncset.done $0x0  }
0x14d: {  	s19 =	simm.s32 $0x190;
	[sflag:s15] =	ssyncadd.s32 $0xFFFFEC00  }
0x14e: {  	[tilespmem:s24], [sflag:$0x12] =	stream.indirect.gather [hbm4b:s4+s13], $0x40, s19, s13, $0xb8;
	[tilespmem:$0xF540] =	vst v63  }
0x14f: {  	_ =	swait.ge [sflag:s9], $0x1400  }
0x150: {  	[sflag:s9] =	ssyncset.done $0x0  }
0x151: {  	s7 =	simm.s32 $0x3C0;
	s23 =	rddreg [dreg:$0x6];
	[sflag:s9] =	ssyncadd.s32 $0xFFFFEC00  }
0x152: {  	[spmem:s25] =	stream.indirect.scatter.add.bf16 [tilespmem:s26], [sflag:$0x15], $0x40, s7, s13, $0xb8;
	[tilespmem:$0xF540] =	vst v63  }
0x153: {  	s1 =	rddreg [dreg:$0x7];
	s6 =	sadd.s32 $0x0, s23  }
0x154: {  	[tilespmem:s13], [sflag:$0x2] =	stream.linear.gather [hbm4b:s6+s3], $0x50, $0x38;
	[tilespmem:$0xF540] =	vst v63  }
0x155: {  	s9 =	sadd.s32 $0x0, s1  }
0x156: {  	[tilespmem:s5], [sflag:$0xA] =	stream.linear.gather [hbm4b:s9+s3], $0x50, $0x38;
	[tilespmem:$0xF540] =	vst v63  }
0x157: {  	_ =	swait.ge [sflag:s30], $0x50  }
0x158: {  	[sflag:s30] =	ssyncset.done $0x0  }
0x159: {  	[sflag:s30] =	ssyncadd.s32 $0xFFFFFFB0  }
0x15a: {  	_ =	swait.ge [sflag:s31], $0x50  }
0x15b: {  	[sflag:s31] =	ssyncset.done $0x0  }
0x15c: {  	[sflag:s31] =	ssyncadd.s32 $0xFFFFFFB0  }
0x15d: {  	_ =	swait.ge [sflag:s22], $0x1400  }
0x15e: {  	[sflag:s22] =	ssyncset.done $0x0  }
0x15f: {  	[sflag:s22] =	ssyncadd.s32 $0xFFFFEC00  }
0x160: {  	[tilespmem:s8], [sflag:$0x13] =	stream.indirect.gather [hbm4b:s4+s13], $0x40, s14, s13, $0xb8;
	[tilespmem:$0xF540] =	vst v63  }
0x161: {  	_ =	swait.ge [sflag:s11], $0x1400  }
0x162: {  	[sflag:s11] =	ssyncset.done $0x0  }
0x163: {  	s15 =	simm.s32 $0x410;
	s10 =	rddreg [dreg:$0x8];
	[sflag:s11] =	ssyncadd.s32 $0xFFFFEC00  }
0x164: {  	[spmem:s25] =	stream.indirect.scatter.add.bf16 [tilespmem:s24], [sflag:$0x16], $0x40, s15, s13, $0xb8;
	[tilespmem:$0xF540] =	vst v63  }
0x165: {  	s14 =	rddreg [dreg:$0x9];
	s6 =	sadd.s32 $0x0, s10  }
0x166: {  	[tilespmem:s16], [sflag:$0x3] =	stream.linear.gather [hbm4b:s6+s3], $0x50, $0x38;
	[tilespmem:$0xF540] =	vst v63  }
0x167: {  	s19 =	sadd.s32 $0x0, s14  }
0x168: {  	[tilespmem:s21], [sflag:$0xB] =	stream.linear.gather [hbm4b:s19+s3], $0x50, $0x38;
	[tilespmem:$0xF540] =	vst v63  }
0x169: {  	s21 =	simm.s32 $0x8  }
0x16a: {  	_ =	swait.ge [sflag:s21], $0x50  }
0x16b: {  	[sflag:s21] =	ssyncset.done $0x0  }
0x16c: {  	s22 =	simm.s32 $0x10;
	[sflag:s21] =	ssyncadd.s32 $0xFFFFFFB0  }
0x16d: {  	_ =	swait.ge [sflag:s22], $0x50  }
0x16e: {  	[sflag:s22] =	ssyncset.done $0x0  }
0x16f: {  	[sflag:s22] =	ssyncadd.s32 $0xFFFFFFB0  }
0x170: {  	_ =	swait.ge [sflag:s2], $0x1400  }
0x171: {  	[sflag:s2] =	ssyncset.done $0x0  }
0x172: {  	[sflag:s2] =	ssyncadd.s32 $0xFFFFEC00  }
0x173: {  	[tilespmem:s20], [sflag:$0x14] =	stream.indirect.gather [hbm4b:s4+s13], $0x40, s17, s13, $0xb8;
	[tilespmem:$0xF540] =	vst v63  }
0x174: {  	s18 =	simm.s32 $0xF0;
	_ =	swait.ge [sflag:s12], $0x1400  }
0x175: {  	s30 =	simm.s32 $0x460;
	[sflag:s12] =	ssyncset.done $0x0;
	s23 =	rddreg [dreg:$0xa]  }
0x176: {  	s31 =	simm.s32 $0x15;
	s28 =	rddreg [dreg:$0xb];
	[sflag:s12] =	ssyncadd.s32 $0xFFFFEC00  }
0x177: {  	[spmem:s25] =	stream.indirect.scatter.add.bf16 [tilespmem:s8], [sflag:$0x17], $0x40, s30, s13, $0xb8;
	[tilespmem:$0xF540] =	vst v63  }
0x178: {  	s6 =	sadd.s32 $0x0, s23;
	s23 =	simm.s32 $0x50;
	s28 =	sadd.s32 $0x0, s28  }
0x179: {  	[tilespmem:s18], [sflag:$0x4] =	stream.linear.gather [hbm4b:s6+s3], $0x50, $0x38;
	[tilespmem:$0xF540] =	vst v63  }
.LBB2_6:
0x17a: {  	s14 =	simm.s32 $0x370  }
0x17b: {  	[tilespmem:s14], [sflag:$0xC] =	stream.linear.gather [hbm4b:s28+s3], $0x50, $0x38;
	[tilespmem:$0xF540] =	vst v63  }
0x17c: {  	_ =	swait.ge [sflag:s29], $0x50  }
0x17d: {  	[sflag:s29] =	ssyncset.done $0x0  }
0x17e: {  	s5 =	simm.s32 $0x9;
	[sflag:s29] =	ssyncadd.s32 $0xFFFFFFB0  }
0x17f: {  	_ =	swait.ge [sflag:s5], $0x50  }
0x180: {  	[sflag:s5] =	ssyncset.done $0x0  }
0x181: {  	[sflag:s5] =	ssyncadd.s32 $0xFFFFFFB0  }
0x182: {  	_ =	swait.ge [sflag:s31], $0x1400  }
0x183: {  	[sflag:s31] =	ssyncset.done $0x0  }
0x184: {  	s15 =	simm.s32 $0x14;
	[sflag:s31] =	ssyncadd.s32 $0xFFFFEC00  }
0x185: {  	[tilespmem:s26], [sflag:$0x11] =	stream.indirect.gather [hbm4b:s4+s13], $0x40, s3, s13, $0xb8;
	[tilespmem:$0xF540] =	vst v63  }
0x186: {  	_ =	swait.ge [sflag:s15], $0x1400  }
0x187: {  	s28 =	smov.u32 s23;
	[sflag:s15] =	ssyncset.done $0x0  }
0x188: {  	s31 =	simm.s32 $0x4B0;
	s6 =	rddreg [dreg:$0x12];
	[sflag:s15] =	ssyncadd.s32 $0xFFFFEC00  }
0x189: {  	[spmem:s25] =	stream.indirect.scatter.add.bf16 [tilespmem:s20], [sflag:$0x18], $0x40, s31, s13, $0xb8;
	[tilespmem:$0xF540] =	vst v63  }
0x18a: {  	s17 =	simm.s32 $0x140;
	s29 =	rddreg [dreg:$0x13];
	s6 =	sadd.s32 s28, s6  }
0x18b: {  	[tilespmem:s17], [sflag:$0x5] =	stream.linear.gather [hbm4b:s6+s3], $0x50, $0x38;
	[tilespmem:$0xF540] =	vst v63  }
0x18c: {  	s0 =	simm.s32 $0x2;
	s26 =	simm.s32 $0x3C0;
	s22 =	sadd.s32 s28, s29  }
0x18d: {  	[tilespmem:s26], [sflag:$0xD] =	stream.linear.gather [hbm4b:s22+s3], $0x50, $0x38;
	[tilespmem:$0xF540] =	vst v63  }
0x18e: {  	_ =	swait.ge [sflag:s0], $0x50  }
0x18f: {  	[sflag:s0] =	ssyncset.done $0x0  }
0x190: {  	s1 =	simm.s32 $0xA;
	[sflag:s0] =	ssyncadd.s32 $0xFFFFFFB0  }
0x191: {  	_ =	swait.ge [sflag:s1], $0x50  }
0x192: {  	[sflag:s1] =	ssyncset.done $0x0  }
0x193: {  	s22 =	simm.s32 $0x16;
	[sflag:s1] =	ssyncadd.s32 $0xFFFFFFB0  }
0x194: {  	_ =	swait.ge [sflag:s22], $0x1400  }
0x195: {  	[sflag:s22] =	ssyncset.done $0x0  }
0x196: {  	s11 =	simm.s32 $0x11;
	[sflag:s22] =	ssyncadd.s32 $0xFFFFEC00  }
0x197: {  	[tilespmem:s24], [sflag:$0x12] =	stream.indirect.gather [hbm4b:s4+s13], $0x40, s13, s13, $0xb8;
	[tilespmem:$0xF540] =	vst v63  }
0x198: {  	_ =	swait.ge [sflag:s11], $0x1400  }
0x199: {  	s30 =	simm.s32 $0x500;
	[sflag:s11] =	ssyncset.done $0x0  }
0x19a: {  	s7 =	simm.s32 $0x280;
	s2 =	rddreg [dreg:$0x10];
	[sflag:s11] =	ssyncadd.s32 $0xFFFFEC00  }
0x19b: {  	[spmem:s25] =	stream.indirect.scatter.add.bf16 [tilespmem:s30], [sflag:$0x15], $0x40, s7, s13, $0xb8;
	[tilespmem:$0xF540] =	vst v63  }
0x19c: {  	s1 =	simm.s32 $0x190;
	s29 =	rddreg [dreg:$0x11];
	s6 =	sadd.s32 s28, s2  }
0x19d: {  	[tilespmem:s1], [sflag:$0x6] =	stream.linear.gather [hbm4b:s6+s3], $0x50, $0x38;
	[tilespmem:$0xF540] =	vst v63  }
0x19e: {  	s9 =	simm.s32 $0x3;
	s0 =	simm.s32 $0x410;
	s5 =	sadd.s32 s28, s29  }
0x19f: {  	[tilespmem:s0], [sflag:$0xE] =	stream.linear.gather [hbm4b:s5+s3], $0x50, $0x38;
	[tilespmem:$0xF540] =	vst v63  }
0x1a0: {  	_ =	swait.ge [sflag:s9], $0x50  }
0x1a1: {  	[sflag:s9] =	ssyncset.done $0x0  }
0x1a2: {  	s10 =	simm.s32 $0xB;
	[sflag:s9] =	ssyncadd.s32 $0xFFFFFFB0  }
0x1a3: {  	_ =	swait.ge [sflag:s10], $0x50  }
0x1a4: {  	[sflag:s10] =	ssyncset.done $0x0  }
0x1a5: {  	s2 =	simm.s32 $0x17;
	[sflag:s10] =	ssyncadd.s32 $0xFFFFFFB0  }
0x1a6: {  	_ =	swait.ge [sflag:s2], $0x1400  }
0x1a7: {  	[sflag:s2] =	ssyncset.done $0x0  }
0x1a8: {  	s5 =	simm.s32 $0xA0;
	s0 =	simm.s32 $0x12;
	[sflag:s2] =	ssyncadd.s32 $0xFFFFEC00  }
0x1a9: {  	[tilespmem:s8], [sflag:$0x13] =	stream.indirect.gather [hbm4b:s4+s13], $0x40, s5, s13, $0xb8;
	[tilespmem:$0xF540] =	vst v63  }
0x1aa: {  	_ =	swait.ge [sflag:s0], $0x1400  }
0x1ab: {  	s24 =	simm.s32 $0x2D0;
	[sflag:s0] =	ssyncset.done $0x0  }
0x1ac: {  	s8 =	simm.s32 $0x1900;
	s16 =	rddreg [dreg:$0xe];
	[sflag:s0] =	ssyncadd.s32 $0xFFFFEC00  }
0x1ad: {  	[spmem:s25] =	stream.indirect.scatter.add.bf16 [tilespmem:s8], [sflag:$0x16], $0x40, s24, s13, $0xb8;
	[tilespmem:$0xF540] =	vst v63  }
0x1ae: {  	s19 =	simm.s32 $0x1E0;
	s29 =	rddreg [dreg:$0xf];
	s6 =	sadd.s32 s28, s16  }
0x1af: {  	[tilespmem:s19], [sflag:$0x7] =	stream.linear.gather [hbm4b:s6+s3], $0x50, $0x38;
	[tilespmem:$0xF540] =	vst v63  }
0x1b0: {  	s9 =	simm.s32 $0x460;
	s10 =	simm.s32 $0x4;
	s18 =	sadd.s32 s28, s29  }
0x1b1: {  	[tilespmem:s9], [sflag:$0xF] =	stream.linear.gather [hbm4b:s18+s3], $0x50, $0x38;
	[tilespmem:$0xF540] =	vst v63  }
0x1b2: {  	_ =	swait.ge [sflag:s10], $0x50  }
0x1b3: {  	[sflag:s10] =	ssyncset.done $0x0  }
0x1b4: {  	s16 =	simm.s32 $0xC;
	[sflag:s10] =	ssyncadd.s32 $0xFFFFFFB0  }
0x1b5: {  	_ =	swait.ge [sflag:s16], $0x50  }
0x1b6: {  	[sflag:s16] =	ssyncset.done $0x0  }
0x1b7: {  	s9 =	simm.s32 $0x18;
	[sflag:s16] =	ssyncadd.s32 $0xFFFFFFB0  }
0x1b8: {  	_ =	swait.ge [sflag:s9], $0x1400  }
0x1b9: {  	[sflag:s9] =	ssyncset.done $0x0  }
0x1ba: {  	s21 =	simm.s32 $0x4100;
	s16 =	simm.s32 $0xF0;
	[sflag:s9] =	ssyncadd.s32 $0xFFFFEC00  }
0x1bb: {  	[tilespmem:s21], [sflag:$0x14] =	stream.indirect.gather [hbm4b:s4+s13], $0x40, s16, s13, $0xb8;
	[tilespmem:$0xF540] =	vst v63  }
0x1bc: {  	_ =	swait.ge [sflag:s12], $0x1400  }
0x1bd: {  	s20 =	simm.s32 $0x2D00;
	[sflag:s12] =	ssyncset.done $0x0  }
0x1be: {  	s18 =	rddreg [dreg:$0xc];
	[sflag:s12] =	ssyncadd.s32 $0xFFFFEC00;
	s12 =	simm.s32 $0x320  }
0x1bf: {  	[spmem:s25] =	stream.indirect.scatter.add.bf16 [tilespmem:s20], [sflag:$0x17], $0x40, s12, s13, $0xb8;
	[tilespmem:$0xF540] =	vst v63  }
0x1c0: {  	s29 =	rddreg [dreg:$0xd];
	s6 =	sadd.s32 s28, s18;
	s18 =	simm.s32 $0x230  }
0x1c1: {  	[tilespmem:s18], [sflag:$0x8] =	stream.linear.gather [hbm4b:s6+s3], $0x50, $0x38;
	[tilespmem:$0xF540] =	vst v63  }
0x1c2: {  	s21 =	sadd.s32 s28, s29  }
0x1c3: {  	[tilespmem:s31], [sflag:$0x10] =	stream.linear.gather [hbm4b:s21+s3], $0x50, $0x38;
	[tilespmem:$0xF540] =	vst v63  }
0x1c4: {  	s21 =	simm.s32 $0x5  }
0x1c5: {  	_ =	swait.ge [sflag:s21], $0x50  }
0x1c6: {  	[sflag:s21] =	ssyncset.done $0x0  }
0x1c7: {  	[sflag:s21] =	ssyncadd.s32 $0xFFFFFFB0;
	s21 =	simm.s32 $0xD  }
0x1c8: {  	_ =	swait.ge [sflag:s21], $0x50  }
0x1c9: {  	[sflag:s21] =	ssyncset.done $0x0  }
0x1ca: {  	s31 =	simm.s32 $0x15;
	[sflag:s21] =	ssyncadd.s32 $0xFFFFFFB0  }
0x1cb: {  	_ =	swait.ge [sflag:s31], $0x1400  }
0x1cc: {  	[sflag:s31] =	ssyncset.done $0x0  }
0x1cd: {  	[sflag:s31] =	ssyncadd.s32 $0xFFFFEC00  }
0x1ce: {  	[tilespmem:s30], [sflag:$0x11] =	stream.indirect.gather [hbm4b:s4+s13], $0x40, s17, s13, $0xb8;
	[tilespmem:$0xF540] =	vst v63  }
0x1cf: {  	_ =	swait.ge [sflag:s15], $0x1400  }
0x1d0: {  	[sflag:s15] =	ssyncset.done $0x0  }
0x1d1: {  	s20 =	simm.s32 $0x4100;
	s21 =	rddreg [dreg:$0x4];
	[sflag:s15] =	ssyncadd.s32 $0xFFFFEC00  }
0x1d2: {  	[spmem:s25] =	stream.indirect.scatter.add.bf16 [tilespmem:s20], [sflag:$0x18], $0x40, s14, s13, $0xb8;
	[tilespmem:$0xF540] =	vst v63  }
0x1d3: {  	s29 =	rddreg [dreg:$0x5];
	s6 =	sadd.s32 s28, s21  }
0x1d4: {  	[tilespmem:s3], [sflag:$0x1] =	stream.linear.gather [hbm4b:s6+s3], $0x50, $0x38;
	[tilespmem:$0xF540] =	vst v63  }
0x1d5: {  	s17 =	simm.s32 $0x6;
	s15 =	sadd.s32 s28, s29  }
0x1d6: {  	[tilespmem:s7], [sflag:$0x9] =	stream.linear.gather [hbm4b:s15+s3], $0x50, $0x38;
	[tilespmem:$0xF540] =	vst v63  }
0x1d7: {  	_ =	swait.ge [sflag:s17], $0x50  }
0x1d8: {  	[sflag:s17] =	ssyncset.done $0x0  }
0x1d9: {  	s21 =	simm.s32 $0xE;
	[sflag:s17] =	ssyncadd.s32 $0xFFFFFFB0  }
0x1da: {  	_ =	swait.ge [sflag:s21], $0x50  }
0x1db: {  	[sflag:s21] =	ssyncset.done $0x0  }
0x1dc: {  	[sflag:s21] =	ssyncadd.s32 $0xFFFFFFB0  }
0x1dd: {  	_ =	swait.ge [sflag:s22], $0x1400  }
0x1de: {  	[sflag:s22] =	ssyncset.done $0x0  }
0x1df: {  	[sflag:s22] =	ssyncadd.s32 $0xFFFFEC00  }
0x1e0: {  	[tilespmem:s8], [sflag:$0x12] =	stream.indirect.gather [hbm4b:s4+s13], $0x40, s1, s13, $0xb8;
	[tilespmem:$0xF540] =	vst v63  }
0x1e1: {  	_ =	swait.ge [sflag:s11], $0x1400  }
0x1e2: {  	[sflag:s11] =	ssyncset.done $0x0  }
0x1e3: {  	s7 =	rddreg [dreg:$0x6];
	[sflag:s11] =	ssyncadd.s32 $0xFFFFEC00  }
0x1e4: {  	[spmem:s25] =	stream.indirect.scatter.add.bf16 [tilespmem:s30], [sflag:$0x15], $0x40, s26, s13, $0xb8;
	[tilespmem:$0xF540] =	vst v63  }
0x1e5: {  	s29 =	rddreg [dreg:$0x7];
	s6 =	sadd.s32 s28, s7  }
0x1e6: {  	[tilespmem:s13], [sflag:$0x2] =	stream.linear.gather [hbm4b:s6+s3], $0x50, $0x38;
	[tilespmem:$0xF540] =	vst v63  }
0x1e7: {  	s21 =	simm.s32 $0x7;
	s15 =	sadd.s32 s28, s29  }
0x1e8: {  	[tilespmem:s24], [sflag:$0xA] =	stream.linear.gather [hbm4b:s15+s3], $0x50, $0x38;
	[tilespmem:$0xF540] =	vst v63  }
0x1e9: {  	_ =	swait.ge [sflag:s21], $0x50  }
0x1ea: {  	[sflag:s21] =	ssyncset.done $0x0  }
0x1eb: {  	s22 =	simm.s32 $0xF;
	[sflag:s21] =	ssyncadd.s32 $0xFFFFFFB0  }
0x1ec: {  	_ =	swait.ge [sflag:s22], $0x50  }
0x1ed: {  	[sflag:s22] =	ssyncset.done $0x0  }
0x1ee: {  	[sflag:s22] =	ssyncadd.s32 $0xFFFFFFB0  }
0x1ef: {  	_ =	swait.ge [sflag:s2], $0x1400  }
0x1f0: {  	[sflag:s2] =	ssyncset.done $0x0  }
0x1f1: {  	s8 =	simm.s32 $0x2D00;
	[sflag:s2] =	ssyncadd.s32 $0xFFFFEC00  }
0x1f2: {  	[tilespmem:s8], [sflag:$0x13] =	stream.indirect.gather [hbm4b:s4+s13], $0x40, s19, s13, $0xb8;
	[tilespmem:$0xF540] =	vst v63  }
0x1f3: {  	_ =	swait.ge [sflag:s0], $0x1400  }
0x1f4: {  	s24 =	simm.s32 $0x1900;
	[sflag:s0] =	ssyncset.done $0x0  }
0x1f5: {  	s2 =	simm.s32 $0x410;
	s1 =	rddreg [dreg:$0x8];
	[sflag:s0] =	ssyncadd.s32 $0xFFFFEC00  }
0x1f6: {  	[spmem:s25] =	stream.indirect.scatter.add.bf16 [tilespmem:s24], [sflag:$0x16], $0x40, s2, s13, $0xb8;
	[tilespmem:$0xF540] =	vst v63  }
0x1f7: {  	s29 =	rddreg [dreg:$0x9];
	s6 =	sadd.s32 s28, s1  }
0x1f8: {  	[tilespmem:s5], [sflag:$0x3] =	stream.linear.gather [hbm4b:s6+s3], $0x50, $0x38;
	[tilespmem:$0xF540] =	vst v63  }
0x1f9: {  	s11 =	simm.s32 $0x8;
	s7 =	sadd.s32 s28, s29  }
0x1fa: {  	[tilespmem:s12], [sflag:$0xB] =	stream.linear.gather [hbm4b:s7+s3], $0x50, $0x38;
	[tilespmem:$0xF540] =	vst v63  }
0x1fb: {  	_ =	swait.ge [sflag:s11], $0x50  }
0x1fc: {  	[sflag:s11] =	ssyncset.done $0x0  }
0x1fd: {  	s15 =	simm.s32 $0x10;
	[sflag:s11] =	ssyncadd.s32 $0xFFFFFFB0  }
0x1fe: {  	_ =	swait.ge [sflag:s15], $0x50  }
0x1ff: {  	[sflag:s15] =	ssyncset.done $0x0  }
0x200: {  	p1 =	sne.s32 s23, $0x410;
	s23 =	sadd.s32 $0x50, s23;
	[sflag:s15] =	ssyncadd.s32 $0xFFFFFFB0  }
0x201: {  	s10 =	simm.s32 $0x4B0;
	s14 =	simm.s32 $0x280;
	_ =	swait.ge [sflag:s9], $0x1400  }
0x202: {  	s17 =	simm.s32 $0x2D0;
	s26 =	simm.s32 $0x500;
	[sflag:s9] =	ssyncset.done $0x0  }
0x203: {  	s30 =	simm.s32 $0x320;
	s12 =	simm.s32 $0x13;
	[sflag:s9] =	ssyncadd.s32 $0xFFFFEC00  }
0x204: {  	[tilespmem:s20], [sflag:$0x14] =	stream.indirect.gather [hbm4b:s4+s13], $0x40, s18, s13, $0xb8;
	[tilespmem:$0xF540] =	vst v63  }
0x205: {  	s21 =	simm.s32 $0xA0;
	s22 =	simm.s32 $0x460;
	_ =	swait.ge [sflag:s12], $0x1400  }
.Ltmp3:
0x206: {  	[sflag:s12] =	ssyncset.done $0x0;
	s19 =	rddreg [dreg:$0xa];
	(pc) =	sbr.rel @p1 .LBB2_6-.Ltmp3, $4  }
0x207: {  	s7 =	simm.s32 $0xF0;
	s29 =	rddreg [dreg:$0xb];
	[sflag:s12] =	ssyncadd.s32 $0xFFFFEC00  }
0x208: {  	[spmem:s25] =	stream.indirect.scatter.add.bf16 [tilespmem:s8], [sflag:$0x17], $0x40, s22, s13, $0xb8;
	[tilespmem:$0xF540] =	vst v63  }
0x209: {  	s6 =	sadd.s32 s28, s19;
	s28 =	sadd.s32 s28, s29;
	s29 =	simm.s32 $0x1  }
0x20a: {  	[tilespmem:s16], [sflag:$0x4] =	stream.linear.gather [hbm4b:s6+s3], $0x50, $0x38;
	[tilespmem:$0xF540] =	vst v63  }
0x20b: {  	s16 =	simm.s32 $0x370  }
0x20c: {  	[tilespmem:s16], [sflag:$0xC] =	stream.linear.gather [hbm4b:s28+s3], $0x50, $0x38;
	[tilespmem:$0xF540] =	vst v63  }
0x20d: {  	_ =	swait.ge [sflag:s29], $0x50  }
0x20e: {  	[sflag:s29] =	ssyncset.done $0x0  }
0x20f: {  	s1 =	simm.s32 $0x9;
	[sflag:s29] =	ssyncadd.s32 $0xFFFFFFB0  }
0x210: {  	_ =	swait.ge [sflag:s1], $0x50  }
0x211: {  	[sflag:s1] =	ssyncset.done $0x0  }
0x212: {  	[sflag:s1] =	ssyncadd.s32 $0xFFFFFFB0  }
0x213: {  	_ =	swait.ge [sflag:s31], $0x1400  }
0x214: {  	[sflag:s31] =	ssyncset.done $0x0  }
0x215: {  	s11 =	simm.s32 $0x14;
	[sflag:s31] =	ssyncadd.s32 $0xFFFFEC00  }
0x216: {  	[tilespmem:s26], [sflag:$0x11] =	stream.indirect.gather [hbm4b:s4+s13], $0x40, s3, s13, $0xb8;
	[tilespmem:$0xF540] =	vst v63  }
0x217: {  	_ =	swait.ge [sflag:s11], $0x1400  }
0x218: {  	[sflag:s11] =	ssyncset.done $0x0  }
0x219: {  	s6 =	sld [smem:$0x7FC];
	[sflag:s11] =	ssyncadd.s32 $0xFFFFEC00  }
0x21a: {  	[spmem:s25] =	stream.indirect.scatter.add.bf16 [tilespmem:s20], [sflag:$0x18], $0x40, s10, s13, $0xb8;
	[tilespmem:$0xF540] =	vst v63  }
0x21b: {  	s5 =	simm.s32 $0x140;
	s22 =	sld [smem:$0x7FD]  }
0x21c: {  	[tilespmem:s5], [sflag:$0x5] =	stream.linear.gather [hbm4b:s6+s3], $0x50, $0x38;
	[tilespmem:$0xF540] =	vst v63  }
0x21d: {  	s23 =	simm.s32 $0x3C0;
	s2 =	simm.s32 $0x2  }
0x21e: {  	[tilespmem:s23], [sflag:$0xD] =	stream.linear.gather [hbm4b:s22+s3], $0x50, $0x38;
	[tilespmem:$0xF540] =	vst v63  }
0x21f: {  	_ =	swait.ge [sflag:s2], $0x50  }
0x220: {  	[sflag:s2] =	ssyncset.done $0x0  }
0x221: {  	s9 =	simm.s32 $0xA;
	[sflag:s2] =	ssyncadd.s32 $0xFFFFFFB0  }
0x222: {  	_ =	swait.ge [sflag:s9], $0x50  }
0x223: {  	[sflag:s9] =	ssyncset.done $0x0  }
0x224: {  	s15 =	simm.s32 $0x16;
	[sflag:s9] =	ssyncadd.s32 $0xFFFFFFB0  }
0x225: {  	_ =	swait.ge [sflag:s15], $0x1400  }
0x226: {  	[sflag:s15] =	ssyncset.done $0x0  }
0x227: {  	s9 =	simm.s32 $0x11;
	[sflag:s15] =	ssyncadd.s32 $0xFFFFEC00  }
0x228: {  	[tilespmem:s24], [sflag:$0x12] =	stream.indirect.gather [hbm4b:s4+s13], $0x40, s13, s13, $0xb8;
	[tilespmem:$0xF540] =	vst v63  }
0x229: {  	_ =	swait.ge [sflag:s9], $0x1400  }
0x22a: {  	[sflag:s9] =	ssyncset.done $0x0  }
0x22b: {  	s10 =	simm.s32 $0x3;
	[sflag:s9] =	ssyncadd.s32 $0xFFFFEC00  }
0x22c: {  	[spmem:s25] =	stream.indirect.scatter.add.bf16 [tilespmem:s26], [sflag:$0x15], $0x40, s14, s13, $0xb8;
	[tilespmem:$0xF540] =	vst v63  }
0x22d: {  	_ =	swait.ge [sflag:s10], $0x50  }
0x22e: {  	[sflag:s10] =	ssyncset.done $0x0  }
0x22f: {  	s14 =	simm.s32 $0xB;
	[sflag:s10] =	ssyncadd.s32 $0xFFFFFFB0  }
0x230: {  	_ =	swait.ge [sflag:s14], $0x50  }
0x231: {  	[sflag:s14] =	ssyncset.done $0x0  }
0x232: {  	s2 =	simm.s32 $0x17;
	[sflag:s14] =	ssyncadd.s32 $0xFFFFFFB0  }
0x233: {  	_ =	swait.ge [sflag:s2], $0x1400  }
0x234: {  	[sflag:s2] =	ssyncset.done $0x0  }
0x235: {  	s0 =	simm.s32 $0x12;
	[sflag:s2] =	ssyncadd.s32 $0xFFFFEC00  }
0x236: {  	[tilespmem:s8], [sflag:$0x13] =	stream.indirect.gather [hbm4b:s4+s13], $0x40, s21, s13, $0xb8;
	[tilespmem:$0xF540] =	vst v63  }
0x237: {  	_ =	swait.ge [sflag:s0], $0x1400  }
0x238: {  	[sflag:s0] =	ssyncset.done $0x0  }
0x239: {  	[sflag:s0] =	ssyncadd.s32 $0xFFFFEC00  }
0x23a: {  	[spmem:s25] =	stream.indirect.scatter.add.bf16 [tilespmem:s24], [sflag:$0x16], $0x40, s17, s13, $0xb8;
	[tilespmem:$0xF540] =	vst v63  }
0x23b: {  	s17 =	simm.s32 $0x4  }
0x23c: {  	_ =	swait.ge [sflag:s17], $0x50  }
0x23d: {  	[sflag:s17] =	ssyncset.done $0x0  }
0x23e: {  	s18 =	simm.s32 $0xC;
	[sflag:s17] =	ssyncadd.s32 $0xFFFFFFB0  }
0x23f: {  	_ =	swait.ge [sflag:s18], $0x50  }
0x240: {  	[sflag:s18] =	ssyncset.done $0x0  }
0x241: {  	s19 =	simm.s32 $0x18;
	[sflag:s18] =	ssyncadd.s32 $0xFFFFFFB0  }
0x242: {  	_ =	swait.ge [sflag:s19], $0x1400  }
0x243: {  	[sflag:s19] =	ssyncset.done $0x0  }
0x244: {  	[sflag:s19] =	ssyncadd.s32 $0xFFFFEC00  }
0x245: {  	[tilespmem:s20], [sflag:$0x14] =	stream.indirect.gather [hbm4b:s4+s13], $0x40, s7, s13, $0xb8;
	[tilespmem:$0xF540] =	vst v63  }
0x246: {  	_ =	swait.ge [sflag:s12], $0x1400  }
0x247: {  	[sflag:s12] =	ssyncset.done $0x0  }
0x248: {  	s21 =	simm.s32 $0x5;
	[sflag:s12] =	ssyncadd.s32 $0xFFFFEC00  }
0x249: {  	[spmem:s25] =	stream.indirect.scatter.add.bf16 [tilespmem:s8], [sflag:$0x17], $0x40, s30, s13, $0xb8;
	[tilespmem:$0xF540] =	vst v63  }
0x24a: {  	_ =	swait.ge [sflag:s21], $0x50  }
0x24b: {  	[sflag:s21] =	ssyncset.done $0x0  }
0x24c: {  	s22 =	simm.s32 $0xD;
	[sflag:s21] =	ssyncadd.s32 $0xFFFFFFB0  }
0x24d: {  	_ =	swait.ge [sflag:s22], $0x50  }
0x24e: {  	[sflag:s22] =	ssyncset.done $0x0  }
0x24f: {  	[sflag:s22] =	ssyncadd.s32 $0xFFFFFFB0  }
0x250: {  	_ =	swait.ge [sflag:s31], $0x1400  }
0x251: {  	[sflag:s31] =	ssyncset.done $0x0  }
0x252: {  	[sflag:s31] =	ssyncadd.s32 $0xFFFFEC00  }
0x253: {  	[tilespmem:s26], [sflag:$0x11] =	stream.indirect.gather [hbm4b:s4+s13], $0x40, s5, s13, $0xb8;
	[tilespmem:$0xF540] =	vst v63  }
0x254: {  	_ =	swait.ge [sflag:s11], $0x1400  }
0x255: {  	[sflag:s11] =	ssyncset.done $0x0  }
0x256: {  	[sflag:s11] =	ssyncadd.s32 $0xFFFFEC00  }
0x257: {  	[spmem:s25] =	stream.indirect.scatter.add.bf16 [tilespmem:s20], [sflag:$0x18], $0x40, s16, s13, $0xb8;
	[tilespmem:$0xF540] =	vst v63  }
0x258: {  	_ =	swait.ge [sflag:s9], $0x1400  }
0x259: {  	[sflag:s9] =	ssyncset.done $0x0  }
0x25a: {  	[sflag:s9] =	ssyncadd.s32 $0xFFFFEC00  }
0x25b: {  	[spmem:s25] =	stream.indirect.scatter.add.bf16 [tilespmem:s26], [sflag:$0x15], $0x40, s23, s13, $0xb8;
	[tilespmem:$0xF540] =	vst v63  }
0x25c: {  	_ =	swait.ge [sflag:s15], $0x1400  }
0x25d: {  	[sflag:s15] =	ssyncset.done $0x0  }
0x25e: {  	[sflag:s15] =	ssyncadd.s32 $0xFFFFEC00  }
0x25f: {  	_ =	swait.ge [sflag:s2], $0x1400  }
0x260: {  	[sflag:s2] =	ssyncset.done $0x0  }
0x261: {  	[sflag:s2] =	ssyncadd.s32 $0xFFFFEC00  }
0x262: {  	_ =	swait.ge [sflag:s19], $0x1400  }
0x263: {  	[sflag:s19] =	ssyncset.done $0x0  }
0x264: {  	[sflag:s19] =	ssyncadd.s32 $0xFFFFEC00  }
0x265: {  	_ =	swait.ge [sflag:s31], $0x1400  }
0x266: {  	[sflag:s31] =	ssyncset.done $0x0  }
0x267: {  	[sflag:s31] =	ssyncadd.s32 $0xFFFFEC00  }
0x268: {  	[bflag:$0x0] =	sbarrier.arrive $0xFFFF  }
0x269: {  	s23 =	sld [smem:$0x7EE]  }
0x26a: {  	s28 =	sld [smem:$0x7F0];
	_ =	sdelay $0x1  }
0x26b: {  	s6 =	simm.s32 @p0 $0x1FD9  }
0x26c: {  	[hbm:s23], [sflag:s6] =	dma.local @p0 [spmem:s28], $0x1400  }
0x26d: {  	s6 =	simm.s32 @p0 $0x19  }
0x26e: {  	s23 =	stileid.u32;
	_ =	swait.ge @p0 [sflag:s6], $0x1400  }
0x26f: {  	s23 =	sshll.u32 @!p0 s23, $0x6;
	[sflag:s6] =	ssyncset.done @p0 $0x0;
	s28 =	sld [smem:$0x7F1]  }
0x270: {  	[sflag:s6] =	ssyncadd.s32 @p0 $0xFFFFEC00;
	s6 =	sor.u32 @!p0 $0x1C19, s23;
	s23 =	sld [smem:$0x7E9]  }
0x271: {  	_ =	sdelay $0x1  }
0x272: {  	[hbm:s23], [sflag:s6] =	dma.local @!p0 [spmem:s28], $0x1380  }
0x273: {  	s6 =	simm.s32 @!p0 $0x19  }
0x274: {  	_ =	swait.ge @!p0 [sflag:s6], $0x1380  }
0x275: {  	s23 =	sld [smem:$0x7E8]  }
0x276: {  	s31 =	sld [smem:$0x7EF];
	_ =	sdelay $0x1  }
0x277: {  	s1 =	sadd.s32 $0x1, s23  }
0x278: {  	p1 =	sne.s32 s1, s31  }
.Ltmp4:
0x279: {  	_ = 	snop;
	(pc) =	sbr.rel @p1 .LBB2_1-.Ltmp4, $4  }
0x27a: {  	_ = 	snop  }
0x27b: {  	s29 =	simm.s32 $0xA0;
	s5 =	simm.s32 $0x370  }
0x27c: {  	s9 =	simm.s32 $0x11;
	s2 =	simm.s32 $0x18;
	[sflag:s6] =	ssyncset.done @!p0 $0x0  }
0x27d: {  	s28 =	simm.s32 $0x2D0;
	[sflag:s6] =	ssyncadd.s32 @!p0 $0xFFFFEC80;
	s23 =	simm.s32 $0x280  }
0x27e: {  	_ =	sfence.sel $0x180000  }
0x27f: {  	[bflag:$0x0] =	sbarrier.arrive $0xFFFF  }
0x280: {  	_ =	strace $0x9000004A  }
0x281: {  	s0 =	stileid.u32;
	[bflag:$0x2] =	sbarrier.arrive $0xFFFF  }
0x282: {  	p0 =	sne.s32 s0, $0x0;
	s0 =	rddreg [dreg:$0x3]  }
0x283: {  	s0 =	sadd.s32 @!p0 $0x100000, s0  }
0x284: {  	[sflag:s0] =	ssyncadd.tile.s32 @!p0 $0x1;
	_ =	shalt  }
.Lfunc_end2:
_tile_overlayer_lowered:
.L_overlay_start_2:
0x285: {  	(tag) =	ssettag $0x2  }
0x286: {  	s0 =	rddreg [dreg:$0x0];
	s2 =	stileid.u32  }
0x287: {  	s1 =	rddreg [dreg:$0x1];
	p0 =	sne.s32 s2, $0x0  }
0x288: {  	s3 =	rddreg [dreg:$0x2];
	[bflag:$0x3] =	sbarrier.arrive $0xFFFF;
	s2 =	simm.s32 @!p0 $0x1C19  }
0x289: {  	[timem:s3], [sflag:s2] =	dma.local @!p0 [hbm:s0], s1  }
0x28a: {  	s0 =	simm.s32 @!p0 $0x19  }
0x28b: {  	_ =	swait.ge @!p0 [sflag:s0], s1  }
0x28c: {  	s1 =	ssub.s32 @!p0 $0x0, s1;
	[sflag:s0] =	ssyncset.done @!p0 $0x0  }
0x28d: {  	[sflag:s0] =	ssyncadd.s32 @!p0 s1  }
0x28e: {  	[bflag:$0x3] =	sbarrier.arrive $0xFFFF  }
0x28f: {  	_ =	shalt  }

</sc_bundles>
